<compile_context>
chip_gen: v7x
topology: tpu7x:2x2x1
jax: 0.10.2.dev20260603
libtpu: 0.0.44.dev20260713+nightly
codegen_flags: <defaults>
</compile_context>

<pallas_src>
import functools

import numpy as np
import jax
import jax.numpy as jnp
from jax import lax
from jax.experimental import pallas as pl
from jax.experimental.pallas import tpu as pltpu
from jax.experimental.pallas import tpu_sc as plsc

_NCLS = 100
_B = 1024
_NN = 99
_SCALE = 2.0 / (_B * _NN)
_NW = 32
_SPW = _B // _NW
_D = 7


def _build_tree(num_classes):
    nodes = []

    def rec(leaves):
        if len(leaves) <= 1:
            return
        mid = len(leaves) // 2
        nodes.append((leaves[:mid], leaves[mid:]))
        rec(leaves[:mid])
        rec(leaves[mid:])

    rec(list(range(num_classes)))
    return nodes


def _build_tables():
    nodes = _build_tree(_NCLS)
    lrow = [L[0] if len(L) == 1 else 100 + (i + 1) for i, (L, R) in enumerate(nodes)]
    rrow = [R[0] if len(R) == 1 else 100 + (i + len(L)) for i, (L, R) in enumerate(nodes)]
    tp = np.zeros((_NCLS, _D), np.int32)
    tp[:, :] = (1 << 16) | (1 << 22)
    for t in range(_NCLS):
        i, d = 0, 0
        while True:
            L, R = nodes[i]
            child = 0 if t in L else 1
            tp[t, d] = (
                lrow[i]
                | (rrow[i] << 8)
                | (len(L) << 16)
                | (len(R) << 22)
                | (child << 28)
                | (1 << 29)
            )
            d += 1
            sub = L if child == 0 else R
            if len(sub) == 1:
                break
            i = (i + 1) if child == 0 else (i + len(L))
    return lrow, rrow, tp.reshape(-1)


_LROW, _RROW, _TP = _build_tables()


@functools.partial(
    pl.kernel,
    out_type=jax.ShapeDtypeStruct((_NW, 16), jnp.float32),
    mesh=plsc.VectorSubcoreMesh(core_axis_name="c", subcore_axis_name="s"),
    compiler_params=pltpu.CompilerParams(needs_layout_passes=False),
    scratch_types=[
        pltpu.VMEM((200 * _SPW,), jnp.float32),
        pltpu.VMEM((_NCLS * _D,), jnp.int32),
        pltpu.VMEM((_SPW,), jnp.int32),
        pltpu.VMEM((16,), jnp.float32),
        pltpu.SemaphoreType.DMA,
        pltpu.SemaphoreType.DMA,
        pltpu.SemaphoreType.DMA,
    ],
)
def _sc_loss(x_hbm, t_hbm, tp_hbm, out_hbm, vals, tp_v, tg_v, acc_v,
             sem_x, sem_t, sem_p):
    wid = lax.axis_index("s") * 2 + lax.axis_index("c")
    cp_x = pltpu.async_copy(
        x_hbm.at[pl.ds(wid * (_SPW * _NCLS), _SPW * _NCLS)],
        vals.at[pl.ds(0, _NCLS * _SPW)],
        sem_x,
    )
    cp_t = pltpu.async_copy(t_hbm.at[pl.ds(wid * _SPW, _SPW)], tg_v, sem_t)
    cp_p = pltpu.async_copy(tp_hbm, tp_v, sem_p)
    cp_x.wait()

    lane = lax.iota(jnp.int32, 16)

    for g in range(2):
        base = g * 16
        for i in range(_NN - 1, 0, -1):
            lo = _LROW[i] * _SPW + base
            ro = _RROW[i] * _SPW + base
            vals[pl.ds((100 + i) * _SPW + base, 16)] = (
                vals[pl.ds(lo, 16)] + vals[pl.ds(ro, 16)]
            )

    cp_t.wait()
    cp_p.wait()
    total = jnp.zeros((16,), jnp.float32)
    for g in range(2):
        col = lane + g * 16
        t = tg_v[pl.ds(g * 16, 16)]
        idx0 = t * _D
        acc = jnp.zeros((16,), jnp.float32)
        for d in range(_D):
            p = plsc.load_gather(tp_v, [idx0 + d])
            lr = p & 255
            rr = lax.shift_right_logical(p, 8) & 255
            sl = lax.shift_right_logical(p, 16) & 63
            sr = lax.shift_right_logical(p, 22) & 63
            cbit = lax.shift_right_logical(p, 28) & 1
            vbit = lax.shift_right_logical(p, 29) & 1
            vl = plsc.load_gather(vals, [lr * _SPW + col])
            vr = plsc.load_gather(vals, [rr * _SPW + col])
            m0 = vl / sl.astype(jnp.float32)
            m1 = vr / sr.astype(jnp.float32)
            mx = jnp.maximum(m0, m1)
            z = jnp.exp(-jnp.abs(m0 - m1))
            u = z / (z + np.float32(2.0))
            u2 = u * u
            q = u2 * np.float32(2.0 / 9.0) + np.float32(2.0 / 7.0)
            q = q * u2 + np.float32(2.0 / 5.0)
            q = q * u2 + np.float32(2.0 / 3.0)
            q = q * u2 + np.float32(2.0)
            lse = mx + q * u
            if d < 6:
                wv = jnp.full((16,), np.float32(_SCALE), jnp.float32)
            else:
                wv = vbit.astype(jnp.float32) * np.float32(_SCALE)
            w1 = wv * cbit.astype(jnp.float32)
            w0 = wv - w1
            acc = acc + wv * lse - w0 * m0 - w1 * m1
        total = total + acc
    acc_v[...] = total
    pltpu.sync_copy(acc_v, out_hbm.at[wid])


def kernel(outputs, targets):
    x = (
        outputs.astype(jnp.float32)
        .reshape(_NW, _SPW, _NCLS)
        .transpose(0, 2, 1)
        .reshape(_NW * _NCLS * _SPW)
    )
    t = targets.astype(jnp.int32)
    out = _sc_loss(x, t, jnp.asarray(_TP))
    return jnp.sum(out)

# --- scband reference (transcript-rebuilt; emitter-appended) ---
"""Pipeline reference for scband-hard-tree-sup-loss-37881611550744 (READ-ONLY COPY).

The authoritative reference and input builder live on the scoring server;
editing this copy changes nothing except your own understanding.
"""

import jax, jax.numpy as jnp
import numpy as np

NUM_CLASSES = 100
BATCH = 1024
TREE_SUPERVISION_WEIGHT = 1.0


def build_tree(num_classes):
    """Balanced binary induced hierarchy: list of (left_leaves, right_leaves) per internal node."""
    nodes = []

    def rec(leaves):
        if len(leaves) <= 1:
            return
        mid = len(leaves) // 2
        left, right = leaves[:mid], leaves[mid:]
        nodes.append((np.array(left, dtype=np.int64), np.array(right, dtype=np.int64)))
        rec(left)
        rec(right)

    rec(list(range(num_classes)))
    return nodes


def setup_inputs(seed: int = 0) -> dict:
    key = jax.random.key(seed)
    k1, k2 = jax.random.split(key)
    outputs = jax.random.normal(k1, (BATCH, NUM_CLASSES), dtype=jnp.float32)
    targets = jax.random.randint(k2, (BATCH,), 0, NUM_CLASSES, dtype=jnp.int64)
    return {"outputs": outputs, "targets": targets}


def reference(outputs, targets):
    num_classes = outputs.shape[1]
    nodes = build_tree(num_classes)
    num_losses = outputs.shape[0] * len(nodes) / 2.0

    # static per-node tables over classes: membership and child (0=left, 1=right)
    member = np.zeros((len(nodes), num_classes), dtype=bool)
    child = np.zeros((len(nodes), num_classes), dtype=np.int64)
    logits_subs = []
    for i, (left, right) in enumerate(nodes):
        member[i, left] = True
        member[i, right] = True
        child[i, right] = 1
        # get_output_sub: mean of old-class logits per new (child) label
        m0 = outputs[:, left].mean(axis=1)
        m1 = outputs[:, right].mean(axis=1)
        logits_subs.append(jnp.stack([m0, m1], axis=1))

    logits_sub = jnp.stack(logits_subs, axis=0)
    mask = jnp.asarray(member)[:, targets]
    tgt_sub = jnp.asarray(child)[:, targets]

    logp = jax.nn.log_softmax(logits_sub, axis=2)
    nll = -jnp.take_along_axis(logp, tgt_sub[:, :, None], axis=2)[:, :, 0]

    # the root node selects every sample, so count >= outputs.shape[0] > 0
    count = mask.sum()
    ce = jnp.sum(jnp.where(mask, nll, jnp.float32(0.0))) / count
    fraction = count / num_losses * TREE_SUPERVISION_WEIGHT
    loss = jnp.float32(0.0) + ce * fraction.astype(jnp.float32)
    return loss

if __name__ == "__main__":
    import jax
    _d = setup_inputs()
    print(jax.jit(kernel)(*tuple(_d.values())))

</pallas_src>

<mosaic_0001>
#map = affine_map<(d0, d1) -> (0)>
#map1 = affine_map<(d0, d1) -> (0, 0)>
module attributes {stable_mosaic.version = 14 : i64} {
  func.func @_sc_loss(%arg0: i32, %arg1: i32, %arg2: memref<102400xf32, #tpu.memory_space<hbm>>, %arg3: memref<1024xi32, #tpu.memory_space<hbm>>, %arg4: memref<700xi32, #tpu.memory_space<hbm>>, %arg5: memref<32x16xf32, #tpu.memory_space<hbm>>, %arg6: memref<6400xf32, #tpu.memory_space<vmem>>, %arg7: memref<700xi32, #tpu.memory_space<vmem>>, %arg8: memref<32xi32, #tpu.memory_space<vmem>>, %arg9: memref<16xf32, #tpu.memory_space<vmem>>, %arg10: memref<!tpu.dma_semaphore, #tpu.memory_space<semaphore_mem>>, %arg11: memref<!tpu.dma_semaphore, #tpu.memory_space<semaphore_mem>>, %arg12: memref<!tpu.dma_semaphore, #tpu.memory_space<semaphore_mem>>) attributes {dimension_semantics = [#tpu.dimension_semantics<core_parallel>, #tpu.dimension_semantics<subcore_parallel>], iteration_bounds = array<i64: 2, 16>, scalar_prefetch = 0 : i64, scratch_operands = 7 : i64, tpu.core_type = #tpu.core_type<sc_vector_subcore>, window_params = [{transform_indices = #map}, {transform_indices = #map}, {transform_indices = #map}, {transform_indices = #map1}]} {
    %mul3A = arith.constant 2 : i32
    %mul3A_0 = arith.muli %arg1, %mul3A : i32
    %add3A = arith.addi %mul3A_0, %arg0 : i32
    %mul3A_1 = arith.constant 3200 : i32
    %mul3A_2 = arith.muli %add3A, %mul3A_1 : i32
    %dma_start3A = arith.constant 0 : i32
    %dma_start3A_3 = tpu.memref_slice %arg6[%dma_start3A] : memref<6400xf32, #tpu.memory_space<vmem>> -> memref<3200xf32, #tpu.memory_space<vmem>>
    %dma_start3A_4 = tpu.memref_slice %arg2[%mul3A_2] : memref<102400xf32, #tpu.memory_space<hbm>> -> memref<3200xf32, #tpu.memory_space<hbm>>
    %dma_start3A_5 = arith.constant 0 : i32
    %dma_start3A_6 = tpu.memref_slice %arg6[%dma_start3A_5] : memref<6400xf32, #tpu.memory_space<vmem>> -> memref<3200xf32, #tpu.memory_space<vmem>>
    %dma_start3A_7 = tpu.memref_slice %arg2[%mul3A_2] : memref<102400xf32, #tpu.memory_space<hbm>> -> memref<3200xf32, #tpu.memory_space<hbm>>
    tpu.enqueue_dma source(%dma_start3A_7 : memref<3200xf32, #tpu.memory_space<hbm>>) target(%dma_start3A_6 : memref<3200xf32, #tpu.memory_space<vmem>>) target_semaphore(%arg10 : memref<!tpu.dma_semaphore, #tpu.memory_space<semaphore_mem>>)
    %mul3A_8 = arith.constant 32 : i32
    %mul3A_9 = arith.muli %add3A, %mul3A_8 : i32
    %dma_start3A_10 = tpu.memref_slice %arg3[%mul3A_9] : memref<1024xi32, #tpu.memory_space<hbm>> -> memref<32xi32, #tpu.memory_space<hbm>>
    %dma_start3A_11 = tpu.memref_slice %arg3[%mul3A_9] : memref<1024xi32, #tpu.memory_space<hbm>> -> memref<32xi32, #tpu.memory_space<hbm>>
    tpu.enqueue_dma source(%dma_start3A_11 : memref<32xi32, #tpu.memory_space<hbm>>) target(%arg8 : memref<32xi32, #tpu.memory_space<vmem>>) target_semaphore(%arg11 : memref<!tpu.dma_semaphore, #tpu.memory_space<semaphore_mem>>)
    tpu.enqueue_dma source(%arg4 : memref<700xi32, #tpu.memory_space<hbm>>) target(%arg7 : memref<700xi32, #tpu.memory_space<vmem>>) target_semaphore(%arg12 : memref<!tpu.dma_semaphore, #tpu.memory_space<semaphore_mem>>)
    %dma_wait3A = arith.constant 0 : i32
    %dma_wait3A_12 = tpu.memref_slice %arg6[%dma_wait3A] : memref<6400xf32, #tpu.memory_space<vmem>> -> memref<3200xf32, #tpu.memory_space<vmem>>
    %dma_wait3A_13 = tpu.memref_slice %arg2[%mul3A_2] : memref<102400xf32, #tpu.memory_space<hbm>> -> memref<3200xf32, #tpu.memory_space<hbm>>
    %dma_wait3A_14 = arith.constant 0 : i32
    %dma_wait3A_15 = tpu.memref_slice %arg6[%dma_wait3A_14] : memref<6400xf32, #tpu.memory_space<vmem>> -> memref<3200xf32, #tpu.memory_space<vmem>>
    %dma_wait3A_16 = tpu.memref_slice %arg2[%mul3A_2] : memref<102400xf32, #tpu.memory_space<hbm>> -> memref<3200xf32, #tpu.memory_space<hbm>>
    tpu.wait_dma2 semaphore(%arg10 : memref<!tpu.dma_semaphore, #tpu.memory_space<semaphore_mem>>) src(%dma_wait3A_16 : memref<3200xf32, #tpu.memory_space<hbm>>) dst(%dma_wait3A_15 : memref<3200xf32, #tpu.memory_space<vmem>>)
    %iota3A = tpu.iota {dimensions = array<i32: 0>} : vector<16xi32>
    %get3A = arith.constant 3136 : index
    %get3A_17 = tpu.vector_load %arg6[%get3A] {strides = array<i32>} : memref<6400xf32, #tpu.memory_space<vmem>>, vector<16xf32>,
    %get3A_18 = arith.constant 3168 : index
    %get3A_19 = tpu.vector_load %arg6[%get3A_18] {strides = array<i32>} : memref<6400xf32, #tpu.memory_space<vmem>>, vector<16xf32>,
    %add3A_20 = arith.addf %get3A_17, %get3A_19 : vector<16xf32>
    %swap3A = arith.constant 6336 : index
    %swap3A_21 = tpu.vector_load %arg6[%swap3A] {strides = array<i32>} : memref<6400xf32, #tpu.memory_space<vmem>>, vector<16xf32>,
    tpu.vector_store %arg6[%swap3A], %add3A_20 {strides = array<i32>} : memref<6400xf32, #tpu.memory_space<vmem>>, vector<16xf32>,
    %get3A_22 = arith.constant 3072 : index
    %get3A_23 = tpu.vector_load %arg6[%get3A_22] {strides = array<i32>} : memref<6400xf32, #tpu.memory_space<vmem>>, vector<16xf32>,
    %get3A_24 = arith.constant 3104 : index
    %get3A_25 = tpu.vector_load %arg6[%get3A_24] {strides = array<i32>} : memref<6400xf32, #tpu.memory_space<vmem>>, vector<16xf32>,
    %add3A_26 = arith.addf %get3A_23, %get3A_25 : vector<16xf32>
    %swap3A_27 = arith.constant 6304 : index
    %swap3A_28 = tpu.vector_load %arg6[%swap3A_27] {strides = array<i32>} : memref<6400xf32, #tpu.memory_space<vmem>>, vector<16xf32>,
    tpu.vector_store %arg6[%swap3A_27], %add3A_26 {strides = array<i32>} : memref<6400xf32, #tpu.memory_space<vmem>>, vector<16xf32>,
    %get3A_29 = arith.constant 6304 : index
    %get3A_30 = tpu.vector_load %arg6[%get3A_29] {strides = array<i32>} : memref<6400xf32, #tpu.memory_space<vmem>>, vector<16xf32>,
    %get3A_31 = arith.constant 6336 : index
    %get3A_32 = tpu.vector_load %arg6[%get3A_31] {strides = array<i32>} : memref<6400xf32, #tpu.memory_space<vmem>>, vector<16xf32>,
    %add3A_33 = arith.addf %get3A_30, %get3A_32 : vector<16xf32>
    %swap3A_34 = arith.constant 6272 : index
    %swap3A_35 = tpu.vector_load %arg6[%swap3A_34] {strides = array<i32>} : memref<6400xf32, #tpu.memory_space<vmem>>, vector<16xf32>,
    tpu.vector_store %arg6[%swap3A_34], %add3A_33 {strides = array<i32>} : memref<6400xf32, #tpu.memory_space<vmem>>, vector<16xf32>,
    %get3A_36 = arith.constant 3008 : index
    %get3A_37 = tpu.vector_load %arg6[%get3A_36] {strides = array<i32>} : memref<6400xf32, #tpu.memory_space<vmem>>, vector<16xf32>,
    %get3A_38 = arith.constant 3040 : index
    %get3A_39 = tpu.vector_load %arg6[%get3A_38] {strides = array<i32>} : memref<6400xf32, #tpu.memory_space<vmem>>, vector<16xf32>,
    %add3A_40 = arith.addf %get3A_37, %get3A_39 : vector<16xf32>
    %swap3A_41 = arith.constant 6240 : index
    %swap3A_42 = tpu.vector_load %arg6[%swap3A_41] {strides = array<i32>} : memref<6400xf32, #tpu.memory_space<vmem>>, vector<16xf32>,
    tpu.vector_store %arg6[%swap3A_41], %add3A_40 {strides = array<i32>} : memref<6400xf32, #tpu.memory_space<vmem>>, vector<16xf32>,
    %get3A_43 = arith.constant 2976 : index
    %get3A_44 = tpu.vector_load %arg6[%get3A_43] {strides = array<i32>} : memref<6400xf32, #tpu.memory_space<vmem>>, vector<16xf32>,
    %get3A_45 = arith.constant 6240 : index
    %get3A_46 = tpu.vector_load %arg6[%get3A_45] {strides = array<i32>} : memref<6400xf32, #tpu.memory_space<vmem>>, vector<16xf32>,
    %add3A_47 = arith.addf %get3A_44, %get3A_46 : vector<16xf32>
    %swap3A_48 = arith.constant 6208 : index
    %swap3A_49 = tpu.vector_load %arg6[%swap3A_48] {strides = array<i32>} : memref<6400xf32, #tpu.memory_space<vmem>>, vector<16xf32>,
    tpu.vector_store %arg6[%swap3A_48], %add3A_47 {strides = array<i32>} : memref<6400xf32, #tpu.memory_space<vmem>>, vector<16xf32>,
    %get3A_50 = arith.constant 6208 : index
    %get3A_51 = tpu.vector_load %arg6[%get3A_50] {strides = array<i32>} : memref<6400xf32, #tpu.memory_space<vmem>>, vector<16xf32>,
    %get3A_52 = arith.constant 6272 : index
    %get3A_53 = tpu.vector_load %arg6[%get3A_52] {strides = array<i32>} : memref<6400xf32, #tpu.memory_space<vmem>>, vector<16xf32>,
    %add3A_54 = arith.addf %get3A_51, %get3A_53 : vector<16xf32>
    %swap3A_55 = arith.constant 6176 : index
    %swap3A_56 = tpu.vector_load %arg6[%swap3A_55] {strides = array<i32>} : memref<6400xf32, #tpu.memory_space<vmem>>, vector<16xf32>,
    tpu.vector_store %arg6[%swap3A_55], %add3A_54 {strides = array<i32>} : memref<6400xf32, #tpu.memory_space<vmem>>, vector<16xf32>,
    %get3A_57 = arith.constant 2912 : index
    %get3A_58 = tpu.vector_load %arg6[%get3A_57] {strides = array<i32>} : memref<6400xf32, #tpu.memory_space<vmem>>, vector<16xf32>,
    %get3A_59 = arith.constant 2944 : index
    %get3A_60 = tpu.vector_load %arg6[%get3A_59] {strides = array<i32>} : memref<6400xf32, #tpu.memory_space<vmem>>, vector<16xf32>,
    %add3A_61 = arith.addf %get3A_58, %get3A_60 : vector<16xf32>
    %swap3A_62 = arith.constant 6144 : index
    %swap3A_63 = tpu.vector_load %arg6[%swap3A_62] {strides = array<i32>} : memref<6400xf32, #tpu.memory_space<vmem>>, vector<16xf32>,
    tpu.vector_store %arg6[%swap3A_62], %add3A_61 {strides = array<i32>} : memref<6400xf32, #tpu.memory_space<vmem>>, vector<16xf32>,
    %get3A_64 = arith.constant 2880 : index
    %get3A_65 = tpu.vector_load %arg6[%get3A_64] {strides = array<i32>} : memref<6400xf32, #tpu.memory_space<vmem>>, vector<16xf32>,
    %get3A_66 = arith.constant 6144 : index
    %get3A_67 = tpu.vector_load %arg6[%get3A_66] {strides = array<i32>} : memref<6400xf32, #tpu.memory_space<vmem>>, vector<16xf32>,
    %add3A_68 = arith.addf %get3A_65, %get3A_67 : vector<16xf32>
    %swap3A_69 = arith.constant 6112 : index
    %swap3A_70 = tpu.vector_load %arg6[%swap3A_69] {strides = array<i32>} : memref<6400xf32, #tpu.memory_space<vmem>>, vector<16xf32>,
    tpu.vector_store %arg6[%swap3A_69], %add3A_68 {strides = array<i32>} : memref<6400xf32, #tpu.memory_space<vmem>>, vector<16xf32>,
    %get3A_71 = arith.constant 2816 : index
    %get3A_72 = tpu.vector_load %arg6[%get3A_71] {strides = array<i32>} : memref<6400xf32, #tpu.memory_space<vmem>>, vector<16xf32>,
    %get3A_73 = arith.constant 2848 : index
    %get3A_74 = tpu.vector_load %arg6[%get3A_73] {strides = array<i32>} : memref<6400xf32, #tpu.memory_space<vmem>>, vector<16xf32>,
    %add3A_75 = arith.addf %get3A_72, %get3A_74 : vector<16xf32>
    %swap3A_76 = arith.constant 6080 : index
    %swap3A_77 = tpu.vector_load %arg6[%swap3A_76] {strides = array<i32>} : memref<6400xf32, #tpu.memory_space<vmem>>, vector<16xf32>,
    tpu.vector_store %arg6[%swap3A_76], %add3A_75 {strides = array<i32>} : memref<6400xf32, #tpu.memory_space<vmem>>, vector<16xf32>,
    %get3A_78 = arith.constant 2784 : index
    %get3A_79 = tpu.vector_load %arg6[%get3A_78] {strides = array<i32>} : memref<6400xf32, #tpu.memory_space<vmem>>, vector<16xf32>,
    %get3A_80 = arith.constant 6080 : index
    %get3A_81 = tpu.vector_load %arg6[%get3A_80] {strides = array<i32>} : memref<6400xf32, #tpu.memory_space<vmem>>, vector<16xf32>,
    %add3A_82 = arith.addf %get3A_79, %get3A_81 : vector<16xf32>
    %swap3A_83 = arith.constant 6048 : index
    %swap3A_84 = tpu.vector_load %arg6[%swap3A_83] {strides = array<i32>} : memref<6400xf32, #tpu.memory_space<vmem>>, vector<16xf32>,
    tpu.vector_store %arg6[%swap3A_83], %add3A_82 {strides = array<i32>} : memref<6400xf32, #tpu.memory_space<vmem>>, vector<16xf32>,
    %get3A_85 = arith.constant 6048 : index
    %get3A_86 = tpu.vector_load %arg6[%get3A_85] {strides = array<i32>} : memref<6400xf32, #tpu.memory_space<vmem>>, vector<16xf32>,
    %get3A_87 = arith.constant 6112 : index
    %get3A_88 = tpu.vector_load %arg6[%get3A_87] {strides = array<i32>} : memref<6400xf32, #tpu.memory_space<vmem>>, vector<16xf32>,
    %add3A_89 = arith.addf %get3A_86, %get3A_88 : vector<16xf32>
    %swap3A_90 = arith.constant 6016 : index
    %swap3A_91 = tpu.vector_load %arg6[%swap3A_90] {strides = array<i32>} : memref<6400xf32, #tpu.memory_space<vmem>>, vector<16xf32>,
    tpu.vector_store %arg6[%swap3A_90], %add3A_89 {strides = array<i32>} : memref<6400xf32, #tpu.memory_space<vmem>>, vector<16xf32>,
    %get3A_92 = arith.constant 6016 : index
    %get3A_93 = tpu.vector_load %arg6[%get3A_92] {strides = array<i32>} : memref<6400xf32, #tpu.memory_space<vmem>>, vector<16xf32>,
    %get3A_94 = arith.constant 6176 : index
    %get3A_95 = tpu.vector_load %arg6[%get3A_94] {strides = array<i32>} : memref<6400xf32, #tpu.memory_space<vmem>>, vector<16xf32>,
    %add3A_96 = arith.addf %get3A_93, %get3A_95 : vector<16xf32>
    %swap3A_97 = arith.constant 5984 : index
    %swap3A_98 = tpu.vector_load %arg6[%swap3A_97] {strides = array<i32>} : memref<6400xf32, #tpu.memory_space<vmem>>, vector<16xf32>,
    tpu.vector_store %arg6[%swap3A_97], %add3A_96 {strides = array<i32>} : memref<6400xf32, #tpu.memory_space<vmem>>, vector<16xf32>,
    %get3A_99 = arith.constant 2720 : index
    %get3A_100 = tpu.vector_load %arg6[%get3A_99] {strides = array<i32>} : memref<6400xf32, #tpu.memory_space<vmem>>, vector<16xf32>,
    %get3A_101 = arith.constant 2752 : index
    %get3A_102 = tpu.vector_load %arg6[%get3A_101] {strides = array<i32>} : memref<6400xf32, #tpu.memory_space<vmem>>, vector<16xf32>,
    %add3A_103 = arith.addf %get3A_100, %get3A_102 : vector<16xf32>
    %swap3A_104 = arith.constant 5952 : index
    %swap3A_105 = tpu.vector_load %arg6[%swap3A_104] {strides = array<i32>} : memref<6400xf32, #tpu.memory_space<vmem>>, vector<16xf32>,
    tpu.vector_store %arg6[%swap3A_104], %add3A_103 {strides = array<i32>} : memref<6400xf32, #tpu.memory_space<vmem>>, vector<16xf32>,
    %get3A_106 = arith.constant 2688 : index
    %get3A_107 = tpu.vector_load %arg6[%get3A_106] {strides = array<i32>} : memref<6400xf32, #tpu.memory_space<vmem>>, vector<16xf32>,
    %get3A_108 = arith.constant 5952 : index
    %get3A_109 = tpu.vector_load %arg6[%get3A_108] {strides = array<i32>} : memref<6400xf32, #tpu.memory_space<vmem>>, vector<16xf32>,
    %add3A_110 = arith.addf %get3A_107, %get3A_109 : vector<16xf32>
    %swap3A_111 = arith.constant 5920 : index
    %swap3A_112 = tpu.vector_load %arg6[%swap3A_111] {strides = array<i32>} : memref<6400xf32, #tpu.memory_space<vmem>>, vector<16xf32>,
    tpu.vector_store %arg6[%swap3A_111], %add3A_110 {strides = array<i32>} : memref<6400xf32, #tpu.memory_space<vmem>>, vector<16xf32>,
    %get3A_113 = arith.constant 2624 : index
    %get3A_114 = tpu.vector_load %arg6[%get3A_113] {strides = array<i32>} : memref<6400xf32, #tpu.memory_space<vmem>>, vector<16xf32>,
    %get3A_115 = arith.constant 2656 : index
    %get3A_116 = tpu.vector_load %arg6[%get3A_115] {strides = array<i32>} : memref<6400xf32, #tpu.memory_space<vmem>>, vector<16xf32>,
    %add3A_117 = arith.addf %get3A_114, %get3A_116 : vector<16xf32>
    %swap3A_118 = arith.constant 5888 : index
    %swap3A_119 = tpu.vector_load %arg6[%swap3A_118] {strides = array<i32>} : memref<6400xf32, #tpu.memory_space<vmem>>, vector<16xf32>,
    tpu.vector_store %arg6[%swap3A_118], %add3A_117 {strides = array<i32>} : memref<6400xf32, #tpu.memory_space<vmem>>, vector<16xf32>,
    %get3A_120 = arith.constant 2592 : index
    %get3A_121 = tpu.vector_load %arg6[%get3A_120] {strides = array<i32>} : memref<6400xf32, #tpu.memory_space<vmem>>, vector<16xf32>,
    %get3A_122 = arith.constant 5888 : index
    %get3A_123 = tpu.vector_load %arg6[%get3A_122] {strides = array<i32>} : memref<6400xf32, #tpu.memory_space<vmem>>, vector<16xf32>,
    %add3A_124 = arith.addf %get3A_121, %get3A_123 : vector<16xf32>
    %swap3A_125 = arith.constant 5856 : index
    %swap3A_126 = tpu.vector_load %arg6[%swap3A_125] {strides = array<i32>} : memref<6400xf32, #tpu.memory_space<vmem>>, vector<16xf32>,
    tpu.vector_store %arg6[%swap3A_125], %add3A_124 {strides = array<i32>} : memref<6400xf32, #tpu.memory_space<vmem>>, vector<16xf32>,
    %get3A_127 = arith.constant 5856 : index
    %get3A_128 = tpu.vector_load %arg6[%get3A_127] {strides = array<i32>} : memref<6400xf32, #tpu.memory_space<vmem>>, vector<16xf32>,
    %get3A_129 = arith.constant 5920 : index
    %get3A_130 = tpu.vector_load %arg6[%get3A_129] {strides = array<i32>} : memref<6400xf32, #tpu.memory_space<vmem>>, vector<16xf32>,
    %add3A_131 = arith.addf %get3A_128, %get3A_130 : vector<16xf32>
    %swap3A_132 = arith.constant 5824 : index
    %swap3A_133 = tpu.vector_load %arg6[%swap3A_132] {strides = array<i32>} : memref<6400xf32, #tpu.memory_space<vmem>>, vector<16xf32>,
    tpu.vector_store %arg6[%swap3A_132], %add3A_131 {strides = array<i32>} : memref<6400xf32, #tpu.memory_space<vmem>>, vector<16xf32>,
    %get3A_134 = arith.constant 2528 : index
    %get3A_135 = tpu.vector_load %arg6[%get3A_134] {strides = array<i32>} : memref<6400xf32, #tpu.memory_space<vmem>>, vector<16xf32>,
    %get3A_136 = arith.constant 2560 : index
    %get3A_137 = tpu.vector_load %arg6[%get3A_136] {strides = array<i32>} : memref<6400xf32, #tpu.memory_space<vmem>>, vector<16xf32>,
    %add3A_138 = arith.addf %get3A_135, %get3A_137 : vector<16xf32>
    %swap3A_139 = arith.constant 5792 : index
    %swap3A_140 = tpu.vector_load %arg6[%swap3A_139] {strides = array<i32>} : memref<6400xf32, #tpu.memory_space<vmem>>, vector<16xf32>,
    tpu.vector_store %arg6[%swap3A_139], %add3A_138 {strides = array<i32>} : memref<6400xf32, #tpu.memory_space<vmem>>, vector<16xf32>,
    %get3A_141 = arith.constant 2496 : index
    %get3A_142 = tpu.vector_load %arg6[%get3A_141] {strides = array<i32>} : memref<6400xf32, #tpu.memory_space<vmem>>, vector<16xf32>,
    %get3A_143 = arith.constant 5792 : index
    %get3A_144 = tpu.vector_load %arg6[%get3A_143] {strides = array<i32>} : memref<6400xf32, #tpu.memory_space<vmem>>, vector<16xf32>,
    %add3A_145 = arith.addf %get3A_142, %get3A_144 : vector<16xf32>
    %swap3A_146 = arith.constant 5760 : index
    %swap3A_147 = tpu.vector_load %arg6[%swap3A_146] {strides = array<i32>} : memref<6400xf32, #tpu.memory_space<vmem>>, vector<16xf32>,
    tpu.vector_store %arg6[%swap3A_146], %add3A_145 {strides = array<i32>} : memref<6400xf32, #tpu.memory_space<vmem>>, vector<16xf32>,
    %get3A_148 = arith.constant 2432 : index
    %get3A_149 = tpu.vector_load %arg6[%get3A_148] {strides = array<i32>} : memref<6400xf32, #tpu.memory_space<vmem>>, vector<16xf32>,
    %get3A_150 = arith.constant 2464 : index
    %get3A_151 = tpu.vector_load %arg6[%get3A_150] {strides = array<i32>} : memref<6400xf32, #tpu.memory_space<vmem>>, vector<16xf32>,
    %add3A_152 = arith.addf %get3A_149, %get3A_151 : vector<16xf32>
    %swap3A_153 = arith.constant 5728 : index
    %swap3A_154 = tpu.vector_load %arg6[%swap3A_153] {strides = array<i32>} : memref<6400xf32, #tpu.memory_space<vmem>>, vector<16xf32>,
    tpu.vector_store %arg6[%swap3A_153], %add3A_152 {strides = array<i32>} : memref<6400xf32, #tpu.memory_space<vmem>>, vector<16xf32>,
    %get3A_155 = arith.constant 2400 : index
    %get3A_156 = tpu.vector_load %arg6[%get3A_155] {strides = array<i32>} : memref<6400xf32, #tpu.memory_space<vmem>>, vector<16xf32>,
    %get3A_157 = arith.constant 5728 : index
    %get3A_158 = tpu.vector_load %arg6[%get3A_157] {strides = array<i32>} : memref<6400xf32, #tpu.memory_space<vmem>>, vector<16xf32>,
    %add3A_159 = arith.addf %get3A_156, %get3A_158 : vector<16xf32>
    %swap3A_160 = arith.constant 5696 : index
    %swap3A_161 = tpu.vector_load %arg6[%swap3A_160] {strides = array<i32>} : memref<6400xf32, #tpu.memory_space<vmem>>, vector<16xf32>,
    tpu.vector_store %arg6[%swap3A_160], %add3A_159 {strides = array<i32>} : memref<6400xf32, #tpu.memory_space<vmem>>, vector<16xf32>,
    %get3A_162 = arith.constant 5696 : index
    %get3A_163 = tpu.vector_load %arg6[%get3A_162] {strides = array<i32>} : memref<6400xf32, #tpu.memory_space<vmem>>, vector<16xf32>,
    %get3A_164 = arith.constant 5760 : index
    %get3A_165 = tpu.vector_load %arg6[%get3A_164] {strides = array<i32>} : memref<6400xf32, #tpu.memory_space<vmem>>, vector<16xf32>,
    %add3A_166 = arith.addf %get3A_163, %get3A_165 : vector<16xf32>
    %swap3A_167 = arith.constant 5664 : index
    %swap3A_168 = tpu.vector_load %arg6[%swap3A_167] {strides = array<i32>} : memref<6400xf32, #tpu.memory_space<vmem>>, vector<16xf32>,
    tpu.vector_store %arg6[%swap3A_167], %add3A_166 {strides = array<i32>} : memref<6400xf32, #tpu.memory_space<vmem>>, vector<16xf32>,
    %get3A_169 = arith.constant 5664 : index
    %get3A_170 = tpu.vector_load %arg6[%get3A_169] {strides = array<i32>} : memref<6400xf32, #tpu.memory_space<vmem>>, vector<16xf32>,
    %get3A_171 = arith.constant 5824 : index
    %get3A_172 = tpu.vector_load %arg6[%get3A_171] {strides = array<i32>} : memref<6400xf32, #tpu.memory_space<vmem>>, vector<16xf32>,
    %add3A_173 = arith.addf %get3A_170, %get3A_172 : vector<16xf32>
    %swap3A_174 = arith.constant 5632 : index
    %swap3A_175 = tpu.vector_load %arg6[%swap3A_174] {strides = array<i32>} : memref<6400xf32, #tpu.memory_space<vmem>>, vector<16xf32>,
    tpu.vector_store %arg6[%swap3A_174], %add3A_173 {strides = array<i32>} : memref<6400xf32, #tpu.memory_space<vmem>>, vector<16xf32>,
    %get3A_176 = arith.constant 5632 : index
    %get3A_177 = tpu.vector_load %arg6[%get3A_176] {strides = array<i32>} : memref<6400xf32, #tpu.memory_space<vmem>>, vector<16xf32>,
    %get3A_178 = arith.constant 5984 : index
    %get3A_179 = tpu.vector_load %arg6[%get3A_178] {strides = array<i32>} : memref<6400xf32, #tpu.memory_space<vmem>>, vector<16xf32>,
    %add3A_180 = arith.addf %get3A_177, %get3A_179 : vector<16xf32>
    %swap3A_181 = arith.constant 5600 : index
    %swap3A_182 = tpu.vector_load %arg6[%swap3A_181] {strides = array<i32>} : memref<6400xf32, #tpu.memory_space<vmem>>, vector<16xf32>,
    tpu.vector_store %arg6[%swap3A_181], %add3A_180 {strides = array<i32>} : memref<6400xf32, #tpu.memory_space<vmem>>, vector<16xf32>,
    %get3A_183 = arith.constant 2336 : index
    %get3A_184 = tpu.vector_load %arg6[%get3A_183] {strides = array<i32>} : memref<6400xf32, #tpu.memory_space<vmem>>, vector<16xf32>,
    %get3A_185 = arith.constant 2368 : index
    %get3A_186 = tpu.vector_load %arg6[%get3A_185] {strides = array<i32>} : memref<6400xf32, #tpu.memory_space<vmem>>, vector<16xf32>,
    %add3A_187 = arith.addf %get3A_184, %get3A_186 : vector<16xf32>
    %swap3A_188 = arith.constant 5568 : index
    %swap3A_189 = tpu.vector_load %arg6[%swap3A_188] {strides = array<i32>} : memref<6400xf32, #tpu.memory_space<vmem>>, vector<16xf32>,
    tpu.vector_store %arg6[%swap3A_188], %add3A_187 {strides = array<i32>} : memref<6400xf32, #tpu.memory_space<vmem>>, vector<16xf32>,
    %get3A_190 = arith.constant 2272 : index
    %get3A_191 = tpu.vector_load %arg6[%get3A_190] {strides = array<i32>} : memref<6400xf32, #tpu.memory_space<vmem>>, vector<16xf32>,
    %get3A_192 = arith.constant 2304 : index
    %get3A_193 = tpu.vector_load %arg6[%get3A_192] {strides = array<i32>} : memref<6400xf32, #tpu.memory_space<vmem>>, vector<16xf32>,
    %add3A_194 = arith.addf %get3A_191, %get3A_193 : vector<16xf32>
    %swap3A_195 = arith.constant 5536 : index
    %swap3A_196 = tpu.vector_load %arg6[%swap3A_195] {strides = array<i32>} : memref<6400xf32, #tpu.memory_space<vmem>>, vector<16xf32>,
    tpu.vector_store %arg6[%swap3A_195], %add3A_194 {strides = array<i32>} : memref<6400xf32, #tpu.memory_space<vmem>>, vector<16xf32>,
    %get3A_197 = arith.constant 5536 : index
    %get3A_198 = tpu.vector_load %arg6[%get3A_197] {strides = array<i32>} : memref<6400xf32, #tpu.memory_space<vmem>>, vector<16xf32>,
    %get3A_199 = arith.constant 5568 : index
    %get3A_200 = tpu.vector_load %arg6[%get3A_199] {strides = array<i32>} : memref<6400xf32, #tpu.memory_space<vmem>>, vector<16xf32>,
    %add3A_201 = arith.addf %get3A_198, %get3A_200 : vector<16xf32>
    %swap3A_202 = arith.constant 5504 : index
    %swap3A_203 = tpu.vector_load %arg6[%swap3A_202] {strides = array<i32>} : memref<6400xf32, #tpu.memory_space<vmem>>, vector<16xf32>,
    tpu.vector_store %arg6[%swap3A_202], %add3A_201 {strides = array<i32>} : memref<6400xf32, #tpu.memory_space<vmem>>, vector<16xf32>,
    %get3A_204 = arith.constant 2208 : index
    %get3A_205 = tpu.vector_load %arg6[%get3A_204] {strides = array<i32>} : memref<6400xf32, #tpu.memory_space<vmem>>, vector<16xf32>,
    %get3A_206 = arith.constant 2240 : index
    %get3A_207 = tpu.vector_load %arg6[%get3A_206] {strides = array<i32>} : memref<6400xf32, #tpu.memory_space<vmem>>, vector<16xf32>,
    %add3A_208 = arith.addf %get3A_205, %get3A_207 : vector<16xf32>
    %swap3A_209 = arith.constant 5472 : index
    %swap3A_210 = tpu.vector_load %arg6[%swap3A_209] {strides = array<i32>} : memref<6400xf32, #tpu.memory_space<vmem>>, vector<16xf32>,
    tpu.vector_store %arg6[%swap3A_209], %add3A_208 {strides = array<i32>} : memref<6400xf32, #tpu.memory_space<vmem>>, vector<16xf32>,
    %get3A_211 = arith.constant 2176 : index
    %get3A_212 = tpu.vector_load %arg6[%get3A_211] {strides = array<i32>} : memref<6400xf32, #tpu.memory_space<vmem>>, vector<16xf32>,
    %get3A_213 = arith.constant 5472 : index
    %get3A_214 = tpu.vector_load %arg6[%get3A_213] {strides = array<i32>} : memref<6400xf32, #tpu.memory_space<vmem>>, vector<16xf32>,
    %add3A_215 = arith.addf %get3A_212, %get3A_214 : vector<16xf32>
    %swap3A_216 = arith.constant 5440 : index
    %swap3A_217 = tpu.vector_load %arg6[%swap3A_216] {strides = array<i32>} : memref<6400xf32, #tpu.memory_space<vmem>>, vector<16xf32>,
    tpu.vector_store %arg6[%swap3A_216], %add3A_215 {strides = array<i32>} : memref<6400xf32, #tpu.memory_space<vmem>>, vector<16xf32>,
    %get3A_218 = arith.constant 5440 : index
    %get3A_219 = tpu.vector_load %arg6[%get3A_218] {strides = array<i32>} : memref<6400xf32, #tpu.memory_space<vmem>>, vector<16xf32>,
    %get3A_220 = arith.constant 5504 : index
    %get3A_221 = tpu.vector_load %arg6[%get3A_220] {strides = array<i32>} : memref<6400xf32, #tpu.memory_space<vmem>>, vector<16xf32>,
    %add3A_222 = arith.addf %get3A_219, %get3A_221 : vector<16xf32>
    %swap3A_223 = arith.constant 5408 : index
    %swap3A_224 = tpu.vector_load %arg6[%swap3A_223] {strides = array<i32>} : memref<6400xf32, #tpu.memory_space<vmem>>, vector<16xf32>,
    tpu.vector_store %arg6[%swap3A_223], %add3A_222 {strides = array<i32>} : memref<6400xf32, #tpu.memory_space<vmem>>, vector<16xf32>,
    %get3A_225 = arith.constant 2112 : index
    %get3A_226 = tpu.vector_load %arg6[%get3A_225] {strides = array<i32>} : memref<6400xf32, #tpu.memory_space<vmem>>, vector<16xf32>,
    %get3A_227 = arith.constant 2144 : index
    %get3A_228 = tpu.vector_load %arg6[%get3A_227] {strides = array<i32>} : memref<6400xf32, #tpu.memory_space<vmem>>, vector<16xf32>,
    %add3A_229 = arith.addf %get3A_226, %get3A_228 : vector<16xf32>
    %swap3A_230 = arith.constant 5376 : index
    %swap3A_231 = tpu.vector_load %arg6[%swap3A_230] {strides = array<i32>} : memref<6400xf32, #tpu.memory_space<vmem>>, vector<16xf32>,
    tpu.vector_store %arg6[%swap3A_230], %add3A_229 {strides = array<i32>} : memref<6400xf32, #tpu.memory_space<vmem>>, vector<16xf32>,
    %get3A_232 = arith.constant 2080 : index
    %get3A_233 = tpu.vector_load %arg6[%get3A_232] {strides = array<i32>} : memref<6400xf32, #tpu.memory_space<vmem>>, vector<16xf32>,
    %get3A_234 = arith.constant 5376 : index
    %get3A_235 = tpu.vector_load %arg6[%get3A_234] {strides = array<i32>} : memref<6400xf32, #tpu.memory_space<vmem>>, vector<16xf32>,
    %add3A_236 = arith.addf %get3A_233, %get3A_235 : vector<16xf32>
    %swap3A_237 = arith.constant 5344 : index
    %swap3A_238 = tpu.vector_load %arg6[%swap3A_237] {strides = array<i32>} : memref<6400xf32, #tpu.memory_space<vmem>>, vector<16xf32>,
    tpu.vector_store %arg6[%swap3A_237], %add3A_236 {strides = array<i32>} : memref<6400xf32, #tpu.memory_space<vmem>>, vector<16xf32>,
    %get3A_239 = arith.constant 2016 : index
    %get3A_240 = tpu.vector_load %arg6[%get3A_239] {strides = array<i32>} : memref<6400xf32, #tpu.memory_space<vmem>>, vector<16xf32>,
    %get3A_241 = arith.constant 2048 : index
    %get3A_242 = tpu.vector_load %arg6[%get3A_241] {strides = array<i32>} : memref<6400xf32, #tpu.memory_space<vmem>>, vector<16xf32>,
    %add3A_243 = arith.addf %get3A_240, %get3A_242 : vector<16xf32>
    %swap3A_244 = arith.constant 5312 : index
    %swap3A_245 = tpu.vector_load %arg6[%swap3A_244] {strides = array<i32>} : memref<6400xf32, #tpu.memory_space<vmem>>, vector<16xf32>,
    tpu.vector_store %arg6[%swap3A_244], %add3A_243 {strides = array<i32>} : memref<6400xf32, #tpu.memory_space<vmem>>, vector<16xf32>,
    %get3A_246 = arith.constant 1984 : index
    %get3A_247 = tpu.vector_load %arg6[%get3A_246] {strides = array<i32>} : memref<6400xf32, #tpu.memory_space<vmem>>, vector<16xf32>,
    %get3A_248 = arith.constant 5312 : index
    %get3A_249 = tpu.vector_load %arg6[%get3A_248] {strides = array<i32>} : memref<6400xf32, #tpu.memory_space<vmem>>, vector<16xf32>,
    %add3A_250 = arith.addf %get3A_247, %get3A_249 : vector<16xf32>
    %swap3A_251 = arith.constant 5280 : index
    %swap3A_252 = tpu.vector_load %arg6[%swap3A_251] {strides = array<i32>} : memref<6400xf32, #tpu.memory_space<vmem>>, vector<16xf32>,
    tpu.vector_store %arg6[%swap3A_251], %add3A_250 {strides = array<i32>} : memref<6400xf32, #tpu.memory_space<vmem>>, vector<16xf32>,
    %get3A_253 = arith.constant 5280 : index
    %get3A_254 = tpu.vector_load %arg6[%get3A_253] {strides = array<i32>} : memref<6400xf32, #tpu.memory_space<vmem>>, vector<16xf32>,
    %get3A_255 = arith.constant 5344 : index
    %get3A_256 = tpu.vector_load %arg6[%get3A_255] {strides = array<i32>} : memref<6400xf32, #tpu.memory_space<vmem>>, vector<16xf32>,
    %add3A_257 = arith.addf %get3A_254, %get3A_256 : vector<16xf32>
    %swap3A_258 = arith.constant 5248 : index
    %swap3A_259 = tpu.vector_load %arg6[%swap3A_258] {strides = array<i32>} : memref<6400xf32, #tpu.memory_space<vmem>>, vector<16xf32>,
    tpu.vector_store %arg6[%swap3A_258], %add3A_257 {strides = array<i32>} : memref<6400xf32, #tpu.memory_space<vmem>>, vector<16xf32>,
    %get3A_260 = arith.constant 5248 : index
    %get3A_261 = tpu.vector_load %arg6[%get3A_260] {strides = array<i32>} : memref<6400xf32, #tpu.memory_space<vmem>>, vector<16xf32>,
    %get3A_262 = arith.constant 5408 : index
    %get3A_263 = tpu.vector_load %arg6[%get3A_262] {strides = array<i32>} : memref<6400xf32, #tpu.memory_space<vmem>>, vector<16xf32>,
    %add3A_264 = arith.addf %get3A_261, %get3A_263 : vector<16xf32>
    %swap3A_265 = arith.constant 5216 : index
    %swap3A_266 = tpu.vector_load %arg6[%swap3A_265] {strides = array<i32>} : memref<6400xf32, #tpu.memory_space<vmem>>, vector<16xf32>,
    tpu.vector_store %arg6[%swap3A_265], %add3A_264 {strides = array<i32>} : memref<6400xf32, #tpu.memory_space<vmem>>, vector<16xf32>,
    %get3A_267 = arith.constant 1920 : index
    %get3A_268 = tpu.vector_load %arg6[%get3A_267] {strides = array<i32>} : memref<6400xf32, #tpu.memory_space<vmem>>, vector<16xf32>,
    %get3A_269 = arith.constant 1952 : index
    %get3A_270 = tpu.vector_load %arg6[%get3A_269] {strides = array<i32>} : memref<6400xf32, #tpu.memory_space<vmem>>, vector<16xf32>,
    %add3A_271 = arith.addf %get3A_268, %get3A_270 : vector<16xf32>
    %swap3A_272 = arith.constant 5184 : index
    %swap3A_273 = tpu.vector_load %arg6[%swap3A_272] {strides = array<i32>} : memref<6400xf32, #tpu.memory_space<vmem>>, vector<16xf32>,
    tpu.vector_store %arg6[%swap3A_272], %add3A_271 {strides = array<i32>} : memref<6400xf32, #tpu.memory_space<vmem>>, vector<16xf32>,
    %get3A_274 = arith.constant 1888 : index
    %get3A_275 = tpu.vector_load %arg6[%get3A_274] {strides = array<i32>} : memref<6400xf32, #tpu.memory_space<vmem>>, vector<16xf32>,
    %get3A_276 = arith.constant 5184 : index
    %get3A_277 = tpu.vector_load %arg6[%get3A_276] {strides = array<i32>} : memref<6400xf32, #tpu.memory_space<vmem>>, vector<16xf32>,
    %add3A_278 = arith.addf %get3A_275, %get3A_277 : vector<16xf32>
    %swap3A_279 = arith.constant 5152 : index
    %swap3A_280 = tpu.vector_load %arg6[%swap3A_279] {strides = array<i32>} : memref<6400xf32, #tpu.memory_space<vmem>>, vector<16xf32>,
    tpu.vector_store %arg6[%swap3A_279], %add3A_278 {strides = array<i32>} : memref<6400xf32, #tpu.memory_space<vmem>>, vector<16xf32>,
    %get3A_281 = arith.constant 1824 : index
    %get3A_282 = tpu.vector_load %arg6[%get3A_281] {strides = array<i32>} : memref<6400xf32, #tpu.memory_space<vmem>>, vector<16xf32>,
    %get3A_283 = arith.constant 1856 : index
    %get3A_284 = tpu.vector_load %arg6[%get3A_283] {strides = array<i32>} : memref<6400xf32, #tpu.memory_space<vmem>>, vector<16xf32>,
    %add3A_285 = arith.addf %get3A_282, %get3A_284 : vector<16xf32>
    %swap3A_286 = arith.constant 5120 : index
    %swap3A_287 = tpu.vector_load %arg6[%swap3A_286] {strides = array<i32>} : memref<6400xf32, #tpu.memory_space<vmem>>, vector<16xf32>,
    tpu.vector_store %arg6[%swap3A_286], %add3A_285 {strides = array<i32>} : memref<6400xf32, #tpu.memory_space<vmem>>, vector<16xf32>,
    %get3A_288 = arith.constant 1792 : index
    %get3A_289 = tpu.vector_load %arg6[%get3A_288] {strides = array<i32>} : memref<6400xf32, #tpu.memory_space<vmem>>, vector<16xf32>,
    %get3A_290 = arith.constant 5120 : index
    %get3A_291 = tpu.vector_load %arg6[%get3A_290] {strides = array<i32>} : memref<6400xf32, #tpu.memory_space<vmem>>, vector<16xf32>,
    %add3A_292 = arith.addf %get3A_289, %get3A_291 : vector<16xf32>
    %swap3A_293 = arith.constant 5088 : index
    %swap3A_294 = tpu.vector_load %arg6[%swap3A_293] {strides = array<i32>} : memref<6400xf32, #tpu.memory_space<vmem>>, vector<16xf32>,
    tpu.vector_store %arg6[%swap3A_293], %add3A_292 {strides = array<i32>} : memref<6400xf32, #tpu.memory_space<vmem>>, vector<16xf32>,
    %get3A_295 = arith.constant 5088 : index
    %get3A_296 = tpu.vector_load %arg6[%get3A_295] {strides = array<i32>} : memref<6400xf32, #tpu.memory_space<vmem>>, vector<16xf32>,
    %get3A_297 = arith.constant 5152 : index
    %get3A_298 = tpu.vector_load %arg6[%get3A_297] {strides = array<i32>} : memref<6400xf32, #tpu.memory_space<vmem>>, vector<16xf32>,
    %add3A_299 = arith.addf %get3A_296, %get3A_298 : vector<16xf32>
    %swap3A_300 = arith.constant 5056 : index
    %swap3A_301 = tpu.vector_load %arg6[%swap3A_300] {strides = array<i32>} : memref<6400xf32, #tpu.memory_space<vmem>>, vector<16xf32>,
    tpu.vector_store %arg6[%swap3A_300], %add3A_299 {strides = array<i32>} : memref<6400xf32, #tpu.memory_space<vmem>>, vector<16xf32>,
    %get3A_302 = arith.constant 1728 : index
    %get3A_303 = tpu.vector_load %arg6[%get3A_302] {strides = array<i32>} : memref<6400xf32, #tpu.memory_space<vmem>>, vector<16xf32>,
    %get3A_304 = arith.constant 1760 : index
    %get3A_305 = tpu.vector_load %arg6[%get3A_304] {strides = array<i32>} : memref<6400xf32, #tpu.memory_space<vmem>>, vector<16xf32>,
    %add3A_306 = arith.addf %get3A_303, %get3A_305 : vector<16xf32>
    %swap3A_307 = arith.constant 5024 : index
    %swap3A_308 = tpu.vector_load %arg6[%swap3A_307] {strides = array<i32>} : memref<6400xf32, #tpu.memory_space<vmem>>, vector<16xf32>,
    tpu.vector_store %arg6[%swap3A_307], %add3A_306 {strides = array<i32>} : memref<6400xf32, #tpu.memory_space<vmem>>, vector<16xf32>,
    %get3A_309 = arith.constant 1696 : index
    %get3A_310 = tpu.vector_load %arg6[%get3A_309] {strides = array<i32>} : memref<6400xf32, #tpu.memory_space<vmem>>, vector<16xf32>,
    %get3A_311 = arith.constant 5024 : index
    %get3A_312 = tpu.vector_load %arg6[%get3A_311] {strides = array<i32>} : memref<6400xf32, #tpu.memory_space<vmem>>, vector<16xf32>,
    %add3A_313 = arith.addf %get3A_310, %get3A_312 : vector<16xf32>
    %swap3A_314 = arith.constant 4992 : index
    %swap3A_315 = tpu.vector_load %arg6[%swap3A_314] {strides = array<i32>} : memref<6400xf32, #tpu.memory_space<vmem>>, vector<16xf32>,
    tpu.vector_store %arg6[%swap3A_314], %add3A_313 {strides = array<i32>} : memref<6400xf32, #tpu.memory_space<vmem>>, vector<16xf32>,
    %get3A_316 = arith.constant 1632 : index
    %get3A_317 = tpu.vector_load %arg6[%get3A_316] {strides = array<i32>} : memref<6400xf32, #tpu.memory_space<vmem>>, vector<16xf32>,
    %get3A_318 = arith.constant 1664 : index
    %get3A_319 = tpu.vector_load %arg6[%get3A_318] {strides = array<i32>} : memref<6400xf32, #tpu.memory_space<vmem>>, vector<16xf32>,
    %add3A_320 = arith.addf %get3A_317, %get3A_319 : vector<16xf32>
    %swap3A_321 = arith.constant 4960 : index
    %swap3A_322 = tpu.vector_load %arg6[%swap3A_321] {strides = array<i32>} : memref<6400xf32, #tpu.memory_space<vmem>>, vector<16xf32>,
    tpu.vector_store %arg6[%swap3A_321], %add3A_320 {strides = array<i32>} : memref<6400xf32, #tpu.memory_space<vmem>>, vector<16xf32>,
    %get3A_323 = arith.constant 1600 : index
    %get3A_324 = tpu.vector_load %arg6[%get3A_323] {strides = array<i32>} : memref<6400xf32, #tpu.memory_space<vmem>>, vector<16xf32>,
    %get3A_325 = arith.constant 4960 : index
    %get3A_326 = tpu.vector_load %arg6[%get3A_325] {strides = array<i32>} : memref<6400xf32, #tpu.memory_space<vmem>>, vector<16xf32>,
    %add3A_327 = arith.addf %get3A_324, %get3A_326 : vector<16xf32>
    %swap3A_328 = arith.constant 4928 : index
    %swap3A_329 = tpu.vector_load %arg6[%swap3A_328] {strides = array<i32>} : memref<6400xf32, #tpu.memory_space<vmem>>, vector<16xf32>,
    tpu.vector_store %arg6[%swap3A_328], %add3A_327 {strides = array<i32>} : memref<6400xf32, #tpu.memory_space<vmem>>, vector<16xf32>,
    %get3A_330 = arith.constant 4928 : index
    %get3A_331 = tpu.vector_load %arg6[%get3A_330] {strides = array<i32>} : memref<6400xf32, #tpu.memory_space<vmem>>, vector<16xf32>,
    %get3A_332 = arith.constant 4992 : index
    %get3A_333 = tpu.vector_load %arg6[%get3A_332] {strides = array<i32>} : memref<6400xf32, #tpu.memory_space<vmem>>, vector<16xf32>,
    %add3A_334 = arith.addf %get3A_331, %get3A_333 : vector<16xf32>
    %swap3A_335 = arith.constant 4896 : index
    %swap3A_336 = tpu.vector_load %arg6[%swap3A_335] {strides = array<i32>} : memref<6400xf32, #tpu.memory_space<vmem>>, vector<16xf32>,
    tpu.vector_store %arg6[%swap3A_335], %add3A_334 {strides = array<i32>} : memref<6400xf32, #tpu.memory_space<vmem>>, vector<16xf32>,
    %get3A_337 = arith.constant 4896 : index
    %get3A_338 = tpu.vector_load %arg6[%get3A_337] {strides = array<i32>} : memref<6400xf32, #tpu.memory_space<vmem>>, vector<16xf32>,
    %get3A_339 = arith.constant 5056 : index
    %get3A_340 = tpu.vector_load %arg6[%get3A_339] {strides = array<i32>} : memref<6400xf32, #tpu.memory_space<vmem>>, vector<16xf32>,
    %add3A_341 = arith.addf %get3A_338, %get3A_340 : vector<16xf32>
    %swap3A_342 = arith.constant 4864 : index
    %swap3A_343 = tpu.vector_load %arg6[%swap3A_342] {strides = array<i32>} : memref<6400xf32, #tpu.memory_space<vmem>>, vector<16xf32>,
    tpu.vector_store %arg6[%swap3A_342], %add3A_341 {strides = array<i32>} : memref<6400xf32, #tpu.memory_space<vmem>>, vector<16xf32>,
    %get3A_344 = arith.constant 4864 : index
    %get3A_345 = tpu.vector_load %arg6[%get3A_344] {strides = array<i32>} : memref<6400xf32, #tpu.memory_space<vmem>>, vector<16xf32>,
    %get3A_346 = arith.constant 5216 : index
    %get3A_347 = tpu.vector_load %arg6[%get3A_346] {strides = array<i32>} : memref<6400xf32, #tpu.memory_space<vmem>>, vector<16xf32>,
    %add3A_348 = arith.addf %get3A_345, %get3A_347 : vector<16xf32>
    %swap3A_349 = arith.constant 4832 : index
    %swap3A_350 = tpu.vector_load %arg6[%swap3A_349] {strides = array<i32>} : memref<6400xf32, #tpu.memory_space<vmem>>, vector<16xf32>,
    tpu.vector_store %arg6[%swap3A_349], %add3A_348 {strides = array<i32>} : memref<6400xf32, #tpu.memory_space<vmem>>, vector<16xf32>,
    %get3A_351 = arith.constant 4832 : index
    %get3A_352 = tpu.vector_load %arg6[%get3A_351] {strides = array<i32>} : memref<6400xf32, #tpu.memory_space<vmem>>, vector<16xf32>,
    %get3A_353 = arith.constant 5600 : index
    %get3A_354 = tpu.vector_load %arg6[%get3A_353] {strides = array<i32>} : memref<6400xf32, #tpu.memory_space<vmem>>, vector<16xf32>,
    %add3A_355 = arith.addf %get3A_352, %get3A_354 : vector<16xf32>
    %swap3A_356 = arith.constant 4800 : index
    %swap3A_357 = tpu.vector_load %arg6[%swap3A_356] {strides = array<i32>} : memref<6400xf32, #tpu.memory_space<vmem>>, vector<16xf32>,
    tpu.vector_store %arg6[%swap3A_356], %add3A_355 {strides = array<i32>} : memref<6400xf32, #tpu.memory_space<vmem>>, vector<16xf32>,
    %get3A_358 = arith.constant 1536 : index
    %get3A_359 = tpu.vector_load %arg6[%get3A_358] {strides = array<i32>} : memref<6400xf32, #tpu.memory_space<vmem>>, vector<16xf32>,
    %get3A_360 = arith.constant 1568 : index
    %get3A_361 = tpu.vector_load %arg6[%get3A_360] {strides = array<i32>} : memref<6400xf32, #tpu.memory_space<vmem>>, vector<16xf32>,
    %add3A_362 = arith.addf %get3A_359, %get3A_361 : vector<16xf32>
    %swap3A_363 = arith.constant 4768 : index
    %swap3A_364 = tpu.vector_load %arg6[%swap3A_363] {strides = array<i32>} : memref<6400xf32, #tpu.memory_space<vmem>>, vector<16xf32>,
    tpu.vector_store %arg6[%swap3A_363], %add3A_362 {strides = array<i32>} : memref<6400xf32, #tpu.memory_space<vmem>>, vector<16xf32>,
    %get3A_365 = arith.constant 1472 : index
    %get3A_366 = tpu.vector_load %arg6[%get3A_365] {strides = array<i32>} : memref<6400xf32, #tpu.memory_space<vmem>>, vector<16xf32>,
    %get3A_367 = arith.constant 1504 : index
    %get3A_368 = tpu.vector_load %arg6[%get3A_367] {strides = array<i32>} : memref<6400xf32, #tpu.memory_space<vmem>>, vector<16xf32>,
    %add3A_369 = arith.addf %get3A_366, %get3A_368 : vector<16xf32>
    %swap3A_370 = arith.constant 4736 : index
    %swap3A_371 = tpu.vector_load %arg6[%swap3A_370] {strides = array<i32>} : memref<6400xf32, #tpu.memory_space<vmem>>, vector<16xf32>,
    tpu.vector_store %arg6[%swap3A_370], %add3A_369 {strides = array<i32>} : memref<6400xf32, #tpu.memory_space<vmem>>, vector<16xf32>,
    %get3A_372 = arith.constant 4736 : index
    %get3A_373 = tpu.vector_load %arg6[%get3A_372] {strides = array<i32>} : memref<6400xf32, #tpu.memory_space<vmem>>, vector<16xf32>,
    %get3A_374 = arith.constant 4768 : index
    %get3A_375 = tpu.vector_load %arg6[%get3A_374] {strides = array<i32>} : memref<6400xf32, #tpu.memory_space<vmem>>, vector<16xf32>,
    %add3A_376 = arith.addf %get3A_373, %get3A_375 : vector<16xf32>
    %swap3A_377 = arith.constant 4704 : index
    %swap3A_378 = tpu.vector_load %arg6[%swap3A_377] {strides = array<i32>} : memref<6400xf32, #tpu.memory_space<vmem>>, vector<16xf32>,
    tpu.vector_store %arg6[%swap3A_377], %add3A_376 {strides = array<i32>} : memref<6400xf32, #tpu.memory_space<vmem>>, vector<16xf32>,
    %get3A_379 = arith.constant 1408 : index
    %get3A_380 = tpu.vector_load %arg6[%get3A_379] {strides = array<i32>} : memref<6400xf32, #tpu.memory_space<vmem>>, vector<16xf32>,
    %get3A_381 = arith.constant 1440 : index
    %get3A_382 = tpu.vector_load %arg6[%get3A_381] {strides = array<i32>} : memref<6400xf32, #tpu.memory_space<vmem>>, vector<16xf32>,
    %add3A_383 = arith.addf %get3A_380, %get3A_382 : vector<16xf32>
    %swap3A_384 = arith.constant 4672 : index
    %swap3A_385 = tpu.vector_load %arg6[%swap3A_384] {strides = array<i32>} : memref<6400xf32, #tpu.memory_space<vmem>>, vector<16xf32>,
    tpu.vector_store %arg6[%swap3A_384], %add3A_383 {strides = array<i32>} : memref<6400xf32, #tpu.memory_space<vmem>>, vector<16xf32>,
    %get3A_386 = arith.constant 1376 : index
    %get3A_387 = tpu.vector_load %arg6[%get3A_386] {strides = array<i32>} : memref<6400xf32, #tpu.memory_space<vmem>>, vector<16xf32>,
    %get3A_388 = arith.constant 4672 : index
    %get3A_389 = tpu.vector_load %arg6[%get3A_388] {strides = array<i32>} : memref<6400xf32, #tpu.memory_space<vmem>>, vector<16xf32>,
    %add3A_390 = arith.addf %get3A_387, %get3A_389 : vector<16xf32>
    %swap3A_391 = arith.constant 4640 : index
    %swap3A_392 = tpu.vector_load %arg6[%swap3A_391] {strides = array<i32>} : memref<6400xf32, #tpu.memory_space<vmem>>, vector<16xf32>,
    tpu.vector_store %arg6[%swap3A_391], %add3A_390 {strides = array<i32>} : memref<6400xf32, #tpu.memory_space<vmem>>, vector<16xf32>,
    %get3A_393 = arith.constant 4640 : index
    %get3A_394 = tpu.vector_load %arg6[%get3A_393] {strides = array<i32>} : memref<6400xf32, #tpu.memory_space<vmem>>, vector<16xf32>,
    %get3A_395 = arith.constant 4704 : index
    %get3A_396 = tpu.vector_load %arg6[%get3A_395] {strides = array<i32>} : memref<6400xf32, #tpu.memory_space<vmem>>, vector<16xf32>,
    %add3A_397 = arith.addf %get3A_394, %get3A_396 : vector<16xf32>
    %swap3A_398 = arith.constant 4608 : index
    %swap3A_399 = tpu.vector_load %arg6[%swap3A_398] {strides = array<i32>} : memref<6400xf32, #tpu.memory_space<vmem>>, vector<16xf32>,
    tpu.vector_store %arg6[%swap3A_398], %add3A_397 {strides = array<i32>} : memref<6400xf32, #tpu.memory_space<vmem>>, vector<16xf32>,
    %get3A_400 = arith.constant 1312 : index
    %get3A_401 = tpu.vector_load %arg6[%get3A_400] {strides = array<i32>} : memref<6400xf32, #tpu.memory_space<vmem>>, vector<16xf32>,
    %get3A_402 = arith.constant 1344 : index
    %get3A_403 = tpu.vector_load %arg6[%get3A_402] {strides = array<i32>} : memref<6400xf32, #tpu.memory_space<vmem>>, vector<16xf32>,
    %add3A_404 = arith.addf %get3A_401, %get3A_403 : vector<16xf32>
    %swap3A_405 = arith.constant 4576 : index
    %swap3A_406 = tpu.vector_load %arg6[%swap3A_405] {strides = array<i32>} : memref<6400xf32, #tpu.memory_space<vmem>>, vector<16xf32>,
    tpu.vector_store %arg6[%swap3A_405], %add3A_404 {strides = array<i32>} : memref<6400xf32, #tpu.memory_space<vmem>>, vector<16xf32>,
    %get3A_407 = arith.constant 1280 : index
    %get3A_408 = tpu.vector_load %arg6[%get3A_407] {strides = array<i32>} : memref<6400xf32, #tpu.memory_space<vmem>>, vector<16xf32>,
    %get3A_409 = arith.constant 4576 : index
    %get3A_410 = tpu.vector_load %arg6[%get3A_409] {strides = array<i32>} : memref<6400xf32, #tpu.memory_space<vmem>>, vector<16xf32>,
    %add3A_411 = arith.addf %get3A_408, %get3A_410 : vector<16xf32>
    %swap3A_412 = arith.constant 4544 : index
    %swap3A_413 = tpu.vector_load %arg6[%swap3A_412] {strides = array<i32>} : memref<6400xf32, #tpu.memory_space<vmem>>, vector<16xf32>,
    tpu.vector_store %arg6[%swap3A_412], %add3A_411 {strides = array<i32>} : memref<6400xf32, #tpu.memory_space<vmem>>, vector<16xf32>,
    %get3A_414 = arith.constant 1216 : index
    %get3A_415 = tpu.vector_load %arg6[%get3A_414] {strides = array<i32>} : memref<6400xf32, #tpu.memory_space<vmem>>, vector<16xf32>,
    %get3A_416 = arith.constant 1248 : index
    %get3A_417 = tpu.vector_load %arg6[%get3A_416] {strides = array<i32>} : memref<6400xf32, #tpu.memory_space<vmem>>, vector<16xf32>,
    %add3A_418 = arith.addf %get3A_415, %get3A_417 : vector<16xf32>
    %swap3A_419 = arith.constant 4512 : index
    %swap3A_420 = tpu.vector_load %arg6[%swap3A_419] {strides = array<i32>} : memref<6400xf32, #tpu.memory_space<vmem>>, vector<16xf32>,
    tpu.vector_store %arg6[%swap3A_419], %add3A_418 {strides = array<i32>} : memref<6400xf32, #tpu.memory_space<vmem>>, vector<16xf32>,
    %get3A_421 = arith.constant 1184 : index
    %get3A_422 = tpu.vector_load %arg6[%get3A_421] {strides = array<i32>} : memref<6400xf32, #tpu.memory_space<vmem>>, vector<16xf32>,
    %get3A_423 = arith.constant 4512 : index
    %get3A_424 = tpu.vector_load %arg6[%get3A_423] {strides = array<i32>} : memref<6400xf32, #tpu.memory_space<vmem>>, vector<16xf32>,
    %add3A_425 = arith.addf %get3A_422, %get3A_424 : vector<16xf32>
    %swap3A_426 = arith.constant 4480 : index
    %swap3A_427 = tpu.vector_load %arg6[%swap3A_426] {strides = array<i32>} : memref<6400xf32, #tpu.memory_space<vmem>>, vector<16xf32>,
    tpu.vector_store %arg6[%swap3A_426], %add3A_425 {strides = array<i32>} : memref<6400xf32, #tpu.memory_space<vmem>>, vector<16xf32>,
    %get3A_428 = arith.constant 4480 : index
    %get3A_429 = tpu.vector_load %arg6[%get3A_428] {strides = array<i32>} : memref<6400xf32, #tpu.memory_space<vmem>>, vector<16xf32>,
    %get3A_430 = arith.constant 4544 : index
    %get3A_431 = tpu.vector_load %arg6[%get3A_430] {strides = array<i32>} : memref<6400xf32, #tpu.memory_space<vmem>>, vector<16xf32>,
    %add3A_432 = arith.addf %get3A_429, %get3A_431 : vector<16xf32>
    %swap3A_433 = arith.constant 4448 : index
    %swap3A_434 = tpu.vector_load %arg6[%swap3A_433] {strides = array<i32>} : memref<6400xf32, #tpu.memory_space<vmem>>, vector<16xf32>,
    tpu.vector_store %arg6[%swap3A_433], %add3A_432 {strides = array<i32>} : memref<6400xf32, #tpu.memory_space<vmem>>, vector<16xf32>,
    %get3A_435 = arith.constant 4448 : index
    %get3A_436 = tpu.vector_load %arg6[%get3A_435] {strides = array<i32>} : memref<6400xf32, #tpu.memory_space<vmem>>, vector<16xf32>,
    %get3A_437 = arith.constant 4608 : index
    %get3A_438 = tpu.vector_load %arg6[%get3A_437] {strides = array<i32>} : memref<6400xf32, #tpu.memory_space<vmem>>, vector<16xf32>,
    %add3A_439 = arith.addf %get3A_436, %get3A_438 : vector<16xf32>
    %swap3A_440 = arith.constant 4416 : index
    %swap3A_441 = tpu.vector_load %arg6[%swap3A_440] {strides = array<i32>} : memref<6400xf32, #tpu.memory_space<vmem>>, vector<16xf32>,
    tpu.vector_store %arg6[%swap3A_440], %add3A_439 {strides = array<i32>} : memref<6400xf32, #tpu.memory_space<vmem>>, vector<16xf32>,
    %get3A_442 = arith.constant 1120 : index
    %get3A_443 = tpu.vector_load %arg6[%get3A_442] {strides = array<i32>} : memref<6400xf32, #tpu.memory_space<vmem>>, vector<16xf32>,
    %get3A_444 = arith.constant 1152 : index
    %get3A_445 = tpu.vector_load %arg6[%get3A_444] {strides = array<i32>} : memref<6400xf32, #tpu.memory_space<vmem>>, vector<16xf32>,
    %add3A_446 = arith.addf %get3A_443, %get3A_445 : vector<16xf32>
    %swap3A_447 = arith.constant 4384 : index
    %swap3A_448 = tpu.vector_load %arg6[%swap3A_447] {strides = array<i32>} : memref<6400xf32, #tpu.memory_space<vmem>>, vector<16xf32>,
    tpu.vector_store %arg6[%swap3A_447], %add3A_446 {strides = array<i32>} : memref<6400xf32, #tpu.memory_space<vmem>>, vector<16xf32>,
    %get3A_449 = arith.constant 1088 : index
    %get3A_450 = tpu.vector_load %arg6[%get3A_449] {strides = array<i32>} : memref<6400xf32, #tpu.memory_space<vmem>>, vector<16xf32>,
    %get3A_451 = arith.constant 4384 : index
    %get3A_452 = tpu.vector_load %arg6[%get3A_451] {strides = array<i32>} : memref<6400xf32, #tpu.memory_space<vmem>>, vector<16xf32>,
    %add3A_453 = arith.addf %get3A_450, %get3A_452 : vector<16xf32>
    %swap3A_454 = arith.constant 4352 : index
    %swap3A_455 = tpu.vector_load %arg6[%swap3A_454] {strides = array<i32>} : memref<6400xf32, #tpu.memory_space<vmem>>, vector<16xf32>,
    tpu.vector_store %arg6[%swap3A_454], %add3A_453 {strides = array<i32>} : memref<6400xf32, #tpu.memory_space<vmem>>, vector<16xf32>,
    %get3A_456 = arith.constant 1024 : index
    %get3A_457 = tpu.vector_load %arg6[%get3A_456] {strides = array<i32>} : memref<6400xf32, #tpu.memory_space<vmem>>, vector<16xf32>,
    %get3A_458 = arith.constant 1056 : index
    %get3A_459 = tpu.vector_load %arg6[%get3A_458] {strides = array<i32>} : memref<6400xf32, #tpu.memory_space<vmem>>, vector<16xf32>,
    %add3A_460 = arith.addf %get3A_457, %get3A_459 : vector<16xf32>
    %swap3A_461 = arith.constant 4320 : index
    %swap3A_462 = tpu.vector_load %arg6[%swap3A_461] {strides = array<i32>} : memref<6400xf32, #tpu.memory_space<vmem>>, vector<16xf32>,
    tpu.vector_store %arg6[%swap3A_461], %add3A_460 {strides = array<i32>} : memref<6400xf32, #tpu.memory_space<vmem>>, vector<16xf32>,
    %get3A_463 = arith.constant 992 : index
    %get3A_464 = tpu.vector_load %arg6[%get3A_463] {strides = array<i32>} : memref<6400xf32, #tpu.memory_space<vmem>>, vector<16xf32>,
    %get3A_465 = arith.constant 4320 : index
    %get3A_466 = tpu.vector_load %arg6[%get3A_465] {strides = array<i32>} : memref<6400xf32, #tpu.memory_space<vmem>>, vector<16xf32>,
    %add3A_467 = arith.addf %get3A_464, %get3A_466 : vector<16xf32>
    %swap3A_468 = arith.constant 4288 : index
    %swap3A_469 = tpu.vector_load %arg6[%swap3A_468] {strides = array<i32>} : memref<6400xf32, #tpu.memory_space<vmem>>, vector<16xf32>,
    tpu.vector_store %arg6[%swap3A_468], %add3A_467 {strides = array<i32>} : memref<6400xf32, #tpu.memory_space<vmem>>, vector<16xf32>,
    %get3A_470 = arith.constant 4288 : index
    %get3A_471 = tpu.vector_load %arg6[%get3A_470] {strides = array<i32>} : memref<6400xf32, #tpu.memory_space<vmem>>, vector<16xf32>,
    %get3A_472 = arith.constant 4352 : index
    %get3A_473 = tpu.vector_load %arg6[%get3A_472] {strides = array<i32>} : memref<6400xf32, #tpu.memory_space<vmem>>, vector<16xf32>,
    %add3A_474 = arith.addf %get3A_471, %get3A_473 : vector<16xf32>
    %swap3A_475 = arith.constant 4256 : index
    %swap3A_476 = tpu.vector_load %arg6[%swap3A_475] {strides = array<i32>} : memref<6400xf32, #tpu.memory_space<vmem>>, vector<16xf32>,
    tpu.vector_store %arg6[%swap3A_475], %add3A_474 {strides = array<i32>} : memref<6400xf32, #tpu.memory_space<vmem>>, vector<16xf32>,
    %get3A_477 = arith.constant 928 : index
    %get3A_478 = tpu.vector_load %arg6[%get3A_477] {strides = array<i32>} : memref<6400xf32, #tpu.memory_space<vmem>>, vector<16xf32>,
    %get3A_479 = arith.constant 960 : index
    %get3A_480 = tpu.vector_load %arg6[%get3A_479] {strides = array<i32>} : memref<6400xf32, #tpu.memory_space<vmem>>, vector<16xf32>,
    %add3A_481 = arith.addf %get3A_478, %get3A_480 : vector<16xf32>
    %swap3A_482 = arith.constant 4224 : index
    %swap3A_483 = tpu.vector_load %arg6[%swap3A_482] {strides = array<i32>} : memref<6400xf32, #tpu.memory_space<vmem>>, vector<16xf32>,
    tpu.vector_store %arg6[%swap3A_482], %add3A_481 {strides = array<i32>} : memref<6400xf32, #tpu.memory_space<vmem>>, vector<16xf32>,
    %get3A_484 = arith.constant 896 : index
    %get3A_485 = tpu.vector_load %arg6[%get3A_484] {strides = array<i32>} : memref<6400xf32, #tpu.memory_space<vmem>>, vector<16xf32>,
    %get3A_486 = arith.constant 4224 : index
    %get3A_487 = tpu.vector_load %arg6[%get3A_486] {strides = array<i32>} : memref<6400xf32, #tpu.memory_space<vmem>>, vector<16xf32>,
    %add3A_488 = arith.addf %get3A_485, %get3A_487 : vector<16xf32>
    %swap3A_489 = arith.constant 4192 : index
    %swap3A_490 = tpu.vector_load %arg6[%swap3A_489] {strides = array<i32>} : memref<6400xf32, #tpu.memory_space<vmem>>, vector<16xf32>,
    tpu.vector_store %arg6[%swap3A_489], %add3A_488 {strides = array<i32>} : memref<6400xf32, #tpu.memory_space<vmem>>, vector<16xf32>,
    %get3A_491 = arith.constant 832 : index
    %get3A_492 = tpu.vector_load %arg6[%get3A_491] {strides = array<i32>} : memref<6400xf32, #tpu.memory_space<vmem>>, vector<16xf32>,
    %get3A_493 = arith.constant 864 : index
    %get3A_494 = tpu.vector_load %arg6[%get3A_493] {strides = array<i32>} : memref<6400xf32, #tpu.memory_space<vmem>>, vector<16xf32>,
    %add3A_495 = arith.addf %get3A_492, %get3A_494 : vector<16xf32>
    %swap3A_496 = arith.constant 4160 : index
    %swap3A_497 = tpu.vector_load %arg6[%swap3A_496] {strides = array<i32>} : memref<6400xf32, #tpu.memory_space<vmem>>, vector<16xf32>,
    tpu.vector_store %arg6[%swap3A_496], %add3A_495 {strides = array<i32>} : memref<6400xf32, #tpu.memory_space<vmem>>, vector<16xf32>,
    %get3A_498 = arith.constant 800 : index
    %get3A_499 = tpu.vector_load %arg6[%get3A_498] {strides = array<i32>} : memref<6400xf32, #tpu.memory_space<vmem>>, vector<16xf32>,
    %get3A_500 = arith.constant 4160 : index
    %get3A_501 = tpu.vector_load %arg6[%get3A_500] {strides = array<i32>} : memref<6400xf32, #tpu.memory_space<vmem>>, vector<16xf32>,
    %add3A_502 = arith.addf %get3A_499, %get3A_501 : vector<16xf32>
    %swap3A_503 = arith.constant 4128 : index
    %swap3A_504 = tpu.vector_load %arg6[%swap3A_503] {strides = array<i32>} : memref<6400xf32, #tpu.memory_space<vmem>>, vector<16xf32>,
    tpu.vector_store %arg6[%swap3A_503], %add3A_502 {strides = array<i32>} : memref<6400xf32, #tpu.memory_space<vmem>>, vector<16xf32>,
    %get3A_505 = arith.constant 4128 : index
    %get3A_506 = tpu.vector_load %arg6[%get3A_505] {strides = array<i32>} : memref<6400xf32, #tpu.memory_space<vmem>>, vector<16xf32>,
    %get3A_507 = arith.constant 4192 : index
    %get3A_508 = tpu.vector_load %arg6[%get3A_507] {strides = array<i32>} : memref<6400xf32, #tpu.memory_space<vmem>>, vector<16xf32>,
    %add3A_509 = arith.addf %get3A_506, %get3A_508 : vector<16xf32>
    %swap3A_510 = arith.constant 4096 : index
    %swap3A_511 = tpu.vector_load %arg6[%swap3A_510] {strides = array<i32>} : memref<6400xf32, #tpu.memory_space<vmem>>, vector<16xf32>,
    tpu.vector_store %arg6[%swap3A_510], %add3A_509 {strides = array<i32>} : memref<6400xf32, #tpu.memory_space<vmem>>, vector<16xf32>,
    %get3A_512 = arith.constant 4096 : index
    %get3A_513 = tpu.vector_load %arg6[%get3A_512] {strides = array<i32>} : memref<6400xf32, #tpu.memory_space<vmem>>, vector<16xf32>,
    %get3A_514 = arith.constant 4256 : index
    %get3A_515 = tpu.vector_load %arg6[%get3A_514] {strides = array<i32>} : memref<6400xf32, #tpu.memory_space<vmem>>, vector<16xf32>,
    %add3A_516 = arith.addf %get3A_513, %get3A_515 : vector<16xf32>
    %swap3A_517 = arith.constant 4064 : index
    %swap3A_518 = tpu.vector_load %arg6[%swap3A_517] {strides = array<i32>} : memref<6400xf32, #tpu.memory_space<vmem>>, vector<16xf32>,
    tpu.vector_store %arg6[%swap3A_517], %add3A_516 {strides = array<i32>} : memref<6400xf32, #tpu.memory_space<vmem>>, vector<16xf32>,
    %get3A_519 = arith.constant 4064 : index
    %get3A_520 = tpu.vector_load %arg6[%get3A_519] {strides = array<i32>} : memref<6400xf32, #tpu.memory_space<vmem>>, vector<16xf32>,
    %get3A_521 = arith.constant 4416 : index
    %get3A_522 = tpu.vector_load %arg6[%get3A_521] {strides = array<i32>} : memref<6400xf32, #tpu.memory_space<vmem>>, vector<16xf32>,
    %add3A_523 = arith.addf %get3A_520, %get3A_522 : vector<16xf32>
    %swap3A_524 = arith.constant 4032 : index
    %swap3A_525 = tpu.vector_load %arg6[%swap3A_524] {strides = array<i32>} : memref<6400xf32, #tpu.memory_space<vmem>>, vector<16xf32>,
    tpu.vector_store %arg6[%swap3A_524], %add3A_523 {strides = array<i32>} : memref<6400xf32, #tpu.memory_space<vmem>>, vector<16xf32>,
    %get3A_526 = arith.constant 736 : index
    %get3A_527 = tpu.vector_load %arg6[%get3A_526] {strides = array<i32>} : memref<6400xf32, #tpu.memory_space<vmem>>, vector<16xf32>,
    %get3A_528 = arith.constant 768 : index
    %get3A_529 = tpu.vector_load %arg6[%get3A_528] {strides = array<i32>} : memref<6400xf32, #tpu.memory_space<vmem>>, vector<16xf32>,
    %add3A_530 = arith.addf %get3A_527, %get3A_529 : vector<16xf32>
    %swap3A_531 = arith.constant 4000 : index
    %swap3A_532 = tpu.vector_load %arg6[%swap3A_531] {strides = array<i32>} : memref<6400xf32, #tpu.memory_space<vmem>>, vector<16xf32>,
    tpu.vector_store %arg6[%swap3A_531], %add3A_530 {strides = array<i32>} : memref<6400xf32, #tpu.memory_space<vmem>>, vector<16xf32>,
    %get3A_533 = arith.constant 672 : index
    %get3A_534 = tpu.vector_load %arg6[%get3A_533] {strides = array<i32>} : memref<6400xf32, #tpu.memory_space<vmem>>, vector<16xf32>,
    %get3A_535 = arith.constant 704 : index
    %get3A_536 = tpu.vector_load %arg6[%get3A_535] {strides = array<i32>} : memref<6400xf32, #tpu.memory_space<vmem>>, vector<16xf32>,
    %add3A_537 = arith.addf %get3A_534, %get3A_536 : vector<16xf32>
    %swap3A_538 = arith.constant 3968 : index
    %swap3A_539 = tpu.vector_load %arg6[%swap3A_538] {strides = array<i32>} : memref<6400xf32, #tpu.memory_space<vmem>>, vector<16xf32>,
    tpu.vector_store %arg6[%swap3A_538], %add3A_537 {strides = array<i32>} : memref<6400xf32, #tpu.memory_space<vmem>>, vector<16xf32>,
    %get3A_540 = arith.constant 3968 : index
    %get3A_541 = tpu.vector_load %arg6[%get3A_540] {strides = array<i32>} : memref<6400xf32, #tpu.memory_space<vmem>>, vector<16xf32>,
    %get3A_542 = arith.constant 4000 : index
    %get3A_543 = tpu.vector_load %arg6[%get3A_542] {strides = array<i32>} : memref<6400xf32, #tpu.memory_space<vmem>>, vector<16xf32>,
    %add3A_544 = arith.addf %get3A_541, %get3A_543 : vector<16xf32>
    %swap3A_545 = arith.constant 3936 : index
    %swap3A_546 = tpu.vector_load %arg6[%swap3A_545] {strides = array<i32>} : memref<6400xf32, #tpu.memory_space<vmem>>, vector<16xf32>,
    tpu.vector_store %arg6[%swap3A_545], %add3A_544 {strides = array<i32>} : memref<6400xf32, #tpu.memory_space<vmem>>, vector<16xf32>,
    %get3A_547 = arith.constant 608 : index
    %get3A_548 = tpu.vector_load %arg6[%get3A_547] {strides = array<i32>} : memref<6400xf32, #tpu.memory_space<vmem>>, vector<16xf32>,
    %get3A_549 = arith.constant 640 : index
    %get3A_550 = tpu.vector_load %arg6[%get3A_549] {strides = array<i32>} : memref<6400xf32, #tpu.memory_space<vmem>>, vector<16xf32>,
    %add3A_551 = arith.addf %get3A_548, %get3A_550 : vector<16xf32>
    %swap3A_552 = arith.constant 3904 : index
    %swap3A_553 = tpu.vector_load %arg6[%swap3A_552] {strides = array<i32>} : memref<6400xf32, #tpu.memory_space<vmem>>, vector<16xf32>,
    tpu.vector_store %arg6[%swap3A_552], %add3A_551 {strides = array<i32>} : memref<6400xf32, #tpu.memory_space<vmem>>, vector<16xf32>,
    %get3A_554 = arith.constant 576 : index
    %get3A_555 = tpu.vector_load %arg6[%get3A_554] {strides = array<i32>} : memref<6400xf32, #tpu.memory_space<vmem>>, vector<16xf32>,
    %get3A_556 = arith.constant 3904 : index
    %get3A_557 = tpu.vector_load %arg6[%get3A_556] {strides = array<i32>} : memref<6400xf32, #tpu.memory_space<vmem>>, vector<16xf32>,
    %add3A_558 = arith.addf %get3A_555, %get3A_557 : vector<16xf32>
    %swap3A_559 = arith.constant 3872 : index
    %swap3A_560 = tpu.vector_load %arg6[%swap3A_559] {strides = array<i32>} : memref<6400xf32, #tpu.memory_space<vmem>>, vector<16xf32>,
    tpu.vector_store %arg6[%swap3A_559], %add3A_558 {strides = array<i32>} : memref<6400xf32, #tpu.memory_space<vmem>>, vector<16xf32>,
    %get3A_561 = arith.constant 3872 : index
    %get3A_562 = tpu.vector_load %arg6[%get3A_561] {strides = array<i32>} : memref<6400xf32, #tpu.memory_space<vmem>>, vector<16xf32>,
    %get3A_563 = arith.constant 3936 : index
    %get3A_564 = tpu.vector_load %arg6[%get3A_563] {strides = array<i32>} : memref<6400xf32, #tpu.memory_space<vmem>>, vector<16xf32>,
    %add3A_565 = arith.addf %get3A_562, %get3A_564 : vector<16xf32>
    %swap3A_566 = arith.constant 3840 : index
    %swap3A_567 = tpu.vector_load %arg6[%swap3A_566] {strides = array<i32>} : memref<6400xf32, #tpu.memory_space<vmem>>, vector<16xf32>,
    tpu.vector_store %arg6[%swap3A_566], %add3A_565 {strides = array<i32>} : memref<6400xf32, #tpu.memory_space<vmem>>, vector<16xf32>,
    %get3A_568 = arith.constant 512 : index
    %get3A_569 = tpu.vector_load %arg6[%get3A_568] {strides = array<i32>} : memref<6400xf32, #tpu.memory_space<vmem>>, vector<16xf32>,
    %get3A_570 = arith.constant 544 : index
    %get3A_571 = tpu.vector_load %arg6[%get3A_570] {strides = array<i32>} : memref<6400xf32, #tpu.memory_space<vmem>>, vector<16xf32>,
    %add3A_572 = arith.addf %get3A_569, %get3A_571 : vector<16xf32>
    %swap3A_573 = arith.constant 3808 : index
    %swap3A_574 = tpu.vector_load %arg6[%swap3A_573] {strides = array<i32>} : memref<6400xf32, #tpu.memory_space<vmem>>, vector<16xf32>,
    tpu.vector_store %arg6[%swap3A_573], %add3A_572 {strides = array<i32>} : memref<6400xf32, #tpu.memory_space<vmem>>, vector<16xf32>,
    %get3A_575 = arith.constant 480 : index
    %get3A_576 = tpu.vector_load %arg6[%get3A_575] {strides = array<i32>} : memref<6400xf32, #tpu.memory_space<vmem>>, vector<16xf32>,
    %get3A_577 = arith.constant 3808 : index
    %get3A_578 = tpu.vector_load %arg6[%get3A_577] {strides = array<i32>} : memref<6400xf32, #tpu.memory_space<vmem>>, vector<16xf32>,
    %add3A_579 = arith.addf %get3A_576, %get3A_578 : vector<16xf32>
    %swap3A_580 = arith.constant 3776 : index
    %swap3A_581 = tpu.vector_load %arg6[%swap3A_580] {strides = array<i32>} : memref<6400xf32, #tpu.memory_space<vmem>>, vector<16xf32>,
    tpu.vector_store %arg6[%swap3A_580], %add3A_579 {strides = array<i32>} : memref<6400xf32, #tpu.memory_space<vmem>>, vector<16xf32>,
    %get3A_582 = arith.constant 416 : index
    %get3A_583 = tpu.vector_load %arg6[%get3A_582] {strides = array<i32>} : memref<6400xf32, #tpu.memory_space<vmem>>, vector<16xf32>,
    %get3A_584 = arith.constant 448 : index
    %get3A_585 = tpu.vector_load %arg6[%get3A_584] {strides = array<i32>} : memref<6400xf32, #tpu.memory_space<vmem>>, vector<16xf32>,
    %add3A_586 = arith.addf %get3A_583, %get3A_585 : vector<16xf32>
    %swap3A_587 = arith.constant 3744 : index
    %swap3A_588 = tpu.vector_load %arg6[%swap3A_587] {strides = array<i32>} : memref<6400xf32, #tpu.memory_space<vmem>>, vector<16xf32>,
    tpu.vector_store %arg6[%swap3A_587], %add3A_586 {strides = array<i32>} : memref<6400xf32, #tpu.memory_space<vmem>>, vector<16xf32>,
    %get3A_589 = arith.constant 384 : index
    %get3A_590 = tpu.vector_load %arg6[%get3A_589] {strides = array<i32>} : memref<6400xf32, #tpu.memory_space<vmem>>, vector<16xf32>,
    %get3A_591 = arith.constant 3744 : index
    %get3A_592 = tpu.vector_load %arg6[%get3A_591] {strides = array<i32>} : memref<6400xf32, #tpu.memory_space<vmem>>, vector<16xf32>,
    %add3A_593 = arith.addf %get3A_590, %get3A_592 : vector<16xf32>
    %swap3A_594 = arith.constant 3712 : index
    %swap3A_595 = tpu.vector_load %arg6[%swap3A_594] {strides = array<i32>} : memref<6400xf32, #tpu.memory_space<vmem>>, vector<16xf32>,
    tpu.vector_store %arg6[%swap3A_594], %add3A_593 {strides = array<i32>} : memref<6400xf32, #tpu.memory_space<vmem>>, vector<16xf32>,
    %get3A_596 = arith.constant 3712 : index
    %get3A_597 = tpu.vector_load %arg6[%get3A_596] {strides = array<i32>} : memref<6400xf32, #tpu.memory_space<vmem>>, vector<16xf32>,
    %get3A_598 = arith.constant 3776 : index
    %get3A_599 = tpu.vector_load %arg6[%get3A_598] {strides = array<i32>} : memref<6400xf32, #tpu.memory_space<vmem>>, vector<16xf32>,
    %add3A_600 = arith.addf %get3A_597, %get3A_599 : vector<16xf32>
    %swap3A_601 = arith.constant 3680 : index
    %swap3A_602 = tpu.vector_load %arg6[%swap3A_601] {strides = array<i32>} : memref<6400xf32, #tpu.memory_space<vmem>>, vector<16xf32>,
    tpu.vector_store %arg6[%swap3A_601], %add3A_600 {strides = array<i32>} : memref<6400xf32, #tpu.memory_space<vmem>>, vector<16xf32>,
    %get3A_603 = arith.constant 3680 : index
    %get3A_604 = tpu.vector_load %arg6[%get3A_603] {strides = array<i32>} : memref<6400xf32, #tpu.memory_space<vmem>>, vector<16xf32>,
    %get3A_605 = arith.constant 3840 : index
    %get3A_606 = tpu.vector_load %arg6[%get3A_605] {strides = array<i32>} : memref<6400xf32, #tpu.memory_space<vmem>>, vector<16xf32>,
    %add3A_607 = arith.addf %get3A_604, %get3A_606 : vector<16xf32>
    %swap3A_608 = arith.constant 3648 : index
    %swap3A_609 = tpu.vector_load %arg6[%swap3A_608] {strides = array<i32>} : memref<6400xf32, #tpu.memory_space<vmem>>, vector<16xf32>,
    tpu.vector_store %arg6[%swap3A_608], %add3A_607 {strides = array<i32>} : memref<6400xf32, #tpu.memory_space<vmem>>, vector<16xf32>,
    %get3A_610 = arith.constant 320 : index
    %get3A_611 = tpu.vector_load %arg6[%get3A_610] {strides = array<i32>} : memref<6400xf32, #tpu.memory_space<vmem>>, vector<16xf32>,
    %get3A_612 = arith.constant 352 : index
    %get3A_613 = tpu.vector_load %arg6[%get3A_612] {strides = array<i32>} : memref<6400xf32, #tpu.memory_space<vmem>>, vector<16xf32>,
    %add3A_614 = arith.addf %get3A_611, %get3A_613 : vector<16xf32>
    %swap3A_615 = arith.constant 3616 : index
    %swap3A_616 = tpu.vector_load %arg6[%swap3A_615] {strides = array<i32>} : memref<6400xf32, #tpu.memory_space<vmem>>, vector<16xf32>,
    tpu.vector_store %arg6[%swap3A_615], %add3A_614 {strides = array<i32>} : memref<6400xf32, #tpu.memory_space<vmem>>, vector<16xf32>,
    %get3A_617 = arith.constant 288 : index
    %get3A_618 = tpu.vector_load %arg6[%get3A_617] {strides = array<i32>} : memref<6400xf32, #tpu.memory_space<vmem>>, vector<16xf32>,
    %get3A_619 = arith.constant 3616 : index
    %get3A_620 = tpu.vector_load %arg6[%get3A_619] {strides = array<i32>} : memref<6400xf32, #tpu.memory_space<vmem>>, vector<16xf32>,
    %add3A_621 = arith.addf %get3A_618, %get3A_620 : vector<16xf32>
    %swap3A_622 = arith.constant 3584 : index
    %swap3A_623 = tpu.vector_load %arg6[%swap3A_622] {strides = array<i32>} : memref<6400xf32, #tpu.memory_space<vmem>>, vector<16xf32>,
    tpu.vector_store %arg6[%swap3A_622], %add3A_621 {strides = array<i32>} : memref<6400xf32, #tpu.memory_space<vmem>>, vector<16xf32>,
    %get3A_624 = arith.constant 224 : index
    %get3A_625 = tpu.vector_load %arg6[%get3A_624] {strides = array<i32>} : memref<6400xf32, #tpu.memory_space<vmem>>, vector<16xf32>,
    %get3A_626 = arith.constant 256 : index
    %get3A_627 = tpu.vector_load %arg6[%get3A_626] {strides = array<i32>} : memref<6400xf32, #tpu.memory_space<vmem>>, vector<16xf32>,
    %add3A_628 = arith.addf %get3A_625, %get3A_627 : vector<16xf32>
    %swap3A_629 = arith.constant 3552 : index
    %swap3A_630 = tpu.vector_load %arg6[%swap3A_629] {strides = array<i32>} : memref<6400xf32, #tpu.memory_space<vmem>>, vector<16xf32>,
    tpu.vector_store %arg6[%swap3A_629], %add3A_628 {strides = array<i32>} : memref<6400xf32, #tpu.memory_space<vmem>>, vector<16xf32>,
    %get3A_631 = arith.constant 192 : index
    %get3A_632 = tpu.vector_load %arg6[%get3A_631] {strides = array<i32>} : memref<6400xf32, #tpu.memory_space<vmem>>, vector<16xf32>,
    %get3A_633 = arith.constant 3552 : index
    %get3A_634 = tpu.vector_load %arg6[%get3A_633] {strides = array<i32>} : memref<6400xf32, #tpu.memory_space<vmem>>, vector<16xf32>,
    %add3A_635 = arith.addf %get3A_632, %get3A_634 : vector<16xf32>
    %swap3A_636 = arith.constant 3520 : index
    %swap3A_637 = tpu.vector_load %arg6[%swap3A_636] {strides = array<i32>} : memref<6400xf32, #tpu.memory_space<vmem>>, vector<16xf32>,
    tpu.vector_store %arg6[%swap3A_636], %add3A_635 {strides = array<i32>} : memref<6400xf32, #tpu.memory_space<vmem>>, vector<16xf32>,
    %get3A_638 = arith.constant 3520 : index
    %get3A_639 = tpu.vector_load %arg6[%get3A_638] {strides = array<i32>} : memref<6400xf32, #tpu.memory_space<vmem>>, vector<16xf32>,
    %get3A_640 = arith.constant 3584 : index
    %get3A_641 = tpu.vector_load %arg6[%get3A_640] {strides = array<i32>} : memref<6400xf32, #tpu.memory_space<vmem>>, vector<16xf32>,
    %add3A_642 = arith.addf %get3A_639, %get3A_641 : vector<16xf32>
    %swap3A_643 = arith.constant 3488 : index
    %swap3A_644 = tpu.vector_load %arg6[%swap3A_643] {strides = array<i32>} : memref<6400xf32, #tpu.memory_space<vmem>>, vector<16xf32>,
    tpu.vector_store %arg6[%swap3A_643], %add3A_642 {strides = array<i32>} : memref<6400xf32, #tpu.memory_space<vmem>>, vector<16xf32>,
    %get3A_645 = arith.constant 128 : index
    %get3A_646 = tpu.vector_load %arg6[%get3A_645] {strides = array<i32>} : memref<6400xf32, #tpu.memory_space<vmem>>, vector<16xf32>,
    %get3A_647 = arith.constant 160 : index
    %get3A_648 = tpu.vector_load %arg6[%get3A_647] {strides = array<i32>} : memref<6400xf32, #tpu.memory_space<vmem>>, vector<16xf32>,
    %add3A_649 = arith.addf %get3A_646, %get3A_648 : vector<16xf32>
    %swap3A_650 = arith.constant 3456 : index
    %swap3A_651 = tpu.vector_load %arg6[%swap3A_650] {strides = array<i32>} : memref<6400xf32, #tpu.memory_space<vmem>>, vector<16xf32>,
    tpu.vector_store %arg6[%swap3A_650], %add3A_649 {strides = array<i32>} : memref<6400xf32, #tpu.memory_space<vmem>>, vector<16xf32>,
    %get3A_652 = arith.constant 96 : index
    %get3A_653 = tpu.vector_load %arg6[%get3A_652] {strides = array<i32>} : memref<6400xf32, #tpu.memory_space<vmem>>, vector<16xf32>,
    %get3A_654 = arith.constant 3456 : index
    %get3A_655 = tpu.vector_load %arg6[%get3A_654] {strides = array<i32>} : memref<6400xf32, #tpu.memory_space<vmem>>, vector<16xf32>,
    %add3A_656 = arith.addf %get3A_653, %get3A_655 : vector<16xf32>
    %swap3A_657 = arith.constant 3424 : index
    %swap3A_658 = tpu.vector_load %arg6[%swap3A_657] {strides = array<i32>} : memref<6400xf32, #tpu.memory_space<vmem>>, vector<16xf32>,
    tpu.vector_store %arg6[%swap3A_657], %add3A_656 {strides = array<i32>} : memref<6400xf32, #tpu.memory_space<vmem>>, vector<16xf32>,
    %get3A_659 = arith.constant 32 : index
    %get3A_660 = tpu.vector_load %arg6[%get3A_659] {strides = array<i32>} : memref<6400xf32, #tpu.memory_space<vmem>>, vector<16xf32>,
    %get3A_661 = arith.constant 64 : index
    %get3A_662 = tpu.vector_load %arg6[%get3A_661] {strides = array<i32>} : memref<6400xf32, #tpu.memory_space<vmem>>, vector<16xf32>,
    %add3A_663 = arith.addf %get3A_660, %get3A_662 : vector<16xf32>
    %swap3A_664 = arith.constant 3392 : index
    %swap3A_665 = tpu.vector_load %arg6[%swap3A_664] {strides = array<i32>} : memref<6400xf32, #tpu.memory_space<vmem>>, vector<16xf32>,
    tpu.vector_store %arg6[%swap3A_664], %add3A_663 {strides = array<i32>} : memref<6400xf32, #tpu.memory_space<vmem>>, vector<16xf32>,
    %get3A_666 = arith.constant 0 : index
    %get3A_667 = tpu.vector_load %arg6[%get3A_666] {strides = array<i32>} : memref<6400xf32, #tpu.memory_space<vmem>>, vector<16xf32>,
    %get3A_668 = arith.constant 3392 : index
    %get3A_669 = tpu.vector_load %arg6[%get3A_668] {strides = array<i32>} : memref<6400xf32, #tpu.memory_space<vmem>>, vector<16xf32>,
    %add3A_670 = arith.addf %get3A_667, %get3A_669 : vector<16xf32>
    %swap3A_671 = arith.constant 3360 : index
    %swap3A_672 = tpu.vector_load %arg6[%swap3A_671] {strides = array<i32>} : memref<6400xf32, #tpu.memory_space<vmem>>, vector<16xf32>,
    tpu.vector_store %arg6[%swap3A_671], %add3A_670 {strides = array<i32>} : memref<6400xf32, #tpu.memory_space<vmem>>, vector<16xf32>,
    %get3A_673 = arith.constant 3360 : index
    %get3A_674 = tpu.vector_load %arg6[%get3A_673] {strides = array<i32>} : memref<6400xf32, #tpu.memory_space<vmem>>, vector<16xf32>,
    %get3A_675 = arith.constant 3424 : index
    %get3A_676 = tpu.vector_load %arg6[%get3A_675] {strides = array<i32>} : memref<6400xf32, #tpu.memory_space<vmem>>, vector<16xf32>,
    %add3A_677 = arith.addf %get3A_674, %get3A_676 : vector<16xf32>
    %swap3A_678 = arith.constant 3328 : index
    %swap3A_679 = tpu.vector_load %arg6[%swap3A_678] {strides = array<i32>} : memref<6400xf32, #tpu.memory_space<vmem>>, vector<16xf32>,
    tpu.vector_store %arg6[%swap3A_678], %add3A_677 {strides = array<i32>} : memref<6400xf32, #tpu.memory_space<vmem>>, vector<16xf32>,
    %get3A_680 = arith.constant 3328 : index
    %get3A_681 = tpu.vector_load %arg6[%get3A_680] {strides = array<i32>} : memref<6400xf32, #tpu.memory_space<vmem>>, vector<16xf32>,
    %get3A_682 = arith.constant 3488 : index
    %get3A_683 = tpu.vector_load %arg6[%get3A_682] {strides = array<i32>} : memref<6400xf32, #tpu.memory_space<vmem>>, vector<16xf32>,
    %add3A_684 = arith.addf %get3A_681, %get3A_683 : vector<16xf32>
    %swap3A_685 = arith.constant 3296 : index
    %swap3A_686 = tpu.vector_load %arg6[%swap3A_685] {strides = array<i32>} : memref<6400xf32, #tpu.memory_space<vmem>>, vector<16xf32>,
    tpu.vector_store %arg6[%swap3A_685], %add3A_684 {strides = array<i32>} : memref<6400xf32, #tpu.memory_space<vmem>>, vector<16xf32>,
    %get3A_687 = arith.constant 3296 : index
    %get3A_688 = tpu.vector_load %arg6[%get3A_687] {strides = array<i32>} : memref<6400xf32, #tpu.memory_space<vmem>>, vector<16xf32>,
    %get3A_689 = arith.constant 3648 : index
    %get3A_690 = tpu.vector_load %arg6[%get3A_689] {strides = array<i32>} : memref<6400xf32, #tpu.memory_space<vmem>>, vector<16xf32>,
    %add3A_691 = arith.addf %get3A_688, %get3A_690 : vector<16xf32>
    %swap3A_692 = arith.constant 3264 : index
    %swap3A_693 = tpu.vector_load %arg6[%swap3A_692] {strides = array<i32>} : memref<6400xf32, #tpu.memory_space<vmem>>, vector<16xf32>,
    tpu.vector_store %arg6[%swap3A_692], %add3A_691 {strides = array<i32>} : memref<6400xf32, #tpu.memory_space<vmem>>, vector<16xf32>,
    %get3A_694 = arith.constant 3264 : index
    %get3A_695 = tpu.vector_load %arg6[%get3A_694] {strides = array<i32>} : memref<6400xf32, #tpu.memory_space<vmem>>, vector<16xf32>,
    %get3A_696 = arith.constant 4032 : index
    %get3A_697 = tpu.vector_load %arg6[%get3A_696] {strides = array<i32>} : memref<6400xf32, #tpu.memory_space<vmem>>, vector<16xf32>,
    %add3A_698 = arith.addf %get3A_695, %get3A_697 : vector<16xf32>
    %swap3A_699 = arith.constant 3232 : index
    %swap3A_700 = tpu.vector_load %arg6[%swap3A_699] {strides = array<i32>} : memref<6400xf32, #tpu.memory_space<vmem>>, vector<16xf32>,
    tpu.vector_store %arg6[%swap3A_699], %add3A_698 {strides = array<i32>} : memref<6400xf32, #tpu.memory_space<vmem>>, vector<16xf32>,
    %get3A_701 = arith.constant 3152 : index
    %get3A_702 = tpu.vector_load %arg6[%get3A_701] {strides = array<i32>} : memref<6400xf32, #tpu.memory_space<vmem>>, vector<16xf32>,
    %get3A_703 = arith.constant 3184 : index
    %get3A_704 = tpu.vector_load %arg6[%get3A_703] {strides = array<i32>} : memref<6400xf32, #tpu.memory_space<vmem>>, vector<16xf32>,
    %add3A_705 = arith.addf %get3A_702, %get3A_704 : vector<16xf32>
    %swap3A_706 = arith.constant 6352 : index
    %swap3A_707 = tpu.vector_load %arg6[%swap3A_706] {strides = array<i32>} : memref<6400xf32, #tpu.memory_space<vmem>>, vector<16xf32>,
    tpu.vector_store %arg6[%swap3A_706], %add3A_705 {strides = array<i32>} : memref<6400xf32, #tpu.memory_space<vmem>>, vector<16xf32>,
    %get3A_708 = arith.constant 3088 : index
    %get3A_709 = tpu.vector_load %arg6[%get3A_708] {strides = array<i32>} : memref<6400xf32, #tpu.memory_space<vmem>>, vector<16xf32>,
    %get3A_710 = arith.constant 3120 : index
    %get3A_711 = tpu.vector_load %arg6[%get3A_710] {strides = array<i32>} : memref<6400xf32, #tpu.memory_space<vmem>>, vector<16xf32>,
    %add3A_712 = arith.addf %get3A_709, %get3A_711 : vector<16xf32>
    %swap3A_713 = arith.constant 6320 : index
    %swap3A_714 = tpu.vector_load %arg6[%swap3A_713] {strides = array<i32>} : memref<6400xf32, #tpu.memory_space<vmem>>, vector<16xf32>,
    tpu.vector_store %arg6[%swap3A_713], %add3A_712 {strides = array<i32>} : memref<6400xf32, #tpu.memory_space<vmem>>, vector<16xf32>,
    %get3A_715 = arith.constant 6320 : index
    %get3A_716 = tpu.vector_load %arg6[%get3A_715] {strides = array<i32>} : memref<6400xf32, #tpu.memory_space<vmem>>, vector<16xf32>,
    %get3A_717 = arith.constant 6352 : index
    %get3A_718 = tpu.vector_load %arg6[%get3A_717] {strides = array<i32>} : memref<6400xf32, #tpu.memory_space<vmem>>, vector<16xf32>,
    %add3A_719 = arith.addf %get3A_716, %get3A_718 : vector<16xf32>
    %swap3A_720 = arith.constant 6288 : index
    %swap3A_721 = tpu.vector_load %arg6[%swap3A_720] {strides = array<i32>} : memref<6400xf32, #tpu.memory_space<vmem>>, vector<16xf32>,
    tpu.vector_store %arg6[%swap3A_720], %add3A_719 {strides = array<i32>} : memref<6400xf32, #tpu.memory_space<vmem>>, vector<16xf32>,
    %get3A_722 = arith.constant 3024 : index
    %get3A_723 = tpu.vector_load %arg6[%get3A_722] {strides = array<i32>} : memref<6400xf32, #tpu.memory_space<vmem>>, vector<16xf32>,
    %get3A_724 = arith.constant 3056 : index
    %get3A_725 = tpu.vector_load %arg6[%get3A_724] {strides = array<i32>} : memref<6400xf32, #tpu.memory_space<vmem>>, vector<16xf32>,
    %add3A_726 = arith.addf %get3A_723, %get3A_725 : vector<16xf32>
    %swap3A_727 = arith.constant 6256 : index
    %swap3A_728 = tpu.vector_load %arg6[%swap3A_727] {strides = array<i32>} : memref<6400xf32, #tpu.memory_space<vmem>>, vector<16xf32>,
    tpu.vector_store %arg6[%swap3A_727], %add3A_726 {strides = array<i32>} : memref<6400xf32, #tpu.memory_space<vmem>>, vector<16xf32>,
    %get3A_729 = arith.constant 2992 : index
    %get3A_730 = tpu.vector_load %arg6[%get3A_729] {strides = array<i32>} : memref<6400xf32, #tpu.memory_space<vmem>>, vector<16xf32>,
    %get3A_731 = arith.constant 6256 : index
    %get3A_732 = tpu.vector_load %arg6[%get3A_731] {strides = array<i32>} : memref<6400xf32, #tpu.memory_space<vmem>>, vector<16xf32>,
    %add3A_733 = arith.addf %get3A_730, %get3A_732 : vector<16xf32>
    %swap3A_734 = arith.constant 6224 : index
    %swap3A_735 = tpu.vector_load %arg6[%swap3A_734] {strides = array<i32>} : memref<6400xf32, #tpu.memory_space<vmem>>, vector<16xf32>,
    tpu.vector_store %arg6[%swap3A_734], %add3A_733 {strides = array<i32>} : memref<6400xf32, #tpu.memory_space<vmem>>, vector<16xf32>,
    %get3A_736 = arith.constant 6224 : index
    %get3A_737 = tpu.vector_load %arg6[%get3A_736] {strides = array<i32>} : memref<6400xf32, #tpu.memory_space<vmem>>, vector<16xf32>,
    %get3A_738 = arith.constant 6288 : index
    %get3A_739 = tpu.vector_load %arg6[%get3A_738] {strides = array<i32>} : memref<6400xf32, #tpu.memory_space<vmem>>, vector<16xf32>,
    %add3A_740 = arith.addf %get3A_737, %get3A_739 : vector<16xf32>
    %swap3A_741 = arith.constant 6192 : index
    %swap3A_742 = tpu.vector_load %arg6[%swap3A_741] {strides = array<i32>} : memref<6400xf32, #tpu.memory_space<vmem>>, vector<16xf32>,
    tpu.vector_store %arg6[%swap3A_741], %add3A_740 {strides = array<i32>} : memref<6400xf32, #tpu.memory_space<vmem>>, vector<16xf32>,
    %get3A_743 = arith.constant 2928 : index
    %get3A_744 = tpu.vector_load %arg6[%get3A_743] {strides = array<i32>} : memref<6400xf32, #tpu.memory_space<vmem>>, vector<16xf32>,
    %get3A_745 = arith.constant 2960 : index
    %get3A_746 = tpu.vector_load %arg6[%get3A_745] {strides = array<i32>} : memref<6400xf32, #tpu.memory_space<vmem>>, vector<16xf32>,
    %add3A_747 = arith.addf %get3A_744, %get3A_746 : vector<16xf32>
    %swap3A_748 = arith.constant 6160 : index
    %swap3A_749 = tpu.vector_load %arg6[%swap3A_748] {strides = array<i32>} : memref<6400xf32, #tpu.memory_space<vmem>>, vector<16xf32>,
    tpu.vector_store %arg6[%swap3A_748], %add3A_747 {strides = array<i32>} : memref<6400xf32, #tpu.memory_space<vmem>>, vector<16xf32>,
    %get3A_750 = arith.constant 2896 : index
    %get3A_751 = tpu.vector_load %arg6[%get3A_750] {strides = array<i32>} : memref<6400xf32, #tpu.memory_space<vmem>>, vector<16xf32>,
    %get3A_752 = arith.constant 6160 : index
    %get3A_753 = tpu.vector_load %arg6[%get3A_752] {strides = array<i32>} : memref<6400xf32, #tpu.memory_space<vmem>>, vector<16xf32>,
    %add3A_754 = arith.addf %get3A_751, %get3A_753 : vector<16xf32>
    %swap3A_755 = arith.constant 6128 : index
    %swap3A_756 = tpu.vector_load %arg6[%swap3A_755] {strides = array<i32>} : memref<6400xf32, #tpu.memory_space<vmem>>, vector<16xf32>,
    tpu.vector_store %arg6[%swap3A_755], %add3A_754 {strides = array<i32>} : memref<6400xf32, #tpu.memory_space<vmem>>, vector<16xf32>,
    %get3A_757 = arith.constant 2832 : index
    %get3A_758 = tpu.vector_load %arg6[%get3A_757] {strides = array<i32>} : memref<6400xf32, #tpu.memory_space<vmem>>, vector<16xf32>,
    %get3A_759 = arith.constant 2864 : index
    %get3A_760 = tpu.vector_load %arg6[%get3A_759] {strides = array<i32>} : memref<6400xf32, #tpu.memory_space<vmem>>, vector<16xf32>,
    %add3A_761 = arith.addf %get3A_758, %get3A_760 : vector<16xf32>
    %swap3A_762 = arith.constant 6096 : index
    %swap3A_763 = tpu.vector_load %arg6[%swap3A_762] {strides = array<i32>} : memref<6400xf32, #tpu.memory_space<vmem>>, vector<16xf32>,
    tpu.vector_store %arg6[%swap3A_762], %add3A_761 {strides = array<i32>} : memref<6400xf32, #tpu.memory_space<vmem>>, vector<16xf32>,
    %get3A_764 = arith.constant 2800 : index
    %get3A_765 = tpu.vector_load %arg6[%get3A_764] {strides = array<i32>} : memref<6400xf32, #tpu.memory_space<vmem>>, vector<16xf32>,
    %get3A_766 = arith.constant 6096 : index
    %get3A_767 = tpu.vector_load %arg6[%get3A_766] {strides = array<i32>} : memref<6400xf32, #tpu.memory_space<vmem>>, vector<16xf32>,
    %add3A_768 = arith.addf %get3A_765, %get3A_767 : vector<16xf32>
    %swap3A_769 = arith.constant 6064 : index
    %swap3A_770 = tpu.vector_load %arg6[%swap3A_769] {strides = array<i32>} : memref<6400xf32, #tpu.memory_space<vmem>>, vector<16xf32>,
    tpu.vector_store %arg6[%swap3A_769], %add3A_768 {strides = array<i32>} : memref<6400xf32, #tpu.memory_space<vmem>>, vector<16xf32>,
    %get3A_771 = arith.constant 6064 : index
    %get3A_772 = tpu.vector_load %arg6[%get3A_771] {strides = array<i32>} : memref<6400xf32, #tpu.memory_space<vmem>>, vector<16xf32>,
    %get3A_773 = arith.constant 6128 : index
    %get3A_774 = tpu.vector_load %arg6[%get3A_773] {strides = array<i32>} : memref<6400xf32, #tpu.memory_space<vmem>>, vector<16xf32>,
    %add3A_775 = arith.addf %get3A_772, %get3A_774 : vector<16xf32>
    %swap3A_776 = arith.constant 6032 : index
    %swap3A_777 = tpu.vector_load %arg6[%swap3A_776] {strides = array<i32>} : memref<6400xf32, #tpu.memory_space<vmem>>, vector<16xf32>,
    tpu.vector_store %arg6[%swap3A_776], %add3A_775 {strides = array<i32>} : memref<6400xf32, #tpu.memory_space<vmem>>, vector<16xf32>,
    %get3A_778 = arith.constant 6032 : index
    %get3A_779 = tpu.vector_load %arg6[%get3A_778] {strides = array<i32>} : memref<6400xf32, #tpu.memory_space<vmem>>, vector<16xf32>,
    %get3A_780 = arith.constant 6192 : index
    %get3A_781 = tpu.vector_load %arg6[%get3A_780] {strides = array<i32>} : memref<6400xf32, #tpu.memory_space<vmem>>, vector<16xf32>,
    %add3A_782 = arith.addf %get3A_779, %get3A_781 : vector<16xf32>
    %swap3A_783 = arith.constant 6000 : index
    %swap3A_784 = tpu.vector_load %arg6[%swap3A_783] {strides = array<i32>} : memref<6400xf32, #tpu.memory_space<vmem>>, vector<16xf32>,
    tpu.vector_store %arg6[%swap3A_783], %add3A_782 {strides = array<i32>} : memref<6400xf32, #tpu.memory_space<vmem>>, vector<16xf32>,
    %get3A_785 = arith.constant 2736 : index
    %get3A_786 = tpu.vector_load %arg6[%get3A_785] {strides = array<i32>} : memref<6400xf32, #tpu.memory_space<vmem>>, vector<16xf32>,
    %get3A_787 = arith.constant 2768 : index
    %get3A_788 = tpu.vector_load %arg6[%get3A_787] {strides = array<i32>} : memref<6400xf32, #tpu.memory_space<vmem>>, vector<16xf32>,
    %add3A_789 = arith.addf %get3A_786, %get3A_788 : vector<16xf32>
    %swap3A_790 = arith.constant 5968 : index
    %swap3A_791 = tpu.vector_load %arg6[%swap3A_790] {strides = array<i32>} : memref<6400xf32, #tpu.memory_space<vmem>>, vector<16xf32>,
    tpu.vector_store %arg6[%swap3A_790], %add3A_789 {strides = array<i32>} : memref<6400xf32, #tpu.memory_space<vmem>>, vector<16xf32>,
    %get3A_792 = arith.constant 2704 : index
    %get3A_793 = tpu.vector_load %arg6[%get3A_792] {strides = array<i32>} : memref<6400xf32, #tpu.memory_space<vmem>>, vector<16xf32>,
    %get3A_794 = arith.constant 5968 : index
    %get3A_795 = tpu.vector_load %arg6[%get3A_794] {strides = array<i32>} : memref<6400xf32, #tpu.memory_space<vmem>>, vector<16xf32>,
    %add3A_796 = arith.addf %get3A_793, %get3A_795 : vector<16xf32>
    %swap3A_797 = arith.constant 5936 : index
    %swap3A_798 = tpu.vector_load %arg6[%swap3A_797] {strides = array<i32>} : memref<6400xf32, #tpu.memory_space<vmem>>, vector<16xf32>,
    tpu.vector_store %arg6[%swap3A_797], %add3A_796 {strides = array<i32>} : memref<6400xf32, #tpu.memory_space<vmem>>, vector<16xf32>,
    %get3A_799 = arith.constant 2640 : index
    %get3A_800 = tpu.vector_load %arg6[%get3A_799] {strides = array<i32>} : memref<6400xf32, #tpu.memory_space<vmem>>, vector<16xf32>,
    %get3A_801 = arith.constant 2672 : index
    %get3A_802 = tpu.vector_load %arg6[%get3A_801] {strides = array<i32>} : memref<6400xf32, #tpu.memory_space<vmem>>, vector<16xf32>,
    %add3A_803 = arith.addf %get3A_800, %get3A_802 : vector<16xf32>
    %swap3A_804 = arith.constant 5904 : index
    %swap3A_805 = tpu.vector_load %arg6[%swap3A_804] {strides = array<i32>} : memref<6400xf32, #tpu.memory_space<vmem>>, vector<16xf32>,
    tpu.vector_store %arg6[%swap3A_804], %add3A_803 {strides = array<i32>} : memref<6400xf32, #tpu.memory_space<vmem>>, vector<16xf32>,
    %get3A_806 = arith.constant 2608 : index
    %get3A_807 = tpu.vector_load %arg6[%get3A_806] {strides = array<i32>} : memref<6400xf32, #tpu.memory_space<vmem>>, vector<16xf32>,
    %get3A_808 = arith.constant 5904 : index
    %get3A_809 = tpu.vector_load %arg6[%get3A_808] {strides = array<i32>} : memref<6400xf32, #tpu.memory_space<vmem>>, vector<16xf32>,
    %add3A_810 = arith.addf %get3A_807, %get3A_809 : vector<16xf32>
    %swap3A_811 = arith.constant 5872 : index
    %swap3A_812 = tpu.vector_load %arg6[%swap3A_811] {strides = array<i32>} : memref<6400xf32, #tpu.memory_space<vmem>>, vector<16xf32>,
    tpu.vector_store %arg6[%swap3A_811], %add3A_810 {strides = array<i32>} : memref<6400xf32, #tpu.memory_space<vmem>>, vector<16xf32>,
    %get3A_813 = arith.constant 5872 : index
    %get3A_814 = tpu.vector_load %arg6[%get3A_813] {strides = array<i32>} : memref<6400xf32, #tpu.memory_space<vmem>>, vector<16xf32>,
    %get3A_815 = arith.constant 5936 : index
    %get3A_816 = tpu.vector_load %arg6[%get3A_815] {strides = array<i32>} : memref<6400xf32, #tpu.memory_space<vmem>>, vector<16xf32>,
    %add3A_817 = arith.addf %get3A_814, %get3A_816 : vector<16xf32>
    %swap3A_818 = arith.constant 5840 : index
    %swap3A_819 = tpu.vector_load %arg6[%swap3A_818] {strides = array<i32>} : memref<6400xf32, #tpu.memory_space<vmem>>, vector<16xf32>,
    tpu.vector_store %arg6[%swap3A_818], %add3A_817 {strides = array<i32>} : memref<6400xf32, #tpu.memory_space<vmem>>, vector<16xf32>,
    %get3A_820 = arith.constant 2544 : index
    %get3A_821 = tpu.vector_load %arg6[%get3A_820] {strides = array<i32>} : memref<6400xf32, #tpu.memory_space<vmem>>, vector<16xf32>,
    %get3A_822 = arith.constant 2576 : index
    %get3A_823 = tpu.vector_load %arg6[%get3A_822] {strides = array<i32>} : memref<6400xf32, #tpu.memory_space<vmem>>, vector<16xf32>,
    %add3A_824 = arith.addf %get3A_821, %get3A_823 : vector<16xf32>
    %swap3A_825 = arith.constant 5808 : index
    %swap3A_826 = tpu.vector_load %arg6[%swap3A_825] {strides = array<i32>} : memref<6400xf32, #tpu.memory_space<vmem>>, vector<16xf32>,
    tpu.vector_store %arg6[%swap3A_825], %add3A_824 {strides = array<i32>} : memref<6400xf32, #tpu.memory_space<vmem>>, vector<16xf32>,
    %get3A_827 = arith.constant 2512 : index
    %get3A_828 = tpu.vector_load %arg6[%get3A_827] {strides = array<i32>} : memref<6400xf32, #tpu.memory_space<vmem>>, vector<16xf32>,
    %get3A_829 = arith.constant 5808 : index
    %get3A_830 = tpu.vector_load %arg6[%get3A_829] {strides = array<i32>} : memref<6400xf32, #tpu.memory_space<vmem>>, vector<16xf32>,
    %add3A_831 = arith.addf %get3A_828, %get3A_830 : vector<16xf32>
    %swap3A_832 = arith.constant 5776 : index
    %swap3A_833 = tpu.vector_load %arg6[%swap3A_832] {strides = array<i32>} : memref<6400xf32, #tpu.memory_space<vmem>>, vector<16xf32>,
    tpu.vector_store %arg6[%swap3A_832], %add3A_831 {strides = array<i32>} : memref<6400xf32, #tpu.memory_space<vmem>>, vector<16xf32>,
    %get3A_834 = arith.constant 2448 : index
    %get3A_835 = tpu.vector_load %arg6[%get3A_834] {strides = array<i32>} : memref<6400xf32, #tpu.memory_space<vmem>>, vector<16xf32>,
    %get3A_836 = arith.constant 2480 : index
    %get3A_837 = tpu.vector_load %arg6[%get3A_836] {strides = array<i32>} : memref<6400xf32, #tpu.memory_space<vmem>>, vector<16xf32>,
    %add3A_838 = arith.addf %get3A_835, %get3A_837 : vector<16xf32>
    %swap3A_839 = arith.constant 5744 : index
    %swap3A_840 = tpu.vector_load %arg6[%swap3A_839] {strides = array<i32>} : memref<6400xf32, #tpu.memory_space<vmem>>, vector<16xf32>,
    tpu.vector_store %arg6[%swap3A_839], %add3A_838 {strides = array<i32>} : memref<6400xf32, #tpu.memory_space<vmem>>, vector<16xf32>,
    %get3A_841 = arith.constant 2416 : index
    %get3A_842 = tpu.vector_load %arg6[%get3A_841] {strides = array<i32>} : memref<6400xf32, #tpu.memory_space<vmem>>, vector<16xf32>,
    %get3A_843 = arith.constant 5744 : index
    %get3A_844 = tpu.vector_load %arg6[%get3A_843] {strides = array<i32>} : memref<6400xf32, #tpu.memory_space<vmem>>, vector<16xf32>,
    %add3A_845 = arith.addf %get3A_842, %get3A_844 : vector<16xf32>
    %swap3A_846 = arith.constant 5712 : index
    %swap3A_847 = tpu.vector_load %arg6[%swap3A_846] {strides = array<i32>} : memref<6400xf32, #tpu.memory_space<vmem>>, vector<16xf32>,
    tpu.vector_store %arg6[%swap3A_846], %add3A_845 {strides = array<i32>} : memref<6400xf32, #tpu.memory_space<vmem>>, vector<16xf32>,
    %get3A_848 = arith.constant 5712 : index
    %get3A_849 = tpu.vector_load %arg6[%get3A_848] {strides = array<i32>} : memref<6400xf32, #tpu.memory_space<vmem>>, vector<16xf32>,
    %get3A_850 = arith.constant 5776 : index
    %get3A_851 = tpu.vector_load %arg6[%get3A_850] {strides = array<i32>} : memref<6400xf32, #tpu.memory_space<vmem>>, vector<16xf32>,
    %add3A_852 = arith.addf %get3A_849, %get3A_851 : vector<16xf32>
    %swap3A_853 = arith.constant 5680 : index
    %swap3A_854 = tpu.vector_load %arg6[%swap3A_853] {strides = array<i32>} : memref<6400xf32, #tpu.memory_space<vmem>>, vector<16xf32>,
    tpu.vector_store %arg6[%swap3A_853], %add3A_852 {strides = array<i32>} : memref<6400xf32, #tpu.memory_space<vmem>>, vector<16xf32>,
    %get3A_855 = arith.constant 5680 : index
    %get3A_856 = tpu.vector_load %arg6[%get3A_855] {strides = array<i32>} : memref<6400xf32, #tpu.memory_space<vmem>>, vector<16xf32>,
    %get3A_857 = arith.constant 5840 : index
    %get3A_858 = tpu.vector_load %arg6[%get3A_857] {strides = array<i32>} : memref<6400xf32, #tpu.memory_space<vmem>>, vector<16xf32>,
    %add3A_859 = arith.addf %get3A_856, %get3A_858 : vector<16xf32>
    %swap3A_860 = arith.constant 5648 : index
    %swap3A_861 = tpu.vector_load %arg6[%swap3A_860] {strides = array<i32>} : memref<6400xf32, #tpu.memory_space<vmem>>, vector<16xf32>,
    tpu.vector_store %arg6[%swap3A_860], %add3A_859 {strides = array<i32>} : memref<6400xf32, #tpu.memory_space<vmem>>, vector<16xf32>,
    %get3A_862 = arith.constant 5648 : index
    %get3A_863 = tpu.vector_load %arg6[%get3A_862] {strides = array<i32>} : memref<6400xf32, #tpu.memory_space<vmem>>, vector<16xf32>,
    %get3A_864 = arith.constant 6000 : index
    %get3A_865 = tpu.vector_load %arg6[%get3A_864] {strides = array<i32>} : memref<6400xf32, #tpu.memory_space<vmem>>, vector<16xf32>,
    %add3A_866 = arith.addf %get3A_863, %get3A_865 : vector<16xf32>
    %swap3A_867 = arith.constant 5616 : index
    %swap3A_868 = tpu.vector_load %arg6[%swap3A_867] {strides = array<i32>} : memref<6400xf32, #tpu.memory_space<vmem>>, vector<16xf32>,
    tpu.vector_store %arg6[%swap3A_867], %add3A_866 {strides = array<i32>} : memref<6400xf32, #tpu.memory_space<vmem>>, vector<16xf32>,
    %get3A_869 = arith.constant 2352 : index
    %get3A_870 = tpu.vector_load %arg6[%get3A_869] {strides = array<i32>} : memref<6400xf32, #tpu.memory_space<vmem>>, vector<16xf32>,
    %get3A_871 = arith.constant 2384 : index
    %get3A_872 = tpu.vector_load %arg6[%get3A_871] {strides = array<i32>} : memref<6400xf32, #tpu.memory_space<vmem>>, vector<16xf32>,
    %add3A_873 = arith.addf %get3A_870, %get3A_872 : vector<16xf32>
    %swap3A_874 = arith.constant 5584 : index
    %swap3A_875 = tpu.vector_load %arg6[%swap3A_874] {strides = array<i32>} : memref<6400xf32, #tpu.memory_space<vmem>>, vector<16xf32>,
    tpu.vector_store %arg6[%swap3A_874], %add3A_873 {strides = array<i32>} : memref<6400xf32, #tpu.memory_space<vmem>>, vector<16xf32>,
    %get3A_876 = arith.constant 2288 : index
    %get3A_877 = tpu.vector_load %arg6[%get3A_876] {strides = array<i32>} : memref<6400xf32, #tpu.memory_space<vmem>>, vector<16xf32>,
    %get3A_878 = arith.constant 2320 : index
    %get3A_879 = tpu.vector_load %arg6[%get3A_878] {strides = array<i32>} : memref<6400xf32, #tpu.memory_space<vmem>>, vector<16xf32>,
    %add3A_880 = arith.addf %get3A_877, %get3A_879 : vector<16xf32>
    %swap3A_881 = arith.constant 5552 : index
    %swap3A_882 = tpu.vector_load %arg6[%swap3A_881] {strides = array<i32>} : memref<6400xf32, #tpu.memory_space<vmem>>, vector<16xf32>,
    tpu.vector_store %arg6[%swap3A_881], %add3A_880 {strides = array<i32>} : memref<6400xf32, #tpu.memory_space<vmem>>, vector<16xf32>,
    %get3A_883 = arith.constant 5552 : index
    %get3A_884 = tpu.vector_load %arg6[%get3A_883] {strides = array<i32>} : memref<6400xf32, #tpu.memory_space<vmem>>, vector<16xf32>,
    %get3A_885 = arith.constant 5584 : index
    %get3A_886 = tpu.vector_load %arg6[%get3A_885] {strides = array<i32>} : memref<6400xf32, #tpu.memory_space<vmem>>, vector<16xf32>,
    %add3A_887 = arith.addf %get3A_884, %get3A_886 : vector<16xf32>
    %swap3A_888 = arith.constant 5520 : index
    %swap3A_889 = tpu.vector_load %arg6[%swap3A_888] {strides = array<i32>} : memref<6400xf32, #tpu.memory_space<vmem>>, vector<16xf32>,
    tpu.vector_store %arg6[%swap3A_888], %add3A_887 {strides = array<i32>} : memref<6400xf32, #tpu.memory_space<vmem>>, vector<16xf32>,
    %get3A_890 = arith.constant 2224 : index
    %get3A_891 = tpu.vector_load %arg6[%get3A_890] {strides = array<i32>} : memref<6400xf32, #tpu.memory_space<vmem>>, vector<16xf32>,
    %get3A_892 = arith.constant 2256 : index
    %get3A_893 = tpu.vector_load %arg6[%get3A_892] {strides = array<i32>} : memref<6400xf32, #tpu.memory_space<vmem>>, vector<16xf32>,
    %add3A_894 = arith.addf %get3A_891, %get3A_893 : vector<16xf32>
    %swap3A_895 = arith.constant 5488 : index
    %swap3A_896 = tpu.vector_load %arg6[%swap3A_895] {strides = array<i32>} : memref<6400xf32, #tpu.memory_space<vmem>>, vector<16xf32>,
    tpu.vector_store %arg6[%swap3A_895], %add3A_894 {strides = array<i32>} : memref<6400xf32, #tpu.memory_space<vmem>>, vector<16xf32>,
    %get3A_897 = arith.constant 2192 : index
    %get3A_898 = tpu.vector_load %arg6[%get3A_897] {strides = array<i32>} : memref<6400xf32, #tpu.memory_space<vmem>>, vector<16xf32>,
    %get3A_899 = arith.constant 5488 : index
    %get3A_900 = tpu.vector_load %arg6[%get3A_899] {strides = array<i32>} : memref<6400xf32, #tpu.memory_space<vmem>>, vector<16xf32>,
    %add3A_901 = arith.addf %get3A_898, %get3A_900 : vector<16xf32>
    %swap3A_902 = arith.constant 5456 : index
    %swap3A_903 = tpu.vector_load %arg6[%swap3A_902] {strides = array<i32>} : memref<6400xf32, #tpu.memory_space<vmem>>, vector<16xf32>,
    tpu.vector_store %arg6[%swap3A_902], %add3A_901 {strides = array<i32>} : memref<6400xf32, #tpu.memory_space<vmem>>, vector<16xf32>,
    %get3A_904 = arith.constant 5456 : index
    %get3A_905 = tpu.vector_load %arg6[%get3A_904] {strides = array<i32>} : memref<6400xf32, #tpu.memory_space<vmem>>, vector<16xf32>,
    %get3A_906 = arith.constant 5520 : index
    %get3A_907 = tpu.vector_load %arg6[%get3A_906] {strides = array<i32>} : memref<6400xf32, #tpu.memory_space<vmem>>, vector<16xf32>,
    %add3A_908 = arith.addf %get3A_905, %get3A_907 : vector<16xf32>
    %swap3A_909 = arith.constant 5424 : index
    %swap3A_910 = tpu.vector_load %arg6[%swap3A_909] {strides = array<i32>} : memref<6400xf32, #tpu.memory_space<vmem>>, vector<16xf32>,
    tpu.vector_store %arg6[%swap3A_909], %add3A_908 {strides = array<i32>} : memref<6400xf32, #tpu.memory_space<vmem>>, vector<16xf32>,
    %get3A_911 = arith.constant 2128 : index
    %get3A_912 = tpu.vector_load %arg6[%get3A_911] {strides = array<i32>} : memref<6400xf32, #tpu.memory_space<vmem>>, vector<16xf32>,
    %get3A_913 = arith.constant 2160 : index
    %get3A_914 = tpu.vector_load %arg6[%get3A_913] {strides = array<i32>} : memref<6400xf32, #tpu.memory_space<vmem>>, vector<16xf32>,
    %add3A_915 = arith.addf %get3A_912, %get3A_914 : vector<16xf32>
    %swap3A_916 = arith.constant 5392 : index
    %swap3A_917 = tpu.vector_load %arg6[%swap3A_916] {strides = array<i32>} : memref<6400xf32, #tpu.memory_space<vmem>>, vector<16xf32>,
    tpu.vector_store %arg6[%swap3A_916], %add3A_915 {strides = array<i32>} : memref<6400xf32, #tpu.memory_space<vmem>>, vector<16xf32>,
    %get3A_918 = arith.constant 2096 : index
    %get3A_919 = tpu.vector_load %arg6[%get3A_918] {strides = array<i32>} : memref<6400xf32, #tpu.memory_space<vmem>>, vector<16xf32>,
    %get3A_920 = arith.constant 5392 : index
    %get3A_921 = tpu.vector_load %arg6[%get3A_920] {strides = array<i32>} : memref<6400xf32, #tpu.memory_space<vmem>>, vector<16xf32>,
    %add3A_922 = arith.addf %get3A_919, %get3A_921 : vector<16xf32>
    %swap3A_923 = arith.constant 5360 : index
    %swap3A_924 = tpu.vector_load %arg6[%swap3A_923] {strides = array<i32>} : memref<6400xf32, #tpu.memory_space<vmem>>, vector<16xf32>,
    tpu.vector_store %arg6[%swap3A_923], %add3A_922 {strides = array<i32>} : memref<6400xf32, #tpu.memory_space<vmem>>, vector<16xf32>,
    %get3A_925 = arith.constant 2032 : index
    %get3A_926 = tpu.vector_load %arg6[%get3A_925] {strides = array<i32>} : memref<6400xf32, #tpu.memory_space<vmem>>, vector<16xf32>,
    %get3A_927 = arith.constant 2064 : index
    %get3A_928 = tpu.vector_load %arg6[%get3A_927] {strides = array<i32>} : memref<6400xf32, #tpu.memory_space<vmem>>, vector<16xf32>,
    %add3A_929 = arith.addf %get3A_926, %get3A_928 : vector<16xf32>
    %swap3A_930 = arith.constant 5328 : index
    %swap3A_931 = tpu.vector_load %arg6[%swap3A_930] {strides = array<i32>} : memref<6400xf32, #tpu.memory_space<vmem>>, vector<16xf32>,
    tpu.vector_store %arg6[%swap3A_930], %add3A_929 {strides = array<i32>} : memref<6400xf32, #tpu.memory_space<vmem>>, vector<16xf32>,
    %get3A_932 = arith.constant 2000 : index
    %get3A_933 = tpu.vector_load %arg6[%get3A_932] {strides = array<i32>} : memref<6400xf32, #tpu.memory_space<vmem>>, vector<16xf32>,
    %get3A_934 = arith.constant 5328 : index
    %get3A_935 = tpu.vector_load %arg6[%get3A_934] {strides = array<i32>} : memref<6400xf32, #tpu.memory_space<vmem>>, vector<16xf32>,
    %add3A_936 = arith.addf %get3A_933, %get3A_935 : vector<16xf32>
    %swap3A_937 = arith.constant 5296 : index
    %swap3A_938 = tpu.vector_load %arg6[%swap3A_937] {strides = array<i32>} : memref<6400xf32, #tpu.memory_space<vmem>>, vector<16xf32>,
    tpu.vector_store %arg6[%swap3A_937], %add3A_936 {strides = array<i32>} : memref<6400xf32, #tpu.memory_space<vmem>>, vector<16xf32>,
    %get3A_939 = arith.constant 5296 : index
    %get3A_940 = tpu.vector_load %arg6[%get3A_939] {strides = array<i32>} : memref<6400xf32, #tpu.memory_space<vmem>>, vector<16xf32>,
    %get3A_941 = arith.constant 5360 : index
    %get3A_942 = tpu.vector_load %arg6[%get3A_941] {strides = array<i32>} : memref<6400xf32, #tpu.memory_space<vmem>>, vector<16xf32>,
    %add3A_943 = arith.addf %get3A_940, %get3A_942 : vector<16xf32>
    %swap3A_944 = arith.constant 5264 : index
    %swap3A_945 = tpu.vector_load %arg6[%swap3A_944] {strides = array<i32>} : memref<6400xf32, #tpu.memory_space<vmem>>, vector<16xf32>,
    tpu.vector_store %arg6[%swap3A_944], %add3A_943 {strides = array<i32>} : memref<6400xf32, #tpu.memory_space<vmem>>, vector<16xf32>,
    %get3A_946 = arith.constant 5264 : index
    %get3A_947 = tpu.vector_load %arg6[%get3A_946] {strides = array<i32>} : memref<6400xf32, #tpu.memory_space<vmem>>, vector<16xf32>,
    %get3A_948 = arith.constant 5424 : index
    %get3A_949 = tpu.vector_load %arg6[%get3A_948] {strides = array<i32>} : memref<6400xf32, #tpu.memory_space<vmem>>, vector<16xf32>,
    %add3A_950 = arith.addf %get3A_947, %get3A_949 : vector<16xf32>
    %swap3A_951 = arith.constant 5232 : index
    %swap3A_952 = tpu.vector_load %arg6[%swap3A_951] {strides = array<i32>} : memref<6400xf32, #tpu.memory_space<vmem>>, vector<16xf32>,
    tpu.vector_store %arg6[%swap3A_951], %add3A_950 {strides = array<i32>} : memref<6400xf32, #tpu.memory_space<vmem>>, vector<16xf32>,
    %get3A_953 = arith.constant 1936 : index
    %get3A_954 = tpu.vector_load %arg6[%get3A_953] {strides = array<i32>} : memref<6400xf32, #tpu.memory_space<vmem>>, vector<16xf32>,
    %get3A_955 = arith.constant 1968 : index
    %get3A_956 = tpu.vector_load %arg6[%get3A_955] {strides = array<i32>} : memref<6400xf32, #tpu.memory_space<vmem>>, vector<16xf32>,
    %add3A_957 = arith.addf %get3A_954, %get3A_956 : vector<16xf32>
    %swap3A_958 = arith.constant 5200 : index
    %swap3A_959 = tpu.vector_load %arg6[%swap3A_958] {strides = array<i32>} : memref<6400xf32, #tpu.memory_space<vmem>>, vector<16xf32>,
    tpu.vector_store %arg6[%swap3A_958], %add3A_957 {strides = array<i32>} : memref<6400xf32, #tpu.memory_space<vmem>>, vector<16xf32>,
    %get3A_960 = arith.constant 1904 : index
    %get3A_961 = tpu.vector_load %arg6[%get3A_960] {strides = array<i32>} : memref<6400xf32, #tpu.memory_space<vmem>>, vector<16xf32>,
    %get3A_962 = arith.constant 5200 : index
    %get3A_963 = tpu.vector_load %arg6[%get3A_962] {strides = array<i32>} : memref<6400xf32, #tpu.memory_space<vmem>>, vector<16xf32>,
    %add3A_964 = arith.addf %get3A_961, %get3A_963 : vector<16xf32>
    %swap3A_965 = arith.constant 5168 : index
    %swap3A_966 = tpu.vector_load %arg6[%swap3A_965] {strides = array<i32>} : memref<6400xf32, #tpu.memory_space<vmem>>, vector<16xf32>,
    tpu.vector_store %arg6[%swap3A_965], %add3A_964 {strides = array<i32>} : memref<6400xf32, #tpu.memory_space<vmem>>, vector<16xf32>,
    %get3A_967 = arith.constant 1840 : index
    %get3A_968 = tpu.vector_load %arg6[%get3A_967] {strides = array<i32>} : memref<6400xf32, #tpu.memory_space<vmem>>, vector<16xf32>,
    %get3A_969 = arith.constant 1872 : index
    %get3A_970 = tpu.vector_load %arg6[%get3A_969] {strides = array<i32>} : memref<6400xf32, #tpu.memory_space<vmem>>, vector<16xf32>,
    %add3A_971 = arith.addf %get3A_968, %get3A_970 : vector<16xf32>
    %swap3A_972 = arith.constant 5136 : index
    %swap3A_973 = tpu.vector_load %arg6[%swap3A_972] {strides = array<i32>} : memref<6400xf32, #tpu.memory_space<vmem>>, vector<16xf32>,
    tpu.vector_store %arg6[%swap3A_972], %add3A_971 {strides = array<i32>} : memref<6400xf32, #tpu.memory_space<vmem>>, vector<16xf32>,
    %get3A_974 = arith.constant 1808 : index
    %get3A_975 = tpu.vector_load %arg6[%get3A_974] {strides = array<i32>} : memref<6400xf32, #tpu.memory_space<vmem>>, vector<16xf32>,
    %get3A_976 = arith.constant 5136 : index
    %get3A_977 = tpu.vector_load %arg6[%get3A_976] {strides = array<i32>} : memref<6400xf32, #tpu.memory_space<vmem>>, vector<16xf32>,
    %add3A_978 = arith.addf %get3A_975, %get3A_977 : vector<16xf32>
    %swap3A_979 = arith.constant 5104 : index
    %swap3A_980 = tpu.vector_load %arg6[%swap3A_979] {strides = array<i32>} : memref<6400xf32, #tpu.memory_space<vmem>>, vector<16xf32>,
    tpu.vector_store %arg6[%swap3A_979], %add3A_978 {strides = array<i32>} : memref<6400xf32, #tpu.memory_space<vmem>>, vector<16xf32>,
    %get3A_981 = arith.constant 5104 : index
    %get3A_982 = tpu.vector_load %arg6[%get3A_981] {strides = array<i32>} : memref<6400xf32, #tpu.memory_space<vmem>>, vector<16xf32>,
    %get3A_983 = arith.constant 5168 : index
    %get3A_984 = tpu.vector_load %arg6[%get3A_983] {strides = array<i32>} : memref<6400xf32, #tpu.memory_space<vmem>>, vector<16xf32>,
    %add3A_985 = arith.addf %get3A_982, %get3A_984 : vector<16xf32>
    %swap3A_986 = arith.constant 5072 : index
    %swap3A_987 = tpu.vector_load %arg6[%swap3A_986] {strides = array<i32>} : memref<6400xf32, #tpu.memory_space<vmem>>, vector<16xf32>,
    tpu.vector_store %arg6[%swap3A_986], %add3A_985 {strides = array<i32>} : memref<6400xf32, #tpu.memory_space<vmem>>, vector<16xf32>,
    %get3A_988 = arith.constant 1744 : index
    %get3A_989 = tpu.vector_load %arg6[%get3A_988] {strides = array<i32>} : memref<6400xf32, #tpu.memory_space<vmem>>, vector<16xf32>,
    %get3A_990 = arith.constant 1776 : index
    %get3A_991 = tpu.vector_load %arg6[%get3A_990] {strides = array<i32>} : memref<6400xf32, #tpu.memory_space<vmem>>, vector<16xf32>,
    %add3A_992 = arith.addf %get3A_989, %get3A_991 : vector<16xf32>
    %swap3A_993 = arith.constant 5040 : index
    %swap3A_994 = tpu.vector_load %arg6[%swap3A_993] {strides = array<i32>} : memref<6400xf32, #tpu.memory_space<vmem>>, vector<16xf32>,
    tpu.vector_store %arg6[%swap3A_993], %add3A_992 {strides = array<i32>} : memref<6400xf32, #tpu.memory_space<vmem>>, vector<16xf32>,
    %get3A_995 = arith.constant 1712 : index
    %get3A_996 = tpu.vector_load %arg6[%get3A_995] {strides = array<i32>} : memref<6400xf32, #tpu.memory_space<vmem>>, vector<16xf32>,
    %get3A_997 = arith.constant 5040 : index
    %get3A_998 = tpu.vector_load %arg6[%get3A_997] {strides = array<i32>} : memref<6400xf32, #tpu.memory_space<vmem>>, vector<16xf32>,
    %add3A_999 = arith.addf %get3A_996, %get3A_998 : vector<16xf32>
    %swap3A_1000 = arith.constant 5008 : index
    %swap3A_1001 = tpu.vector_load %arg6[%swap3A_1000] {strides = array<i32>} : memref<6400xf32, #tpu.memory_space<vmem>>, vector<16xf32>,
    tpu.vector_store %arg6[%swap3A_1000], %add3A_999 {strides = array<i32>} : memref<6400xf32, #tpu.memory_space<vmem>>, vector<16xf32>,
    %get3A_1002 = arith.constant 1648 : index
    %get3A_1003 = tpu.vector_load %arg6[%get3A_1002] {strides = array<i32>} : memref<6400xf32, #tpu.memory_space<vmem>>, vector<16xf32>,
    %get3A_1004 = arith.constant 1680 : index
    %get3A_1005 = tpu.vector_load %arg6[%get3A_1004] {strides = array<i32>} : memref<6400xf32, #tpu.memory_space<vmem>>, vector<16xf32>,
    %add3A_1006 = arith.addf %get3A_1003, %get3A_1005 : vector<16xf32>
    %swap3A_1007 = arith.constant 4976 : index
    %swap3A_1008 = tpu.vector_load %arg6[%swap3A_1007] {strides = array<i32>} : memref<6400xf32, #tpu.memory_space<vmem>>, vector<16xf32>,
    tpu.vector_store %arg6[%swap3A_1007], %add3A_1006 {strides = array<i32>} : memref<6400xf32, #tpu.memory_space<vmem>>, vector<16xf32>,
    %get3A_1009 = arith.constant 1616 : index
    %get3A_1010 = tpu.vector_load %arg6[%get3A_1009] {strides = array<i32>} : memref<6400xf32, #tpu.memory_space<vmem>>, vector<16xf32>,
    %get3A_1011 = arith.constant 4976 : index
    %get3A_1012 = tpu.vector_load %arg6[%get3A_1011] {strides = array<i32>} : memref<6400xf32, #tpu.memory_space<vmem>>, vector<16xf32>,
    %add3A_1013 = arith.addf %get3A_1010, %get3A_1012 : vector<16xf32>
    %swap3A_1014 = arith.constant 4944 : index
    %swap3A_1015 = tpu.vector_load %arg6[%swap3A_1014] {strides = array<i32>} : memref<6400xf32, #tpu.memory_space<vmem>>, vector<16xf32>,
    tpu.vector_store %arg6[%swap3A_1014], %add3A_1013 {strides = array<i32>} : memref<6400xf32, #tpu.memory_space<vmem>>, vector<16xf32>,
    %get3A_1016 = arith.constant 4944 : index
    %get3A_1017 = tpu.vector_load %arg6[%get3A_1016] {strides = array<i32>} : memref<6400xf32, #tpu.memory_space<vmem>>, vector<16xf32>,
    %get3A_1018 = arith.constant 5008 : index
    %get3A_1019 = tpu.vector_load %arg6[%get3A_1018] {strides = array<i32>} : memref<6400xf32, #tpu.memory_space<vmem>>, vector<16xf32>,
    %add3A_1020 = arith.addf %get3A_1017, %get3A_1019 : vector<16xf32>
    %swap3A_1021 = arith.constant 4912 : index
    %swap3A_1022 = tpu.vector_load %arg6[%swap3A_1021] {strides = array<i32>} : memref<6400xf32, #tpu.memory_space<vmem>>, vector<16xf32>,
    tpu.vector_store %arg6[%swap3A_1021], %add3A_1020 {strides = array<i32>} : memref<6400xf32, #tpu.memory_space<vmem>>, vector<16xf32>,
    %get3A_1023 = arith.constant 4912 : index
    %get3A_1024 = tpu.vector_load %arg6[%get3A_1023] {strides = array<i32>} : memref<6400xf32, #tpu.memory_space<vmem>>, vector<16xf32>,
    %get3A_1025 = arith.constant 5072 : index
    %get3A_1026 = tpu.vector_load %arg6[%get3A_1025] {strides = array<i32>} : memref<6400xf32, #tpu.memory_space<vmem>>, vector<16xf32>,
    %add3A_1027 = arith.addf %get3A_1024, %get3A_1026 : vector<16xf32>
    %swap3A_1028 = arith.constant 4880 : index
    %swap3A_1029 = tpu.vector_load %arg6[%swap3A_1028] {strides = array<i32>} : memref<6400xf32, #tpu.memory_space<vmem>>, vector<16xf32>,
    tpu.vector_store %arg6[%swap3A_1028], %add3A_1027 {strides = array<i32>} : memref<6400xf32, #tpu.memory_space<vmem>>, vector<16xf32>,
    %get3A_1030 = arith.constant 4880 : index
    %get3A_1031 = tpu.vector_load %arg6[%get3A_1030] {strides = array<i32>} : memref<6400xf32, #tpu.memory_space<vmem>>, vector<16xf32>,
    %get3A_1032 = arith.constant 5232 : index
    %get3A_1033 = tpu.vector_load %arg6[%get3A_1032] {strides = array<i32>} : memref<6400xf32, #tpu.memory_space<vmem>>, vector<16xf32>,
    %add3A_1034 = arith.addf %get3A_1031, %get3A_1033 : vector<16xf32>
    %swap3A_1035 = arith.constant 4848 : index
    %swap3A_1036 = tpu.vector_load %arg6[%swap3A_1035] {strides = array<i32>} : memref<6400xf32, #tpu.memory_space<vmem>>, vector<16xf32>,
    tpu.vector_store %arg6[%swap3A_1035], %add3A_1034 {strides = array<i32>} : memref<6400xf32, #tpu.memory_space<vmem>>, vector<16xf32>,
    %get3A_1037 = arith.constant 4848 : index
    %get3A_1038 = tpu.vector_load %arg6[%get3A_1037] {strides = array<i32>} : memref<6400xf32, #tpu.memory_space<vmem>>, vector<16xf32>,
    %get3A_1039 = arith.constant 5616 : index
    %get3A_1040 = tpu.vector_load %arg6[%get3A_1039] {strides = array<i32>} : memref<6400xf32, #tpu.memory_space<vmem>>, vector<16xf32>,
    %add3A_1041 = arith.addf %get3A_1038, %get3A_1040 : vector<16xf32>
    %swap3A_1042 = arith.constant 4816 : index
    %swap3A_1043 = tpu.vector_load %arg6[%swap3A_1042] {strides = array<i32>} : memref<6400xf32, #tpu.memory_space<vmem>>, vector<16xf32>,
    tpu.vector_store %arg6[%swap3A_1042], %add3A_1041 {strides = array<i32>} : memref<6400xf32, #tpu.memory_space<vmem>>, vector<16xf32>,
    %get3A_1044 = arith.constant 1552 : index
    %get3A_1045 = tpu.vector_load %arg6[%get3A_1044] {strides = array<i32>} : memref<6400xf32, #tpu.memory_space<vmem>>, vector<16xf32>,
    %get3A_1046 = arith.constant 1584 : index
    %get3A_1047 = tpu.vector_load %arg6[%get3A_1046] {strides = array<i32>} : memref<6400xf32, #tpu.memory_space<vmem>>, vector<16xf32>,
    %add3A_1048 = arith.addf %get3A_1045, %get3A_1047 : vector<16xf32>
    %swap3A_1049 = arith.constant 4784 : index
    %swap3A_1050 = tpu.vector_load %arg6[%swap3A_1049] {strides = array<i32>} : memref<6400xf32, #tpu.memory_space<vmem>>, vector<16xf32>,
    tpu.vector_store %arg6[%swap3A_1049], %add3A_1048 {strides = array<i32>} : memref<6400xf32, #tpu.memory_space<vmem>>, vector<16xf32>,
    %get3A_1051 = arith.constant 1488 : index
    %get3A_1052 = tpu.vector_load %arg6[%get3A_1051] {strides = array<i32>} : memref<6400xf32, #tpu.memory_space<vmem>>, vector<16xf32>,
    %get3A_1053 = arith.constant 1520 : index
    %get3A_1054 = tpu.vector_load %arg6[%get3A_1053] {strides = array<i32>} : memref<6400xf32, #tpu.memory_space<vmem>>, vector<16xf32>,
    %add3A_1055 = arith.addf %get3A_1052, %get3A_1054 : vector<16xf32>
    %swap3A_1056 = arith.constant 4752 : index
    %swap3A_1057 = tpu.vector_load %arg6[%swap3A_1056] {strides = array<i32>} : memref<6400xf32, #tpu.memory_space<vmem>>, vector<16xf32>,
    tpu.vector_store %arg6[%swap3A_1056], %add3A_1055 {strides = array<i32>} : memref<6400xf32, #tpu.memory_space<vmem>>, vector<16xf32>,
    %get3A_1058 = arith.constant 4752 : index
    %get3A_1059 = tpu.vector_load %arg6[%get3A_1058] {strides = array<i32>} : memref<6400xf32, #tpu.memory_space<vmem>>, vector<16xf32>,
    %get3A_1060 = arith.constant 4784 : index
    %get3A_1061 = tpu.vector_load %arg6[%get3A_1060] {strides = array<i32>} : memref<6400xf32, #tpu.memory_space<vmem>>, vector<16xf32>,
    %add3A_1062 = arith.addf %get3A_1059, %get3A_1061 : vector<16xf32>
    %swap3A_1063 = arith.constant 4720 : index
    %swap3A_1064 = tpu.vector_load %arg6[%swap3A_1063] {strides = array<i32>} : memref<6400xf32, #tpu.memory_space<vmem>>, vector<16xf32>,
    tpu.vector_store %arg6[%swap3A_1063], %add3A_1062 {strides = array<i32>} : memref<6400xf32, #tpu.memory_space<vmem>>, vector<16xf32>,
    %get3A_1065 = arith.constant 1424 : index
    %get3A_1066 = tpu.vector_load %arg6[%get3A_1065] {strides = array<i32>} : memref<6400xf32, #tpu.memory_space<vmem>>, vector<16xf32>,
    %get3A_1067 = arith.constant 1456 : index
    %get3A_1068 = tpu.vector_load %arg6[%get3A_1067] {strides = array<i32>} : memref<6400xf32, #tpu.memory_space<vmem>>, vector<16xf32>,
    %add3A_1069 = arith.addf %get3A_1066, %get3A_1068 : vector<16xf32>
    %swap3A_1070 = arith.constant 4688 : index
    %swap3A_1071 = tpu.vector_load %arg6[%swap3A_1070] {strides = array<i32>} : memref<6400xf32, #tpu.memory_space<vmem>>, vector<16xf32>,
    tpu.vector_store %arg6[%swap3A_1070], %add3A_1069 {strides = array<i32>} : memref<6400xf32, #tpu.memory_space<vmem>>, vector<16xf32>,
    %get3A_1072 = arith.constant 1392 : index
    %get3A_1073 = tpu.vector_load %arg6[%get3A_1072] {strides = array<i32>} : memref<6400xf32, #tpu.memory_space<vmem>>, vector<16xf32>,
    %get3A_1074 = arith.constant 4688 : index
    %get3A_1075 = tpu.vector_load %arg6[%get3A_1074] {strides = array<i32>} : memref<6400xf32, #tpu.memory_space<vmem>>, vector<16xf32>,
    %add3A_1076 = arith.addf %get3A_1073, %get3A_1075 : vector<16xf32>
    %swap3A_1077 = arith.constant 4656 : index
    %swap3A_1078 = tpu.vector_load %arg6[%swap3A_1077] {strides = array<i32>} : memref<6400xf32, #tpu.memory_space<vmem>>, vector<16xf32>,
    tpu.vector_store %arg6[%swap3A_1077], %add3A_1076 {strides = array<i32>} : memref<6400xf32, #tpu.memory_space<vmem>>, vector<16xf32>,
    %get3A_1079 = arith.constant 4656 : index
    %get3A_1080 = tpu.vector_load %arg6[%get3A_1079] {strides = array<i32>} : memref<6400xf32, #tpu.memory_space<vmem>>, vector<16xf32>,
    %get3A_1081 = arith.constant 4720 : index
    %get3A_1082 = tpu.vector_load %arg6[%get3A_1081] {strides = array<i32>} : memref<6400xf32, #tpu.memory_space<vmem>>, vector<16xf32>,
    %add3A_1083 = arith.addf %get3A_1080, %get3A_1082 : vector<16xf32>
    %swap3A_1084 = arith.constant 4624 : index
    %swap3A_1085 = tpu.vector_load %arg6[%swap3A_1084] {strides = array<i32>} : memref<6400xf32, #tpu.memory_space<vmem>>, vector<16xf32>,
    tpu.vector_store %arg6[%swap3A_1084], %add3A_1083 {strides = array<i32>} : memref<6400xf32, #tpu.memory_space<vmem>>, vector<16xf32>,
    %get3A_1086 = arith.constant 1328 : index
    %get3A_1087 = tpu.vector_load %arg6[%get3A_1086] {strides = array<i32>} : memref<6400xf32, #tpu.memory_space<vmem>>, vector<16xf32>,
    %get3A_1088 = arith.constant 1360 : index
    %get3A_1089 = tpu.vector_load %arg6[%get3A_1088] {strides = array<i32>} : memref<6400xf32, #tpu.memory_space<vmem>>, vector<16xf32>,
    %add3A_1090 = arith.addf %get3A_1087, %get3A_1089 : vector<16xf32>
    %swap3A_1091 = arith.constant 4592 : index
    %swap3A_1092 = tpu.vector_load %arg6[%swap3A_1091] {strides = array<i32>} : memref<6400xf32, #tpu.memory_space<vmem>>, vector<16xf32>,
    tpu.vector_store %arg6[%swap3A_1091], %add3A_1090 {strides = array<i32>} : memref<6400xf32, #tpu.memory_space<vmem>>, vector<16xf32>,
    %get3A_1093 = arith.constant 1296 : index
    %get3A_1094 = tpu.vector_load %arg6[%get3A_1093] {strides = array<i32>} : memref<6400xf32, #tpu.memory_space<vmem>>, vector<16xf32>,
    %get3A_1095 = arith.constant 4592 : index
    %get3A_1096 = tpu.vector_load %arg6[%get3A_1095] {strides = array<i32>} : memref<6400xf32, #tpu.memory_space<vmem>>, vector<16xf32>,
    %add3A_1097 = arith.addf %get3A_1094, %get3A_1096 : vector<16xf32>
    %swap3A_1098 = arith.constant 4560 : index
    %swap3A_1099 = tpu.vector_load %arg6[%swap3A_1098] {strides = array<i32>} : memref<6400xf32, #tpu.memory_space<vmem>>, vector<16xf32>,
    tpu.vector_store %arg6[%swap3A_1098], %add3A_1097 {strides = array<i32>} : memref<6400xf32, #tpu.memory_space<vmem>>, vector<16xf32>,
    %get3A_1100 = arith.constant 1232 : index
    %get3A_1101 = tpu.vector_load %arg6[%get3A_1100] {strides = array<i32>} : memref<6400xf32, #tpu.memory_space<vmem>>, vector<16xf32>,
    %get3A_1102 = arith.constant 1264 : index
    %get3A_1103 = tpu.vector_load %arg6[%get3A_1102] {strides = array<i32>} : memref<6400xf32, #tpu.memory_space<vmem>>, vector<16xf32>,
    %add3A_1104 = arith.addf %get3A_1101, %get3A_1103 : vector<16xf32>
    %swap3A_1105 = arith.constant 4528 : index
    %swap3A_1106 = tpu.vector_load %arg6[%swap3A_1105] {strides = array<i32>} : memref<6400xf32, #tpu.memory_space<vmem>>, vector<16xf32>,
    tpu.vector_store %arg6[%swap3A_1105], %add3A_1104 {strides = array<i32>} : memref<6400xf32, #tpu.memory_space<vmem>>, vector<16xf32>,
    %get3A_1107 = arith.constant 1200 : index
    %get3A_1108 = tpu.vector_load %arg6[%get3A_1107] {strides = array<i32>} : memref<6400xf32, #tpu.memory_space<vmem>>, vector<16xf32>,
    %get3A_1109 = arith.constant 4528 : index
    %get3A_1110 = tpu.vector_load %arg6[%get3A_1109] {strides = array<i32>} : memref<6400xf32, #tpu.memory_space<vmem>>, vector<16xf32>,
    %add3A_1111 = arith.addf %get3A_1108, %get3A_1110 : vector<16xf32>
    %swap3A_1112 = arith.constant 4496 : index
    %swap3A_1113 = tpu.vector_load %arg6[%swap3A_1112] {strides = array<i32>} : memref<6400xf32, #tpu.memory_space<vmem>>, vector<16xf32>,
    tpu.vector_store %arg6[%swap3A_1112], %add3A_1111 {strides = array<i32>} : memref<6400xf32, #tpu.memory_space<vmem>>, vector<16xf32>,
    %get3A_1114 = arith.constant 4496 : index
    %get3A_1115 = tpu.vector_load %arg6[%get3A_1114] {strides = array<i32>} : memref<6400xf32, #tpu.memory_space<vmem>>, vector<16xf32>,
    %get3A_1116 = arith.constant 4560 : index
    %get3A_1117 = tpu.vector_load %arg6[%get3A_1116] {strides = array<i32>} : memref<6400xf32, #tpu.memory_space<vmem>>, vector<16xf32>,
    %add3A_1118 = arith.addf %get3A_1115, %get3A_1117 : vector<16xf32>
    %swap3A_1119 = arith.constant 4464 : index
    %swap3A_1120 = tpu.vector_load %arg6[%swap3A_1119] {strides = array<i32>} : memref<6400xf32, #tpu.memory_space<vmem>>, vector<16xf32>,
    tpu.vector_store %arg6[%swap3A_1119], %add3A_1118 {strides = array<i32>} : memref<6400xf32, #tpu.memory_space<vmem>>, vector<16xf32>,
    %get3A_1121 = arith.constant 4464 : index
    %get3A_1122 = tpu.vector_load %arg6[%get3A_1121] {strides = array<i32>} : memref<6400xf32, #tpu.memory_space<vmem>>, vector<16xf32>,
    %get3A_1123 = arith.constant 4624 : index
    %get3A_1124 = tpu.vector_load %arg6[%get3A_1123] {strides = array<i32>} : memref<6400xf32, #tpu.memory_space<vmem>>, vector<16xf32>,
    %add3A_1125 = arith.addf %get3A_1122, %get3A_1124 : vector<16xf32>
    %swap3A_1126 = arith.constant 4432 : index
    %swap3A_1127 = tpu.vector_load %arg6[%swap3A_1126] {strides = array<i32>} : memref<6400xf32, #tpu.memory_space<vmem>>, vector<16xf32>,
    tpu.vector_store %arg6[%swap3A_1126], %add3A_1125 {strides = array<i32>} : memref<6400xf32, #tpu.memory_space<vmem>>, vector<16xf32>,
    %get3A_1128 = arith.constant 1136 : index
    %get3A_1129 = tpu.vector_load %arg6[%get3A_1128] {strides = array<i32>} : memref<6400xf32, #tpu.memory_space<vmem>>, vector<16xf32>,
    %get3A_1130 = arith.constant 1168 : index
    %get3A_1131 = tpu.vector_load %arg6[%get3A_1130] {strides = array<i32>} : memref<6400xf32, #tpu.memory_space<vmem>>, vector<16xf32>,
    %add3A_1132 = arith.addf %get3A_1129, %get3A_1131 : vector<16xf32>
    %swap3A_1133 = arith.constant 4400 : index
    %swap3A_1134 = tpu.vector_load %arg6[%swap3A_1133] {strides = array<i32>} : memref<6400xf32, #tpu.memory_space<vmem>>, vector<16xf32>,
    tpu.vector_store %arg6[%swap3A_1133], %add3A_1132 {strides = array<i32>} : memref<6400xf32, #tpu.memory_space<vmem>>, vector<16xf32>,
    %get3A_1135 = arith.constant 1104 : index
    %get3A_1136 = tpu.vector_load %arg6[%get3A_1135] {strides = array<i32>} : memref<6400xf32, #tpu.memory_space<vmem>>, vector<16xf32>,
    %get3A_1137 = arith.constant 4400 : index
    %get3A_1138 = tpu.vector_load %arg6[%get3A_1137] {strides = array<i32>} : memref<6400xf32, #tpu.memory_space<vmem>>, vector<16xf32>,
    %add3A_1139 = arith.addf %get3A_1136, %get3A_1138 : vector<16xf32>
    %swap3A_1140 = arith.constant 4368 : index
    %swap3A_1141 = tpu.vector_load %arg6[%swap3A_1140] {strides = array<i32>} : memref<6400xf32, #tpu.memory_space<vmem>>, vector<16xf32>,
    tpu.vector_store %arg6[%swap3A_1140], %add3A_1139 {strides = array<i32>} : memref<6400xf32, #tpu.memory_space<vmem>>, vector<16xf32>,
    %get3A_1142 = arith.constant 1040 : index
    %get3A_1143 = tpu.vector_load %arg6[%get3A_1142] {strides = array<i32>} : memref<6400xf32, #tpu.memory_space<vmem>>, vector<16xf32>,
    %get3A_1144 = arith.constant 1072 : index
    %get3A_1145 = tpu.vector_load %arg6[%get3A_1144] {strides = array<i32>} : memref<6400xf32, #tpu.memory_space<vmem>>, vector<16xf32>,
    %add3A_1146 = arith.addf %get3A_1143, %get3A_1145 : vector<16xf32>
    %swap3A_1147 = arith.constant 4336 : index
    %swap3A_1148 = tpu.vector_load %arg6[%swap3A_1147] {strides = array<i32>} : memref<6400xf32, #tpu.memory_space<vmem>>, vector<16xf32>,
    tpu.vector_store %arg6[%swap3A_1147], %add3A_1146 {strides = array<i32>} : memref<6400xf32, #tpu.memory_space<vmem>>, vector<16xf32>,
    %get3A_1149 = arith.constant 1008 : index
    %get3A_1150 = tpu.vector_load %arg6[%get3A_1149] {strides = array<i32>} : memref<6400xf32, #tpu.memory_space<vmem>>, vector<16xf32>,
    %get3A_1151 = arith.constant 4336 : index
    %get3A_1152 = tpu.vector_load %arg6[%get3A_1151] {strides = array<i32>} : memref<6400xf32, #tpu.memory_space<vmem>>, vector<16xf32>,
    %add3A_1153 = arith.addf %get3A_1150, %get3A_1152 : vector<16xf32>
    %swap3A_1154 = arith.constant 4304 : index
    %swap3A_1155 = tpu.vector_load %arg6[%swap3A_1154] {strides = array<i32>} : memref<6400xf32, #tpu.memory_space<vmem>>, vector<16xf32>,
    tpu.vector_store %arg6[%swap3A_1154], %add3A_1153 {strides = array<i32>} : memref<6400xf32, #tpu.memory_space<vmem>>, vector<16xf32>,
    %get3A_1156 = arith.constant 4304 : index
    %get3A_1157 = tpu.vector_load %arg6[%get3A_1156] {strides = array<i32>} : memref<6400xf32, #tpu.memory_space<vmem>>, vector<16xf32>,
    %get3A_1158 = arith.constant 4368 : index
    %get3A_1159 = tpu.vector_load %arg6[%get3A_1158] {strides = array<i32>} : memref<6400xf32, #tpu.memory_space<vmem>>, vector<16xf32>,
    %add3A_1160 = arith.addf %get3A_1157, %get3A_1159 : vector<16xf32>
    %swap3A_1161 = arith.constant 4272 : index
    %swap3A_1162 = tpu.vector_load %arg6[%swap3A_1161] {strides = array<i32>} : memref<6400xf32, #tpu.memory_space<vmem>>, vector<16xf32>,
    tpu.vector_store %arg6[%swap3A_1161], %add3A_1160 {strides = array<i32>} : memref<6400xf32, #tpu.memory_space<vmem>>, vector<16xf32>,
    %get3A_1163 = arith.constant 944 : index
    %get3A_1164 = tpu.vector_load %arg6[%get3A_1163] {strides = array<i32>} : memref<6400xf32, #tpu.memory_space<vmem>>, vector<16xf32>,
    %get3A_1165 = arith.constant 976 : index
    %get3A_1166 = tpu.vector_load %arg6[%get3A_1165] {strides = array<i32>} : memref<6400xf32, #tpu.memory_space<vmem>>, vector<16xf32>,
    %add3A_1167 = arith.addf %get3A_1164, %get3A_1166 : vector<16xf32>
    %swap3A_1168 = arith.constant 4240 : index
    %swap3A_1169 = tpu.vector_load %arg6[%swap3A_1168] {strides = array<i32>} : memref<6400xf32, #tpu.memory_space<vmem>>, vector<16xf32>,
    tpu.vector_store %arg6[%swap3A_1168], %add3A_1167 {strides = array<i32>} : memref<6400xf32, #tpu.memory_space<vmem>>, vector<16xf32>,
    %get3A_1170 = arith.constant 912 : index
    %get3A_1171 = tpu.vector_load %arg6[%get3A_1170] {strides = array<i32>} : memref<6400xf32, #tpu.memory_space<vmem>>, vector<16xf32>,
    %get3A_1172 = arith.constant 4240 : index
    %get3A_1173 = tpu.vector_load %arg6[%get3A_1172] {strides = array<i32>} : memref<6400xf32, #tpu.memory_space<vmem>>, vector<16xf32>,
    %add3A_1174 = arith.addf %get3A_1171, %get3A_1173 : vector<16xf32>
    %swap3A_1175 = arith.constant 4208 : index
    %swap3A_1176 = tpu.vector_load %arg6[%swap3A_1175] {strides = array<i32>} : memref<6400xf32, #tpu.memory_space<vmem>>, vector<16xf32>,
    tpu.vector_store %arg6[%swap3A_1175], %add3A_1174 {strides = array<i32>} : memref<6400xf32, #tpu.memory_space<vmem>>, vector<16xf32>,
    %get3A_1177 = arith.constant 848 : index
    %get3A_1178 = tpu.vector_load %arg6[%get3A_1177] {strides = array<i32>} : memref<6400xf32, #tpu.memory_space<vmem>>, vector<16xf32>,
    %get3A_1179 = arith.constant 880 : index
    %get3A_1180 = tpu.vector_load %arg6[%get3A_1179] {strides = array<i32>} : memref<6400xf32, #tpu.memory_space<vmem>>, vector<16xf32>,
    %add3A_1181 = arith.addf %get3A_1178, %get3A_1180 : vector<16xf32>
    %swap3A_1182 = arith.constant 4176 : index
    %swap3A_1183 = tpu.vector_load %arg6[%swap3A_1182] {strides = array<i32>} : memref<6400xf32, #tpu.memory_space<vmem>>, vector<16xf32>,
    tpu.vector_store %arg6[%swap3A_1182], %add3A_1181 {strides = array<i32>} : memref<6400xf32, #tpu.memory_space<vmem>>, vector<16xf32>,
    %get3A_1184 = arith.constant 816 : index
    %get3A_1185 = tpu.vector_load %arg6[%get3A_1184] {strides = array<i32>} : memref<6400xf32, #tpu.memory_space<vmem>>, vector<16xf32>,
    %get3A_1186 = arith.constant 4176 : index
    %get3A_1187 = tpu.vector_load %arg6[%get3A_1186] {strides = array<i32>} : memref<6400xf32, #tpu.memory_space<vmem>>, vector<16xf32>,
    %add3A_1188 = arith.addf %get3A_1185, %get3A_1187 : vector<16xf32>
    %swap3A_1189 = arith.constant 4144 : index
    %swap3A_1190 = tpu.vector_load %arg6[%swap3A_1189] {strides = array<i32>} : memref<6400xf32, #tpu.memory_space<vmem>>, vector<16xf32>,
    tpu.vector_store %arg6[%swap3A_1189], %add3A_1188 {strides = array<i32>} : memref<6400xf32, #tpu.memory_space<vmem>>, vector<16xf32>,
    %get3A_1191 = arith.constant 4144 : index
    %get3A_1192 = tpu.vector_load %arg6[%get3A_1191] {strides = array<i32>} : memref<6400xf32, #tpu.memory_space<vmem>>, vector<16xf32>,
    %get3A_1193 = arith.constant 4208 : index
    %get3A_1194 = tpu.vector_load %arg6[%get3A_1193] {strides = array<i32>} : memref<6400xf32, #tpu.memory_space<vmem>>, vector<16xf32>,
    %add3A_1195 = arith.addf %get3A_1192, %get3A_1194 : vector<16xf32>
    %swap3A_1196 = arith.constant 4112 : index
    %swap3A_1197 = tpu.vector_load %arg6[%swap3A_1196] {strides = array<i32>} : memref<6400xf32, #tpu.memory_space<vmem>>, vector<16xf32>,
    tpu.vector_store %arg6[%swap3A_1196], %add3A_1195 {strides = array<i32>} : memref<6400xf32, #tpu.memory_space<vmem>>, vector<16xf32>,
    %get3A_1198 = arith.constant 4112 : index
    %get3A_1199 = tpu.vector_load %arg6[%get3A_1198] {strides = array<i32>} : memref<6400xf32, #tpu.memory_space<vmem>>, vector<16xf32>,
    %get3A_1200 = arith.constant 4272 : index
    %get3A_1201 = tpu.vector_load %arg6[%get3A_1200] {strides = array<i32>} : memref<6400xf32, #tpu.memory_space<vmem>>, vector<16xf32>,
    %add3A_1202 = arith.addf %get3A_1199, %get3A_1201 : vector<16xf32>
    %swap3A_1203 = arith.constant 4080 : index
    %swap3A_1204 = tpu.vector_load %arg6[%swap3A_1203] {strides = array<i32>} : memref<6400xf32, #tpu.memory_space<vmem>>, vector<16xf32>,
    tpu.vector_store %arg6[%swap3A_1203], %add3A_1202 {strides = array<i32>} : memref<6400xf32, #tpu.memory_space<vmem>>, vector<16xf32>,
    %get3A_1205 = arith.constant 4080 : index
    %get3A_1206 = tpu.vector_load %arg6[%get3A_1205] {strides = array<i32>} : memref<6400xf32, #tpu.memory_space<vmem>>, vector<16xf32>,
    %get3A_1207 = arith.constant 4432 : index
    %get3A_1208 = tpu.vector_load %arg6[%get3A_1207] {strides = array<i32>} : memref<6400xf32, #tpu.memory_space<vmem>>, vector<16xf32>,
    %add3A_1209 = arith.addf %get3A_1206, %get3A_1208 : vector<16xf32>
    %swap3A_1210 = arith.constant 4048 : index
    %swap3A_1211 = tpu.vector_load %arg6[%swap3A_1210] {strides = array<i32>} : memref<6400xf32, #tpu.memory_space<vmem>>, vector<16xf32>,
    tpu.vector_store %arg6[%swap3A_1210], %add3A_1209 {strides = array<i32>} : memref<6400xf32, #tpu.memory_space<vmem>>, vector<16xf32>,
    %get3A_1212 = arith.constant 752 : index
    %get3A_1213 = tpu.vector_load %arg6[%get3A_1212] {strides = array<i32>} : memref<6400xf32, #tpu.memory_space<vmem>>, vector<16xf32>,
    %get3A_1214 = arith.constant 784 : index
    %get3A_1215 = tpu.vector_load %arg6[%get3A_1214] {strides = array<i32>} : memref<6400xf32, #tpu.memory_space<vmem>>, vector<16xf32>,
    %add3A_1216 = arith.addf %get3A_1213, %get3A_1215 : vector<16xf32>
    %swap3A_1217 = arith.constant 4016 : index
    %swap3A_1218 = tpu.vector_load %arg6[%swap3A_1217] {strides = array<i32>} : memref<6400xf32, #tpu.memory_space<vmem>>, vector<16xf32>,
    tpu.vector_store %arg6[%swap3A_1217], %add3A_1216 {strides = array<i32>} : memref<6400xf32, #tpu.memory_space<vmem>>, vector<16xf32>,
    %get3A_1219 = arith.constant 688 : index
    %get3A_1220 = tpu.vector_load %arg6[%get3A_1219] {strides = array<i32>} : memref<6400xf32, #tpu.memory_space<vmem>>, vector<16xf32>,
    %get3A_1221 = arith.constant 720 : index
    %get3A_1222 = tpu.vector_load %arg6[%get3A_1221] {strides = array<i32>} : memref<6400xf32, #tpu.memory_space<vmem>>, vector<16xf32>,
    %add3A_1223 = arith.addf %get3A_1220, %get3A_1222 : vector<16xf32>
    %swap3A_1224 = arith.constant 3984 : index
    %swap3A_1225 = tpu.vector_load %arg6[%swap3A_1224] {strides = array<i32>} : memref<6400xf32, #tpu.memory_space<vmem>>, vector<16xf32>,
    tpu.vector_store %arg6[%swap3A_1224], %add3A_1223 {strides = array<i32>} : memref<6400xf32, #tpu.memory_space<vmem>>, vector<16xf32>,
    %get3A_1226 = arith.constant 3984 : index
    %get3A_1227 = tpu.vector_load %arg6[%get3A_1226] {strides = array<i32>} : memref<6400xf32, #tpu.memory_space<vmem>>, vector<16xf32>,
    %get3A_1228 = arith.constant 4016 : index
    %get3A_1229 = tpu.vector_load %arg6[%get3A_1228] {strides = array<i32>} : memref<6400xf32, #tpu.memory_space<vmem>>, vector<16xf32>,
    %add3A_1230 = arith.addf %get3A_1227, %get3A_1229 : vector<16xf32>
    %swap3A_1231 = arith.constant 3952 : index
    %swap3A_1232 = tpu.vector_load %arg6[%swap3A_1231] {strides = array<i32>} : memref<6400xf32, #tpu.memory_space<vmem>>, vector<16xf32>,
    tpu.vector_store %arg6[%swap3A_1231], %add3A_1230 {strides = array<i32>} : memref<6400xf32, #tpu.memory_space<vmem>>, vector<16xf32>,
    %get3A_1233 = arith.constant 624 : index
    %get3A_1234 = tpu.vector_load %arg6[%get3A_1233] {strides = array<i32>} : memref<6400xf32, #tpu.memory_space<vmem>>, vector<16xf32>,
    %get3A_1235 = arith.constant 656 : index
    %get3A_1236 = tpu.vector_load %arg6[%get3A_1235] {strides = array<i32>} : memref<6400xf32, #tpu.memory_space<vmem>>, vector<16xf32>,
    %add3A_1237 = arith.addf %get3A_1234, %get3A_1236 : vector<16xf32>
    %swap3A_1238 = arith.constant 3920 : index
    %swap3A_1239 = tpu.vector_load %arg6[%swap3A_1238] {strides = array<i32>} : memref<6400xf32, #tpu.memory_space<vmem>>, vector<16xf32>,
    tpu.vector_store %arg6[%swap3A_1238], %add3A_1237 {strides = array<i32>} : memref<6400xf32, #tpu.memory_space<vmem>>, vector<16xf32>,
    %get3A_1240 = arith.constant 592 : index
    %get3A_1241 = tpu.vector_load %arg6[%get3A_1240] {strides = array<i32>} : memref<6400xf32, #tpu.memory_space<vmem>>, vector<16xf32>,
    %get3A_1242 = arith.constant 3920 : index
    %get3A_1243 = tpu.vector_load %arg6[%get3A_1242] {strides = array<i32>} : memref<6400xf32, #tpu.memory_space<vmem>>, vector<16xf32>,
    %add3A_1244 = arith.addf %get3A_1241, %get3A_1243 : vector<16xf32>
    %swap3A_1245 = arith.constant 3888 : index
    %swap3A_1246 = tpu.vector_load %arg6[%swap3A_1245] {strides = array<i32>} : memref<6400xf32, #tpu.memory_space<vmem>>, vector<16xf32>,
    tpu.vector_store %arg6[%swap3A_1245], %add3A_1244 {strides = array<i32>} : memref<6400xf32, #tpu.memory_space<vmem>>, vector<16xf32>,
    %get3A_1247 = arith.constant 3888 : index
    %get3A_1248 = tpu.vector_load %arg6[%get3A_1247] {strides = array<i32>} : memref<6400xf32, #tpu.memory_space<vmem>>, vector<16xf32>,
    %get3A_1249 = arith.constant 3952 : index
    %get3A_1250 = tpu.vector_load %arg6[%get3A_1249] {strides = array<i32>} : memref<6400xf32, #tpu.memory_space<vmem>>, vector<16xf32>,
    %add3A_1251 = arith.addf %get3A_1248, %get3A_1250 : vector<16xf32>
    %swap3A_1252 = arith.constant 3856 : index
    %swap3A_1253 = tpu.vector_load %arg6[%swap3A_1252] {strides = array<i32>} : memref<6400xf32, #tpu.memory_space<vmem>>, vector<16xf32>,
    tpu.vector_store %arg6[%swap3A_1252], %add3A_1251 {strides = array<i32>} : memref<6400xf32, #tpu.memory_space<vmem>>, vector<16xf32>,
    %get3A_1254 = arith.constant 528 : index
    %get3A_1255 = tpu.vector_load %arg6[%get3A_1254] {strides = array<i32>} : memref<6400xf32, #tpu.memory_space<vmem>>, vector<16xf32>,
    %get3A_1256 = arith.constant 560 : index
    %get3A_1257 = tpu.vector_load %arg6[%get3A_1256] {strides = array<i32>} : memref<6400xf32, #tpu.memory_space<vmem>>, vector<16xf32>,
    %add3A_1258 = arith.addf %get3A_1255, %get3A_1257 : vector<16xf32>
    %swap3A_1259 = arith.constant 3824 : index
    %swap3A_1260 = tpu.vector_load %arg6[%swap3A_1259] {strides = array<i32>} : memref<6400xf32, #tpu.memory_space<vmem>>, vector<16xf32>,
    tpu.vector_store %arg6[%swap3A_1259], %add3A_1258 {strides = array<i32>} : memref<6400xf32, #tpu.memory_space<vmem>>, vector<16xf32>,
    %get3A_1261 = arith.constant 496 : index
    %get3A_1262 = tpu.vector_load %arg6[%get3A_1261] {strides = array<i32>} : memref<6400xf32, #tpu.memory_space<vmem>>, vector<16xf32>,
    %get3A_1263 = arith.constant 3824 : index
    %get3A_1264 = tpu.vector_load %arg6[%get3A_1263] {strides = array<i32>} : memref<6400xf32, #tpu.memory_space<vmem>>, vector<16xf32>,
    %add3A_1265 = arith.addf %get3A_1262, %get3A_1264 : vector<16xf32>
    %swap3A_1266 = arith.constant 3792 : index
    %swap3A_1267 = tpu.vector_load %arg6[%swap3A_1266] {strides = array<i32>} : memref<6400xf32, #tpu.memory_space<vmem>>, vector<16xf32>,
    tpu.vector_store %arg6[%swap3A_1266], %add3A_1265 {strides = array<i32>} : memref<6400xf32, #tpu.memory_space<vmem>>, vector<16xf32>,
    %get3A_1268 = arith.constant 432 : index
    %get3A_1269 = tpu.vector_load %arg6[%get3A_1268] {strides = array<i32>} : memref<6400xf32, #tpu.memory_space<vmem>>, vector<16xf32>,
    %get3A_1270 = arith.constant 464 : index
    %get3A_1271 = tpu.vector_load %arg6[%get3A_1270] {strides = array<i32>} : memref<6400xf32, #tpu.memory_space<vmem>>, vector<16xf32>,
    %add3A_1272 = arith.addf %get3A_1269, %get3A_1271 : vector<16xf32>
    %swap3A_1273 = arith.constant 3760 : index
    %swap3A_1274 = tpu.vector_load %arg6[%swap3A_1273] {strides = array<i32>} : memref<6400xf32, #tpu.memory_space<vmem>>, vector<16xf32>,
    tpu.vector_store %arg6[%swap3A_1273], %add3A_1272 {strides = array<i32>} : memref<6400xf32, #tpu.memory_space<vmem>>, vector<16xf32>,
    %get3A_1275 = arith.constant 400 : index
    %get3A_1276 = tpu.vector_load %arg6[%get3A_1275] {strides = array<i32>} : memref<6400xf32, #tpu.memory_space<vmem>>, vector<16xf32>,
    %get3A_1277 = arith.constant 3760 : index
    %get3A_1278 = tpu.vector_load %arg6[%get3A_1277] {strides = array<i32>} : memref<6400xf32, #tpu.memory_space<vmem>>, vector<16xf32>,
    %add3A_1279 = arith.addf %get3A_1276, %get3A_1278 : vector<16xf32>
    %swap3A_1280 = arith.constant 3728 : index
    %swap3A_1281 = tpu.vector_load %arg6[%swap3A_1280] {strides = array<i32>} : memref<6400xf32, #tpu.memory_space<vmem>>, vector<16xf32>,
    tpu.vector_store %arg6[%swap3A_1280], %add3A_1279 {strides = array<i32>} : memref<6400xf32, #tpu.memory_space<vmem>>, vector<16xf32>,
    %get3A_1282 = arith.constant 3728 : index
    %get3A_1283 = tpu.vector_load %arg6[%get3A_1282] {strides = array<i32>} : memref<6400xf32, #tpu.memory_space<vmem>>, vector<16xf32>,
    %get3A_1284 = arith.constant 3792 : index
    %get3A_1285 = tpu.vector_load %arg6[%get3A_1284] {strides = array<i32>} : memref<6400xf32, #tpu.memory_space<vmem>>, vector<16xf32>,
    %add3A_1286 = arith.addf %get3A_1283, %get3A_1285 : vector<16xf32>
    %swap3A_1287 = arith.constant 3696 : index
    %swap3A_1288 = tpu.vector_load %arg6[%swap3A_1287] {strides = array<i32>} : memref<6400xf32, #tpu.memory_space<vmem>>, vector<16xf32>,
    tpu.vector_store %arg6[%swap3A_1287], %add3A_1286 {strides = array<i32>} : memref<6400xf32, #tpu.memory_space<vmem>>, vector<16xf32>,
    %get3A_1289 = arith.constant 3696 : index
    %get3A_1290 = tpu.vector_load %arg6[%get3A_1289] {strides = array<i32>} : memref<6400xf32, #tpu.memory_space<vmem>>, vector<16xf32>,
    %get3A_1291 = arith.constant 3856 : index
    %get3A_1292 = tpu.vector_load %arg6[%get3A_1291] {strides = array<i32>} : memref<6400xf32, #tpu.memory_space<vmem>>, vector<16xf32>,
    %add3A_1293 = arith.addf %get3A_1290, %get3A_1292 : vector<16xf32>
    %swap3A_1294 = arith.constant 3664 : index
    %swap3A_1295 = tpu.vector_load %arg6[%swap3A_1294] {strides = array<i32>} : memref<6400xf32, #tpu.memory_space<vmem>>, vector<16xf32>,
    tpu.vector_store %arg6[%swap3A_1294], %add3A_1293 {strides = array<i32>} : memref<6400xf32, #tpu.memory_space<vmem>>, vector<16xf32>,
    %get3A_1296 = arith.constant 336 : index
    %get3A_1297 = tpu.vector_load %arg6[%get3A_1296] {strides = array<i32>} : memref<6400xf32, #tpu.memory_space<vmem>>, vector<16xf32>,
    %get3A_1298 = arith.constant 368 : index
    %get3A_1299 = tpu.vector_load %arg6[%get3A_1298] {strides = array<i32>} : memref<6400xf32, #tpu.memory_space<vmem>>, vector<16xf32>,
    %add3A_1300 = arith.addf %get3A_1297, %get3A_1299 : vector<16xf32>
    %swap3A_1301 = arith.constant 3632 : index
    %swap3A_1302 = tpu.vector_load %arg6[%swap3A_1301] {strides = array<i32>} : memref<6400xf32, #tpu.memory_space<vmem>>, vector<16xf32>,
    tpu.vector_store %arg6[%swap3A_1301], %add3A_1300 {strides = array<i32>} : memref<6400xf32, #tpu.memory_space<vmem>>, vector<16xf32>,
    %get3A_1303 = arith.constant 304 : index
    %get3A_1304 = tpu.vector_load %arg6[%get3A_1303] {strides = array<i32>} : memref<6400xf32, #tpu.memory_space<vmem>>, vector<16xf32>,
    %get3A_1305 = arith.constant 3632 : index
    %get3A_1306 = tpu.vector_load %arg6[%get3A_1305] {strides = array<i32>} : memref<6400xf32, #tpu.memory_space<vmem>>, vector<16xf32>,
    %add3A_1307 = arith.addf %get3A_1304, %get3A_1306 : vector<16xf32>
    %swap3A_1308 = arith.constant 3600 : index
    %swap3A_1309 = tpu.vector_load %arg6[%swap3A_1308] {strides = array<i32>} : memref<6400xf32, #tpu.memory_space<vmem>>, vector<16xf32>,
    tpu.vector_store %arg6[%swap3A_1308], %add3A_1307 {strides = array<i32>} : memref<6400xf32, #tpu.memory_space<vmem>>, vector<16xf32>,
    %get3A_1310 = arith.constant 240 : index
    %get3A_1311 = tpu.vector_load %arg6[%get3A_1310] {strides = array<i32>} : memref<6400xf32, #tpu.memory_space<vmem>>, vector<16xf32>,
    %get3A_1312 = arith.constant 272 : index
    %get3A_1313 = tpu.vector_load %arg6[%get3A_1312] {strides = array<i32>} : memref<6400xf32, #tpu.memory_space<vmem>>, vector<16xf32>,
    %add3A_1314 = arith.addf %get3A_1311, %get3A_1313 : vector<16xf32>
    %swap3A_1315 = arith.constant 3568 : index
    %swap3A_1316 = tpu.vector_load %arg6[%swap3A_1315] {strides = array<i32>} : memref<6400xf32, #tpu.memory_space<vmem>>, vector<16xf32>,
    tpu.vector_store %arg6[%swap3A_1315], %add3A_1314 {strides = array<i32>} : memref<6400xf32, #tpu.memory_space<vmem>>, vector<16xf32>,
    %get3A_1317 = arith.constant 208 : index
    %get3A_1318 = tpu.vector_load %arg6[%get3A_1317] {strides = array<i32>} : memref<6400xf32, #tpu.memory_space<vmem>>, vector<16xf32>,
    %get3A_1319 = arith.constant 3568 : index
    %get3A_1320 = tpu.vector_load %arg6[%get3A_1319] {strides = array<i32>} : memref<6400xf32, #tpu.memory_space<vmem>>, vector<16xf32>,
    %add3A_1321 = arith.addf %get3A_1318, %get3A_1320 : vector<16xf32>
    %swap3A_1322 = arith.constant 3536 : index
    %swap3A_1323 = tpu.vector_load %arg6[%swap3A_1322] {strides = array<i32>} : memref<6400xf32, #tpu.memory_space<vmem>>, vector<16xf32>,
    tpu.vector_store %arg6[%swap3A_1322], %add3A_1321 {strides = array<i32>} : memref<6400xf32, #tpu.memory_space<vmem>>, vector<16xf32>,
    %get3A_1324 = arith.constant 3536 : index
    %get3A_1325 = tpu.vector_load %arg6[%get3A_1324] {strides = array<i32>} : memref<6400xf32, #tpu.memory_space<vmem>>, vector<16xf32>,
    %get3A_1326 = arith.constant 3600 : index
    %get3A_1327 = tpu.vector_load %arg6[%get3A_1326] {strides = array<i32>} : memref<6400xf32, #tpu.memory_space<vmem>>, vector<16xf32>,
    %add3A_1328 = arith.addf %get3A_1325, %get3A_1327 : vector<16xf32>
    %swap3A_1329 = arith.constant 3504 : index
    %swap3A_1330 = tpu.vector_load %arg6[%swap3A_1329] {strides = array<i32>} : memref<6400xf32, #tpu.memory_space<vmem>>, vector<16xf32>,
    tpu.vector_store %arg6[%swap3A_1329], %add3A_1328 {strides = array<i32>} : memref<6400xf32, #tpu.memory_space<vmem>>, vector<16xf32>,
    %get3A_1331 = arith.constant 144 : index
    %get3A_1332 = tpu.vector_load %arg6[%get3A_1331] {strides = array<i32>} : memref<6400xf32, #tpu.memory_space<vmem>>, vector<16xf32>,
    %get3A_1333 = arith.constant 176 : index
    %get3A_1334 = tpu.vector_load %arg6[%get3A_1333] {strides = array<i32>} : memref<6400xf32, #tpu.memory_space<vmem>>, vector<16xf32>,
    %add3A_1335 = arith.addf %get3A_1332, %get3A_1334 : vector<16xf32>
    %swap3A_1336 = arith.constant 3472 : index
    %swap3A_1337 = tpu.vector_load %arg6[%swap3A_1336] {strides = array<i32>} : memref<6400xf32, #tpu.memory_space<vmem>>, vector<16xf32>,
    tpu.vector_store %arg6[%swap3A_1336], %add3A_1335 {strides = array<i32>} : memref<6400xf32, #tpu.memory_space<vmem>>, vector<16xf32>,
    %get3A_1338 = arith.constant 112 : index
    %get3A_1339 = tpu.vector_load %arg6[%get3A_1338] {strides = array<i32>} : memref<6400xf32, #tpu.memory_space<vmem>>, vector<16xf32>,
    %get3A_1340 = arith.constant 3472 : index
    %get3A_1341 = tpu.vector_load %arg6[%get3A_1340] {strides = array<i32>} : memref<6400xf32, #tpu.memory_space<vmem>>, vector<16xf32>,
    %add3A_1342 = arith.addf %get3A_1339, %get3A_1341 : vector<16xf32>
    %swap3A_1343 = arith.constant 3440 : index
    %swap3A_1344 = tpu.vector_load %arg6[%swap3A_1343] {strides = array<i32>} : memref<6400xf32, #tpu.memory_space<vmem>>, vector<16xf32>,
    tpu.vector_store %arg6[%swap3A_1343], %add3A_1342 {strides = array<i32>} : memref<6400xf32, #tpu.memory_space<vmem>>, vector<16xf32>,
    %get3A_1345 = arith.constant 48 : index
    %get3A_1346 = tpu.vector_load %arg6[%get3A_1345] {strides = array<i32>} : memref<6400xf32, #tpu.memory_space<vmem>>, vector<16xf32>,
    %get3A_1347 = arith.constant 80 : index
    %get3A_1348 = tpu.vector_load %arg6[%get3A_1347] {strides = array<i32>} : memref<6400xf32, #tpu.memory_space<vmem>>, vector<16xf32>,
    %add3A_1349 = arith.addf %get3A_1346, %get3A_1348 : vector<16xf32>
    %swap3A_1350 = arith.constant 3408 : index
    %swap3A_1351 = tpu.vector_load %arg6[%swap3A_1350] {strides = array<i32>} : memref<6400xf32, #tpu.memory_space<vmem>>, vector<16xf32>,
    tpu.vector_store %arg6[%swap3A_1350], %add3A_1349 {strides = array<i32>} : memref<6400xf32, #tpu.memory_space<vmem>>, vector<16xf32>,
    %get3A_1352 = arith.constant 16 : index
    %get3A_1353 = tpu.vector_load %arg6[%get3A_1352] {strides = array<i32>} : memref<6400xf32, #tpu.memory_space<vmem>>, vector<16xf32>,
    %get3A_1354 = arith.constant 3408 : index
    %get3A_1355 = tpu.vector_load %arg6[%get3A_1354] {strides = array<i32>} : memref<6400xf32, #tpu.memory_space<vmem>>, vector<16xf32>,
    %add3A_1356 = arith.addf %get3A_1353, %get3A_1355 : vector<16xf32>
    %swap3A_1357 = arith.constant 3376 : index
    %swap3A_1358 = tpu.vector_load %arg6[%swap3A_1357] {strides = array<i32>} : memref<6400xf32, #tpu.memory_space<vmem>>, vector<16xf32>,
    tpu.vector_store %arg6[%swap3A_1357], %add3A_1356 {strides = array<i32>} : memref<6400xf32, #tpu.memory_space<vmem>>, vector<16xf32>,
    %get3A_1359 = arith.constant 3376 : index
    %get3A_1360 = tpu.vector_load %arg6[%get3A_1359] {strides = array<i32>} : memref<6400xf32, #tpu.memory_space<vmem>>, vector<16xf32>,
    %get3A_1361 = arith.constant 3440 : index
    %get3A_1362 = tpu.vector_load %arg6[%get3A_1361] {strides = array<i32>} : memref<6400xf32, #tpu.memory_space<vmem>>, vector<16xf32>,
    %add3A_1363 = arith.addf %get3A_1360, %get3A_1362 : vector<16xf32>
    %swap3A_1364 = arith.constant 3344 : index
    %swap3A_1365 = tpu.vector_load %arg6[%swap3A_1364] {strides = array<i32>} : memref<6400xf32, #tpu.memory_space<vmem>>, vector<16xf32>,
    tpu.vector_store %arg6[%swap3A_1364], %add3A_1363 {strides = array<i32>} : memref<6400xf32, #tpu.memory_space<vmem>>, vector<16xf32>,
    %get3A_1366 = arith.constant 3344 : index
    %get3A_1367 = tpu.vector_load %arg6[%get3A_1366] {strides = array<i32>} : memref<6400xf32, #tpu.memory_space<vmem>>, vector<16xf32>,
    %get3A_1368 = arith.constant 3504 : index
    %get3A_1369 = tpu.vector_load %arg6[%get3A_1368] {strides = array<i32>} : memref<6400xf32, #tpu.memory_space<vmem>>, vector<16xf32>,
    %add3A_1370 = arith.addf %get3A_1367, %get3A_1369 : vector<16xf32>
    %swap3A_1371 = arith.constant 3312 : index
    %swap3A_1372 = tpu.vector_load %arg6[%swap3A_1371] {strides = array<i32>} : memref<6400xf32, #tpu.memory_space<vmem>>, vector<16xf32>,
    tpu.vector_store %arg6[%swap3A_1371], %add3A_1370 {strides = array<i32>} : memref<6400xf32, #tpu.memory_space<vmem>>, vector<16xf32>,
    %get3A_1373 = arith.constant 3312 : index
    %get3A_1374 = tpu.vector_load %arg6[%get3A_1373] {strides = array<i32>} : memref<6400xf32, #tpu.memory_space<vmem>>, vector<16xf32>,
    %get3A_1375 = arith.constant 3664 : index
    %get3A_1376 = tpu.vector_load %arg6[%get3A_1375] {strides = array<i32>} : memref<6400xf32, #tpu.memory_space<vmem>>, vector<16xf32>,
    %add3A_1377 = arith.addf %get3A_1374, %get3A_1376 : vector<16xf32>
    %swap3A_1378 = arith.constant 3280 : index
    %swap3A_1379 = tpu.vector_load %arg6[%swap3A_1378] {strides = array<i32>} : memref<6400xf32, #tpu.memory_space<vmem>>, vector<16xf32>,
    tpu.vector_store %arg6[%swap3A_1378], %add3A_1377 {strides = array<i32>} : memref<6400xf32, #tpu.memory_space<vmem>>, vector<16xf32>,
    %get3A_1380 = arith.constant 3280 : index
    %get3A_1381 = tpu.vector_load %arg6[%get3A_1380] {strides = array<i32>} : memref<6400xf32, #tpu.memory_space<vmem>>, vector<16xf32>,
    %get3A_1382 = arith.constant 4048 : index
    %get3A_1383 = tpu.vector_load %arg6[%get3A_1382] {strides = array<i32>} : memref<6400xf32, #tpu.memory_space<vmem>>, vector<16xf32>,
    %add3A_1384 = arith.addf %get3A_1381, %get3A_1383 : vector<16xf32>
    %swap3A_1385 = arith.constant 3248 : index
    %swap3A_1386 = tpu.vector_load %arg6[%swap3A_1385] {strides = array<i32>} : memref<6400xf32, #tpu.memory_space<vmem>>, vector<16xf32>,
    tpu.vector_store %arg6[%swap3A_1385], %add3A_1384 {strides = array<i32>} : memref<6400xf32, #tpu.memory_space<vmem>>, vector<16xf32>,
    %dma_wait3A_1387 = tpu.memref_slice %arg3[%mul3A_9] : memref<1024xi32, #tpu.memory_space<hbm>> -> memref<32xi32, #tpu.memory_space<hbm>>
    %dma_wait3A_1388 = tpu.memref_slice %arg3[%mul3A_9] : memref<1024xi32, #tpu.memory_space<hbm>> -> memref<32xi32, #tpu.memory_space<hbm>>
    tpu.wait_dma2 semaphore(%arg11 : memref<!tpu.dma_semaphore, #tpu.memory_space<semaphore_mem>>) src(%dma_wait3A_1388 : memref<32xi32, #tpu.memory_space<hbm>>) dst(%arg8 : memref<32xi32, #tpu.memory_space<vmem>>)
    tpu.wait_dma2 semaphore(%arg12 : memref<!tpu.dma_semaphore, #tpu.memory_space<semaphore_mem>>) src(%arg4 : memref<700xi32, #tpu.memory_space<hbm>>) dst(%arg7 : memref<700xi32, #tpu.memory_space<vmem>>)
    %broadcast_in_dim3A = arith.constant 0.000000e+00 : f32
    %broadcast_in_dim3A_1389 = vector.broadcast %broadcast_in_dim3A : f32 to vector<16xf32>
    %add3A_1390 = arith.constant 0 : i32
    %add3A_1391 = vector.broadcast %add3A_1390 : i32 to vector<16xi32>
    %add3A_1392 = arith.addi %iota3A, %add3A_1391 : vector<16xi32>
    %get3A_1393 = arith.constant 0 : index
    %get3A_1394 = tpu.vector_load %arg8[%get3A_1393] {strides = array<i32>} : memref<32xi32, #tpu.memory_space<vmem>>, vector<16xi32>,
    %mul3A_1395 = arith.constant 7 : i32
    %mul3A_1396 = vector.broadcast %mul3A_1395 : i32 to vector<16xi32>
    %mul3A_1397 = arith.muli %get3A_1394, %mul3A_1396 : vector<16xi32>
    %broadcast_in_dim3A_1398 = arith.constant 0.000000e+00 : f32
    %broadcast_in_dim3A_1399 = vector.broadcast %broadcast_in_dim3A_1398 : f32 to vector<16xf32>
    %add3A_1400 = arith.constant 0 : i32
    %add3A_1401 = vector.broadcast %add3A_1400 : i32 to vector<16xi32>
    %add3A_1402 = arith.addi %mul3A_1397, %add3A_1401 : vector<16xi32>
    %gather3A = tpu.vector_load_idx %arg7[%add3A_1402] : memref<700xi32, #tpu.memory_space<vmem>>[vector<16xi32>], vector<16xi32>,
    %and3A = arith.constant 255 : i32
    %and3A_1403 = vector.broadcast %and3A : i32 to vector<16xi32>
    %and3A_1404 = arith.andi %gather3A, %and3A_1403 : vector<16xi32>
    %shift_right_logical3A = arith.constant 8 : i32
    %shift_right_logical3A_1405 = vector.broadcast %shift_right_logical3A : i32 to vector<16xi32>
    %shift_right_logical3A_1406 = arith.shrui %gather3A, %shift_right_logical3A_1405 : vector<16xi32>
    %and3A_1407 = arith.constant 255 : i32
    %and3A_1408 = vector.broadcast %and3A_1407 : i32 to vector<16xi32>
    %and3A_1409 = arith.andi %shift_right_logical3A_1406, %and3A_1408 : vector<16xi32>
    %shift_right_logical3A_1410 = arith.constant 16 : i32
    %shift_right_logical3A_1411 = vector.broadcast %shift_right_logical3A_1410 : i32 to vector<16xi32>
    %shift_right_logical3A_1412 = arith.shrui %gather3A, %shift_right_logical3A_1411 : vector<16xi32>
    %and3A_1413 = arith.constant 63 : i32
    %and3A_1414 = vector.broadcast %and3A_1413 : i32 to vector<16xi32>
    %and3A_1415 = arith.andi %shift_right_logical3A_1412, %and3A_1414 : vector<16xi32>
    %shift_right_logical3A_1416 = arith.constant 22 : i32
    %shift_right_logical3A_1417 = vector.broadcast %shift_right_logical3A_1416 : i32 to vector<16xi32>
    %shift_right_logical3A_1418 = arith.shrui %gather3A, %shift_right_logical3A_1417 : vector<16xi32>
    %and3A_1419 = arith.constant 63 : i32
    %and3A_1420 = vector.broadcast %and3A_1419 : i32 to vector<16xi32>
    %and3A_1421 = arith.andi %shift_right_logical3A_1418, %and3A_1420 : vector<16xi32>
    %shift_right_logical3A_1422 = arith.constant 28 : i32
    %shift_right_logical3A_1423 = vector.broadcast %shift_right_logical3A_1422 : i32 to vector<16xi32>
    %shift_right_logical3A_1424 = arith.shrui %gather3A, %shift_right_logical3A_1423 : vector<16xi32>
    %and3A_1425 = arith.constant 1 : i32
    %and3A_1426 = vector.broadcast %and3A_1425 : i32 to vector<16xi32>
    %and3A_1427 = arith.andi %shift_right_logical3A_1424, %and3A_1426 : vector<16xi32>
    %shift_right_logical3A_1428 = arith.constant 29 : i32
    %shift_right_logical3A_1429 = vector.broadcast %shift_right_logical3A_1428 : i32 to vector<16xi32>
    %shift_right_logical3A_1430 = arith.shrui %gather3A, %shift_right_logical3A_1429 : vector<16xi32>
    %and3A_1431 = arith.constant 1 : i32
    %and3A_1432 = vector.broadcast %and3A_1431 : i32 to vector<16xi32>
    %and3A_1433 = arith.andi %shift_right_logical3A_1430, %and3A_1432 : vector<16xi32>
    %mul3A_1434 = arith.constant 32 : i32
    %mul3A_1435 = vector.broadcast %mul3A_1434 : i32 to vector<16xi32>
    %mul3A_1436 = arith.muli %and3A_1404, %mul3A_1435 : vector<16xi32>
    %add3A_1437 = arith.addi %mul3A_1436, %add3A_1392 : vector<16xi32>
    %gather3A_1438 = tpu.vector_load_idx %arg6[%add3A_1437] : memref<6400xf32, #tpu.memory_space<vmem>>[vector<16xi32>], vector<16xf32>,
    %mul3A_1439 = arith.constant 32 : i32
    %mul3A_1440 = vector.broadcast %mul3A_1439 : i32 to vector<16xi32>
    %mul3A_1441 = arith.muli %and3A_1409, %mul3A_1440 : vector<16xi32>
    %add3A_1442 = arith.addi %mul3A_1441, %add3A_1392 : vector<16xi32>
    %gather3A_1443 = tpu.vector_load_idx %arg6[%add3A_1442] : memref<6400xf32, #tpu.memory_space<vmem>>[vector<16xi32>], vector<16xf32>,
    %convert_element_type3A = arith.sitofp %and3A_1415 : vector<16xi32> to vector<16xf32>
    %div3A = arith.divf %gather3A_1438, %convert_element_type3A : vector<16xf32>
    %convert_element_type3A_1444 = arith.sitofp %and3A_1421 : vector<16xi32> to vector<16xf32>
    %div3A_1445 = arith.divf %gather3A_1443, %convert_element_type3A_1444 : vector<16xf32>
    %max3A = arith.maximumf %div3A, %div3A_1445 : vector<16xf32>
    %sub3A = arith.subf %div3A, %div3A_1445 : vector<16xf32>
    %abs3A = math.absf %sub3A : vector<16xf32>
    %neg3A = arith.constant 0.000000e+00 : f32
    %neg3A_1446 = vector.broadcast %neg3A : f32 to vector<16xf32>
    %neg3A_1447 = arith.subf %neg3A_1446, %abs3A : vector<16xf32>
    %exp3A = math.exp %neg3A_1447 : vector<16xf32>
    %add3A_1448 = arith.constant 2.000000e+00 : f32
    %add3A_1449 = vector.broadcast %add3A_1448 : f32 to vector<16xf32>
    %add3A_1450 = arith.addf %exp3A, %add3A_1449 : vector<16xf32>
    %div3A_1451 = arith.divf %exp3A, %add3A_1450 : vector<16xf32>
    %mul3A_1452 = arith.mulf %div3A_1451, %div3A_1451 : vector<16xf32>
    %mul3A_1453 = arith.constant 0.222222224 : f32
    %mul3A_1454 = vector.broadcast %mul3A_1453 : f32 to vector<16xf32>
    %mul3A_1455 = arith.mulf %mul3A_1452, %mul3A_1454 : vector<16xf32>
    %add3A_1456 = arith.constant 0.285714298 : f32
    %add3A_1457 = vector.broadcast %add3A_1456 : f32 to vector<16xf32>
    %add3A_1458 = arith.addf %mul3A_1455, %add3A_1457 : vector<16xf32>
    %mul3A_1459 = arith.mulf %add3A_1458, %mul3A_1452 : vector<16xf32>
    %add3A_1460 = arith.constant 4.000000e-01 : f32
    %add3A_1461 = vector.broadcast %add3A_1460 : f32 to vector<16xf32>
    %add3A_1462 = arith.addf %mul3A_1459, %add3A_1461 : vector<16xf32>
    %mul3A_1463 = arith.mulf %add3A_1462, %mul3A_1452 : vector<16xf32>
    %add3A_1464 = arith.constant 0.666666686 : f32
    %add3A_1465 = vector.broadcast %add3A_1464 : f32 to vector<16xf32>
    %add3A_1466 = arith.addf %mul3A_1463, %add3A_1465 : vector<16xf32>
    %mul3A_1467 = arith.mulf %add3A_1466, %mul3A_1452 : vector<16xf32>
    %add3A_1468 = arith.constant 2.000000e+00 : f32
    %add3A_1469 = vector.broadcast %add3A_1468 : f32 to vector<16xf32>
    %add3A_1470 = arith.addf %mul3A_1467, %add3A_1469 : vector<16xf32>
    %mul3A_1471 = arith.mulf %add3A_1470, %div3A_1451 : vector<16xf32>
    %add3A_1472 = arith.addf %max3A, %mul3A_1471 : vector<16xf32>
    %broadcast_in_dim3A_1473 = arith.constant 1.97285353E-5 : f32
    %broadcast_in_dim3A_1474 = vector.broadcast %broadcast_in_dim3A_1473 : f32 to vector<16xf32>
    %convert_element_type3A_1475 = arith.sitofp %and3A_1427 : vector<16xi32> to vector<16xf32>
    %mul3A_1476 = arith.mulf %broadcast_in_dim3A_1474, %convert_element_type3A_1475 : vector<16xf32>
    %sub3A_1477 = arith.subf %broadcast_in_dim3A_1474, %mul3A_1476 : vector<16xf32>
    %mul3A_1478 = arith.mulf %broadcast_in_dim3A_1474, %add3A_1472 : vector<16xf32>
    %add3A_1479 = arith.addf %broadcast_in_dim3A_1399, %mul3A_1478 : vector<16xf32>
    %mul3A_1480 = arith.mulf %sub3A_1477, %div3A : vector<16xf32>
    %sub3A_1481 = arith.subf %add3A_1479, %mul3A_1480 : vector<16xf32>
    %mul3A_1482 = arith.mulf %mul3A_1476, %div3A_1445 : vector<16xf32>
    %sub3A_1483 = arith.subf %sub3A_1481, %mul3A_1482 : vector<16xf32>
    %add3A_1484 = arith.constant 1 : i32
    %add3A_1485 = vector.broadcast %add3A_1484 : i32 to vector<16xi32>
    %add3A_1486 = arith.addi %mul3A_1397, %add3A_1485 : vector<16xi32>
    %gather3A_1487 = tpu.vector_load_idx %arg7[%add3A_1486] : memref<700xi32, #tpu.memory_space<vmem>>[vector<16xi32>], vector<16xi32>,
    %and3A_1488 = arith.constant 255 : i32
    %and3A_1489 = vector.broadcast %and3A_1488 : i32 to vector<16xi32>
    %and3A_1490 = arith.andi %gather3A_1487, %and3A_1489 : vector<16xi32>
    %shift_right_logical3A_1491 = arith.constant 8 : i32
    %shift_right_logical3A_1492 = vector.broadcast %shift_right_logical3A_1491 : i32 to vector<16xi32>
    %shift_right_logical3A_1493 = arith.shrui %gather3A_1487, %shift_right_logical3A_1492 : vector<16xi32>
    %and3A_1494 = arith.constant 255 : i32
    %and3A_1495 = vector.broadcast %and3A_1494 : i32 to vector<16xi32>
    %and3A_1496 = arith.andi %shift_right_logical3A_1493, %and3A_1495 : vector<16xi32>
    %shift_right_logical3A_1497 = arith.constant 16 : i32
    %shift_right_logical3A_1498 = vector.broadcast %shift_right_logical3A_1497 : i32 to vector<16xi32>
    %shift_right_logical3A_1499 = arith.shrui %gather3A_1487, %shift_right_logical3A_1498 : vector<16xi32>
    %and3A_1500 = arith.constant 63 : i32
    %and3A_1501 = vector.broadcast %and3A_1500 : i32 to vector<16xi32>
    %and3A_1502 = arith.andi %shift_right_logical3A_1499, %and3A_1501 : vector<16xi32>
    %shift_right_logical3A_1503 = arith.constant 22 : i32
    %shift_right_logical3A_1504 = vector.broadcast %shift_right_logical3A_1503 : i32 to vector<16xi32>
    %shift_right_logical3A_1505 = arith.shrui %gather3A_1487, %shift_right_logical3A_1504 : vector<16xi32>
    %and3A_1506 = arith.constant 63 : i32
    %and3A_1507 = vector.broadcast %and3A_1506 : i32 to vector<16xi32>
    %and3A_1508 = arith.andi %shift_right_logical3A_1505, %and3A_1507 : vector<16xi32>
    %shift_right_logical3A_1509 = arith.constant 28 : i32
    %shift_right_logical3A_1510 = vector.broadcast %shift_right_logical3A_1509 : i32 to vector<16xi32>
    %shift_right_logical3A_1511 = arith.shrui %gather3A_1487, %shift_right_logical3A_1510 : vector<16xi32>
    %and3A_1512 = arith.constant 1 : i32
    %and3A_1513 = vector.broadcast %and3A_1512 : i32 to vector<16xi32>
    %and3A_1514 = arith.andi %shift_right_logical3A_1511, %and3A_1513 : vector<16xi32>
    %shift_right_logical3A_1515 = arith.constant 29 : i32
    %shift_right_logical3A_1516 = vector.broadcast %shift_right_logical3A_1515 : i32 to vector<16xi32>
    %shift_right_logical3A_1517 = arith.shrui %gather3A_1487, %shift_right_logical3A_1516 : vector<16xi32>
    %and3A_1518 = arith.constant 1 : i32
    %and3A_1519 = vector.broadcast %and3A_1518 : i32 to vector<16xi32>
    %and3A_1520 = arith.andi %shift_right_logical3A_1517, %and3A_1519 : vector<16xi32>
    %mul3A_1521 = arith.constant 32 : i32
    %mul3A_1522 = vector.broadcast %mul3A_1521 : i32 to vector<16xi32>
    %mul3A_1523 = arith.muli %and3A_1490, %mul3A_1522 : vector<16xi32>
    %add3A_1524 = arith.addi %mul3A_1523, %add3A_1392 : vector<16xi32>
    %gather3A_1525 = tpu.vector_load_idx %arg6[%add3A_1524] : memref<6400xf32, #tpu.memory_space<vmem>>[vector<16xi32>], vector<16xf32>,
    %mul3A_1526 = arith.constant 32 : i32
    %mul3A_1527 = vector.broadcast %mul3A_1526 : i32 to vector<16xi32>
    %mul3A_1528 = arith.muli %and3A_1496, %mul3A_1527 : vector<16xi32>
    %add3A_1529 = arith.addi %mul3A_1528, %add3A_1392 : vector<16xi32>
    %gather3A_1530 = tpu.vector_load_idx %arg6[%add3A_1529] : memref<6400xf32, #tpu.memory_space<vmem>>[vector<16xi32>], vector<16xf32>,
    %convert_element_type3A_1531 = arith.sitofp %and3A_1502 : vector<16xi32> to vector<16xf32>
    %div3A_1532 = arith.divf %gather3A_1525, %convert_element_type3A_1531 : vector<16xf32>
    %convert_element_type3A_1533 = arith.sitofp %and3A_1508 : vector<16xi32> to vector<16xf32>
    %div3A_1534 = arith.divf %gather3A_1530, %convert_element_type3A_1533 : vector<16xf32>
    %max3A_1535 = arith.maximumf %div3A_1532, %div3A_1534 : vector<16xf32>
    %sub3A_1536 = arith.subf %div3A_1532, %div3A_1534 : vector<16xf32>
    %abs3A_1537 = math.absf %sub3A_1536 : vector<16xf32>
    %neg3A_1538 = arith.constant 0.000000e+00 : f32
    %neg3A_1539 = vector.broadcast %neg3A_1538 : f32 to vector<16xf32>
    %neg3A_1540 = arith.subf %neg3A_1539, %abs3A_1537 : vector<16xf32>
    %exp3A_1541 = math.exp %neg3A_1540 : vector<16xf32>
    %add3A_1542 = arith.constant 2.000000e+00 : f32
    %add3A_1543 = vector.broadcast %add3A_1542 : f32 to vector<16xf32>
    %add3A_1544 = arith.addf %exp3A_1541, %add3A_1543 : vector<16xf32>
    %div3A_1545 = arith.divf %exp3A_1541, %add3A_1544 : vector<16xf32>
    %mul3A_1546 = arith.mulf %div3A_1545, %div3A_1545 : vector<16xf32>
    %mul3A_1547 = arith.constant 0.222222224 : f32
    %mul3A_1548 = vector.broadcast %mul3A_1547 : f32 to vector<16xf32>
    %mul3A_1549 = arith.mulf %mul3A_1546, %mul3A_1548 : vector<16xf32>
    %add3A_1550 = arith.constant 0.285714298 : f32
    %add3A_1551 = vector.broadcast %add3A_1550 : f32 to vector<16xf32>
    %add3A_1552 = arith.addf %mul3A_1549, %add3A_1551 : vector<16xf32>
    %mul3A_1553 = arith.mulf %add3A_1552, %mul3A_1546 : vector<16xf32>
    %add3A_1554 = arith.constant 4.000000e-01 : f32
    %add3A_1555 = vector.broadcast %add3A_1554 : f32 to vector<16xf32>
    %add3A_1556 = arith.addf %mul3A_1553, %add3A_1555 : vector<16xf32>
    %mul3A_1557 = arith.mulf %add3A_1556, %mul3A_1546 : vector<16xf32>
    %add3A_1558 = arith.constant 0.666666686 : f32
    %add3A_1559 = vector.broadcast %add3A_1558 : f32 to vector<16xf32>
    %add3A_1560 = arith.addf %mul3A_1557, %add3A_1559 : vector<16xf32>
    %mul3A_1561 = arith.mulf %add3A_1560, %mul3A_1546 : vector<16xf32>
    %add3A_1562 = arith.constant 2.000000e+00 : f32
    %add3A_1563 = vector.broadcast %add3A_1562 : f32 to vector<16xf32>
    %add3A_1564 = arith.addf %mul3A_1561, %add3A_1563 : vector<16xf32>
    %mul3A_1565 = arith.mulf %add3A_1564, %div3A_1545 : vector<16xf32>
    %add3A_1566 = arith.addf %max3A_1535, %mul3A_1565 : vector<16xf32>
    %broadcast_in_dim3A_1567 = arith.constant 1.97285353E-5 : f32
    %broadcast_in_dim3A_1568 = vector.broadcast %broadcast_in_dim3A_1567 : f32 to vector<16xf32>
    %convert_element_type3A_1569 = arith.sitofp %and3A_1514 : vector<16xi32> to vector<16xf32>
    %mul3A_1570 = arith.mulf %broadcast_in_dim3A_1568, %convert_element_type3A_1569 : vector<16xf32>
    %sub3A_1571 = arith.subf %broadcast_in_dim3A_1568, %mul3A_1570 : vector<16xf32>
    %mul3A_1572 = arith.mulf %broadcast_in_dim3A_1568, %add3A_1566 : vector<16xf32>
    %add3A_1573 = arith.addf %sub3A_1483, %mul3A_1572 : vector<16xf32>
    %mul3A_1574 = arith.mulf %sub3A_1571, %div3A_1532 : vector<16xf32>
    %sub3A_1575 = arith.subf %add3A_1573, %mul3A_1574 : vector<16xf32>
    %mul3A_1576 = arith.mulf %mul3A_1570, %div3A_1534 : vector<16xf32>
    %sub3A_1577 = arith.subf %sub3A_1575, %mul3A_1576 : vector<16xf32>
    %add3A_1578 = arith.constant 2 : i32
    %add3A_1579 = vector.broadcast %add3A_1578 : i32 to vector<16xi32>
    %add3A_1580 = arith.addi %mul3A_1397, %add3A_1579 : vector<16xi32>
    %gather3A_1581 = tpu.vector_load_idx %arg7[%add3A_1580] : memref<700xi32, #tpu.memory_space<vmem>>[vector<16xi32>], vector<16xi32>,
    %and3A_1582 = arith.constant 255 : i32
    %and3A_1583 = vector.broadcast %and3A_1582 : i32 to vector<16xi32>
    %and3A_1584 = arith.andi %gather3A_1581, %and3A_1583 : vector<16xi32>
    %shift_right_logical3A_1585 = arith.constant 8 : i32
    %shift_right_logical3A_1586 = vector.broadcast %shift_right_logical3A_1585 : i32 to vector<16xi32>
    %shift_right_logical3A_1587 = arith.shrui %gather3A_1581, %shift_right_logical3A_1586 : vector<16xi32>
    %and3A_1588 = arith.constant 255 : i32
    %and3A_1589 = vector.broadcast %and3A_1588 : i32 to vector<16xi32>
    %and3A_1590 = arith.andi %shift_right_logical3A_1587, %and3A_1589 : vector<16xi32>
    %shift_right_logical3A_1591 = arith.constant 16 : i32
    %shift_right_logical3A_1592 = vector.broadcast %shift_right_logical3A_1591 : i32 to vector<16xi32>
    %shift_right_logical3A_1593 = arith.shrui %gather3A_1581, %shift_right_logical3A_1592 : vector<16xi32>
    %and3A_1594 = arith.constant 63 : i32
    %and3A_1595 = vector.broadcast %and3A_1594 : i32 to vector<16xi32>
    %and3A_1596 = arith.andi %shift_right_logical3A_1593, %and3A_1595 : vector<16xi32>
    %shift_right_logical3A_1597 = arith.constant 22 : i32
    %shift_right_logical3A_1598 = vector.broadcast %shift_right_logical3A_1597 : i32 to vector<16xi32>
    %shift_right_logical3A_1599 = arith.shrui %gather3A_1581, %shift_right_logical3A_1598 : vector<16xi32>
    %and3A_1600 = arith.constant 63 : i32
    %and3A_1601 = vector.broadcast %and3A_1600 : i32 to vector<16xi32>
    %and3A_1602 = arith.andi %shift_right_logical3A_1599, %and3A_1601 : vector<16xi32>
    %shift_right_logical3A_1603 = arith.constant 28 : i32
    %shift_right_logical3A_1604 = vector.broadcast %shift_right_logical3A_1603 : i32 to vector<16xi32>
    %shift_right_logical3A_1605 = arith.shrui %gather3A_1581, %shift_right_logical3A_1604 : vector<16xi32>
    %and3A_1606 = arith.constant 1 : i32
    %and3A_1607 = vector.broadcast %and3A_1606 : i32 to vector<16xi32>
    %and3A_1608 = arith.andi %shift_right_logical3A_1605, %and3A_1607 : vector<16xi32>
    %shift_right_logical3A_1609 = arith.constant 29 : i32
    %shift_right_logical3A_1610 = vector.broadcast %shift_right_logical3A_1609 : i32 to vector<16xi32>
    %shift_right_logical3A_1611 = arith.shrui %gather3A_1581, %shift_right_logical3A_1610 : vector<16xi32>
    %and3A_1612 = arith.constant 1 : i32
    %and3A_1613 = vector.broadcast %and3A_1612 : i32 to vector<16xi32>
    %and3A_1614 = arith.andi %shift_right_logical3A_1611, %and3A_1613 : vector<16xi32>
    %mul3A_1615 = arith.constant 32 : i32
    %mul3A_1616 = vector.broadcast %mul3A_1615 : i32 to vector<16xi32>
    %mul3A_1617 = arith.muli %and3A_1584, %mul3A_1616 : vector<16xi32>
    %add3A_1618 = arith.addi %mul3A_1617, %add3A_1392 : vector<16xi32>
    %gather3A_1619 = tpu.vector_load_idx %arg6[%add3A_1618] : memref<6400xf32, #tpu.memory_space<vmem>>[vector<16xi32>], vector<16xf32>,
    %mul3A_1620 = arith.constant 32 : i32
    %mul3A_1621 = vector.broadcast %mul3A_1620 : i32 to vector<16xi32>
    %mul3A_1622 = arith.muli %and3A_1590, %mul3A_1621 : vector<16xi32>
    %add3A_1623 = arith.addi %mul3A_1622, %add3A_1392 : vector<16xi32>
    %gather3A_1624 = tpu.vector_load_idx %arg6[%add3A_1623] : memref<6400xf32, #tpu.memory_space<vmem>>[vector<16xi32>], vector<16xf32>,
    %convert_element_type3A_1625 = arith.sitofp %and3A_1596 : vector<16xi32> to vector<16xf32>
    %div3A_1626 = arith.divf %gather3A_1619, %convert_element_type3A_1625 : vector<16xf32>
    %convert_element_type3A_1627 = arith.sitofp %and3A_1602 : vector<16xi32> to vector<16xf32>
    %div3A_1628 = arith.divf %gather3A_1624, %convert_element_type3A_1627 : vector<16xf32>
    %max3A_1629 = arith.maximumf %div3A_1626, %div3A_1628 : vector<16xf32>
    %sub3A_1630 = arith.subf %div3A_1626, %div3A_1628 : vector<16xf32>
    %abs3A_1631 = math.absf %sub3A_1630 : vector<16xf32>
    %neg3A_1632 = arith.constant 0.000000e+00 : f32
    %neg3A_1633 = vector.broadcast %neg3A_1632 : f32 to vector<16xf32>
    %neg3A_1634 = arith.subf %neg3A_1633, %abs3A_1631 : vector<16xf32>
    %exp3A_1635 = math.exp %neg3A_1634 : vector<16xf32>
    %add3A_1636 = arith.constant 2.000000e+00 : f32
    %add3A_1637 = vector.broadcast %add3A_1636 : f32 to vector<16xf32>
    %add3A_1638 = arith.addf %exp3A_1635, %add3A_1637 : vector<16xf32>
    %div3A_1639 = arith.divf %exp3A_1635, %add3A_1638 : vector<16xf32>
    %mul3A_1640 = arith.mulf %div3A_1639, %div3A_1639 : vector<16xf32>
    %mul3A_1641 = arith.constant 0.222222224 : f32
    %mul3A_1642 = vector.broadcast %mul3A_1641 : f32 to vector<16xf32>
    %mul3A_1643 = arith.mulf %mul3A_1640, %mul3A_1642 : vector<16xf32>
    %add3A_1644 = arith.constant 0.285714298 : f32
    %add3A_1645 = vector.broadcast %add3A_1644 : f32 to vector<16xf32>
    %add3A_1646 = arith.addf %mul3A_1643, %add3A_1645 : vector<16xf32>
    %mul3A_1647 = arith.mulf %add3A_1646, %mul3A_1640 : vector<16xf32>
    %add3A_1648 = arith.constant 4.000000e-01 : f32
    %add3A_1649 = vector.broadcast %add3A_1648 : f32 to vector<16xf32>
    %add3A_1650 = arith.addf %mul3A_1647, %add3A_1649 : vector<16xf32>
    %mul3A_1651 = arith.mulf %add3A_1650, %mul3A_1640 : vector<16xf32>
    %add3A_1652 = arith.constant 0.666666686 : f32
    %add3A_1653 = vector.broadcast %add3A_1652 : f32 to vector<16xf32>
    %add3A_1654 = arith.addf %mul3A_1651, %add3A_1653 : vector<16xf32>
    %mul3A_1655 = arith.mulf %add3A_1654, %mul3A_1640 : vector<16xf32>
    %add3A_1656 = arith.constant 2.000000e+00 : f32
    %add3A_1657 = vector.broadcast %add3A_1656 : f32 to vector<16xf32>
    %add3A_1658 = arith.addf %mul3A_1655, %add3A_1657 : vector<16xf32>
    %mul3A_1659 = arith.mulf %add3A_1658, %div3A_1639 : vector<16xf32>
    %add3A_1660 = arith.addf %max3A_1629, %mul3A_1659 : vector<16xf32>
    %broadcast_in_dim3A_1661 = arith.constant 1.97285353E-5 : f32
    %broadcast_in_dim3A_1662 = vector.broadcast %broadcast_in_dim3A_1661 : f32 to vector<16xf32>
    %convert_element_type3A_1663 = arith.sitofp %and3A_1608 : vector<16xi32> to vector<16xf32>
    %mul3A_1664 = arith.mulf %broadcast_in_dim3A_1662, %convert_element_type3A_1663 : vector<16xf32>
    %sub3A_1665 = arith.subf %broadcast_in_dim3A_1662, %mul3A_1664 : vector<16xf32>
    %mul3A_1666 = arith.mulf %broadcast_in_dim3A_1662, %add3A_1660 : vector<16xf32>
    %add3A_1667 = arith.addf %sub3A_1577, %mul3A_1666 : vector<16xf32>
    %mul3A_1668 = arith.mulf %sub3A_1665, %div3A_1626 : vector<16xf32>
    %sub3A_1669 = arith.subf %add3A_1667, %mul3A_1668 : vector<16xf32>
    %mul3A_1670 = arith.mulf %mul3A_1664, %div3A_1628 : vector<16xf32>
    %sub3A_1671 = arith.subf %sub3A_1669, %mul3A_1670 : vector<16xf32>
    %add3A_1672 = arith.constant 3 : i32
    %add3A_1673 = vector.broadcast %add3A_1672 : i32 to vector<16xi32>
    %add3A_1674 = arith.addi %mul3A_1397, %add3A_1673 : vector<16xi32>
    %gather3A_1675 = tpu.vector_load_idx %arg7[%add3A_1674] : memref<700xi32, #tpu.memory_space<vmem>>[vector<16xi32>], vector<16xi32>,
    %and3A_1676 = arith.constant 255 : i32
    %and3A_1677 = vector.broadcast %and3A_1676 : i32 to vector<16xi32>
    %and3A_1678 = arith.andi %gather3A_1675, %and3A_1677 : vector<16xi32>
    %shift_right_logical3A_1679 = arith.constant 8 : i32
    %shift_right_logical3A_1680 = vector.broadcast %shift_right_logical3A_1679 : i32 to vector<16xi32>
    %shift_right_logical3A_1681 = arith.shrui %gather3A_1675, %shift_right_logical3A_1680 : vector<16xi32>
    %and3A_1682 = arith.constant 255 : i32
    %and3A_1683 = vector.broadcast %and3A_1682 : i32 to vector<16xi32>
    %and3A_1684 = arith.andi %shift_right_logical3A_1681, %and3A_1683 : vector<16xi32>
    %shift_right_logical3A_1685 = arith.constant 16 : i32
    %shift_right_logical3A_1686 = vector.broadcast %shift_right_logical3A_1685 : i32 to vector<16xi32>
    %shift_right_logical3A_1687 = arith.shrui %gather3A_1675, %shift_right_logical3A_1686 : vector<16xi32>
    %and3A_1688 = arith.constant 63 : i32
    %and3A_1689 = vector.broadcast %and3A_1688 : i32 to vector<16xi32>
    %and3A_1690 = arith.andi %shift_right_logical3A_1687, %and3A_1689 : vector<16xi32>
    %shift_right_logical3A_1691 = arith.constant 22 : i32
    %shift_right_logical3A_1692 = vector.broadcast %shift_right_logical3A_1691 : i32 to vector<16xi32>
    %shift_right_logical3A_1693 = arith.shrui %gather3A_1675, %shift_right_logical3A_1692 : vector<16xi32>
    %and3A_1694 = arith.constant 63 : i32
    %and3A_1695 = vector.broadcast %and3A_1694 : i32 to vector<16xi32>
    %and3A_1696 = arith.andi %shift_right_logical3A_1693, %and3A_1695 : vector<16xi32>
    %shift_right_logical3A_1697 = arith.constant 28 : i32
    %shift_right_logical3A_1698 = vector.broadcast %shift_right_logical3A_1697 : i32 to vector<16xi32>
    %shift_right_logical3A_1699 = arith.shrui %gather3A_1675, %shift_right_logical3A_1698 : vector<16xi32>
    %and3A_1700 = arith.constant 1 : i32
    %and3A_1701 = vector.broadcast %and3A_1700 : i32 to vector<16xi32>
    %and3A_1702 = arith.andi %shift_right_logical3A_1699, %and3A_1701 : vector<16xi32>
    %shift_right_logical3A_1703 = arith.constant 29 : i32
    %shift_right_logical3A_1704 = vector.broadcast %shift_right_logical3A_1703 : i32 to vector<16xi32>
    %shift_right_logical3A_1705 = arith.shrui %gather3A_1675, %shift_right_logical3A_1704 : vector<16xi32>
    %and3A_1706 = arith.constant 1 : i32
    %and3A_1707 = vector.broadcast %and3A_1706 : i32 to vector<16xi32>
    %and3A_1708 = arith.andi %shift_right_logical3A_1705, %and3A_1707 : vector<16xi32>
    %mul3A_1709 = arith.constant 32 : i32
    %mul3A_1710 = vector.broadcast %mul3A_1709 : i32 to vector<16xi32>
    %mul3A_1711 = arith.muli %and3A_1678, %mul3A_1710 : vector<16xi32>
    %add3A_1712 = arith.addi %mul3A_1711, %add3A_1392 : vector<16xi32>
    %gather3A_1713 = tpu.vector_load_idx %arg6[%add3A_1712] : memref<6400xf32, #tpu.memory_space<vmem>>[vector<16xi32>], vector<16xf32>,
    %mul3A_1714 = arith.constant 32 : i32
    %mul3A_1715 = vector.broadcast %mul3A_1714 : i32 to vector<16xi32>
    %mul3A_1716 = arith.muli %and3A_1684, %mul3A_1715 : vector<16xi32>
    %add3A_1717 = arith.addi %mul3A_1716, %add3A_1392 : vector<16xi32>
    %gather3A_1718 = tpu.vector_load_idx %arg6[%add3A_1717] : memref<6400xf32, #tpu.memory_space<vmem>>[vector<16xi32>], vector<16xf32>,
    %convert_element_type3A_1719 = arith.sitofp %and3A_1690 : vector<16xi32> to vector<16xf32>
    %div3A_1720 = arith.divf %gather3A_1713, %convert_element_type3A_1719 : vector<16xf32>
    %convert_element_type3A_1721 = arith.sitofp %and3A_1696 : vector<16xi32> to vector<16xf32>
    %div3A_1722 = arith.divf %gather3A_1718, %convert_element_type3A_1721 : vector<16xf32>
    %max3A_1723 = arith.maximumf %div3A_1720, %div3A_1722 : vector<16xf32>
    %sub3A_1724 = arith.subf %div3A_1720, %div3A_1722 : vector<16xf32>
    %abs3A_1725 = math.absf %sub3A_1724 : vector<16xf32>
    %neg3A_1726 = arith.constant 0.000000e+00 : f32
    %neg3A_1727 = vector.broadcast %neg3A_1726 : f32 to vector<16xf32>
    %neg3A_1728 = arith.subf %neg3A_1727, %abs3A_1725 : vector<16xf32>
    %exp3A_1729 = math.exp %neg3A_1728 : vector<16xf32>
    %add3A_1730 = arith.constant 2.000000e+00 : f32
    %add3A_1731 = vector.broadcast %add3A_1730 : f32 to vector<16xf32>
    %add3A_1732 = arith.addf %exp3A_1729, %add3A_1731 : vector<16xf32>
    %div3A_1733 = arith.divf %exp3A_1729, %add3A_1732 : vector<16xf32>
    %mul3A_1734 = arith.mulf %div3A_1733, %div3A_1733 : vector<16xf32>
    %mul3A_1735 = arith.constant 0.222222224 : f32
    %mul3A_1736 = vector.broadcast %mul3A_1735 : f32 to vector<16xf32>
    %mul3A_1737 = arith.mulf %mul3A_1734, %mul3A_1736 : vector<16xf32>
    %add3A_1738 = arith.constant 0.285714298 : f32
    %add3A_1739 = vector.broadcast %add3A_1738 : f32 to vector<16xf32>
    %add3A_1740 = arith.addf %mul3A_1737, %add3A_1739 : vector<16xf32>
    %mul3A_1741 = arith.mulf %add3A_1740, %mul3A_1734 : vector<16xf32>
    %add3A_1742 = arith.constant 4.000000e-01 : f32
    %add3A_1743 = vector.broadcast %add3A_1742 : f32 to vector<16xf32>
    %add3A_1744 = arith.addf %mul3A_1741, %add3A_1743 : vector<16xf32>
    %mul3A_1745 = arith.mulf %add3A_1744, %mul3A_1734 : vector<16xf32>
    %add3A_1746 = arith.constant 0.666666686 : f32
    %add3A_1747 = vector.broadcast %add3A_1746 : f32 to vector<16xf32>
    %add3A_1748 = arith.addf %mul3A_1745, %add3A_1747 : vector<16xf32>
    %mul3A_1749 = arith.mulf %add3A_1748, %mul3A_1734 : vector<16xf32>
    %add3A_1750 = arith.constant 2.000000e+00 : f32
    %add3A_1751 = vector.broadcast %add3A_1750 : f32 to vector<16xf32>
    %add3A_1752 = arith.addf %mul3A_1749, %add3A_1751 : vector<16xf32>
    %mul3A_1753 = arith.mulf %add3A_1752, %div3A_1733 : vector<16xf32>
    %add3A_1754 = arith.addf %max3A_1723, %mul3A_1753 : vector<16xf32>
    %broadcast_in_dim3A_1755 = arith.constant 1.97285353E-5 : f32
    %broadcast_in_dim3A_1756 = vector.broadcast %broadcast_in_dim3A_1755 : f32 to vector<16xf32>
    %convert_element_type3A_1757 = arith.sitofp %and3A_1702 : vector<16xi32> to vector<16xf32>
    %mul3A_1758 = arith.mulf %broadcast_in_dim3A_1756, %convert_element_type3A_1757 : vector<16xf32>
    %sub3A_1759 = arith.subf %broadcast_in_dim3A_1756, %mul3A_1758 : vector<16xf32>
    %mul3A_1760 = arith.mulf %broadcast_in_dim3A_1756, %add3A_1754 : vector<16xf32>
    %add3A_1761 = arith.addf %sub3A_1671, %mul3A_1760 : vector<16xf32>
    %mul3A_1762 = arith.mulf %sub3A_1759, %div3A_1720 : vector<16xf32>
    %sub3A_1763 = arith.subf %add3A_1761, %mul3A_1762 : vector<16xf32>
    %mul3A_1764 = arith.mulf %mul3A_1758, %div3A_1722 : vector<16xf32>
    %sub3A_1765 = arith.subf %sub3A_1763, %mul3A_1764 : vector<16xf32>
    %add3A_1766 = arith.constant 4 : i32
    %add3A_1767 = vector.broadcast %add3A_1766 : i32 to vector<16xi32>
    %add3A_1768 = arith.addi %mul3A_1397, %add3A_1767 : vector<16xi32>
    %gather3A_1769 = tpu.vector_load_idx %arg7[%add3A_1768] : memref<700xi32, #tpu.memory_space<vmem>>[vector<16xi32>], vector<16xi32>,
    %and3A_1770 = arith.constant 255 : i32
    %and3A_1771 = vector.broadcast %and3A_1770 : i32 to vector<16xi32>
    %and3A_1772 = arith.andi %gather3A_1769, %and3A_1771 : vector<16xi32>
    %shift_right_logical3A_1773 = arith.constant 8 : i32
    %shift_right_logical3A_1774 = vector.broadcast %shift_right_logical3A_1773 : i32 to vector<16xi32>
    %shift_right_logical3A_1775 = arith.shrui %gather3A_1769, %shift_right_logical3A_1774 : vector<16xi32>
    %and3A_1776 = arith.constant 255 : i32
    %and3A_1777 = vector.broadcast %and3A_1776 : i32 to vector<16xi32>
    %and3A_1778 = arith.andi %shift_right_logical3A_1775, %and3A_1777 : vector<16xi32>
    %shift_right_logical3A_1779 = arith.constant 16 : i32
    %shift_right_logical3A_1780 = vector.broadcast %shift_right_logical3A_1779 : i32 to vector<16xi32>
    %shift_right_logical3A_1781 = arith.shrui %gather3A_1769, %shift_right_logical3A_1780 : vector<16xi32>
    %and3A_1782 = arith.constant 63 : i32
    %and3A_1783 = vector.broadcast %and3A_1782 : i32 to vector<16xi32>
    %and3A_1784 = arith.andi %shift_right_logical3A_1781, %and3A_1783 : vector<16xi32>
    %shift_right_logical3A_1785 = arith.constant 22 : i32
    %shift_right_logical3A_1786 = vector.broadcast %shift_right_logical3A_1785 : i32 to vector<16xi32>
    %shift_right_logical3A_1787 = arith.shrui %gather3A_1769, %shift_right_logical3A_1786 : vector<16xi32>
    %and3A_1788 = arith.constant 63 : i32
    %and3A_1789 = vector.broadcast %and3A_1788 : i32 to vector<16xi32>
    %and3A_1790 = arith.andi %shift_right_logical3A_1787, %and3A_1789 : vector<16xi32>
    %shift_right_logical3A_1791 = arith.constant 28 : i32
    %shift_right_logical3A_1792 = vector.broadcast %shift_right_logical3A_1791 : i32 to vector<16xi32>
    %shift_right_logical3A_1793 = arith.shrui %gather3A_1769, %shift_right_logical3A_1792 : vector<16xi32>
    %and3A_1794 = arith.constant 1 : i32
    %and3A_1795 = vector.broadcast %and3A_1794 : i32 to vector<16xi32>
    %and3A_1796 = arith.andi %shift_right_logical3A_1793, %and3A_1795 : vector<16xi32>
    %shift_right_logical3A_1797 = arith.constant 29 : i32
    %shift_right_logical3A_1798 = vector.broadcast %shift_right_logical3A_1797 : i32 to vector<16xi32>
    %shift_right_logical3A_1799 = arith.shrui %gather3A_1769, %shift_right_logical3A_1798 : vector<16xi32>
    %and3A_1800 = arith.constant 1 : i32
    %and3A_1801 = vector.broadcast %and3A_1800 : i32 to vector<16xi32>
    %and3A_1802 = arith.andi %shift_right_logical3A_1799, %and3A_1801 : vector<16xi32>
    %mul3A_1803 = arith.constant 32 : i32
    %mul3A_1804 = vector.broadcast %mul3A_1803 : i32 to vector<16xi32>
    %mul3A_1805 = arith.muli %and3A_1772, %mul3A_1804 : vector<16xi32>
    %add3A_1806 = arith.addi %mul3A_1805, %add3A_1392 : vector<16xi32>
    %gather3A_1807 = tpu.vector_load_idx %arg6[%add3A_1806] : memref<6400xf32, #tpu.memory_space<vmem>>[vector<16xi32>], vector<16xf32>,
    %mul3A_1808 = arith.constant 32 : i32
    %mul3A_1809 = vector.broadcast %mul3A_1808 : i32 to vector<16xi32>
    %mul3A_1810 = arith.muli %and3A_1778, %mul3A_1809 : vector<16xi32>
    %add3A_1811 = arith.addi %mul3A_1810, %add3A_1392 : vector<16xi32>
    %gather3A_1812 = tpu.vector_load_idx %arg6[%add3A_1811] : memref<6400xf32, #tpu.memory_space<vmem>>[vector<16xi32>], vector<16xf32>,
    %convert_element_type3A_1813 = arith.sitofp %and3A_1784 : vector<16xi32> to vector<16xf32>
    %div3A_1814 = arith.divf %gather3A_1807, %convert_element_type3A_1813 : vector<16xf32>
    %convert_element_type3A_1815 = arith.sitofp %and3A_1790 : vector<16xi32> to vector<16xf32>
    %div3A_1816 = arith.divf %gather3A_1812, %convert_element_type3A_1815 : vector<16xf32>
    %max3A_1817 = arith.maximumf %div3A_1814, %div3A_1816 : vector<16xf32>
    %sub3A_1818 = arith.subf %div3A_1814, %div3A_1816 : vector<16xf32>
    %abs3A_1819 = math.absf %sub3A_1818 : vector<16xf32>
    %neg3A_1820 = arith.constant 0.000000e+00 : f32
    %neg3A_1821 = vector.broadcast %neg3A_1820 : f32 to vector<16xf32>
    %neg3A_1822 = arith.subf %neg3A_1821, %abs3A_1819 : vector<16xf32>
    %exp3A_1823 = math.exp %neg3A_1822 : vector<16xf32>
    %add3A_1824 = arith.constant 2.000000e+00 : f32
    %add3A_1825 = vector.broadcast %add3A_1824 : f32 to vector<16xf32>
    %add3A_1826 = arith.addf %exp3A_1823, %add3A_1825 : vector<16xf32>
    %div3A_1827 = arith.divf %exp3A_1823, %add3A_1826 : vector<16xf32>
    %mul3A_1828 = arith.mulf %div3A_1827, %div3A_1827 : vector<16xf32>
    %mul3A_1829 = arith.constant 0.222222224 : f32
    %mul3A_1830 = vector.broadcast %mul3A_1829 : f32 to vector<16xf32>
    %mul3A_1831 = arith.mulf %mul3A_1828, %mul3A_1830 : vector<16xf32>
    %add3A_1832 = arith.constant 0.285714298 : f32
    %add3A_1833 = vector.broadcast %add3A_1832 : f32 to vector<16xf32>
    %add3A_1834 = arith.addf %mul3A_1831, %add3A_1833 : vector<16xf32>
    %mul3A_1835 = arith.mulf %add3A_1834, %mul3A_1828 : vector<16xf32>
    %add3A_1836 = arith.constant 4.000000e-01 : f32
    %add3A_1837 = vector.broadcast %add3A_1836 : f32 to vector<16xf32>
    %add3A_1838 = arith.addf %mul3A_1835, %add3A_1837 : vector<16xf32>
    %mul3A_1839 = arith.mulf %add3A_1838, %mul3A_1828 : vector<16xf32>
    %add3A_1840 = arith.constant 0.666666686 : f32
    %add3A_1841 = vector.broadcast %add3A_1840 : f32 to vector<16xf32>
    %add3A_1842 = arith.addf %mul3A_1839, %add3A_1841 : vector<16xf32>
    %mul3A_1843 = arith.mulf %add3A_1842, %mul3A_1828 : vector<16xf32>
    %add3A_1844 = arith.constant 2.000000e+00 : f32
    %add3A_1845 = vector.broadcast %add3A_1844 : f32 to vector<16xf32>
    %add3A_1846 = arith.addf %mul3A_1843, %add3A_1845 : vector<16xf32>
    %mul3A_1847 = arith.mulf %add3A_1846, %div3A_1827 : vector<16xf32>
    %add3A_1848 = arith.addf %max3A_1817, %mul3A_1847 : vector<16xf32>
    %broadcast_in_dim3A_1849 = arith.constant 1.97285353E-5 : f32
    %broadcast_in_dim3A_1850 = vector.broadcast %broadcast_in_dim3A_1849 : f32 to vector<16xf32>
    %convert_element_type3A_1851 = arith.sitofp %and3A_1796 : vector<16xi32> to vector<16xf32>
    %mul3A_1852 = arith.mulf %broadcast_in_dim3A_1850, %convert_element_type3A_1851 : vector<16xf32>
    %sub3A_1853 = arith.subf %broadcast_in_dim3A_1850, %mul3A_1852 : vector<16xf32>
    %mul3A_1854 = arith.mulf %broadcast_in_dim3A_1850, %add3A_1848 : vector<16xf32>
    %add3A_1855 = arith.addf %sub3A_1765, %mul3A_1854 : vector<16xf32>
    %mul3A_1856 = arith.mulf %sub3A_1853, %div3A_1814 : vector<16xf32>
    %sub3A_1857 = arith.subf %add3A_1855, %mul3A_1856 : vector<16xf32>
    %mul3A_1858 = arith.mulf %mul3A_1852, %div3A_1816 : vector<16xf32>
    %sub3A_1859 = arith.subf %sub3A_1857, %mul3A_1858 : vector<16xf32>
    %add3A_1860 = arith.constant 5 : i32
    %add3A_1861 = vector.broadcast %add3A_1860 : i32 to vector<16xi32>
    %add3A_1862 = arith.addi %mul3A_1397, %add3A_1861 : vector<16xi32>
    %gather3A_1863 = tpu.vector_load_idx %arg7[%add3A_1862] : memref<700xi32, #tpu.memory_space<vmem>>[vector<16xi32>], vector<16xi32>,
    %and3A_1864 = arith.constant 255 : i32
    %and3A_1865 = vector.broadcast %and3A_1864 : i32 to vector<16xi32>
    %and3A_1866 = arith.andi %gather3A_1863, %and3A_1865 : vector<16xi32>
    %shift_right_logical3A_1867 = arith.constant 8 : i32
    %shift_right_logical3A_1868 = vector.broadcast %shift_right_logical3A_1867 : i32 to vector<16xi32>
    %shift_right_logical3A_1869 = arith.shrui %gather3A_1863, %shift_right_logical3A_1868 : vector<16xi32>
    %and3A_1870 = arith.constant 255 : i32
    %and3A_1871 = vector.broadcast %and3A_1870 : i32 to vector<16xi32>
    %and3A_1872 = arith.andi %shift_right_logical3A_1869, %and3A_1871 : vector<16xi32>
    %shift_right_logical3A_1873 = arith.constant 16 : i32
    %shift_right_logical3A_1874 = vector.broadcast %shift_right_logical3A_1873 : i32 to vector<16xi32>
    %shift_right_logical3A_1875 = arith.shrui %gather3A_1863, %shift_right_logical3A_1874 : vector<16xi32>
    %and3A_1876 = arith.constant 63 : i32
    %and3A_1877 = vector.broadcast %and3A_1876 : i32 to vector<16xi32>
    %and3A_1878 = arith.andi %shift_right_logical3A_1875, %and3A_1877 : vector<16xi32>
    %shift_right_logical3A_1879 = arith.constant 22 : i32
    %shift_right_logical3A_1880 = vector.broadcast %shift_right_logical3A_1879 : i32 to vector<16xi32>
    %shift_right_logical3A_1881 = arith.shrui %gather3A_1863, %shift_right_logical3A_1880 : vector<16xi32>
    %and3A_1882 = arith.constant 63 : i32
    %and3A_1883 = vector.broadcast %and3A_1882 : i32 to vector<16xi32>
    %and3A_1884 = arith.andi %shift_right_logical3A_1881, %and3A_1883 : vector<16xi32>
    %shift_right_logical3A_1885 = arith.constant 28 : i32
    %shift_right_logical3A_1886 = vector.broadcast %shift_right_logical3A_1885 : i32 to vector<16xi32>
    %shift_right_logical3A_1887 = arith.shrui %gather3A_1863, %shift_right_logical3A_1886 : vector<16xi32>
    %and3A_1888 = arith.constant 1 : i32
    %and3A_1889 = vector.broadcast %and3A_1888 : i32 to vector<16xi32>
    %and3A_1890 = arith.andi %shift_right_logical3A_1887, %and3A_1889 : vector<16xi32>
    %shift_right_logical3A_1891 = arith.constant 29 : i32
    %shift_right_logical3A_1892 = vector.broadcast %shift_right_logical3A_1891 : i32 to vector<16xi32>
    %shift_right_logical3A_1893 = arith.shrui %gather3A_1863, %shift_right_logical3A_1892 : vector<16xi32>
    %and3A_1894 = arith.constant 1 : i32
    %and3A_1895 = vector.broadcast %and3A_1894 : i32 to vector<16xi32>
    %and3A_1896 = arith.andi %shift_right_logical3A_1893, %and3A_1895 : vector<16xi32>
    %mul3A_1897 = arith.constant 32 : i32
    %mul3A_1898 = vector.broadcast %mul3A_1897 : i32 to vector<16xi32>
    %mul3A_1899 = arith.muli %and3A_1866, %mul3A_1898 : vector<16xi32>
    %add3A_1900 = arith.addi %mul3A_1899, %add3A_1392 : vector<16xi32>
    %gather3A_1901 = tpu.vector_load_idx %arg6[%add3A_1900] : memref<6400xf32, #tpu.memory_space<vmem>>[vector<16xi32>], vector<16xf32>,
    %mul3A_1902 = arith.constant 32 : i32
    %mul3A_1903 = vector.broadcast %mul3A_1902 : i32 to vector<16xi32>
    %mul3A_1904 = arith.muli %and3A_1872, %mul3A_1903 : vector<16xi32>
    %add3A_1905 = arith.addi %mul3A_1904, %add3A_1392 : vector<16xi32>
    %gather3A_1906 = tpu.vector_load_idx %arg6[%add3A_1905] : memref<6400xf32, #tpu.memory_space<vmem>>[vector<16xi32>], vector<16xf32>,
    %convert_element_type3A_1907 = arith.sitofp %and3A_1878 : vector<16xi32> to vector<16xf32>
    %div3A_1908 = arith.divf %gather3A_1901, %convert_element_type3A_1907 : vector<16xf32>
    %convert_element_type3A_1909 = arith.sitofp %and3A_1884 : vector<16xi32> to vector<16xf32>
    %div3A_1910 = arith.divf %gather3A_1906, %convert_element_type3A_1909 : vector<16xf32>
    %max3A_1911 = arith.maximumf %div3A_1908, %div3A_1910 : vector<16xf32>
    %sub3A_1912 = arith.subf %div3A_1908, %div3A_1910 : vector<16xf32>
    %abs3A_1913 = math.absf %sub3A_1912 : vector<16xf32>
    %neg3A_1914 = arith.constant 0.000000e+00 : f32
    %neg3A_1915 = vector.broadcast %neg3A_1914 : f32 to vector<16xf32>
    %neg3A_1916 = arith.subf %neg3A_1915, %abs3A_1913 : vector<16xf32>
    %exp3A_1917 = math.exp %neg3A_1916 : vector<16xf32>
    %add3A_1918 = arith.constant 2.000000e+00 : f32
    %add3A_1919 = vector.broadcast %add3A_1918 : f32 to vector<16xf32>
    %add3A_1920 = arith.addf %exp3A_1917, %add3A_1919 : vector<16xf32>
    %div3A_1921 = arith.divf %exp3A_1917, %add3A_1920 : vector<16xf32>
    %mul3A_1922 = arith.mulf %div3A_1921, %div3A_1921 : vector<16xf32>
    %mul3A_1923 = arith.constant 0.222222224 : f32
    %mul3A_1924 = vector.broadcast %mul3A_1923 : f32 to vector<16xf32>
    %mul3A_1925 = arith.mulf %mul3A_1922, %mul3A_1924 : vector<16xf32>
    %add3A_1926 = arith.constant 0.285714298 : f32
    %add3A_1927 = vector.broadcast %add3A_1926 : f32 to vector<16xf32>
    %add3A_1928 = arith.addf %mul3A_1925, %add3A_1927 : vector<16xf32>
    %mul3A_1929 = arith.mulf %add3A_1928, %mul3A_1922 : vector<16xf32>
    %add3A_1930 = arith.constant 4.000000e-01 : f32
    %add3A_1931 = vector.broadcast %add3A_1930 : f32 to vector<16xf32>
    %add3A_1932 = arith.addf %mul3A_1929, %add3A_1931 : vector<16xf32>
    %mul3A_1933 = arith.mulf %add3A_1932, %mul3A_1922 : vector<16xf32>
    %add3A_1934 = arith.constant 0.666666686 : f32
    %add3A_1935 = vector.broadcast %add3A_1934 : f32 to vector<16xf32>
    %add3A_1936 = arith.addf %mul3A_1933, %add3A_1935 : vector<16xf32>
    %mul3A_1937 = arith.mulf %add3A_1936, %mul3A_1922 : vector<16xf32>
    %add3A_1938 = arith.constant 2.000000e+00 : f32
    %add3A_1939 = vector.broadcast %add3A_1938 : f32 to vector<16xf32>
    %add3A_1940 = arith.addf %mul3A_1937, %add3A_1939 : vector<16xf32>
    %mul3A_1941 = arith.mulf %add3A_1940, %div3A_1921 : vector<16xf32>
    %add3A_1942 = arith.addf %max3A_1911, %mul3A_1941 : vector<16xf32>
    %broadcast_in_dim3A_1943 = arith.constant 1.97285353E-5 : f32
    %broadcast_in_dim3A_1944 = vector.broadcast %broadcast_in_dim3A_1943 : f32 to vector<16xf32>
    %convert_element_type3A_1945 = arith.sitofp %and3A_1890 : vector<16xi32> to vector<16xf32>
    %mul3A_1946 = arith.mulf %broadcast_in_dim3A_1944, %convert_element_type3A_1945 : vector<16xf32>
    %sub3A_1947 = arith.subf %broadcast_in_dim3A_1944, %mul3A_1946 : vector<16xf32>
    %mul3A_1948 = arith.mulf %broadcast_in_dim3A_1944, %add3A_1942 : vector<16xf32>
    %add3A_1949 = arith.addf %sub3A_1859, %mul3A_1948 : vector<16xf32>
    %mul3A_1950 = arith.mulf %sub3A_1947, %div3A_1908 : vector<16xf32>
    %sub3A_1951 = arith.subf %add3A_1949, %mul3A_1950 : vector<16xf32>
    %mul3A_1952 = arith.mulf %mul3A_1946, %div3A_1910 : vector<16xf32>
    %sub3A_1953 = arith.subf %sub3A_1951, %mul3A_1952 : vector<16xf32>
    %add3A_1954 = arith.constant 6 : i32
    %add3A_1955 = vector.broadcast %add3A_1954 : i32 to vector<16xi32>
    %add3A_1956 = arith.addi %mul3A_1397, %add3A_1955 : vector<16xi32>
    %gather3A_1957 = tpu.vector_load_idx %arg7[%add3A_1956] : memref<700xi32, #tpu.memory_space<vmem>>[vector<16xi32>], vector<16xi32>,
    %and3A_1958 = arith.constant 255 : i32
    %and3A_1959 = vector.broadcast %and3A_1958 : i32 to vector<16xi32>
    %and3A_1960 = arith.andi %gather3A_1957, %and3A_1959 : vector<16xi32>
    %shift_right_logical3A_1961 = arith.constant 8 : i32
    %shift_right_logical3A_1962 = vector.broadcast %shift_right_logical3A_1961 : i32 to vector<16xi32>
    %shift_right_logical3A_1963 = arith.shrui %gather3A_1957, %shift_right_logical3A_1962 : vector<16xi32>
    %and3A_1964 = arith.constant 255 : i32
    %and3A_1965 = vector.broadcast %and3A_1964 : i32 to vector<16xi32>
    %and3A_1966 = arith.andi %shift_right_logical3A_1963, %and3A_1965 : vector<16xi32>
    %shift_right_logical3A_1967 = arith.constant 16 : i32
    %shift_right_logical3A_1968 = vector.broadcast %shift_right_logical3A_1967 : i32 to vector<16xi32>
    %shift_right_logical3A_1969 = arith.shrui %gather3A_1957, %shift_right_logical3A_1968 : vector<16xi32>
    %and3A_1970 = arith.constant 63 : i32
    %and3A_1971 = vector.broadcast %and3A_1970 : i32 to vector<16xi32>
    %and3A_1972 = arith.andi %shift_right_logical3A_1969, %and3A_1971 : vector<16xi32>
    %shift_right_logical3A_1973 = arith.constant 22 : i32
    %shift_right_logical3A_1974 = vector.broadcast %shift_right_logical3A_1973 : i32 to vector<16xi32>
    %shift_right_logical3A_1975 = arith.shrui %gather3A_1957, %shift_right_logical3A_1974 : vector<16xi32>
    %and3A_1976 = arith.constant 63 : i32
    %and3A_1977 = vector.broadcast %and3A_1976 : i32 to vector<16xi32>
    %and3A_1978 = arith.andi %shift_right_logical3A_1975, %and3A_1977 : vector<16xi32>
    %shift_right_logical3A_1979 = arith.constant 28 : i32
    %shift_right_logical3A_1980 = vector.broadcast %shift_right_logical3A_1979 : i32 to vector<16xi32>
    %shift_right_logical3A_1981 = arith.shrui %gather3A_1957, %shift_right_logical3A_1980 : vector<16xi32>
    %and3A_1982 = arith.constant 1 : i32
    %and3A_1983 = vector.broadcast %and3A_1982 : i32 to vector<16xi32>
    %and3A_1984 = arith.andi %shift_right_logical3A_1981, %and3A_1983 : vector<16xi32>
    %shift_right_logical3A_1985 = arith.constant 29 : i32
    %shift_right_logical3A_1986 = vector.broadcast %shift_right_logical3A_1985 : i32 to vector<16xi32>
    %shift_right_logical3A_1987 = arith.shrui %gather3A_1957, %shift_right_logical3A_1986 : vector<16xi32>
    %and3A_1988 = arith.constant 1 : i32
    %and3A_1989 = vector.broadcast %and3A_1988 : i32 to vector<16xi32>
    %and3A_1990 = arith.andi %shift_right_logical3A_1987, %and3A_1989 : vector<16xi32>
    %mul3A_1991 = arith.constant 32 : i32
    %mul3A_1992 = vector.broadcast %mul3A_1991 : i32 to vector<16xi32>
    %mul3A_1993 = arith.muli %and3A_1960, %mul3A_1992 : vector<16xi32>
    %add3A_1994 = arith.addi %mul3A_1993, %add3A_1392 : vector<16xi32>
    %gather3A_1995 = tpu.vector_load_idx %arg6[%add3A_1994] : memref<6400xf32, #tpu.memory_space<vmem>>[vector<16xi32>], vector<16xf32>,
    %mul3A_1996 = arith.constant 32 : i32
    %mul3A_1997 = vector.broadcast %mul3A_1996 : i32 to vector<16xi32>
    %mul3A_1998 = arith.muli %and3A_1966, %mul3A_1997 : vector<16xi32>
    %add3A_1999 = arith.addi %mul3A_1998, %add3A_1392 : vector<16xi32>
    %gather3A_2000 = tpu.vector_load_idx %arg6[%add3A_1999] : memref<6400xf32, #tpu.memory_space<vmem>>[vector<16xi32>], vector<16xf32>,
    %convert_element_type3A_2001 = arith.sitofp %and3A_1972 : vector<16xi32> to vector<16xf32>
    %div3A_2002 = arith.divf %gather3A_1995, %convert_element_type3A_2001 : vector<16xf32>
    %convert_element_type3A_2003 = arith.sitofp %and3A_1978 : vector<16xi32> to vector<16xf32>
    %div3A_2004 = arith.divf %gather3A_2000, %convert_element_type3A_2003 : vector<16xf32>
    %max3A_2005 = arith.maximumf %div3A_2002, %div3A_2004 : vector<16xf32>
    %sub3A_2006 = arith.subf %div3A_2002, %div3A_2004 : vector<16xf32>
    %abs3A_2007 = math.absf %sub3A_2006 : vector<16xf32>
    %neg3A_2008 = arith.constant 0.000000e+00 : f32
    %neg3A_2009 = vector.broadcast %neg3A_2008 : f32 to vector<16xf32>
    %neg3A_2010 = arith.subf %neg3A_2009, %abs3A_2007 : vector<16xf32>
    %exp3A_2011 = math.exp %neg3A_2010 : vector<16xf32>
    %add3A_2012 = arith.constant 2.000000e+00 : f32
    %add3A_2013 = vector.broadcast %add3A_2012 : f32 to vector<16xf32>
    %add3A_2014 = arith.addf %exp3A_2011, %add3A_2013 : vector<16xf32>
    %div3A_2015 = arith.divf %exp3A_2011, %add3A_2014 : vector<16xf32>
    %mul3A_2016 = arith.mulf %div3A_2015, %div3A_2015 : vector<16xf32>
    %mul3A_2017 = arith.constant 0.222222224 : f32
    %mul3A_2018 = vector.broadcast %mul3A_2017 : f32 to vector<16xf32>
    %mul3A_2019 = arith.mulf %mul3A_2016, %mul3A_2018 : vector<16xf32>
    %add3A_2020 = arith.constant 0.285714298 : f32
    %add3A_2021 = vector.broadcast %add3A_2020 : f32 to vector<16xf32>
    %add3A_2022 = arith.addf %mul3A_2019, %add3A_2021 : vector<16xf32>
    %mul3A_2023 = arith.mulf %add3A_2022, %mul3A_2016 : vector<16xf32>
    %add3A_2024 = arith.constant 4.000000e-01 : f32
    %add3A_2025 = vector.broadcast %add3A_2024 : f32 to vector<16xf32>
    %add3A_2026 = arith.addf %mul3A_2023, %add3A_2025 : vector<16xf32>
    %mul3A_2027 = arith.mulf %add3A_2026, %mul3A_2016 : vector<16xf32>
    %add3A_2028 = arith.constant 0.666666686 : f32
    %add3A_2029 = vector.broadcast %add3A_2028 : f32 to vector<16xf32>
    %add3A_2030 = arith.addf %mul3A_2027, %add3A_2029 : vector<16xf32>
    %mul3A_2031 = arith.mulf %add3A_2030, %mul3A_2016 : vector<16xf32>
    %add3A_2032 = arith.constant 2.000000e+00 : f32
    %add3A_2033 = vector.broadcast %add3A_2032 : f32 to vector<16xf32>
    %add3A_2034 = arith.addf %mul3A_2031, %add3A_2033 : vector<16xf32>
    %mul3A_2035 = arith.mulf %add3A_2034, %div3A_2015 : vector<16xf32>
    %add3A_2036 = arith.addf %max3A_2005, %mul3A_2035 : vector<16xf32>
    %convert_element_type3A_2037 = arith.sitofp %and3A_1990 : vector<16xi32> to vector<16xf32>
    %mul3A_2038 = arith.constant 1.97285353E-5 : f32
    %mul3A_2039 = vector.broadcast %mul3A_2038 : f32 to vector<16xf32>
    %mul3A_2040 = arith.mulf %convert_element_type3A_2037, %mul3A_2039 : vector<16xf32>
    %convert_element_type3A_2041 = arith.sitofp %and3A_1984 : vector<16xi32> to vector<16xf32>
    %mul3A_2042 = arith.mulf %mul3A_2040, %convert_element_type3A_2041 : vector<16xf32>
    %sub3A_2043 = arith.subf %mul3A_2040, %mul3A_2042 : vector<16xf32>
    %mul3A_2044 = arith.mulf %mul3A_2040, %add3A_2036 : vector<16xf32>
    %add3A_2045 = arith.addf %sub3A_1953, %mul3A_2044 : vector<16xf32>
    %mul3A_2046 = arith.mulf %sub3A_2043, %div3A_2002 : vector<16xf32>
    %sub3A_2047 = arith.subf %add3A_2045, %mul3A_2046 : vector<16xf32>
    %mul3A_2048 = arith.mulf %mul3A_2042, %div3A_2004 : vector<16xf32>
    %sub3A_2049 = arith.subf %sub3A_2047, %mul3A_2048 : vector<16xf32>
    %add3A_2050 = arith.addf %broadcast_in_dim3A_1389, %sub3A_2049 : vector<16xf32>
    %add3A_2051 = arith.constant 16 : i32
    %add3A_2052 = vector.broadcast %add3A_2051 : i32 to vector<16xi32>
    %add3A_2053 = arith.addi %iota3A, %add3A_2052 : vector<16xi32>
    %get3A_2054 = arith.constant 16 : index
    %get3A_2055 = tpu.vector_load %arg8[%get3A_2054] {strides = array<i32>} : memref<32xi32, #tpu.memory_space<vmem>>, vector<16xi32>,
    %mul3A_2056 = arith.constant 7 : i32
    %mul3A_2057 = vector.broadcast %mul3A_2056 : i32 to vector<16xi32>
    %mul3A_2058 = arith.muli %get3A_2055, %mul3A_2057 : vector<16xi32>
    %broadcast_in_dim3A_2059 = arith.constant 0.000000e+00 : f32
    %broadcast_in_dim3A_2060 = vector.broadcast %broadcast_in_dim3A_2059 : f32 to vector<16xf32>
    %add3A_2061 = arith.constant 0 : i32
    %add3A_2062 = vector.broadcast %add3A_2061 : i32 to vector<16xi32>
    %add3A_2063 = arith.addi %mul3A_2058, %add3A_2062 : vector<16xi32>
    %gather3A_2064 = tpu.vector_load_idx %arg7[%add3A_2063] : memref<700xi32, #tpu.memory_space<vmem>>[vector<16xi32>], vector<16xi32>,
    %and3A_2065 = arith.constant 255 : i32
    %and3A_2066 = vector.broadcast %and3A_2065 : i32 to vector<16xi32>
    %and3A_2067 = arith.andi %gather3A_2064, %and3A_2066 : vector<16xi32>
    %shift_right_logical3A_2068 = arith.constant 8 : i32
    %shift_right_logical3A_2069 = vector.broadcast %shift_right_logical3A_2068 : i32 to vector<16xi32>
    %shift_right_logical3A_2070 = arith.shrui %gather3A_2064, %shift_right_logical3A_2069 : vector<16xi32>
    %and3A_2071 = arith.constant 255 : i32
    %and3A_2072 = vector.broadcast %and3A_2071 : i32 to vector<16xi32>
    %and3A_2073 = arith.andi %shift_right_logical3A_2070, %and3A_2072 : vector<16xi32>
    %shift_right_logical3A_2074 = arith.constant 16 : i32
    %shift_right_logical3A_2075 = vector.broadcast %shift_right_logical3A_2074 : i32 to vector<16xi32>
    %shift_right_logical3A_2076 = arith.shrui %gather3A_2064, %shift_right_logical3A_2075 : vector<16xi32>
    %and3A_2077 = arith.constant 63 : i32
    %and3A_2078 = vector.broadcast %and3A_2077 : i32 to vector<16xi32>
    %and3A_2079 = arith.andi %shift_right_logical3A_2076, %and3A_2078 : vector<16xi32>
    %shift_right_logical3A_2080 = arith.constant 22 : i32
    %shift_right_logical3A_2081 = vector.broadcast %shift_right_logical3A_2080 : i32 to vector<16xi32>
    %shift_right_logical3A_2082 = arith.shrui %gather3A_2064, %shift_right_logical3A_2081 : vector<16xi32>
    %and3A_2083 = arith.constant 63 : i32
    %and3A_2084 = vector.broadcast %and3A_2083 : i32 to vector<16xi32>
    %and3A_2085 = arith.andi %shift_right_logical3A_2082, %and3A_2084 : vector<16xi32>
    %shift_right_logical3A_2086 = arith.constant 28 : i32
    %shift_right_logical3A_2087 = vector.broadcast %shift_right_logical3A_2086 : i32 to vector<16xi32>
    %shift_right_logical3A_2088 = arith.shrui %gather3A_2064, %shift_right_logical3A_2087 : vector<16xi32>
    %and3A_2089 = arith.constant 1 : i32
    %and3A_2090 = vector.broadcast %and3A_2089 : i32 to vector<16xi32>
    %and3A_2091 = arith.andi %shift_right_logical3A_2088, %and3A_2090 : vector<16xi32>
    %shift_right_logical3A_2092 = arith.constant 29 : i32
    %shift_right_logical3A_2093 = vector.broadcast %shift_right_logical3A_2092 : i32 to vector<16xi32>
    %shift_right_logical3A_2094 = arith.shrui %gather3A_2064, %shift_right_logical3A_2093 : vector<16xi32>
    %and3A_2095 = arith.constant 1 : i32
    %and3A_2096 = vector.broadcast %and3A_2095 : i32 to vector<16xi32>
    %and3A_2097 = arith.andi %shift_right_logical3A_2094, %and3A_2096 : vector<16xi32>
    %mul3A_2098 = arith.constant 32 : i32
    %mul3A_2099 = vector.broadcast %mul3A_2098 : i32 to vector<16xi32>
    %mul3A_2100 = arith.muli %and3A_2067, %mul3A_2099 : vector<16xi32>
    %add3A_2101 = arith.addi %mul3A_2100, %add3A_2053 : vector<16xi32>
    %gather3A_2102 = tpu.vector_load_idx %arg6[%add3A_2101] : memref<6400xf32, #tpu.memory_space<vmem>>[vector<16xi32>], vector<16xf32>,
    %mul3A_2103 = arith.constant 32 : i32
    %mul3A_2104 = vector.broadcast %mul3A_2103 : i32 to vector<16xi32>
    %mul3A_2105 = arith.muli %and3A_2073, %mul3A_2104 : vector<16xi32>
    %add3A_2106 = arith.addi %mul3A_2105, %add3A_2053 : vector<16xi32>
    %gather3A_2107 = tpu.vector_load_idx %arg6[%add3A_2106] : memref<6400xf32, #tpu.memory_space<vmem>>[vector<16xi32>], vector<16xf32>,
    %convert_element_type3A_2108 = arith.sitofp %and3A_2079 : vector<16xi32> to vector<16xf32>
    %div3A_2109 = arith.divf %gather3A_2102, %convert_element_type3A_2108 : vector<16xf32>
    %convert_element_type3A_2110 = arith.sitofp %and3A_2085 : vector<16xi32> to vector<16xf32>
    %div3A_2111 = arith.divf %gather3A_2107, %convert_element_type3A_2110 : vector<16xf32>
    %max3A_2112 = arith.maximumf %div3A_2109, %div3A_2111 : vector<16xf32>
    %sub3A_2113 = arith.subf %div3A_2109, %div3A_2111 : vector<16xf32>
    %abs3A_2114 = math.absf %sub3A_2113 : vector<16xf32>
    %neg3A_2115 = arith.constant 0.000000e+00 : f32
    %neg3A_2116 = vector.broadcast %neg3A_2115 : f32 to vector<16xf32>
    %neg3A_2117 = arith.subf %neg3A_2116, %abs3A_2114 : vector<16xf32>
    %exp3A_2118 = math.exp %neg3A_2117 : vector<16xf32>
    %add3A_2119 = arith.constant 2.000000e+00 : f32
    %add3A_2120 = vector.broadcast %add3A_2119 : f32 to vector<16xf32>
    %add3A_2121 = arith.addf %exp3A_2118, %add3A_2120 : vector<16xf32>
    %div3A_2122 = arith.divf %exp3A_2118, %add3A_2121 : vector<16xf32>
    %mul3A_2123 = arith.mulf %div3A_2122, %div3A_2122 : vector<16xf32>
    %mul3A_2124 = arith.constant 0.222222224 : f32
    %mul3A_2125 = vector.broadcast %mul3A_2124 : f32 to vector<16xf32>
    %mul3A_2126 = arith.mulf %mul3A_2123, %mul3A_2125 : vector<16xf32>
    %add3A_2127 = arith.constant 0.285714298 : f32
    %add3A_2128 = vector.broadcast %add3A_2127 : f32 to vector<16xf32>
    %add3A_2129 = arith.addf %mul3A_2126, %add3A_2128 : vector<16xf32>
    %mul3A_2130 = arith.mulf %add3A_2129, %mul3A_2123 : vector<16xf32>
    %add3A_2131 = arith.constant 4.000000e-01 : f32
    %add3A_2132 = vector.broadcast %add3A_2131 : f32 to vector<16xf32>
    %add3A_2133 = arith.addf %mul3A_2130, %add3A_2132 : vector<16xf32>
    %mul3A_2134 = arith.mulf %add3A_2133, %mul3A_2123 : vector<16xf32>
    %add3A_2135 = arith.constant 0.666666686 : f32
    %add3A_2136 = vector.broadcast %add3A_2135 : f32 to vector<16xf32>
    %add3A_2137 = arith.addf %mul3A_2134, %add3A_2136 : vector<16xf32>
    %mul3A_2138 = arith.mulf %add3A_2137, %mul3A_2123 : vector<16xf32>
    %add3A_2139 = arith.constant 2.000000e+00 : f32
    %add3A_2140 = vector.broadcast %add3A_2139 : f32 to vector<16xf32>
    %add3A_2141 = arith.addf %mul3A_2138, %add3A_2140 : vector<16xf32>
    %mul3A_2142 = arith.mulf %add3A_2141, %div3A_2122 : vector<16xf32>
    %add3A_2143 = arith.addf %max3A_2112, %mul3A_2142 : vector<16xf32>
    %broadcast_in_dim3A_2144 = arith.constant 1.97285353E-5 : f32
    %broadcast_in_dim3A_2145 = vector.broadcast %broadcast_in_dim3A_2144 : f32 to vector<16xf32>
    %convert_element_type3A_2146 = arith.sitofp %and3A_2091 : vector<16xi32> to vector<16xf32>
    %mul3A_2147 = arith.mulf %broadcast_in_dim3A_2145, %convert_element_type3A_2146 : vector<16xf32>
    %sub3A_2148 = arith.subf %broadcast_in_dim3A_2145, %mul3A_2147 : vector<16xf32>
    %mul3A_2149 = arith.mulf %broadcast_in_dim3A_2145, %add3A_2143 : vector<16xf32>
    %add3A_2150 = arith.addf %broadcast_in_dim3A_2060, %mul3A_2149 : vector<16xf32>
    %mul3A_2151 = arith.mulf %sub3A_2148, %div3A_2109 : vector<16xf32>
    %sub3A_2152 = arith.subf %add3A_2150, %mul3A_2151 : vector<16xf32>
    %mul3A_2153 = arith.mulf %mul3A_2147, %div3A_2111 : vector<16xf32>
    %sub3A_2154 = arith.subf %sub3A_2152, %mul3A_2153 : vector<16xf32>
    %add3A_2155 = arith.constant 1 : i32
    %add3A_2156 = vector.broadcast %add3A_2155 : i32 to vector<16xi32>
    %add3A_2157 = arith.addi %mul3A_2058, %add3A_2156 : vector<16xi32>
    %gather3A_2158 = tpu.vector_load_idx %arg7[%add3A_2157] : memref<700xi32, #tpu.memory_space<vmem>>[vector<16xi32>], vector<16xi32>,
    %and3A_2159 = arith.constant 255 : i32
    %and3A_2160 = vector.broadcast %and3A_2159 : i32 to vector<16xi32>
    %and3A_2161 = arith.andi %gather3A_2158, %and3A_2160 : vector<16xi32>
    %shift_right_logical3A_2162 = arith.constant 8 : i32
    %shift_right_logical3A_2163 = vector.broadcast %shift_right_logical3A_2162 : i32 to vector<16xi32>
    %shift_right_logical3A_2164 = arith.shrui %gather3A_2158, %shift_right_logical3A_2163 : vector<16xi32>
    %and3A_2165 = arith.constant 255 : i32
    %and3A_2166 = vector.broadcast %and3A_2165 : i32 to vector<16xi32>
    %and3A_2167 = arith.andi %shift_right_logical3A_2164, %and3A_2166 : vector<16xi32>
    %shift_right_logical3A_2168 = arith.constant 16 : i32
    %shift_right_logical3A_2169 = vector.broadcast %shift_right_logical3A_2168 : i32 to vector<16xi32>
    %shift_right_logical3A_2170 = arith.shrui %gather3A_2158, %shift_right_logical3A_2169 : vector<16xi32>
    %and3A_2171 = arith.constant 63 : i32
    %and3A_2172 = vector.broadcast %and3A_2171 : i32 to vector<16xi32>
    %and3A_2173 = arith.andi %shift_right_logical3A_2170, %and3A_2172 : vector<16xi32>
    %shift_right_logical3A_2174 = arith.constant 22 : i32
    %shift_right_logical3A_2175 = vector.broadcast %shift_right_logical3A_2174 : i32 to vector<16xi32>
    %shift_right_logical3A_2176 = arith.shrui %gather3A_2158, %shift_right_logical3A_2175 : vector<16xi32>
    %and3A_2177 = arith.constant 63 : i32
    %and3A_2178 = vector.broadcast %and3A_2177 : i32 to vector<16xi32>
    %and3A_2179 = arith.andi %shift_right_logical3A_2176, %and3A_2178 : vector<16xi32>
    %shift_right_logical3A_2180 = arith.constant 28 : i32
    %shift_right_logical3A_2181 = vector.broadcast %shift_right_logical3A_2180 : i32 to vector<16xi32>
    %shift_right_logical3A_2182 = arith.shrui %gather3A_2158, %shift_right_logical3A_2181 : vector<16xi32>
    %and3A_2183 = arith.constant 1 : i32
    %and3A_2184 = vector.broadcast %and3A_2183 : i32 to vector<16xi32>
    %and3A_2185 = arith.andi %shift_right_logical3A_2182, %and3A_2184 : vector<16xi32>
    %shift_right_logical3A_2186 = arith.constant 29 : i32
    %shift_right_logical3A_2187 = vector.broadcast %shift_right_logical3A_2186 : i32 to vector<16xi32>
    %shift_right_logical3A_2188 = arith.shrui %gather3A_2158, %shift_right_logical3A_2187 : vector<16xi32>
    %and3A_2189 = arith.constant 1 : i32
    %and3A_2190 = vector.broadcast %and3A_2189 : i32 to vector<16xi32>
    %and3A_2191 = arith.andi %shift_right_logical3A_2188, %and3A_2190 : vector<16xi32>
    %mul3A_2192 = arith.constant 32 : i32
    %mul3A_2193 = vector.broadcast %mul3A_2192 : i32 to vector<16xi32>
    %mul3A_2194 = arith.muli %and3A_2161, %mul3A_2193 : vector<16xi32>
    %add3A_2195 = arith.addi %mul3A_2194, %add3A_2053 : vector<16xi32>
    %gather3A_2196 = tpu.vector_load_idx %arg6[%add3A_2195] : memref<6400xf32, #tpu.memory_space<vmem>>[vector<16xi32>], vector<16xf32>,
    %mul3A_2197 = arith.constant 32 : i32
    %mul3A_2198 = vector.broadcast %mul3A_2197 : i32 to vector<16xi32>
    %mul3A_2199 = arith.muli %and3A_2167, %mul3A_2198 : vector<16xi32>
    %add3A_2200 = arith.addi %mul3A_2199, %add3A_2053 : vector<16xi32>
    %gather3A_2201 = tpu.vector_load_idx %arg6[%add3A_2200] : memref<6400xf32, #tpu.memory_space<vmem>>[vector<16xi32>], vector<16xf32>,
    %convert_element_type3A_2202 = arith.sitofp %and3A_2173 : vector<16xi32> to vector<16xf32>
    %div3A_2203 = arith.divf %gather3A_2196, %convert_element_type3A_2202 : vector<16xf32>
    %convert_element_type3A_2204 = arith.sitofp %and3A_2179 : vector<16xi32> to vector<16xf32>
    %div3A_2205 = arith.divf %gather3A_2201, %convert_element_type3A_2204 : vector<16xf32>
    %max3A_2206 = arith.maximumf %div3A_2203, %div3A_2205 : vector<16xf32>
    %sub3A_2207 = arith.subf %div3A_2203, %div3A_2205 : vector<16xf32>
    %abs3A_2208 = math.absf %sub3A_2207 : vector<16xf32>
    %neg3A_2209 = arith.constant 0.000000e+00 : f32
    %neg3A_2210 = vector.broadcast %neg3A_2209 : f32 to vector<16xf32>
    %neg3A_2211 = arith.subf %neg3A_2210, %abs3A_2208 : vector<16xf32>
    %exp3A_2212 = math.exp %neg3A_2211 : vector<16xf32>
    %add3A_2213 = arith.constant 2.000000e+00 : f32
    %add3A_2214 = vector.broadcast %add3A_2213 : f32 to vector<16xf32>
    %add3A_2215 = arith.addf %exp3A_2212, %add3A_2214 : vector<16xf32>
    %div3A_2216 = arith.divf %exp3A_2212, %add3A_2215 : vector<16xf32>
    %mul3A_2217 = arith.mulf %div3A_2216, %div3A_2216 : vector<16xf32>
    %mul3A_2218 = arith.constant 0.222222224 : f32
    %mul3A_2219 = vector.broadcast %mul3A_2218 : f32 to vector<16xf32>
    %mul3A_2220 = arith.mulf %mul3A_2217, %mul3A_2219 : vector<16xf32>
    %add3A_2221 = arith.constant 0.285714298 : f32
    %add3A_2222 = vector.broadcast %add3A_2221 : f32 to vector<16xf32>
    %add3A_2223 = arith.addf %mul3A_2220, %add3A_2222 : vector<16xf32>
    %mul3A_2224 = arith.mulf %add3A_2223, %mul3A_2217 : vector<16xf32>
    %add3A_2225 = arith.constant 4.000000e-01 : f32
    %add3A_2226 = vector.broadcast %add3A_2225 : f32 to vector<16xf32>
    %add3A_2227 = arith.addf %mul3A_2224, %add3A_2226 : vector<16xf32>
    %mul3A_2228 = arith.mulf %add3A_2227, %mul3A_2217 : vector<16xf32>
    %add3A_2229 = arith.constant 0.666666686 : f32
    %add3A_2230 = vector.broadcast %add3A_2229 : f32 to vector<16xf32>
    %add3A_2231 = arith.addf %mul3A_2228, %add3A_2230 : vector<16xf32>
    %mul3A_2232 = arith.mulf %add3A_2231, %mul3A_2217 : vector<16xf32>
    %add3A_2233 = arith.constant 2.000000e+00 : f32
    %add3A_2234 = vector.broadcast %add3A_2233 : f32 to vector<16xf32>
    %add3A_2235 = arith.addf %mul3A_2232, %add3A_2234 : vector<16xf32>
    %mul3A_2236 = arith.mulf %add3A_2235, %div3A_2216 : vector<16xf32>
    %add3A_2237 = arith.addf %max3A_2206, %mul3A_2236 : vector<16xf32>
    %broadcast_in_dim3A_2238 = arith.constant 1.97285353E-5 : f32
    %broadcast_in_dim3A_2239 = vector.broadcast %broadcast_in_dim3A_2238 : f32 to vector<16xf32>
    %convert_element_type3A_2240 = arith.sitofp %and3A_2185 : vector<16xi32> to vector<16xf32>
    %mul3A_2241 = arith.mulf %broadcast_in_dim3A_2239, %convert_element_type3A_2240 : vector<16xf32>
    %sub3A_2242 = arith.subf %broadcast_in_dim3A_2239, %mul3A_2241 : vector<16xf32>
    %mul3A_2243 = arith.mulf %broadcast_in_dim3A_2239, %add3A_2237 : vector<16xf32>
    %add3A_2244 = arith.addf %sub3A_2154, %mul3A_2243 : vector<16xf32>
    %mul3A_2245 = arith.mulf %sub3A_2242, %div3A_2203 : vector<16xf32>
    %sub3A_2246 = arith.subf %add3A_2244, %mul3A_2245 : vector<16xf32>
    %mul3A_2247 = arith.mulf %mul3A_2241, %div3A_2205 : vector<16xf32>
    %sub3A_2248 = arith.subf %sub3A_2246, %mul3A_2247 : vector<16xf32>
    %add3A_2249 = arith.constant 2 : i32
    %add3A_2250 = vector.broadcast %add3A_2249 : i32 to vector<16xi32>
    %add3A_2251 = arith.addi %mul3A_2058, %add3A_2250 : vector<16xi32>
    %gather3A_2252 = tpu.vector_load_idx %arg7[%add3A_2251] : memref<700xi32, #tpu.memory_space<vmem>>[vector<16xi32>], vector<16xi32>,
    %and3A_2253 = arith.constant 255 : i32
    %and3A_2254 = vector.broadcast %and3A_2253 : i32 to vector<16xi32>
    %and3A_2255 = arith.andi %gather3A_2252, %and3A_2254 : vector<16xi32>
    %shift_right_logical3A_2256 = arith.constant 8 : i32
    %shift_right_logical3A_2257 = vector.broadcast %shift_right_logical3A_2256 : i32 to vector<16xi32>
    %shift_right_logical3A_2258 = arith.shrui %gather3A_2252, %shift_right_logical3A_2257 : vector<16xi32>
    %and3A_2259 = arith.constant 255 : i32
    %and3A_2260 = vector.broadcast %and3A_2259 : i32 to vector<16xi32>
    %and3A_2261 = arith.andi %shift_right_logical3A_2258, %and3A_2260 : vector<16xi32>
    %shift_right_logical3A_2262 = arith.constant 16 : i32
    %shift_right_logical3A_2263 = vector.broadcast %shift_right_logical3A_2262 : i32 to vector<16xi32>
    %shift_right_logical3A_2264 = arith.shrui %gather3A_2252, %shift_right_logical3A_2263 : vector<16xi32>
    %and3A_2265 = arith.constant 63 : i32
    %and3A_2266 = vector.broadcast %and3A_2265 : i32 to vector<16xi32>
    %and3A_2267 = arith.andi %shift_right_logical3A_2264, %and3A_2266 : vector<16xi32>
    %shift_right_logical3A_2268 = arith.constant 22 : i32
    %shift_right_logical3A_2269 = vector.broadcast %shift_right_logical3A_2268 : i32 to vector<16xi32>
    %shift_right_logical3A_2270 = arith.shrui %gather3A_2252, %shift_right_logical3A_2269 : vector<16xi32>
    %and3A_2271 = arith.constant 63 : i32
    %and3A_2272 = vector.broadcast %and3A_2271 : i32 to vector<16xi32>
    %and3A_2273 = arith.andi %shift_right_logical3A_2270, %and3A_2272 : vector<16xi32>
    %shift_right_logical3A_2274 = arith.constant 28 : i32
    %shift_right_logical3A_2275 = vector.broadcast %shift_right_logical3A_2274 : i32 to vector<16xi32>
    %shift_right_logical3A_2276 = arith.shrui %gather3A_2252, %shift_right_logical3A_2275 : vector<16xi32>
    %and3A_2277 = arith.constant 1 : i32
    %and3A_2278 = vector.broadcast %and3A_2277 : i32 to vector<16xi32>
    %and3A_2279 = arith.andi %shift_right_logical3A_2276, %and3A_2278 : vector<16xi32>
    %shift_right_logical3A_2280 = arith.constant 29 : i32
    %shift_right_logical3A_2281 = vector.broadcast %shift_right_logical3A_2280 : i32 to vector<16xi32>
    %shift_right_logical3A_2282 = arith.shrui %gather3A_2252, %shift_right_logical3A_2281 : vector<16xi32>
    %and3A_2283 = arith.constant 1 : i32
    %and3A_2284 = vector.broadcast %and3A_2283 : i32 to vector<16xi32>
    %and3A_2285 = arith.andi %shift_right_logical3A_2282, %and3A_2284 : vector<16xi32>
    %mul3A_2286 = arith.constant 32 : i32
    %mul3A_2287 = vector.broadcast %mul3A_2286 : i32 to vector<16xi32>
    %mul3A_2288 = arith.muli %and3A_2255, %mul3A_2287 : vector<16xi32>
    %add3A_2289 = arith.addi %mul3A_2288, %add3A_2053 : vector<16xi32>
    %gather3A_2290 = tpu.vector_load_idx %arg6[%add3A_2289] : memref<6400xf32, #tpu.memory_space<vmem>>[vector<16xi32>], vector<16xf32>,
    %mul3A_2291 = arith.constant 32 : i32
    %mul3A_2292 = vector.broadcast %mul3A_2291 : i32 to vector<16xi32>
    %mul3A_2293 = arith.muli %and3A_2261, %mul3A_2292 : vector<16xi32>
    %add3A_2294 = arith.addi %mul3A_2293, %add3A_2053 : vector<16xi32>
    %gather3A_2295 = tpu.vector_load_idx %arg6[%add3A_2294] : memref<6400xf32, #tpu.memory_space<vmem>>[vector<16xi32>], vector<16xf32>,
    %convert_element_type3A_2296 = arith.sitofp %and3A_2267 : vector<16xi32> to vector<16xf32>
    %div3A_2297 = arith.divf %gather3A_2290, %convert_element_type3A_2296 : vector<16xf32>
    %convert_element_type3A_2298 = arith.sitofp %and3A_2273 : vector<16xi32> to vector<16xf32>
    %div3A_2299 = arith.divf %gather3A_2295, %convert_element_type3A_2298 : vector<16xf32>
    %max3A_2300 = arith.maximumf %div3A_2297, %div3A_2299 : vector<16xf32>
    %sub3A_2301 = arith.subf %div3A_2297, %div3A_2299 : vector<16xf32>
    %abs3A_2302 = math.absf %sub3A_2301 : vector<16xf32>
    %neg3A_2303 = arith.constant 0.000000e+00 : f32
    %neg3A_2304 = vector.broadcast %neg3A_2303 : f32 to vector<16xf32>
    %neg3A_2305 = arith.subf %neg3A_2304, %abs3A_2302 : vector<16xf32>
    %exp3A_2306 = math.exp %neg3A_2305 : vector<16xf32>
    %add3A_2307 = arith.constant 2.000000e+00 : f32
    %add3A_2308 = vector.broadcast %add3A_2307 : f32 to vector<16xf32>
    %add3A_2309 = arith.addf %exp3A_2306, %add3A_2308 : vector<16xf32>
    %div3A_2310 = arith.divf %exp3A_2306, %add3A_2309 : vector<16xf32>
    %mul3A_2311 = arith.mulf %div3A_2310, %div3A_2310 : vector<16xf32>
    %mul3A_2312 = arith.constant 0.222222224 : f32
    %mul3A_2313 = vector.broadcast %mul3A_2312 : f32 to vector<16xf32>
    %mul3A_2314 = arith.mulf %mul3A_2311, %mul3A_2313 : vector<16xf32>
    %add3A_2315 = arith.constant 0.285714298 : f32
    %add3A_2316 = vector.broadcast %add3A_2315 : f32 to vector<16xf32>
    %add3A_2317 = arith.addf %mul3A_2314, %add3A_2316 : vector<16xf32>
    %mul3A_2318 = arith.mulf %add3A_2317, %mul3A_2311 : vector<16xf32>
    %add3A_2319 = arith.constant 4.000000e-01 : f32
    %add3A_2320 = vector.broadcast %add3A_2319 : f32 to vector<16xf32>
    %add3A_2321 = arith.addf %mul3A_2318, %add3A_2320 : vector<16xf32>
    %mul3A_2322 = arith.mulf %add3A_2321, %mul3A_2311 : vector<16xf32>
    %add3A_2323 = arith.constant 0.666666686 : f32
    %add3A_2324 = vector.broadcast %add3A_2323 : f32 to vector<16xf32>
    %add3A_2325 = arith.addf %mul3A_2322, %add3A_2324 : vector<16xf32>
    %mul3A_2326 = arith.mulf %add3A_2325, %mul3A_2311 : vector<16xf32>
    %add3A_2327 = arith.constant 2.000000e+00 : f32
    %add3A_2328 = vector.broadcast %add3A_2327 : f32 to vector<16xf32>
    %add3A_2329 = arith.addf %mul3A_2326, %add3A_2328 : vector<16xf32>
    %mul3A_2330 = arith.mulf %add3A_2329, %div3A_2310 : vector<16xf32>
    %add3A_2331 = arith.addf %max3A_2300, %mul3A_2330 : vector<16xf32>
    %broadcast_in_dim3A_2332 = arith.constant 1.97285353E-5 : f32
    %broadcast_in_dim3A_2333 = vector.broadcast %broadcast_in_dim3A_2332 : f32 to vector<16xf32>
    %convert_element_type3A_2334 = arith.sitofp %and3A_2279 : vector<16xi32> to vector<16xf32>
    %mul3A_2335 = arith.mulf %broadcast_in_dim3A_2333, %convert_element_type3A_2334 : vector<16xf32>
    %sub3A_2336 = arith.subf %broadcast_in_dim3A_2333, %mul3A_2335 : vector<16xf32>
    %mul3A_2337 = arith.mulf %broadcast_in_dim3A_2333, %add3A_2331 : vector<16xf32>
    %add3A_2338 = arith.addf %sub3A_2248, %mul3A_2337 : vector<16xf32>
    %mul3A_2339 = arith.mulf %sub3A_2336, %div3A_2297 : vector<16xf32>
    %sub3A_2340 = arith.subf %add3A_2338, %mul3A_2339 : vector<16xf32>
    %mul3A_2341 = arith.mulf %mul3A_2335, %div3A_2299 : vector<16xf32>
    %sub3A_2342 = arith.subf %sub3A_2340, %mul3A_2341 : vector<16xf32>
    %add3A_2343 = arith.constant 3 : i32
    %add3A_2344 = vector.broadcast %add3A_2343 : i32 to vector<16xi32>
    %add3A_2345 = arith.addi %mul3A_2058, %add3A_2344 : vector<16xi32>
    %gather3A_2346 = tpu.vector_load_idx %arg7[%add3A_2345] : memref<700xi32, #tpu.memory_space<vmem>>[vector<16xi32>], vector<16xi32>,
    %and3A_2347 = arith.constant 255 : i32
    %and3A_2348 = vector.broadcast %and3A_2347 : i32 to vector<16xi32>
    %and3A_2349 = arith.andi %gather3A_2346, %and3A_2348 : vector<16xi32>
    %shift_right_logical3A_2350 = arith.constant 8 : i32
    %shift_right_logical3A_2351 = vector.broadcast %shift_right_logical3A_2350 : i32 to vector<16xi32>
    %shift_right_logical3A_2352 = arith.shrui %gather3A_2346, %shift_right_logical3A_2351 : vector<16xi32>
    %and3A_2353 = arith.constant 255 : i32
    %and3A_2354 = vector.broadcast %and3A_2353 : i32 to vector<16xi32>
    %and3A_2355 = arith.andi %shift_right_logical3A_2352, %and3A_2354 : vector<16xi32>
    %shift_right_logical3A_2356 = arith.constant 16 : i32
    %shift_right_logical3A_2357 = vector.broadcast %shift_right_logical3A_2356 : i32 to vector<16xi32>
    %shift_right_logical3A_2358 = arith.shrui %gather3A_2346, %shift_right_logical3A_2357 : vector<16xi32>
    %and3A_2359 = arith.constant 63 : i32
    %and3A_2360 = vector.broadcast %and3A_2359 : i32 to vector<16xi32>
    %and3A_2361 = arith.andi %shift_right_logical3A_2358, %and3A_2360 : vector<16xi32>
    %shift_right_logical3A_2362 = arith.constant 22 : i32
    %shift_right_logical3A_2363 = vector.broadcast %shift_right_logical3A_2362 : i32 to vector<16xi32>
    %shift_right_logical3A_2364 = arith.shrui %gather3A_2346, %shift_right_logical3A_2363 : vector<16xi32>
    %and3A_2365 = arith.constant 63 : i32
    %and3A_2366 = vector.broadcast %and3A_2365 : i32 to vector<16xi32>
    %and3A_2367 = arith.andi %shift_right_logical3A_2364, %and3A_2366 : vector<16xi32>
    %shift_right_logical3A_2368 = arith.constant 28 : i32
    %shift_right_logical3A_2369 = vector.broadcast %shift_right_logical3A_2368 : i32 to vector<16xi32>
    %shift_right_logical3A_2370 = arith.shrui %gather3A_2346, %shift_right_logical3A_2369 : vector<16xi32>
    %and3A_2371 = arith.constant 1 : i32
    %and3A_2372 = vector.broadcast %and3A_2371 : i32 to vector<16xi32>
    %and3A_2373 = arith.andi %shift_right_logical3A_2370, %and3A_2372 : vector<16xi32>
    %shift_right_logical3A_2374 = arith.constant 29 : i32
    %shift_right_logical3A_2375 = vector.broadcast %shift_right_logical3A_2374 : i32 to vector<16xi32>
    %shift_right_logical3A_2376 = arith.shrui %gather3A_2346, %shift_right_logical3A_2375 : vector<16xi32>
    %and3A_2377 = arith.constant 1 : i32
    %and3A_2378 = vector.broadcast %and3A_2377 : i32 to vector<16xi32>
    %and3A_2379 = arith.andi %shift_right_logical3A_2376, %and3A_2378 : vector<16xi32>
    %mul3A_2380 = arith.constant 32 : i32
    %mul3A_2381 = vector.broadcast %mul3A_2380 : i32 to vector<16xi32>
    %mul3A_2382 = arith.muli %and3A_2349, %mul3A_2381 : vector<16xi32>
    %add3A_2383 = arith.addi %mul3A_2382, %add3A_2053 : vector<16xi32>
    %gather3A_2384 = tpu.vector_load_idx %arg6[%add3A_2383] : memref<6400xf32, #tpu.memory_space<vmem>>[vector<16xi32>], vector<16xf32>,
    %mul3A_2385 = arith.constant 32 : i32
    %mul3A_2386 = vector.broadcast %mul3A_2385 : i32 to vector<16xi32>
    %mul3A_2387 = arith.muli %and3A_2355, %mul3A_2386 : vector<16xi32>
    %add3A_2388 = arith.addi %mul3A_2387, %add3A_2053 : vector<16xi32>
    %gather3A_2389 = tpu.vector_load_idx %arg6[%add3A_2388] : memref<6400xf32, #tpu.memory_space<vmem>>[vector<16xi32>], vector<16xf32>,
    %convert_element_type3A_2390 = arith.sitofp %and3A_2361 : vector<16xi32> to vector<16xf32>
    %div3A_2391 = arith.divf %gather3A_2384, %convert_element_type3A_2390 : vector<16xf32>
    %convert_element_type3A_2392 = arith.sitofp %and3A_2367 : vector<16xi32> to vector<16xf32>
    %div3A_2393 = arith.divf %gather3A_2389, %convert_element_type3A_2392 : vector<16xf32>
    %max3A_2394 = arith.maximumf %div3A_2391, %div3A_2393 : vector<16xf32>
    %sub3A_2395 = arith.subf %div3A_2391, %div3A_2393 : vector<16xf32>
    %abs3A_2396 = math.absf %sub3A_2395 : vector<16xf32>
    %neg3A_2397 = arith.constant 0.000000e+00 : f32
    %neg3A_2398 = vector.broadcast %neg3A_2397 : f32 to vector<16xf32>
    %neg3A_2399 = arith.subf %neg3A_2398, %abs3A_2396 : vector<16xf32>
    %exp3A_2400 = math.exp %neg3A_2399 : vector<16xf32>
    %add3A_2401 = arith.constant 2.000000e+00 : f32
    %add3A_2402 = vector.broadcast %add3A_2401 : f32 to vector<16xf32>
    %add3A_2403 = arith.addf %exp3A_2400, %add3A_2402 : vector<16xf32>
    %div3A_2404 = arith.divf %exp3A_2400, %add3A_2403 : vector<16xf32>
    %mul3A_2405 = arith.mulf %div3A_2404, %div3A_2404 : vector<16xf32>
    %mul3A_2406 = arith.constant 0.222222224 : f32
    %mul3A_2407 = vector.broadcast %mul3A_2406 : f32 to vector<16xf32>
    %mul3A_2408 = arith.mulf %mul3A_2405, %mul3A_2407 : vector<16xf32>
    %add3A_2409 = arith.constant 0.285714298 : f32
    %add3A_2410 = vector.broadcast %add3A_2409 : f32 to vector<16xf32>
    %add3A_2411 = arith.addf %mul3A_2408, %add3A_2410 : vector<16xf32>
    %mul3A_2412 = arith.mulf %add3A_2411, %mul3A_2405 : vector<16xf32>
    %add3A_2413 = arith.constant 4.000000e-01 : f32
    %add3A_2414 = vector.broadcast %add3A_2413 : f32 to vector<16xf32>
    %add3A_2415 = arith.addf %mul3A_2412, %add3A_2414 : vector<16xf32>
    %mul3A_2416 = arith.mulf %add3A_2415, %mul3A_2405 : vector<16xf32>
    %add3A_2417 = arith.constant 0.666666686 : f32
    %add3A_2418 = vector.broadcast %add3A_2417 : f32 to vector<16xf32>
    %add3A_2419 = arith.addf %mul3A_2416, %add3A_2418 : vector<16xf32>
    %mul3A_2420 = arith.mulf %add3A_2419, %mul3A_2405 : vector<16xf32>
    %add3A_2421 = arith.constant 2.000000e+00 : f32
    %add3A_2422 = vector.broadcast %add3A_2421 : f32 to vector<16xf32>
    %add3A_2423 = arith.addf %mul3A_2420, %add3A_2422 : vector<16xf32>
    %mul3A_2424 = arith.mulf %add3A_2423, %div3A_2404 : vector<16xf32>
    %add3A_2425 = arith.addf %max3A_2394, %mul3A_2424 : vector<16xf32>
    %broadcast_in_dim3A_2426 = arith.constant 1.97285353E-5 : f32
    %broadcast_in_dim3A_2427 = vector.broadcast %broadcast_in_dim3A_2426 : f32 to vector<16xf32>
    %convert_element_type3A_2428 = arith.sitofp %and3A_2373 : vector<16xi32> to vector<16xf32>
    %mul3A_2429 = arith.mulf %broadcast_in_dim3A_2427, %convert_element_type3A_2428 : vector<16xf32>
    %sub3A_2430 = arith.subf %broadcast_in_dim3A_2427, %mul3A_2429 : vector<16xf32>
    %mul3A_2431 = arith.mulf %broadcast_in_dim3A_2427, %add3A_2425 : vector<16xf32>
    %add3A_2432 = arith.addf %sub3A_2342, %mul3A_2431 : vector<16xf32>
    %mul3A_2433 = arith.mulf %sub3A_2430, %div3A_2391 : vector<16xf32>
    %sub3A_2434 = arith.subf %add3A_2432, %mul3A_2433 : vector<16xf32>
    %mul3A_2435 = arith.mulf %mul3A_2429, %div3A_2393 : vector<16xf32>
    %sub3A_2436 = arith.subf %sub3A_2434, %mul3A_2435 : vector<16xf32>
    %add3A_2437 = arith.constant 4 : i32
    %add3A_2438 = vector.broadcast %add3A_2437 : i32 to vector<16xi32>
    %add3A_2439 = arith.addi %mul3A_2058, %add3A_2438 : vector<16xi32>
    %gather3A_2440 = tpu.vector_load_idx %arg7[%add3A_2439] : memref<700xi32, #tpu.memory_space<vmem>>[vector<16xi32>], vector<16xi32>,
    %and3A_2441 = arith.constant 255 : i32
    %and3A_2442 = vector.broadcast %and3A_2441 : i32 to vector<16xi32>
    %and3A_2443 = arith.andi %gather3A_2440, %and3A_2442 : vector<16xi32>
    %shift_right_logical3A_2444 = arith.constant 8 : i32
    %shift_right_logical3A_2445 = vector.broadcast %shift_right_logical3A_2444 : i32 to vector<16xi32>
    %shift_right_logical3A_2446 = arith.shrui %gather3A_2440, %shift_right_logical3A_2445 : vector<16xi32>
    %and3A_2447 = arith.constant 255 : i32
    %and3A_2448 = vector.broadcast %and3A_2447 : i32 to vector<16xi32>
    %and3A_2449 = arith.andi %shift_right_logical3A_2446, %and3A_2448 : vector<16xi32>
    %shift_right_logical3A_2450 = arith.constant 16 : i32
    %shift_right_logical3A_2451 = vector.broadcast %shift_right_logical3A_2450 : i32 to vector<16xi32>
    %shift_right_logical3A_2452 = arith.shrui %gather3A_2440, %shift_right_logical3A_2451 : vector<16xi32>
    %and3A_2453 = arith.constant 63 : i32
    %and3A_2454 = vector.broadcast %and3A_2453 : i32 to vector<16xi32>
    %and3A_2455 = arith.andi %shift_right_logical3A_2452, %and3A_2454 : vector<16xi32>
    %shift_right_logical3A_2456 = arith.constant 22 : i32
    %shift_right_logical3A_2457 = vector.broadcast %shift_right_logical3A_2456 : i32 to vector<16xi32>
    %shift_right_logical3A_2458 = arith.shrui %gather3A_2440, %shift_right_logical3A_2457 : vector<16xi32>
    %and3A_2459 = arith.constant 63 : i32
    %and3A_2460 = vector.broadcast %and3A_2459 : i32 to vector<16xi32>
    %and3A_2461 = arith.andi %shift_right_logical3A_2458, %and3A_2460 : vector<16xi32>
    %shift_right_logical3A_2462 = arith.constant 28 : i32
    %shift_right_logical3A_2463 = vector.broadcast %shift_right_logical3A_2462 : i32 to vector<16xi32>
    %shift_right_logical3A_2464 = arith.shrui %gather3A_2440, %shift_right_logical3A_2463 : vector<16xi32>
    %and3A_2465 = arith.constant 1 : i32
    %and3A_2466 = vector.broadcast %and3A_2465 : i32 to vector<16xi32>
    %and3A_2467 = arith.andi %shift_right_logical3A_2464, %and3A_2466 : vector<16xi32>
    %shift_right_logical3A_2468 = arith.constant 29 : i32
    %shift_right_logical3A_2469 = vector.broadcast %shift_right_logical3A_2468 : i32 to vector<16xi32>
    %shift_right_logical3A_2470 = arith.shrui %gather3A_2440, %shift_right_logical3A_2469 : vector<16xi32>
    %and3A_2471 = arith.constant 1 : i32
    %and3A_2472 = vector.broadcast %and3A_2471 : i32 to vector<16xi32>
    %and3A_2473 = arith.andi %shift_right_logical3A_2470, %and3A_2472 : vector<16xi32>
    %mul3A_2474 = arith.constant 32 : i32
    %mul3A_2475 = vector.broadcast %mul3A_2474 : i32 to vector<16xi32>
    %mul3A_2476 = arith.muli %and3A_2443, %mul3A_2475 : vector<16xi32>
    %add3A_2477 = arith.addi %mul3A_2476, %add3A_2053 : vector<16xi32>
    %gather3A_2478 = tpu.vector_load_idx %arg6[%add3A_2477] : memref<6400xf32, #tpu.memory_space<vmem>>[vector<16xi32>], vector<16xf32>,
    %mul3A_2479 = arith.constant 32 : i32
    %mul3A_2480 = vector.broadcast %mul3A_2479 : i32 to vector<16xi32>
    %mul3A_2481 = arith.muli %and3A_2449, %mul3A_2480 : vector<16xi32>
    %add3A_2482 = arith.addi %mul3A_2481, %add3A_2053 : vector<16xi32>
    %gather3A_2483 = tpu.vector_load_idx %arg6[%add3A_2482] : memref<6400xf32, #tpu.memory_space<vmem>>[vector<16xi32>], vector<16xf32>,
    %convert_element_type3A_2484 = arith.sitofp %and3A_2455 : vector<16xi32> to vector<16xf32>
    %div3A_2485 = arith.divf %gather3A_2478, %convert_element_type3A_2484 : vector<16xf32>
    %convert_element_type3A_2486 = arith.sitofp %and3A_2461 : vector<16xi32> to vector<16xf32>
    %div3A_2487 = arith.divf %gather3A_2483, %convert_element_type3A_2486 : vector<16xf32>
    %max3A_2488 = arith.maximumf %div3A_2485, %div3A_2487 : vector<16xf32>
    %sub3A_2489 = arith.subf %div3A_2485, %div3A_2487 : vector<16xf32>
    %abs3A_2490 = math.absf %sub3A_2489 : vector<16xf32>
    %neg3A_2491 = arith.constant 0.000000e+00 : f32
    %neg3A_2492 = vector.broadcast %neg3A_2491 : f32 to vector<16xf32>
    %neg3A_2493 = arith.subf %neg3A_2492, %abs3A_2490 : vector<16xf32>
    %exp3A_2494 = math.exp %neg3A_2493 : vector<16xf32>
    %add3A_2495 = arith.constant 2.000000e+00 : f32
    %add3A_2496 = vector.broadcast %add3A_2495 : f32 to vector<16xf32>
    %add3A_2497 = arith.addf %exp3A_2494, %add3A_2496 : vector<16xf32>
    %div3A_2498 = arith.divf %exp3A_2494, %add3A_2497 : vector<16xf32>
    %mul3A_2499 = arith.mulf %div3A_2498, %div3A_2498 : vector<16xf32>
    %mul3A_2500 = arith.constant 0.222222224 : f32
    %mul3A_2501 = vector.broadcast %mul3A_2500 : f32 to vector<16xf32>
    %mul3A_2502 = arith.mulf %mul3A_2499, %mul3A_2501 : vector<16xf32>
    %add3A_2503 = arith.constant 0.285714298 : f32
    %add3A_2504 = vector.broadcast %add3A_2503 : f32 to vector<16xf32>
    %add3A_2505 = arith.addf %mul3A_2502, %add3A_2504 : vector<16xf32>
    %mul3A_2506 = arith.mulf %add3A_2505, %mul3A_2499 : vector<16xf32>
    %add3A_2507 = arith.constant 4.000000e-01 : f32
    %add3A_2508 = vector.broadcast %add3A_2507 : f32 to vector<16xf32>
    %add3A_2509 = arith.addf %mul3A_2506, %add3A_2508 : vector<16xf32>
    %mul3A_2510 = arith.mulf %add3A_2509, %mul3A_2499 : vector<16xf32>
    %add3A_2511 = arith.constant 0.666666686 : f32
    %add3A_2512 = vector.broadcast %add3A_2511 : f32 to vector<16xf32>
    %add3A_2513 = arith.addf %mul3A_2510, %add3A_2512 : vector<16xf32>
    %mul3A_2514 = arith.mulf %add3A_2513, %mul3A_2499 : vector<16xf32>
    %add3A_2515 = arith.constant 2.000000e+00 : f32
    %add3A_2516 = vector.broadcast %add3A_2515 : f32 to vector<16xf32>
    %add3A_2517 = arith.addf %mul3A_2514, %add3A_2516 : vector<16xf32>
    %mul3A_2518 = arith.mulf %add3A_2517, %div3A_2498 : vector<16xf32>
    %add3A_2519 = arith.addf %max3A_2488, %mul3A_2518 : vector<16xf32>
    %broadcast_in_dim3A_2520 = arith.constant 1.97285353E-5 : f32
    %broadcast_in_dim3A_2521 = vector.broadcast %broadcast_in_dim3A_2520 : f32 to vector<16xf32>
    %convert_element_type3A_2522 = arith.sitofp %and3A_2467 : vector<16xi32> to vector<16xf32>
    %mul3A_2523 = arith.mulf %broadcast_in_dim3A_2521, %convert_element_type3A_2522 : vector<16xf32>
    %sub3A_2524 = arith.subf %broadcast_in_dim3A_2521, %mul3A_2523 : vector<16xf32>
    %mul3A_2525 = arith.mulf %broadcast_in_dim3A_2521, %add3A_2519 : vector<16xf32>
    %add3A_2526 = arith.addf %sub3A_2436, %mul3A_2525 : vector<16xf32>
    %mul3A_2527 = arith.mulf %sub3A_2524, %div3A_2485 : vector<16xf32>
    %sub3A_2528 = arith.subf %add3A_2526, %mul3A_2527 : vector<16xf32>
    %mul3A_2529 = arith.mulf %mul3A_2523, %div3A_2487 : vector<16xf32>
    %sub3A_2530 = arith.subf %sub3A_2528, %mul3A_2529 : vector<16xf32>
    %add3A_2531 = arith.constant 5 : i32
    %add3A_2532 = vector.broadcast %add3A_2531 : i32 to vector<16xi32>
    %add3A_2533 = arith.addi %mul3A_2058, %add3A_2532 : vector<16xi32>
    %gather3A_2534 = tpu.vector_load_idx %arg7[%add3A_2533] : memref<700xi32, #tpu.memory_space<vmem>>[vector<16xi32>], vector<16xi32>,
    %and3A_2535 = arith.constant 255 : i32
    %and3A_2536 = vector.broadcast %and3A_2535 : i32 to vector<16xi32>
    %and3A_2537 = arith.andi %gather3A_2534, %and3A_2536 : vector<16xi32>
    %shift_right_logical3A_2538 = arith.constant 8 : i32
    %shift_right_logical3A_2539 = vector.broadcast %shift_right_logical3A_2538 : i32 to vector<16xi32>
    %shift_right_logical3A_2540 = arith.shrui %gather3A_2534, %shift_right_logical3A_2539 : vector<16xi32>
    %and3A_2541 = arith.constant 255 : i32
    %and3A_2542 = vector.broadcast %and3A_2541 : i32 to vector<16xi32>
    %and3A_2543 = arith.andi %shift_right_logical3A_2540, %and3A_2542 : vector<16xi32>
    %shift_right_logical3A_2544 = arith.constant 16 : i32
    %shift_right_logical3A_2545 = vector.broadcast %shift_right_logical3A_2544 : i32 to vector<16xi32>
    %shift_right_logical3A_2546 = arith.shrui %gather3A_2534, %shift_right_logical3A_2545 : vector<16xi32>
    %and3A_2547 = arith.constant 63 : i32
    %and3A_2548 = vector.broadcast %and3A_2547 : i32 to vector<16xi32>
    %and3A_2549 = arith.andi %shift_right_logical3A_2546, %and3A_2548 : vector<16xi32>
    %shift_right_logical3A_2550 = arith.constant 22 : i32
    %shift_right_logical3A_2551 = vector.broadcast %shift_right_logical3A_2550 : i32 to vector<16xi32>
    %shift_right_logical3A_2552 = arith.shrui %gather3A_2534, %shift_right_logical3A_2551 : vector<16xi32>
    %and3A_2553 = arith.constant 63 : i32
    %and3A_2554 = vector.broadcast %and3A_2553 : i32 to vector<16xi32>
    %and3A_2555 = arith.andi %shift_right_logical3A_2552, %and3A_2554 : vector<16xi32>
    %shift_right_logical3A_2556 = arith.constant 28 : i32
    %shift_right_logical3A_2557 = vector.broadcast %shift_right_logical3A_2556 : i32 to vector<16xi32>
    %shift_right_logical3A_2558 = arith.shrui %gather3A_2534, %shift_right_logical3A_2557 : vector<16xi32>
    %and3A_2559 = arith.constant 1 : i32
    %and3A_2560 = vector.broadcast %and3A_2559 : i32 to vector<16xi32>
    %and3A_2561 = arith.andi %shift_right_logical3A_2558, %and3A_2560 : vector<16xi32>
    %shift_right_logical3A_2562 = arith.constant 29 : i32
    %shift_right_logical3A_2563 = vector.broadcast %shift_right_logical3A_2562 : i32 to vector<16xi32>
    %shift_right_logical3A_2564 = arith.shrui %gather3A_2534, %shift_right_logical3A_2563 : vector<16xi32>
    %and3A_2565 = arith.constant 1 : i32
    %and3A_2566 = vector.broadcast %and3A_2565 : i32 to vector<16xi32>
    %and3A_2567 = arith.andi %shift_right_logical3A_2564, %and3A_2566 : vector<16xi32>
    %mul3A_2568 = arith.constant 32 : i32
    %mul3A_2569 = vector.broadcast %mul3A_2568 : i32 to vector<16xi32>
    %mul3A_2570 = arith.muli %and3A_2537, %mul3A_2569 : vector<16xi32>
    %add3A_2571 = arith.addi %mul3A_2570, %add3A_2053 : vector<16xi32>
    %gather3A_2572 = tpu.vector_load_idx %arg6[%add3A_2571] : memref<6400xf32, #tpu.memory_space<vmem>>[vector<16xi32>], vector<16xf32>,
    %mul3A_2573 = arith.constant 32 : i32
    %mul3A_2574 = vector.broadcast %mul3A_2573 : i32 to vector<16xi32>
    %mul3A_2575 = arith.muli %and3A_2543, %mul3A_2574 : vector<16xi32>
    %add3A_2576 = arith.addi %mul3A_2575, %add3A_2053 : vector<16xi32>
    %gather3A_2577 = tpu.vector_load_idx %arg6[%add3A_2576] : memref<6400xf32, #tpu.memory_space<vmem>>[vector<16xi32>], vector<16xf32>,
    %convert_element_type3A_2578 = arith.sitofp %and3A_2549 : vector<16xi32> to vector<16xf32>
    %div3A_2579 = arith.divf %gather3A_2572, %convert_element_type3A_2578 : vector<16xf32>
    %convert_element_type3A_2580 = arith.sitofp %and3A_2555 : vector<16xi32> to vector<16xf32>
    %div3A_2581 = arith.divf %gather3A_2577, %convert_element_type3A_2580 : vector<16xf32>
    %max3A_2582 = arith.maximumf %div3A_2579, %div3A_2581 : vector<16xf32>
    %sub3A_2583 = arith.subf %div3A_2579, %div3A_2581 : vector<16xf32>
    %abs3A_2584 = math.absf %sub3A_2583 : vector<16xf32>
    %neg3A_2585 = arith.constant 0.000000e+00 : f32
    %neg3A_2586 = vector.broadcast %neg3A_2585 : f32 to vector<16xf32>
    %neg3A_2587 = arith.subf %neg3A_2586, %abs3A_2584 : vector<16xf32>
    %exp3A_2588 = math.exp %neg3A_2587 : vector<16xf32>
    %add3A_2589 = arith.constant 2.000000e+00 : f32
    %add3A_2590 = vector.broadcast %add3A_2589 : f32 to vector<16xf32>
    %add3A_2591 = arith.addf %exp3A_2588, %add3A_2590 : vector<16xf32>
    %div3A_2592 = arith.divf %exp3A_2588, %add3A_2591 : vector<16xf32>
    %mul3A_2593 = arith.mulf %div3A_2592, %div3A_2592 : vector<16xf32>
    %mul3A_2594 = arith.constant 0.222222224 : f32
    %mul3A_2595 = vector.broadcast %mul3A_2594 : f32 to vector<16xf32>
    %mul3A_2596 = arith.mulf %mul3A_2593, %mul3A_2595 : vector<16xf32>
    %add3A_2597 = arith.constant 0.285714298 : f32
    %add3A_2598 = vector.broadcast %add3A_2597 : f32 to vector<16xf32>
    %add3A_2599 = arith.addf %mul3A_2596, %add3A_2598 : vector<16xf32>
    %mul3A_2600 = arith.mulf %add3A_2599, %mul3A_2593 : vector<16xf32>
    %add3A_2601 = arith.constant 4.000000e-01 : f32
    %add3A_2602 = vector.broadcast %add3A_2601 : f32 to vector<16xf32>
    %add3A_2603 = arith.addf %mul3A_2600, %add3A_2602 : vector<16xf32>
    %mul3A_2604 = arith.mulf %add3A_2603, %mul3A_2593 : vector<16xf32>
    %add3A_2605 = arith.constant 0.666666686 : f32
    %add3A_2606 = vector.broadcast %add3A_2605 : f32 to vector<16xf32>
    %add3A_2607 = arith.addf %mul3A_2604, %add3A_2606 : vector<16xf32>
    %mul3A_2608 = arith.mulf %add3A_2607, %mul3A_2593 : vector<16xf32>
    %add3A_2609 = arith.constant 2.000000e+00 : f32
    %add3A_2610 = vector.broadcast %add3A_2609 : f32 to vector<16xf32>
    %add3A_2611 = arith.addf %mul3A_2608, %add3A_2610 : vector<16xf32>
    %mul3A_2612 = arith.mulf %add3A_2611, %div3A_2592 : vector<16xf32>
    %add3A_2613 = arith.addf %max3A_2582, %mul3A_2612 : vector<16xf32>
    %broadcast_in_dim3A_2614 = arith.constant 1.97285353E-5 : f32
    %broadcast_in_dim3A_2615 = vector.broadcast %broadcast_in_dim3A_2614 : f32 to vector<16xf32>
    %convert_element_type3A_2616 = arith.sitofp %and3A_2561 : vector<16xi32> to vector<16xf32>
    %mul3A_2617 = arith.mulf %broadcast_in_dim3A_2615, %convert_element_type3A_2616 : vector<16xf32>
    %sub3A_2618 = arith.subf %broadcast_in_dim3A_2615, %mul3A_2617 : vector<16xf32>
    %mul3A_2619 = arith.mulf %broadcast_in_dim3A_2615, %add3A_2613 : vector<16xf32>
    %add3A_2620 = arith.addf %sub3A_2530, %mul3A_2619 : vector<16xf32>
    %mul3A_2621 = arith.mulf %sub3A_2618, %div3A_2579 : vector<16xf32>
    %sub3A_2622 = arith.subf %add3A_2620, %mul3A_2621 : vector<16xf32>
    %mul3A_2623 = arith.mulf %mul3A_2617, %div3A_2581 : vector<16xf32>
    %sub3A_2624 = arith.subf %sub3A_2622, %mul3A_2623 : vector<16xf32>
    %add3A_2625 = arith.constant 6 : i32
    %add3A_2626 = vector.broadcast %add3A_2625 : i32 to vector<16xi32>
    %add3A_2627 = arith.addi %mul3A_2058, %add3A_2626 : vector<16xi32>
    %gather3A_2628 = tpu.vector_load_idx %arg7[%add3A_2627] : memref<700xi32, #tpu.memory_space<vmem>>[vector<16xi32>], vector<16xi32>,
    %and3A_2629 = arith.constant 255 : i32
    %and3A_2630 = vector.broadcast %and3A_2629 : i32 to vector<16xi32>
    %and3A_2631 = arith.andi %gather3A_2628, %and3A_2630 : vector<16xi32>
    %shift_right_logical3A_2632 = arith.constant 8 : i32
    %shift_right_logical3A_2633 = vector.broadcast %shift_right_logical3A_2632 : i32 to vector<16xi32>
    %shift_right_logical3A_2634 = arith.shrui %gather3A_2628, %shift_right_logical3A_2633 : vector<16xi32>
    %and3A_2635 = arith.constant 255 : i32
    %and3A_2636 = vector.broadcast %and3A_2635 : i32 to vector<16xi32>
    %and3A_2637 = arith.andi %shift_right_logical3A_2634, %and3A_2636 : vector<16xi32>
    %shift_right_logical3A_2638 = arith.constant 16 : i32
    %shift_right_logical3A_2639 = vector.broadcast %shift_right_logical3A_2638 : i32 to vector<16xi32>
    %shift_right_logical3A_2640 = arith.shrui %gather3A_2628, %shift_right_logical3A_2639 : vector<16xi32>
    %and3A_2641 = arith.constant 63 : i32
    %and3A_2642 = vector.broadcast %and3A_2641 : i32 to vector<16xi32>
    %and3A_2643 = arith.andi %shift_right_logical3A_2640, %and3A_2642 : vector<16xi32>
    %shift_right_logical3A_2644 = arith.constant 22 : i32
    %shift_right_logical3A_2645 = vector.broadcast %shift_right_logical3A_2644 : i32 to vector<16xi32>
    %shift_right_logical3A_2646 = arith.shrui %gather3A_2628, %shift_right_logical3A_2645 : vector<16xi32>
    %and3A_2647 = arith.constant 63 : i32
    %and3A_2648 = vector.broadcast %and3A_2647 : i32 to vector<16xi32>
    %and3A_2649 = arith.andi %shift_right_logical3A_2646, %and3A_2648 : vector<16xi32>
    %shift_right_logical3A_2650 = arith.constant 28 : i32
    %shift_right_logical3A_2651 = vector.broadcast %shift_right_logical3A_2650 : i32 to vector<16xi32>
    %shift_right_logical3A_2652 = arith.shrui %gather3A_2628, %shift_right_logical3A_2651 : vector<16xi32>
    %and3A_2653 = arith.constant 1 : i32
    %and3A_2654 = vector.broadcast %and3A_2653 : i32 to vector<16xi32>
    %and3A_2655 = arith.andi %shift_right_logical3A_2652, %and3A_2654 : vector<16xi32>
    %shift_right_logical3A_2656 = arith.constant 29 : i32
    %shift_right_logical3A_2657 = vector.broadcast %shift_right_logical3A_2656 : i32 to vector<16xi32>
    %shift_right_logical3A_2658 = arith.shrui %gather3A_2628, %shift_right_logical3A_2657 : vector<16xi32>
    %and3A_2659 = arith.constant 1 : i32
    %and3A_2660 = vector.broadcast %and3A_2659 : i32 to vector<16xi32>
    %and3A_2661 = arith.andi %shift_right_logical3A_2658, %and3A_2660 : vector<16xi32>
    %mul3A_2662 = arith.constant 32 : i32
    %mul3A_2663 = vector.broadcast %mul3A_2662 : i32 to vector<16xi32>
    %mul3A_2664 = arith.muli %and3A_2631, %mul3A_2663 : vector<16xi32>
    %add3A_2665 = arith.addi %mul3A_2664, %add3A_2053 : vector<16xi32>
    %gather3A_2666 = tpu.vector_load_idx %arg6[%add3A_2665] : memref<6400xf32, #tpu.memory_space<vmem>>[vector<16xi32>], vector<16xf32>,
    %mul3A_2667 = arith.constant 32 : i32
    %mul3A_2668 = vector.broadcast %mul3A_2667 : i32 to vector<16xi32>
    %mul3A_2669 = arith.muli %and3A_2637, %mul3A_2668 : vector<16xi32>
    %add3A_2670 = arith.addi %mul3A_2669, %add3A_2053 : vector<16xi32>
    %gather3A_2671 = tpu.vector_load_idx %arg6[%add3A_2670] : memref<6400xf32, #tpu.memory_space<vmem>>[vector<16xi32>], vector<16xf32>,
    %convert_element_type3A_2672 = arith.sitofp %and3A_2643 : vector<16xi32> to vector<16xf32>
    %div3A_2673 = arith.divf %gather3A_2666, %convert_element_type3A_2672 : vector<16xf32>
    %convert_element_type3A_2674 = arith.sitofp %and3A_2649 : vector<16xi32> to vector<16xf32>
    %div3A_2675 = arith.divf %gather3A_2671, %convert_element_type3A_2674 : vector<16xf32>
    %max3A_2676 = arith.maximumf %div3A_2673, %div3A_2675 : vector<16xf32>
    %sub3A_2677 = arith.subf %div3A_2673, %div3A_2675 : vector<16xf32>
    %abs3A_2678 = math.absf %sub3A_2677 : vector<16xf32>
    %neg3A_2679 = arith.constant 0.000000e+00 : f32
    %neg3A_2680 = vector.broadcast %neg3A_2679 : f32 to vector<16xf32>
    %neg3A_2681 = arith.subf %neg3A_2680, %abs3A_2678 : vector<16xf32>
    %exp3A_2682 = math.exp %neg3A_2681 : vector<16xf32>
    %add3A_2683 = arith.constant 2.000000e+00 : f32
    %add3A_2684 = vector.broadcast %add3A_2683 : f32 to vector<16xf32>
    %add3A_2685 = arith.addf %exp3A_2682, %add3A_2684 : vector<16xf32>
    %div3A_2686 = arith.divf %exp3A_2682, %add3A_2685 : vector<16xf32>
    %mul3A_2687 = arith.mulf %div3A_2686, %div3A_2686 : vector<16xf32>
    %mul3A_2688 = arith.constant 0.222222224 : f32
    %mul3A_2689 = vector.broadcast %mul3A_2688 : f32 to vector<16xf32>
    %mul3A_2690 = arith.mulf %mul3A_2687, %mul3A_2689 : vector<16xf32>
    %add3A_2691 = arith.constant 0.285714298 : f32
    %add3A_2692 = vector.broadcast %add3A_2691 : f32 to vector<16xf32>
    %add3A_2693 = arith.addf %mul3A_2690, %add3A_2692 : vector<16xf32>
    %mul3A_2694 = arith.mulf %add3A_2693, %mul3A_2687 : vector<16xf32>
    %add3A_2695 = arith.constant 4.000000e-01 : f32
    %add3A_2696 = vector.broadcast %add3A_2695 : f32 to vector<16xf32>
    %add3A_2697 = arith.addf %mul3A_2694, %add3A_2696 : vector<16xf32>
    %mul3A_2698 = arith.mulf %add3A_2697, %mul3A_2687 : vector<16xf32>
    %add3A_2699 = arith.constant 0.666666686 : f32
    %add3A_2700 = vector.broadcast %add3A_2699 : f32 to vector<16xf32>
    %add3A_2701 = arith.addf %mul3A_2698, %add3A_2700 : vector<16xf32>
    %mul3A_2702 = arith.mulf %add3A_2701, %mul3A_2687 : vector<16xf32>
    %add3A_2703 = arith.constant 2.000000e+00 : f32
    %add3A_2704 = vector.broadcast %add3A_2703 : f32 to vector<16xf32>
    %add3A_2705 = arith.addf %mul3A_2702, %add3A_2704 : vector<16xf32>
    %mul3A_2706 = arith.mulf %add3A_2705, %div3A_2686 : vector<16xf32>
    %add3A_2707 = arith.addf %max3A_2676, %mul3A_2706 : vector<16xf32>
    %convert_element_type3A_2708 = arith.sitofp %and3A_2661 : vector<16xi32> to vector<16xf32>
    %mul3A_2709 = arith.constant 1.97285353E-5 : f32
    %mul3A_2710 = vector.broadcast %mul3A_2709 : f32 to vector<16xf32>
    %mul3A_2711 = arith.mulf %convert_element_type3A_2708, %mul3A_2710 : vector<16xf32>
    %convert_element_type3A_2712 = arith.sitofp %and3A_2655 : vector<16xi32> to vector<16xf32>
    %mul3A_2713 = arith.mulf %mul3A_2711, %convert_element_type3A_2712 : vector<16xf32>
    %sub3A_2714 = arith.subf %mul3A_2711, %mul3A_2713 : vector<16xf32>
    %mul3A_2715 = arith.mulf %mul3A_2711, %add3A_2707 : vector<16xf32>
    %add3A_2716 = arith.addf %sub3A_2624, %mul3A_2715 : vector<16xf32>
    %mul3A_2717 = arith.mulf %sub3A_2714, %div3A_2673 : vector<16xf32>
    %sub3A_2718 = arith.subf %add3A_2716, %mul3A_2717 : vector<16xf32>
    %mul3A_2719 = arith.mulf %mul3A_2713, %div3A_2675 : vector<16xf32>
    %sub3A_2720 = arith.subf %sub3A_2718, %mul3A_2719 : vector<16xf32>
    %add3A_2721 = arith.addf %add3A_2050, %sub3A_2720 : vector<16xf32>
    %swap3A_2722 = arith.constant 0 : index
    %swap3A_2723 = tpu.vector_load %arg9[%swap3A_2722] {strides = array<i32>} : memref<16xf32, #tpu.memory_space<vmem>>, vector<16xf32>,
    tpu.vector_store %arg9[%swap3A_2722], %add3A_2721 {strides = array<i32>} : memref<16xf32, #tpu.memory_space<vmem>>, vector<16xf32>,
    "tpu.region"() ({
      %run_scoped3A = tpu.sem_alloc : memref<!tpu.dma_semaphore, #tpu.memory_space<semaphore_mem>>
      %dma_start3A_2724 = arith.constant 0 : i32
      %dma_start3A_2725 = tpu.memref_slice %arg5[%add3A, %dma_start3A_2724] : memref<32x16xf32, #tpu.memory_space<hbm>> -> memref<1x16xf32, #tpu.memory_space<hbm>>
      %dma_start3A_2726 = tpu.memref_squeeze %dma_start3A_2725 : memref<1x16xf32, #tpu.memory_space<hbm>> -> memref<16xf32, #tpu.memory_space<hbm>>
      %dma_start3A_2727 = arith.constant 0 : i32
      %dma_start3A_2728 = tpu.memref_slice %arg5[%add3A, %dma_start3A_2727] : memref<32x16xf32, #tpu.memory_space<hbm>> -> memref<1x16xf32, #tpu.memory_space<hbm>>
      %dma_start3A_2729 = tpu.memref_squeeze %dma_start3A_2728 : memref<1x16xf32, #tpu.memory_space<hbm>> -> memref<16xf32, #tpu.memory_space<hbm>>
      tpu.enqueue_dma source(%arg9 : memref<16xf32, #tpu.memory_space<vmem>>) target(%dma_start3A_2729 : memref<16xf32, #tpu.memory_space<hbm>>) target_semaphore(%run_scoped3A : memref<!tpu.dma_semaphore, #tpu.memory_space<semaphore_mem>>)
      %dma_wait3A_2730 = arith.constant 0 : i32
      %dma_wait3A_2731 = tpu.memref_slice %arg5[%add3A, %dma_wait3A_2730] : memref<32x16xf32, #tpu.memory_space<hbm>> -> memref<1x16xf32, #tpu.memory_space<hbm>>
      %dma_wait3A_2732 = tpu.memref_squeeze %dma_wait3A_2731 : memref<1x16xf32, #tpu.memory_space<hbm>> -> memref<16xf32, #tpu.memory_space<hbm>>
      %dma_wait3A_2733 = arith.constant 0 : i32
      %dma_wait3A_2734 = tpu.memref_slice %arg5[%add3A, %dma_wait3A_2733] : memref<32x16xf32, #tpu.memory_space<hbm>> -> memref<1x16xf32, #tpu.memory_space<hbm>>
      %dma_wait3A_2735 = tpu.memref_squeeze %dma_wait3A_2734 : memref<1x16xf32, #tpu.memory_space<hbm>> -> memref<16xf32, #tpu.memory_space<hbm>>
      tpu.wait_dma2 semaphore(%run_scoped3A : memref<!tpu.dma_semaphore, #tpu.memory_space<semaphore_mem>>) src(%arg9 : memref<16xf32, #tpu.memory_space<vmem>>) dst(%dma_wait3A_2735 : memref<16xf32, #tpu.memory_space<hbm>>)
      tpu.yield
    }) : () -> ()
    return
  }
}

</mosaic_0001>

<sc_bundles>
// kernel: kernel.3.cloned.1.call-start
scs
__scs_entry_jumppad:
0x0: {  	(pc) =	sbr.rel $0x88, $3  }
0x1: {  	(tag) =	ssettag $0x0;
	lr =	simm.s32 $0x1  }
0x2: {  	[smem:$0x3F9F] =	sst lr;
	_ =	strace $0xD0000000  }
0x3: {  	_ = 	snop  }
0x4: {  	_ = 	snop  }
0x5: {  	_ = 	snop  }
0x6: {  	_ = 	snop  }
0x7: {  	_ = 	snop  }
__scs_overlays_trampoline_lowered:
0x8: {  	[smem:$0x3FAE] =	sst s0  }
0x9: {  	[smem:$0x3FAF] =	sst s1  }
0xa: {  	[smem:$0x3FB0] =	sst s2  }
0xb: {  	[smem:$0x3FB1] =	sst s3  }
0xc: {  	[smem:$0x3FB2] =	sst s4  }
0xd: {  	[smem:$0x3FB3] =	sst s5  }
0xe: {  	[smem:$0x3FB4] =	sst s6  }
0xf: {  	[smem:$0x3FB5] =	sst s7  }
0x10: {  	[smem:$0x3FB6] =	sst s8  }
0x11: {  	[smem:$0x3FB7] =	sst s9;
	s0 =	simm.s32 @!p0 $0x0  }
0x12: {  	s1 =	sld [smem:$0x3F9D];
	s0 =	simm.s32 @p0 $0x1  }
0x13: {  	[smem:$0x3FB8] =	sst s0;
	s0 =	simm.s32 @!p1 $0x0  }
0x14: {  	s2 =	sld [smem:$0x3F9C];
	s0 =	simm.s32 @p1 $0x1  }
0x15: {  	[smem:$0x3FB9] =	sst s0;
	s0 =	simm.s32 @!p2 $0x0  }
0x16: {  	s3 =	sld [smem:$0x3FDB];
	s0 =	simm.s32 @p2 $0x1  }
0x17: {  	s4 =	simm.s32 $0x1BF5;
	[smem:$0x3FBB] =	sst s0  }
0x18: {  	s0 =	sld [smem:$0x3F9E];
	_ =	swait.ge [sflag:s4], $0x0  }
0x19: {  	s7 =	sld [smem:$0x3F9F]  }
0x1a: {  	s8 =	sadd.s32 $0xFFFFE003, lr  }
0x1b: {  	s9 =	sadd.s32 $0xFFFFFEF7, lr;
	s5 =	simm.s32 $0xFFFFFFFF;
	p2 =	slt.u32 s8, $0xFFFFF086  }
0x1c: {  	p1 =	slt.u32 s9, $0xF7A;
	s5 =	simm.s32 @!p2 $0x0  }
0x1d: {  	s5 =	simm.s32 @p1 $0x1;
	p0 =	seq.s32 s7, s2  }
0x1e: {  	s7 =	smul.u32 @!p0 $0xF7A, s2;
	p2 =	seq.s32 @!p0 s5, $0x0  }
0x1f: {  	s9 =	smul.u32 $0xF7A, s1;
	s8 =	simm.s32 @!p0 $0x1BF5;
	p2 =	por !p2, p0  }
0x20: {  	[sflag:s8] =	ssyncset.s32 @!p0 $0xFFFFF086;
	s6 =	sadd.s32 @!p0 s3, s7;
	s7 =	simm.s32 @!p0 $0x108  }
0x21: {  	s3 =	sadd.s32 s3, s9;
	s6 =	sadd.s32 @!p0 $0x88, s6;
	s7 =	simm.s32 @p2 $0x1082  }
0x22: {  	[simem:s7], [sflag:s8] =	dma.local @!p0 [hbm:s6], $0xF7A  }
0x23: {  	s9 =	sor.u32 $0xD0000000, s2;
	s6 =	simm.s32 $0x108;
	_ =	swait.ge @!p0 [sflag:s8], $0x0  }
0x24: {  	s3 =	sadd.s32 $0x88, s3;
	s6 =	simm.s32 @!p1 $0x1082;
	[sflag:s4] =	ssyncset.s32 $0xFFFFF086  }
0x25: {  	[simem:s6], [sflag:s4] =	dma.local [hbm:s3], $0xF7A  }
0x26: {  	[smem:$0x3F9F] =	sst s1;
	(tag) =	ssettag s2;
	_ =	strace s9  }
0x27: {  	s1 =	sld [smem:$0x3FAF]  }
0x28: {  	s2 =	sld [smem:$0x3FB0]  }
0x29: {  	s4 =	sld [smem:$0x3FB2]  }
0x2a: {  	p0 =	seq.s32 s5, $0x0;
	s5 =	sld [smem:$0x3FB3]  }
0x2b: {  	s6 =	sld [smem:$0x3FB4]  }
0x2c: {  	s7 =	sld [smem:$0x3FB5]  }
0x2d: {  	s3 =	simm.s32 $0x108;
	s8 =	sld [smem:$0x3FB6]  }
0x2e: {  	s3 =	simm.s32 @!p0 $0x1082;
	s9 =	sld [smem:$0x3FB7]  }
0x2f: {  	lr =	sadd.s32 s0, s3;
	s0 =	sld [smem:$0x3FAE]  }
0x30: {  	s3 =	sld [smem:$0x3FB1]  }
0x31: {  	[smem:$0x3FBA] =	sst s10  }
0x32: {  	s10 =	sld [smem:$0x3FB8];
	_ =	sdelay $0x3  }
0x33: {  	p0 =	seq.s32 s10, $0x1;
	s10 =	sld [smem:$0x3FBA];
	_ =	sdelay $0x3  }
0x34: {  	[smem:$0x3FBA] =	sst s10  }
0x35: {  	s10 =	sld [smem:$0x3FB9];
	_ =	sdelay $0x3  }
0x36: {  	p1 =	seq.s32 s10, $0x1;
	s10 =	sld [smem:$0x3FBA];
	_ =	sdelay $0x3  }
0x37: {  	[smem:$0x3FBA] =	sst s10  }
0x38: {  	s10 =	sld [smem:$0x3FBB]  }
0x39: {  	_ = 	snop;
	(pc) =	sbr.ind lr, $3  }
0x3a: {  	_ = 	snop  }
0x3b: {  	_ = 	snop  }
0x3c: {  	p2 =	seq.s32 s10, $0x1;
	s10 =	sld [smem:$0x3FBA]  }
0x3d: {  	_ =	shalt  }
0x3e: {  	_ =	shalt  }
0x3f: {  	_ =	shalt  }
0x40: {  	_ =	shalt  }
0x41: {  	_ =	shalt  }
0x42: {  	_ =	shalt  }
0x43: {  	_ =	shalt  }
0x44: {  	_ =	shalt  }
0x45: {  	_ =	shalt  }
0x46: {  	_ =	shalt  }
0x47: {  	_ =	shalt  }
0x48: {  	_ =	shalt  }
0x49: {  	_ =	shalt  }
0x4a: {  	_ =	shalt  }
0x4b: {  	_ =	shalt  }
0x4c: {  	_ =	shalt  }
0x4d: {  	_ =	shalt  }
0x4e: {  	_ =	shalt  }
0x4f: {  	_ =	shalt  }
0x50: {  	_ =	shalt  }
0x51: {  	_ =	shalt  }
0x52: {  	_ =	shalt  }
0x53: {  	_ =	shalt  }
0x54: {  	_ =	shalt  }
0x55: {  	_ =	shalt  }
0x56: {  	_ =	shalt  }
0x57: {  	_ =	shalt  }
0x58: {  	_ =	shalt  }
0x59: {  	_ =	shalt  }
0x5a: {  	_ =	shalt  }
0x5b: {  	_ =	shalt  }
0x5c: {  	_ =	shalt  }
0x5d: {  	_ =	shalt  }
0x5e: {  	_ =	shalt  }
0x5f: {  	_ =	shalt  }
0x60: {  	_ =	shalt  }
0x61: {  	_ =	shalt  }
0x62: {  	_ =	shalt  }
0x63: {  	_ =	shalt  }
0x64: {  	_ =	shalt  }
0x65: {  	_ =	shalt  }
0x66: {  	_ =	shalt  }
0x67: {  	_ =	shalt  }
0x68: {  	_ =	shalt  }
0x69: {  	_ =	shalt  }
0x6a: {  	_ =	shalt  }
0x6b: {  	_ =	shalt  }
0x6c: {  	_ =	shalt  }
0x6d: {  	_ =	shalt  }
0x6e: {  	_ =	shalt  }
0x6f: {  	_ =	shalt  }
0x70: {  	_ =	shalt  }
0x71: {  	_ =	shalt  }
0x72: {  	_ =	shalt  }
0x73: {  	_ =	shalt  }
0x74: {  	_ =	shalt  }
0x75: {  	_ =	shalt  }
0x76: {  	_ =	shalt  }
0x77: {  	_ =	shalt  }
0x78: {  	_ =	shalt  }
0x79: {  	_ =	shalt  }
0x7a: {  	_ =	shalt  }
0x7b: {  	_ =	shalt  }
0x7c: {  	_ =	shalt  }
0x7d: {  	_ =	shalt  }
0x7e: {  	_ =	shalt  }
0x7f: {  	_ =	shalt  }
0x80: {  	_ =	shalt  }
0x81: {  	_ =	shalt  }
0x82: {  	_ =	shalt  }
0x83: {  	_ =	shalt  }
0x84: {  	_ =	shalt  }
0x85: {  	_ =	shalt  }
0x86: {  	_ =	shalt  }
0x87: {  	_ =	shalt  }
.Lfunc_end0:
.L_simem_size_0:
called_computation_lowered:
.L_overlay_start_0:
0x88: {  	s2 =	sld [smem:$0x3FD9]  }
0x89: {  	s3 =	sld [smem:$0x3FFE];
	_ =	sdelay $0x1  }
0x8a: {  	s1 =	srdreg.scid  }
0x8b: {  	s0 =	sand.u32 $0x1, s1  }
0x8c: {  	s17 =	sshll.u32 s0, $0xA;
	s2 =	sadd.s32 s3, s2  }
0x8d: {  	s2 =	sadd.s32 s2, s17  }
0x8e: {  	[smem:$0x3FC6] =	sst s2  }
0x8f: {  	_ = 	snop  }
0x90: {  	s2 =	sld [smem:$0x3FC8];
	(tm) =	ssettm $0x1  }
0x91: {  	s18 =	sld [smem:$0x3FFB];
	_ =	sdelay $0x3  }
0x92: {  	_ =	strace s18  }
0x93: {  	s3 =	sld [smem:$0x3FFC];
	_ =	sdelay $0x3  }
0x94: {  	_ =	strace s3  }
0x95: {  	s3 =	sld [smem:$0x3FFD];
	_ =	sdelay $0x3  }
0x96: {  	_ =	strace s3  }
0x97: {  	_ =	strace $0x8FFFFFFF  }
0x98: {  	s19 =	sld [smem:$0x3FDB];
	_ =	sdelay $0x1  }
0x99: {  	s4 =	simm.s32 $_scs_section_size  }
0x9a: {  	s5 =	simm.s32 $_size__tile_overlayer_lowered;
	s6 =	simm.s32 $_tile_overlayer_lowered  }
0x9b: {  	s22 =	simm.s32 $0x1BFF;
	s21 =	sshll.u32 s6, $0x1;
	s3 =	sadd.s32 s4, s19  }
0x9c: {  	s7 =	simm.s32 $0x0;
	s20 =	sshll.u32 s5, $0x1;
	s5 =	sadd.s32 s21, s3  }
0x9d: {  	[timem:s7], [sflag:s22] =	dma.local [hbm:s5], s20  }
0x9e: {  	_ =	swait.ge [sflag:s22], s20  }
0x9f: {  	s4 =	ssub.s32 $0x0, s20;
	[sflag:s22] =	ssyncset.done $0x0  }
0xa0: {  	[sflag:s22] =	ssyncadd.s32 s4;
	_ =	sdelay $0x1  }
0xa1: {  	s23 =	simm.s32 $0x1B8B  }
0xa2: {  	_ =	swait.ge [sflag:s23], $0x1  }
0xa3: {  	[sflag:s23] =	ssyncset.done $0x0  }
0xa4: {  	s25 =	simm.s32 $0x1B8E;
	s24 =	sld [smem:$0x3FFE];
	[sflag:s23] =	ssyncadd.s32 $0xFFFFFFFF  }
0xa5: {  	s26 =	simm.s32 $execute0_lowered;
	[smem:$0x3FD2] =	sst s25  }
0xa6: {  	s5 =	sshll.u32 s26, $0x1;
	_ =	strace $0x80000046;
	[dreg:$0x1] =	wrdreg $0xFFFFFFFF  }
0xa7: {  	s28 =	simm.s32 $_size_execute0_lowered;
	s3 =	sadd.s32 s3, s5;
	[dreg:$0x0] =	wrdreg $0x0  }
0xa8: {  	s5 =	sshll.u32 s28, $0x1;
	[dreg:$0x2] =	wrdreg s3  }
0xa9: {  	[dreg:$0x3] =	wrdreg s5  }
0xaa: {  	[dreg:$0x4] =	wrdreg $0xC0  }
0xab: {  	_ =	task [dreg:s7], $0x5FFFF  }
0xac: {  	[dreg:$0x1] =	wrdreg $0xFFFFFFFF  }
0xad: {  	[dreg:$0x0] =	wrdreg $0x60  }
0xae: {  	[dreg:$0x2] =	wrdreg s24  }
0xaf: {  	[dreg:$0x3] =	wrdreg s2  }
0xb0: {  	[dreg:$0x4] =	wrdreg $0x9  }
0xb1: {  	_ =	task.clear_ibuf [dreg:s7], $0x5FFFF;
	_ =	strace $0x90000046  }
0xb2: {  	s29 =	simm.s32 $0x9;
	_ =	strace $0x80000048  }
0xb3: {  	_ =	swait.ge [sflag:s29], $0x1  }
0xb4: {  	[sflag:s29] =	ssyncadd.s32 $0xFFFFFFFF  }
0xb5: {  	_ =	strace $0x90000048  }
0xb6: {  	_ =	sfence  }
0xb7: {  	s30 =	sld [smem:$0x0];
	_ =	sdelay $0x2  }
0xb8: {  	s31 =	sshll.u32 s1, $0xD;
	s1 =	sshrl.u32 s1, $0x2  }
0xb9: {  	s3 =	sand.u32 $0x4000, s31;
	s1 =	sadd.s32 s1, s30  }
0xba: {  	s0 =	sor.u32 s3, s0;
	s1 =	sshll.u32 s1, $0x11  }
0xbb: {  	s0 =	sor.u32 s1, s0  }
0xbc: {  	s0 =	sadd.s32 $0x8F2B, s0  }
0xbd: {  	[sflag:s0] =	ssyncadd.remote.s32 $0x1  }
0xbe: {  	_ =	sfence.sel $0xFFFF  }
0xbf: {  	[dreg:$0x0] =	wrdreg $0xFFFFFFFF;
	(pc) =	sbr.abs _section_cstart, $3  }
0xc0: {  	[dreg:$0x1] =	wrdreg $0xFFFFFFFF  }
0xc1: {  	_ =	task.clear_ibuf [dreg:s7], $0x2FFFF;
	_ =	strace $0x9FFFFFFF  }
0xc2: {  	(tm) =	ssettm $0x7FFFFFFF  }
0xc3: {  	_ =	shalt  }
tec
execute0_lowered:
.L_overlay_start_1:
0x0: {  	(tag) =	ssettag $0x1  }
0x1: {  	s1 =	srdreg.scid;
	s4 =	rddreg [dreg:$0x0]  }
0x2: {  	s0 =	stileid.u32;
	s6 =	rddreg [dreg:$0x1]  }
0x3: {  	s2 =	simm.s32 $0x0;
	s11 =	simm.s32 $0x2;
	s12 =	simm.s32 $0x3  }
0x4: {  	s13 =	simm.s32 $0x1C80;
	s5 =	sand.u32 $0x1, s1;
	s1 =	rddreg [dreg:$0x2]  }
0x5: {  	s14 =	simm.s32 $0x4;
	s30 =	sshll.u32 s0, $0x1;
	[smem:$0x7FF] =	sst s2  }
0x6: {  	s7 =	sor.u32 s5, s30;
	_ =	strace $0x80000047;
	s5 =	ssub.s32 $0x2, s5  }
0x7: {  	s3 =	smul.u32 $0x190, s7;
	s9 =	sshll.u32 s7, $0x4;
	s31 =	sshrl.u32 s5, $0x1  }
0x8: {  	s7 =	sshll.u32 s7, $0x2;
	s9 =	sadd.s32 s9, s4;
	s10 =	ssub.s32 s5, s31  }
0x9: {  	s5 =	sadd.s32 s6, s7;
	s8 =	sadd.s32 s3, s4;
	s3 =	sadd.s32 $0x3400, s4  }
0xa: {  	v0 =	vlaneseq.u32;
	s6 =	sadd.s32 $0x3600, s9;
	s7 =	smax.u32 s10, $0x1;
	s9 =	simm.s32 $0x1900  }
0xb: {  	v1 =	vor.u32 $0x10, v0;
	s10 =	simm.s32 $0x1;
	s4 =	sadd.s32 $0x200, s8;
	s8 =	simm.s32 $0x1C00  }
.LBB2_1:
0xc: {  	[tilespmem:s2], [sflag:$0x1] =	stream.linear.gather [hbm4b:s4+s2], $0xC80, $0x38;
	[tilespmem:$0x1D00] =	vst v63  }
0xd: {  	_ = 	snop  }
0xe: {  	[tilespmem:s8], [sflag:$0x2] =	stream.linear.gather [hbm4b:s5+s2], $0x20, $0x38;
	[tilespmem:$0x1D00] =	vst v63  }
0xf: {  	_ = 	snop  }
0x10: {  	[tilespmem:s9], [sflag:$0x3] =	stream.linear.gather [hbm4b:s3+s2], $0x300, $0x38;
	[tilespmem:$0x1D00] =	vst v63  }
0x11: {  	_ =	swait.ge [sflag:s10], $0xC80  }
0x12: {  	[sflag:s10] =	ssyncset.done $0x0  }
0x13: {  	[sflag:s10] =	ssyncadd.s32 $0xFFFFF380  }
0x14: {  	v2 =	vld [tilespmem:$0xC40]  }
0x15: {  	v3 =	vld [tilespmem:$0xC60]  }
0x16: {  	v4 =	vld [tilespmem:$0xC00]  }
0x17: {  	v5 =	vld [tilespmem:$0xC20]  }
0x18: {  	v6 =	vld [tilespmem:$0xBC0]  }
0x19: {  	v7 =	vld [tilespmem:$0xBE0]  }
0x1a: {  	v8 =	vld [tilespmem:$0xBA0]  }
0x1b: {  	v9 =	vld [tilespmem:$0xB60]  }
0x1c: {  	v10 =	vld [tilespmem:$0xB80]  }
0x1d: {  	v31 =	vld [tilespmem:$0xAA0]  }
0x1e: {  	v13 =	vld [tilespmem:$0xAC0]  }
0x1f: {  	v14 =	vld [tilespmem:$0xA40]  }
0x20: {  	v34 =	vld [tilespmem:$0xA60]  }
0x21: {  	v36 =	vld [tilespmem:$0x9E0]  }
0x22: {  	v37 =	vld [tilespmem:$0xA00];
	v2 =	vadd.f32 v3, v2  }
0x23: {  	v47 =	vld [tilespmem:$0x8E0];
	v4 =	vadd.f32 v5, v4  }
0x24: {  	v49 =	vld [tilespmem:$0x900];
	v29 =	vadd.f32 v7, v6;
	[tilespmem:$0x18C0] =	vst v2  }
0x25: {  	v11 =	vld [tilespmem:$0xB40];
	v33 =	vadd.f32 v10, v9;
	[tilespmem:$0x18A0] =	vst v4  }
0x26: {  	v12 =	vld [tilespmem:$0xB00];
	v39 =	vadd.f32 v13, v31;
	[tilespmem:$0x1860] =	vst v29  }
0x27: {  	v3 =	vld [tilespmem:$0xB20];
	v9 =	vadd.f32 v34, v14;
	[tilespmem:$0x1800] =	vst v33  }
0x28: {  	v30 =	vld [tilespmem:$0xAE0];
	v5 =	vadd.f32 v37, v36;
	[tilespmem:$0x1740] =	vst v39  }
0x29: {  	v32 =	vld [tilespmem:$0xA80];
	v53 =	vadd.f32 v49, v47;
	[tilespmem:$0x1700] =	vst v9  }
0x2a: {  	v35 =	vld [tilespmem:$0xA20];
	v2 =	vadd.f32 v4, v2;
	[tilespmem:$0x16A0] =	vst v5  }
0x2b: {  	v40 =	vld [tilespmem:$0x9C0];
	v8 =	vadd.f32 v8, v29;
	[tilespmem:$0x15A0] =	vst v53  }
0x2c: {  	[tilespmem:$0x1880] =	vst v2;
	v3 =	vadd.f32 v3, v12  }
0x2d: {  	v38 =	vld [tilespmem:$0x980];
	v10 =	vadd.f32 v11, v33;
	[tilespmem:$0x1840] =	vst v8  }
0x2e: {  	v4 =	vadd.f32 v32, v39;
	v6 =	vadd.f32 v30, v3;
	[tilespmem:$0x17C0] =	vst v3;
	v3 =	vld [tilespmem:$0x9A0]  }
0x2f: {  	v42 =	vadd.f32 v35, v9;
	[tilespmem:$0x17E0] =	vst v10  }
0x30: {  	v41 =	vld [tilespmem:$0x960];
	v44 =	vadd.f32 v40, v5;
	[tilespmem:$0x1720] =	vst v4  }
0x31: {  	v2 =	vadd.f32 v8, v2;
	[tilespmem:$0x16E0] =	vst v42  }
0x32: {  	v4 =	vadd.f32 v42, v4;
	[tilespmem:$0x1680] =	vst v44  }
0x33: {  	v43 =	vld [tilespmem:$0x920];
	[tilespmem:$0x1820] =	vst v2;
	v10 =	vadd.f32 v6, v10;
	v3 =	vadd.f32 v3, v38  }
0x34: {  	v50 =	vld [tilespmem:$0x8A0];
	[tilespmem:$0x16C0] =	vst v4  }
0x35: {  	v51 =	vld [tilespmem:$0x8C0];
	[tilespmem:$0x17A0] =	vst v6;
	v2 =	vadd.f32 v10, v2;
	v45 =	vadd.f32 v41, v3  }
0x36: {  	v46 =	vld [tilespmem:$0x940];
	[tilespmem:$0x1780] =	vst v10  }
0x37: {  	[tilespmem:$0x1760] =	vst v2;
	v48 =	vadd.f32 v45, v44  }
0x38: {  	[tilespmem:$0x1660] =	vst v3  }
0x39: {  	v52 =	vld [tilespmem:$0x880];
	[tilespmem:$0x1640] =	vst v45;
	v3 =	vadd.f32 v48, v4  }
0x3a: {  	[tilespmem:$0x1620] =	vst v48;
	v4 =	vadd.f32 v51, v50  }
0x3b: {  	v2 =	vadd.f32 v3, v2;
	[tilespmem:$0x1600] =	vst v3;
	v3 =	vadd.f32 v46, v43  }
0x3c: {  	[tilespmem:$0x1560] =	vst v4  }
0x3d: {  	[tilespmem:$0x15C0] =	vst v3;
	v3 =	vadd.f32 v53, v3  }
0x3e: {  	v5 =	vadd.f32 v52, v4;
	[tilespmem:$0x15E0] =	vst v2  }
0x3f: {  	[tilespmem:$0x1580] =	vst v3  }
0x40: {  	[tilespmem:$0x1540] =	vst v5  }
0x41: {  	v54 =	vld [tilespmem:$0x840]  }
0x42: {  	v55 =	vld [tilespmem:$0x860]  }
0x43: {  	v56 =	vld [tilespmem:$0x820]  }
0x44: {  	v57 =	vld [tilespmem:$0x7E0]  }
0x45: {  	v58 =	vld [tilespmem:$0x800]  }
0x46: {  	v59 =	vld [tilespmem:$0x7C0]  }
0x47: {  	v60 =	vld [tilespmem:$0x780]  }
0x48: {  	v61 =	vld [tilespmem:$0x7A0]  }
0x49: {  	v62 =	vld [tilespmem:$0x760]  }
0x4a: {  	v63 =	vld [tilespmem:$0x720]  }
0x4b: {  	v15 =	vld [tilespmem:$0x740]  }
0x4c: {  	v16 =	vld [tilespmem:$0x700]  }
0x4d: {  	v17 =	vld [tilespmem:$0x6C0]  }
0x4e: {  	v22 =	vld [tilespmem:$0x6E0]  }
0x4f: {  	v23 =	vld [tilespmem:$0x6A0]  }
0x50: {  	v24 =	vld [tilespmem:$0x660]  }
0x51: {  	v18 =	vld [tilespmem:$0x680]  }
0x52: {  	v26 =	vld [tilespmem:$0x600]  }
0x53: {  	v27 =	vld [tilespmem:$0x620]  }
0x54: {  	v3 =	vadd.f32 v5, v3;
	v32 =	vld [tilespmem:$0x580]  }
0x55: {  	v34 =	vld [tilespmem:$0x5A0];
	v4 =	vadd.f32 v55, v54  }
0x56: {  	v37 =	vld [tilespmem:$0x520];
	[tilespmem:$0x1520] =	vst v3;
	v21 =	vadd.f32 v58, v57  }
0x57: {  	v38 =	vld [tilespmem:$0x540];
	v28 =	vadd.f32 v61, v60;
	[tilespmem:$0x1500] =	vst v4  }
0x58: {  	v45 =	vld [tilespmem:$0x460];
	v29 =	vadd.f32 v15, v63;
	[tilespmem:$0x14C0] =	vst v21  }
0x59: {  	v46 =	vld [tilespmem:$0x480];
	v8 =	vadd.f32 v22, v17;
	[tilespmem:$0x1440] =	vst v28  }
0x5a: {  	v19 =	vld [tilespmem:$0x640];
	v33 =	vadd.f32 v18, v24;
	[tilespmem:$0x1400] =	vst v29  }
0x5b: {  	v30 =	vld [tilespmem:$0x5C0];
	v47 =	vadd.f32 v27, v26;
	[tilespmem:$0x13A0] =	vst v8  }
0x5c: {  	v31 =	vld [tilespmem:$0x5E0];
	v49 =	vadd.f32 v34, v32;
	[tilespmem:$0x1360] =	vst v33  }
0x5d: {  	v35 =	vld [tilespmem:$0x560];
	v53 =	vadd.f32 v38, v37;
	[tilespmem:$0x12A0] =	vst v47  }
0x5e: {  	v40 =	vld [tilespmem:$0x500];
	v60 =	vadd.f32 v46, v45;
	[tilespmem:$0x1240] =	vst v49  }
0x5f: {  	v41 =	vld [tilespmem:$0x4C0];
	v7 =	vadd.f32 v56, v4;
	[tilespmem:$0x11E0] =	vst v53  }
0x60: {  	v43 =	vld [tilespmem:$0x4E0];
	v9 =	vadd.f32 v59, v21;
	[tilespmem:$0x1120] =	vst v60  }
0x61: {  	v44 =	vld [tilespmem:$0x4A0];
	v13 =	vadd.f32 v62, v28;
	[tilespmem:$0x14E0] =	vst v7  }
0x62: {  	v48 =	vld [tilespmem:$0x440];
	v14 =	vadd.f32 v16, v29;
	[tilespmem:$0x14A0] =	vst v9  }
0x63: {  	v50 =	vld [tilespmem:$0x400];
	v5 =	vadd.f32 v23, v8;
	[tilespmem:$0x1420] =	vst v13  }
0x64: {  	v51 =	vld [tilespmem:$0x3E0];
	v36 =	vadd.f32 v19, v33;
	[tilespmem:$0x13E0] =	vst v14  }
0x65: {  	v52 =	vld [tilespmem:$0x3C0];
	v10 =	vadd.f32 v35, v49;
	[tilespmem:$0x1380] =	vst v5  }
0x66: {  	v20 =	vld [tilespmem:$0xB30];
	v8 =	vadd.f32 v43, v41;
	[tilespmem:$0x1340] =	vst v36  }
0x67: {  	v63 =	vld [tilespmem:$0x260];
	v6 =	vadd.f32 v48, v60;
	[tilespmem:$0x1220] =	vst v10  }
0x68: {  	v22 =	vld [tilespmem:$0x280];
	v25 =	vadd.f32 v9, v7;
	[tilespmem:$0x11A0] =	vst v8  }
0x69: {  	v61 =	vld [tilespmem:$0x2A0];
	v13 =	vadd.f32 v14, v13;
	[tilespmem:$0x1100] =	vst v6  }
0x6a: {  	v45 =	vld [tilespmem:$0x40];
	v39 =	vadd.f32 v36, v5;
	[tilespmem:$0x1480] =	vst v25  }
0x6b: {  	v62 =	vld [tilespmem:$0x2C0];
	v14 =	vadd.f32 v40, v53;
	[tilespmem:$0x13C0] =	vst v13  }
0x6c: {  	v23 =	vld [tilespmem:$0x240];
	v9 =	vadd.f32 v44, v8;
	[tilespmem:$0x1320] =	vst v39  }
0x6d: {  	v28 =	vld [tilespmem:$0x1A0];
	v34 =	vadd.f32 v22, v63;
	[tilespmem:$0x11C0] =	vst v14  }
0x6e: {  	v29 =	vld [tilespmem:$0x1C0];
	v3 =	vadd.f32 v25, v3;
	[tilespmem:$0x1180] =	vst v9  }
0x6f: {  	v43 =	vld [tilespmem:$0x20];
	v42 =	vadd.f32 v39, v13;
	[tilespmem:$0xF40] =	vst v34  }
0x70: {  	v35 =	vld [tilespmem:$0xE0];
	v14 =	vadd.f32 v9, v14;
	[tilespmem:$0x1460] =	vst v3  }
0x71: {  	v36 =	vld [tilespmem:$0x100];
	v7 =	vadd.f32 v62, v61;
	[tilespmem:$0x1300] =	vst v42  }
0x72: {  	v54 =	vld [tilespmem:$0x380];
	v37 =	vadd.f32 v23, v34;
	[tilespmem:$0x1160] =	vst v14  }
0x73: {  	v55 =	vld [tilespmem:$0x340];
	v9 =	vadd.f32 v29, v28;
	[tilespmem:$0xF80] =	vst v7  }
0x74: {  	v57 =	vld [tilespmem:$0x320];
	v53 =	vadd.f32 v45, v43;
	[tilespmem:$0xF20] =	vst v37  }
0x75: {  	v38 =	vld [tilespmem:$0xC0];
	v3 =	vadd.f32 v42, v3;
	[tilespmem:$0xEA0] =	vst v9  }
0x76: {  	v58 =	vld [tilespmem:$0x2E0];
	v48 =	vadd.f32 v36, v35;
	[tilespmem:$0xD40] =	vst v53  }
0x77: {  	v56 =	vld [tilespmem:$0x360];
	v2 =	vadd.f32 v3, v2;
	[tilespmem:$0x12E0] =	vst v3;
	v3 =	vadd.f32 v31, v30  }
0x78: {  	v49 =	vld [tilespmem:$0xC70];
	[tilespmem:$0xDE0] =	vst v48  }
0x79: {  	v40 =	vld [tilespmem:$0xA0];
	[tilespmem:$0x12C0] =	vst v2;
	v5 =	vadd.f32 v3, v47  }
0x7a: {  	v30 =	vld [tilespmem:$0x180];
	v12 =	vadd.f32 v38, v48;
	[tilespmem:$0x1280] =	vst v3  }
0x7b: {  	v2 =	vld [tilespmem:$0x420];
	[tilespmem:$0x1260] =	vst v5;
	v5 =	vadd.f32 v10, v5  }
0x7c: {  	v3 =	vld [tilespmem:$0x3A0];
	[tilespmem:$0xDC0] =	vst v12;
	v10 =	vadd.f32 v56, v55  }
0x7d: {  	v39 =	vld [tilespmem:$0x80];
	[tilespmem:$0x1200] =	vst v5;
	v5 =	vadd.f32 v14, v5  }
0x7e: {  	v47 =	vld [tilespmem:$0xC50];
	v4 =	vadd.f32 v57, v10;
	[tilespmem:$0x1040] =	vst v10  }
0x7f: {  	v24 =	vld [tilespmem:$0x200];
	v10 =	vadd.f32 v30, v9;
	[tilespmem:$0x1140] =	vst v5  }
0x80: {  	v26 =	vld [tilespmem:$0x220];
	v2 =	vadd.f32 v2, v50;
	[tilespmem:$0x1020] =	vst v4  }
0x81: {  	v42 =	vld [tilespmem:$0x60];
	v3 =	vadd.f32 v52, v3;
	[tilespmem:$0xE80] =	vst v10  }
0x82: {  	v27 =	vld [tilespmem:$0x1E0];
	v52 =	vadd.f32 v40, v39;
	[tilespmem:$0x10E0] =	vst v2  }
0x83: {  	v32 =	vld [tilespmem:$0x160];
	v23 =	vadd.f32 v49, v47;
	[tilespmem:$0x1080] =	vst v3  }
0x84: {  	v28 =	vld [tilespmem:$0x9F0];
	v21 =	vadd.f32 v51, v2;
	[tilespmem:$0xD80] =	vst v52  }
0x85: {  	v31 =	vld [tilespmem:$0x140];
	v25 =	vadd.f32 v54, v3;
	[tilespmem:$0x18D0] =	vst v23  }
0x86: {  	v30 =	vld [tilespmem:$0xA10];
	v56 =	vadd.f32 v42, v52;
	[tilespmem:$0x10C0] =	vst v21  }
0x87: {  	v46 =	vld [tilespmem:$0x0];
	v2 =	vadd.f32 v21, v6;
	[tilespmem:$0x1060] =	vst v25  }
0x88: {  	v33 =	vld [tilespmem:$0x120];
	v3 =	vadd.f32 v4, v25;
	[tilespmem:$0xD60] =	vst v56  }
0x89: {  	v55 =	vld [tilespmem:$0xBF0];
	v6 =	vadd.f32 v26, v24;
	[tilespmem:$0x10A0] =	vst v2  }
0x8a: {  	v54 =	vld [tilespmem:$0xBD0];
	v4 =	vadd.f32 v32, v31;
	[tilespmem:$0x1000] =	vst v3  }
0x8b: {  	v59 =	vld [tilespmem:$0x300];
	v11 =	vadd.f32 v30, v28;
	[tilespmem:$0xEE0] =	vst v6  }
0x8c: {  	v60 =	vld [tilespmem:$0xB90];
	v2 =	vadd.f32 v3, v2;
	[tilespmem:$0xE20] =	vst v4  }
0x8d: {  	v63 =	vld [tilespmem:$0xB10];
	v41 =	vadd.f32 v27, v6;
	[tilespmem:$0x16B0] =	vst v11  }
0x8e: {  	v22 =	vld [tilespmem:$0xAB0];
	v8 =	vadd.f32 v33, v4;
	[tilespmem:$0xFE0] =	vst v2  }
0x8f: {  	v57 =	vld [tilespmem:$0xBB0];
	v25 =	vadd.f32 v55, v54;
	[tilespmem:$0xEC0] =	vst v41  }
0x90: {  	v24 =	vld [tilespmem:$0xAD0];
	v3 =	vadd.f32 v2, v5;
	[tilespmem:$0xE00] =	vst v8  }
0x91: {  	v61 =	vld [tilespmem:$0xB50];
	v2 =	vadd.f32 v59, v58;
	[tilespmem:$0x1870] =	vst v25  }
0x92: {  	v26 =	vld [tilespmem:$0xA90];
	v44 =	vadd.f32 v10, v41;
	[tilespmem:$0xFC0] =	vst v3  }
0x93: {  	v32 =	vld [tilespmem:$0x990];
	v8 =	vadd.f32 v12, v8;
	[tilespmem:$0xFA0] =	vst v2  }
0x94: {  	v33 =	vld [tilespmem:$0x9B0];
	v13 =	vadd.f32 v57, v25;
	[tilespmem:$0xE60] =	vst v44  }
0x95: {  	v34 =	vld [tilespmem:$0x970];
	v36 =	vadd.f32 v24, v22;
	[tilespmem:$0xDA0] =	vst v8  }
0x96: {  	v45 =	vld [tilespmem:$0x870];
	v2 =	vadd.f32 v7, v2;
	[tilespmem:$0x1850] =	vst v13  }
0x97: {  	v58 =	vld [tilespmem:$0xB70];
	v7 =	vadd.f32 v46, v53;
	[tilespmem:$0x1750] =	vst v36  }
0x98: {  	v38 =	vld [tilespmem:$0x8F0];
	v10 =	vadd.f32 v26, v36;
	[tilespmem:$0xF60] =	vst v2  }
0x99: {  	v50 =	vld [tilespmem:$0xC10];
	v6 =	vadd.f32 v33, v32;
	[tilespmem:$0xD20] =	vst v7  }
0x9a: {  	v39 =	vld [tilespmem:$0x910];
	v2 =	vadd.f32 v37, v2;
	[tilespmem:$0x1730] =	vst v10  }
0x9b: {  	v40 =	vld [tilespmem:$0x8B0];
	v59 =	vadd.f32 v7, v56;
	[tilespmem:$0x1670] =	vst v6  }
0x9c: {  	v47 =	vld [tilespmem:$0x830];
	v29 =	vadd.f32 v60, v58;
	[tilespmem:$0xF00] =	vst v2  }
0x9d: {  	v51 =	vld [tilespmem:$0xC30];
	v43 =	vadd.f32 v34, v6;
	[tilespmem:$0xD00] =	vst v59  }
0x9e: {  	v21 =	vld [tilespmem:$0xAF0];
	v2 =	vadd.f32 v44, v2;
	[tilespmem:$0x1810] =	vst v29  }
0x9f: {  	v42 =	vld [tilespmem:$0x890];
	v62 =	vadd.f32 v59, v8;
	[tilespmem:$0x1650] =	vst v43  }
0xa0: {  	v52 =	vld [tilespmem:$0x770];
	v8 =	vadd.f32 v20, v63;
	[tilespmem:$0xE40] =	vst v2  }
0xa1: {  	v28 =	vld [tilespmem:$0x530];
	v4 =	vadd.f32 v61, v29;
	[tilespmem:$0xCE0] =	vst v62  }
0xa2: {  	v41 =	vld [tilespmem:$0x8D0];
	v2 =	vadd.f32 v62, v2;
	[tilespmem:$0x17D0] =	vst v8  }
0xa3: {  	v44 =	vld [tilespmem:$0x850];
	v7 =	vadd.f32 v21, v8;
	[tilespmem:$0x17F0] =	vst v4  }
0xa4: {  	v36 =	vld [tilespmem:$0x490];
	v3 =	vadd.f32 v2, v3;
	[tilespmem:$0xCC0] =	vst v2  }
0xa5: {  	v58 =	vld [tilespmem:$0x6D0];
	v2 =	vadd.f32 v51, v50;
	[tilespmem:$0x17B0] =	vst v7  }
0xa6: {  	v60 =	vld [tilespmem:$0x6F0];
	v4 =	vadd.f32 v7, v4;
	[tilespmem:$0xCA0] =	vst v3  }
0xa7: {  	v20 =	vld [tilespmem:$0x610];
	v7 =	vadd.f32 v41, v40;
	[tilespmem:$0x18B0] =	vst v2  }
0xa8: {  	v21 =	vld [tilespmem:$0x630];
	v56 =	vadd.f32 v45, v44;
	[tilespmem:$0x1790] =	vst v4  }
0xa9: {  	v34 =	vld [tilespmem:$0x470];
	v5 =	vadd.f32 v2, v23;
	[tilespmem:$0x1570] =	vst v7  }
0xaa: {  	v61 =	vld [tilespmem:$0x6B0];
	v54 =	vadd.f32 v42, v7;
	[tilespmem:$0x1510] =	vst v56  }
0xab: {  	v29 =	vld [tilespmem:$0x550];
	v7 =	vadd.f32 v60, v58;
	[tilespmem:$0x1890] =	vst v5  }
0xac: {  	v50 =	vld [tilespmem:$0x790];
	v59 =	vadd.f32 v47, v56;
	[tilespmem:$0x1550] =	vst v54  }
0xad: {  	v51 =	vld [tilespmem:$0x7B0];
	v33 =	vadd.f32 v21, v20;
	[tilespmem:$0x13B0] =	vst v7  }
0xae: {  	v30 =	vld [tilespmem:$0x510];
	v47 =	vadd.f32 v36, v34;
	[tilespmem:$0x14F0] =	vst v59  }
0xaf: {  	v27 =	vld [tilespmem:$0xA70];
	v5 =	vadd.f32 v13, v5;
	[tilespmem:$0x12B0] =	vst v33  }
0xb0: {  	v3 =	vld [tilespmem:$0xA50];
	v25 =	vadd.f32 v61, v7;
	[tilespmem:$0x1130] =	vst v47  }
0xb1: {  	v2 =	vld [tilespmem:$0xA30];
	v7 =	vadd.f32 v29, v28;
	[tilespmem:$0x1830] =	vst v5  }
0xb2: {  	v20 =	vld [tilespmem:$0x150];
	v8 =	vadd.f32 v51, v50;
	[tilespmem:$0x1390] =	vst v25  }
0xb3: {  	v21 =	vld [tilespmem:$0x170];
	v5 =	vadd.f32 v4, v5;
	[tilespmem:$0x11F0] =	vst v7  }
0xb4: {  	v19 =	vld [tilespmem:$0x690];
	v4 =	vadd.f32 v39, v38;
	[tilespmem:$0x1450] =	vst v8  }
0xb5: {  	v31 =	vld [tilespmem:$0x9D0];
	v42 =	vadd.f32 v30, v7;
	[tilespmem:$0x1770] =	vst v5  }
0xb6: {  	v55 =	vld [tilespmem:$0x750];
	v3 =	vadd.f32 v27, v3;
	[tilespmem:$0x15B0] =	vst v4  }
0xb7: {  	v53 =	vld [tilespmem:$0x730];
	v9 =	vadd.f32 v52, v8;
	[tilespmem:$0x11D0] =	vst v42  }
0xb8: {  	v35 =	vld [tilespmem:$0x930];
	v7 =	vadd.f32 v21, v20;
	v2 =	vadd.f32 v2, v3;
	[tilespmem:$0x1710] =	vst v3  }
0xb9: {  	v57 =	vld [tilespmem:$0x710];
	[tilespmem:$0x1430] =	vst v9  }
0xba: {  	v48 =	vld [tilespmem:$0x810];
	[tilespmem:$0xE30] =	vst v7;
	v3 =	vadd.f32 v2, v10  }
0xbb: {  	v49 =	vld [tilespmem:$0x7D0];
	[tilespmem:$0x16F0] =	vst v2;
	v2 =	vadd.f32 v31, v11  }
0xbc: {  	v24 =	vld [tilespmem:$0x590];
	v10 =	vadd.f32 v55, v53;
	[tilespmem:$0x16D0] =	vst v3  }
0xbd: {  	v37 =	vld [tilespmem:$0x950];
	v46 =	vadd.f32 v43, v2;
	[tilespmem:$0x1690] =	vst v2  }
0xbe: {  	v26 =	vld [tilespmem:$0x5B0];
	v6 =	vadd.f32 v57, v10;
	[tilespmem:$0x1410] =	vst v10  }
0xbf: {  	v2 =	vld [tilespmem:$0x7F0];
	v3 =	vadd.f32 v46, v3;
	[tilespmem:$0x1630] =	vst v46  }
0xc0: {  	v63 =	vld [tilespmem:$0x670];
	v9 =	vadd.f32 v6, v9;
	[tilespmem:$0x13F0] =	vst v6  }
0xc1: {  	v29 =	vld [tilespmem:$0x90];
	v5 =	vadd.f32 v3, v5;
	[tilespmem:$0x1610] =	vst v3  }
0xc2: {  	v27 =	vld [tilespmem:$0x570];
	v3 =	vadd.f32 v37, v35;
	[tilespmem:$0x13D0] =	vst v9  }
0xc3: {  	v50 =	vld [tilespmem:$0x2B0];
	v35 =	vadd.f32 v26, v24;
	[tilespmem:$0x15F0] =	vst v5  }
0xc4: {  	v52 =	vld [tilespmem:$0x2D0];
	v2 =	vadd.f32 v48, v2;
	[tilespmem:$0x15D0] =	vst v3  }
0xc5: {  	v30 =	vld [tilespmem:$0xB0];
	v3 =	vadd.f32 v4, v3;
	[tilespmem:$0x1250] =	vst v35  }
0xc6: {  	v45 =	vld [tilespmem:$0x350];
	v4 =	vadd.f32 v19, v63;
	v12 =	vadd.f32 v49, v2;
	[tilespmem:$0x14D0] =	vst v2  }
0xc7: {  	v46 =	vld [tilespmem:$0x370];
	v6 =	vadd.f32 v27, v35;
	[tilespmem:$0x1590] =	vst v3  }
0xc8: {  	v3 =	vadd.f32 v54, v3;
	[tilespmem:$0x1370] =	vst v4;
	v62 =	vadd.f32 v12, v59  }
0xc9: {  	v40 =	vld [tilespmem:$0x3B0];
	v19 =	vadd.f32 v52, v50;
	[tilespmem:$0x1230] =	vst v6  }
0xca: {  	v35 =	vadd.f32 v30, v29;
	[tilespmem:$0x1530] =	vst v3;
	v2 =	vadd.f32 v62, v3;
	v3 =	vld [tilespmem:$0x650]  }
0xcb: {  	v41 =	vld [tilespmem:$0x3D0];
	[tilespmem:$0xF90] =	vst v19  }
0xcc: {  	v44 =	vld [tilespmem:$0x390];
	v53 =	vadd.f32 v46, v45;
	[tilespmem:$0xD90] =	vst v35  }
0xcd: {  	v58 =	vld [tilespmem:$0x210];
	[tilespmem:$0x14B0] =	vst v12  }
0xce: {  	v60 =	vld [tilespmem:$0x230];
	[tilespmem:$0x1050] =	vst v53  }
0xcf: {  	[tilespmem:$0x1490] =	vst v62;
	v3 =	vadd.f32 v3, v4  }
0xd0: {  	v61 =	vld [tilespmem:$0x1F0];
	[tilespmem:$0x1470] =	vst v2;
	v4 =	vadd.f32 v41, v40  }
0xd1: {  	v31 =	vld [tilespmem:$0x4D0];
	v16 =	vadd.f32 v3, v25;
	[tilespmem:$0x1350] =	vst v3  }
0xd2: {  	v3 =	vld [tilespmem:$0x4F0];
	v56 =	vadd.f32 v44, v4;
	[tilespmem:$0x1090] =	vst v4  }
0xd3: {  	v22 =	vld [tilespmem:$0x5D0];
	v25 =	vadd.f32 v60, v58;
	[tilespmem:$0x1330] =	vst v16  }
0xd4: {  	v23 =	vld [tilespmem:$0x5F0];
	v9 =	vadd.f32 v16, v9;
	[tilespmem:$0x1070] =	vst v56  }
0xd5: {  	v32 =	vld [tilespmem:$0x4B0];
	v28 =	vadd.f32 v61, v25;
	[tilespmem:$0xEF0] =	vst v25  }
0xd6: {  	v2 =	vadd.f32 v9, v2;
	[tilespmem:$0x1310] =	vst v9  }
0xd7: {  	v37 =	vld [tilespmem:$0x450];
	[tilespmem:$0xED0] =	vst v28;
	v3 =	vadd.f32 v3, v31  }
0xd8: {  	v38 =	vld [tilespmem:$0x410];
	v5 =	vadd.f32 v2, v5;
	[tilespmem:$0x12F0] =	vst v2  }
0xd9: {  	v24 =	vld [tilespmem:$0xF0];
	v2 =	vadd.f32 v23, v22;
	[tilespmem:$0x11B0] =	vst v3  }
0xda: {  	v26 =	vld [tilespmem:$0x110];
	v43 =	vadd.f32 v32, v3;
	[tilespmem:$0x12D0] =	vst v5  }
0xdb: {  	v22 =	vld [tilespmem:$0x130];
	v9 =	vadd.f32 v2, v33;
	[tilespmem:$0x1290] =	vst v2  }
0xdc: {  	v3 =	vld [tilespmem:$0x330];
	v5 =	vadd.f32 v37, v47;
	[tilespmem:$0x1190] =	vst v43  }
0xdd: {  	v32 =	vld [tilespmem:$0x30];
	v8 =	vadd.f32 v43, v42;
	[tilespmem:$0x1270] =	vst v9  }
0xde: {  	v2 =	vld [tilespmem:$0x430];
	v9 =	vadd.f32 v6, v9;
	[tilespmem:$0x1110] =	vst v5  }
0xdf: {  	v33 =	vld [tilespmem:$0x50];
	v6 =	vadd.f32 v26, v24;
	[tilespmem:$0x1170] =	vst v8  }
0xe0: {  	v34 =	vld [tilespmem:$0x10];
	v11 =	vadd.f32 v22, v7;
	[tilespmem:$0x1210] =	vst v9  }
0xe1: {  	v39 =	vld [tilespmem:$0x3F0];
	v9 =	vadd.f32 v8, v9;
	[tilespmem:$0xDF0] =	vst v6  }
0xe2: {  	v55 =	vld [tilespmem:$0x290];
	v3 =	vadd.f32 v3, v53;
	[tilespmem:$0xE10] =	vst v11  }
0xe3: {  	v57 =	vld [tilespmem:$0x250];
	v2 =	vadd.f32 v2, v38;
	[tilespmem:$0x1150] =	vst v9  }
0xe4: {  	v54 =	vld [tilespmem:$0x270];
	v8 =	vadd.f32 v33, v32;
	[tilespmem:$0x1030] =	vst v3  }
0xe5: {  	v62 =	vld [tilespmem:$0x1B0];
	v59 =	vadd.f32 v3, v56;
	[tilespmem:$0x10F0] =	vst v2  }
0xe6: {  	v3 =	vld [tilespmem:$0x1D0];
	v51 =	vadd.f32 v39, v2;
	[tilespmem:$0xD50] =	vst v8  }
0xe7: {  	v27 =	vld [tilespmem:$0xD0];
	v37 =	vadd.f32 v34, v8;
	[tilespmem:$0x1010] =	vst v59  }
0xe8: {  	v18 =	vld [tilespmem:$0x190];
	v2 =	vadd.f32 v51, v5;
	[tilespmem:$0x10D0] =	vst v51  }
0xe9: {  	v48 =	vld [tilespmem:$0x2F0];
	v5 =	vadd.f32 v55, v54;
	[tilespmem:$0xD30] =	vst v37  }
0xea: {  	v49 =	vld [tilespmem:$0x310];
	[tilespmem:$0x10B0] =	vst v2;
	v2 =	vadd.f32 v59, v2  }
0xeb: {  	v3 =	vadd.f32 v3, v62;
	[tilespmem:$0xF50] =	vst v5  }
0xec: {  	v23 =	vadd.f32 v57, v5;
	v5 =	vadd.f32 v27, v6;
	[tilespmem:$0xFF0] =	vst v2  }
0xed: {  	v63 =	vadd.f32 v2, v9;
	v9 =	vadd.f32 v18, v3;
	[tilespmem:$0xEB0] =	vst v3;
	v3 =	vld [tilespmem:$0x70]  }
0xee: {  	[tilespmem:$0xF30] =	vst v23  }
0xef: {  	v2 =	vadd.f32 v49, v48;
	[tilespmem:$0xDD0] =	vst v5  }
0xf0: {  	[tilespmem:$0xFD0] =	vst v63  }
0xf1: {  	[tilespmem:$0xFB0] =	vst v2;
	v2 =	vadd.f32 v19, v2  }
0xf2: {  	v36 =	vadd.f32 v5, v11;
	[tilespmem:$0xE90] =	vst v9;
	v3 =	vadd.f32 v3, v35  }
0xf3: {  	[tilespmem:$0xF70] =	vst v2;
	v2 =	vadd.f32 v23, v2  }
0xf4: {  	v31 =	vadd.f32 v9, v28;
	[tilespmem:$0xDB0] =	vst v36;
	v38 =	vadd.f32 v37, v3  }
0xf5: {  	[tilespmem:$0xF10] =	vst v2  }
0xf6: {  	v2 =	vadd.f32 v31, v2;
	[tilespmem:$0xD70] =	vst v3;
	v3 =	vadd.f32 v38, v36  }
0xf7: {  	[tilespmem:$0xE70] =	vst v31  }
0xf8: {  	[tilespmem:$0xE50] =	vst v2;
	v2 =	vadd.f32 v3, v2  }
0xf9: {  	[tilespmem:$0xD10] =	vst v38  }
0xfa: {  	[tilespmem:$0xCF0] =	vst v3;
	v3 =	vadd.f32 v2, v63  }
0xfb: {  	[tilespmem:$0xCD0] =	vst v2  }
0xfc: {  	[tilespmem:$0xCB0] =	vst v3  }
0xfd: {  	_ =	swait.ge [sflag:s11], $0x20  }
0xfe: {  	[sflag:s11] =	ssyncset.done $0x0  }
0xff: {  	[sflag:s11] =	ssyncadd.s32 $0xFFFFFFE0  }
0x100: {  	_ =	swait.ge [sflag:s12], $0x300  }
0x101: {  	[sflag:s12] =	ssyncset.done $0x0  }
0x102: {  	[sflag:s12] =	ssyncadd.s32 $0xFFFFFD00  }
0x103: {  	v2 =	vld [tilespmem:$0x1C00];
	_ =	sdelay $0x4  }
0x104: {  	v2 =	vmul.u32 $0x7, v2;
	_ =	sdelay $0x5  }
0x105: {  	v24 =	vld.idx.msk [tilespmem:v2+s9+$0x0], $0xffff;
	_ =	sdelay $0x4  }
0x106: {  	v3 =	vshrl.u32 v24, $0x10  }
0x107: {  	v0 =	vlaneseq.u32;
	v39 =	vshrl.u32 v24, $0x16;
	v3 =	vand.u32 $0x3F, v3  }
0x108: {  	v40 =	vshll.u32 v24, $0x5;
	v4 =	vand.u32 $0x3F, v39;
	v3 =	vcvt.s32.f32 v3  }
0x109: {  	v41 =	vshrl.u32 v24, $0x3;
	v5 =	vor.u32 v0, v40;
	v4 =	vcvt.s32.f32 v4  }
0x10a: {  	v6 =	vand.u32 $0x1FE0, v41;
	v5 =	vand.u32 $0x1FEF, v5;
	(erf) = vrcp.f32 v3  }
0x10b: {  	v3 =	vor.u32 v0, v6;
	(erf) = vrcp.f32 v4;
	_ =	sdelay $0x3  }
0x10c: {  	v42 =	vld.idx.msk [tilespmem:v5+s2+$0x0], $0xffff  }
0x10d: {  	v3 =	vld.idx.msk [tilespmem:v3+s2+$0x0], $0xffff;
	_ =	sdelay $0x2  }
0x10e: {  	v43 =	vpop (erf)  }
0x10f: {  	v44 =	vpop (erf)  }
0x110: {  	v22 =	vmul.f32 v43, v42;
	v19 =	vmul.f32 v44, v3;
	_ =	sdelay $0x1  }
0x111: {  	v3 =	vsub.f32 v22, v19;
	_ =	sdelay $0x1  }
0x112: {  	v3 =	vand.u32 $0x7FFFFFFF, v3  }
0x113: {  	v3 =	vsub.f32 $0.0e+00, v3;
	_ =	sdelay $0x1  }
0x114: {  	v3 =	vmul.f32 $1.442695020e+00, v3;
	_ =	sdelay $0x1  }
0x115: {  	(erf) = vpow2.f32 v3  }
0x116: {  	v3 =	vadd.s32 $0x1, v2;
	_ =	sdelay $0x4  }
0x117: {  	v21 =	vld.idx.msk [tilespmem:v3+s9+$0x0], $0xffff;
	_ =	sdelay $0x2  }
0x118: {  	v30 =	vpop (erf)  }
0x119: {  	v3 =	vadd.f32 $2.000000000e+00, v30  }
0x11a: {  	v45 =	vshrl.u32 v21, $0x10  }
0x11b: {  	v46 =	vshrl.u32 v21, $0x16;
	(erf) = vrcp.f32 v3;
	v3 =	vand.u32 $0x3F, v45  }
0x11c: {  	v47 =	vshll.u32 v21, $0x5;
	v4 =	vand.u32 $0x3F, v46;
	v3 =	vcvt.s32.f32 v3  }
0x11d: {  	v48 =	vshrl.u32 v21, $0x3;
	v5 =	vor.u32 v0, v47;
	v4 =	vcvt.s32.f32 v4  }
0x11e: {  	v6 =	vand.u32 $0x1FE0, v48;
	v5 =	vand.u32 $0x1FEF, v5;
	(erf) = vrcp.f32 v3  }
0x11f: {  	v3 =	vor.u32 v0, v6;
	(erf) = vrcp.f32 v4;
	_ =	sdelay $0x3  }
0x120: {  	v49 =	vld.idx.msk [tilespmem:v5+s2+$0x0], $0xffff  }
0x121: {  	v3 =	vld.idx.msk [tilespmem:v3+s2+$0x0], $0xffff;
	_ =	sdelay $0x1  }
0x122: {  	v38 =	vpop (erf)  }
0x123: {  	v50 =	vpop (erf)  }
0x124: {  	v51 =	vpop (erf)  }
0x125: {  	v20 =	vmul.f32 v50, v49;
	v16 =	vmul.f32 v51, v3;
	_ =	sdelay $0x1  }
0x126: {  	v3 =	vsub.f32 v20, v16;
	_ =	sdelay $0x1  }
0x127: {  	v3 =	vand.u32 $0x7FFFFFFF, v3  }
0x128: {  	v3 =	vsub.f32 $0.0e+00, v3;
	_ =	sdelay $0x1  }
0x129: {  	v3 =	vmul.f32 $1.442695020e+00, v3;
	_ =	sdelay $0x1  }
0x12a: {  	(erf) = vpow2.f32 v3  }
0x12b: {  	v3 =	vadd.s32 $0x2, v2;
	_ =	sdelay $0x4  }
0x12c: {  	v23 =	vld.idx.msk [tilespmem:v3+s9+$0x0], $0xffff;
	_ =	sdelay $0x2  }
0x12d: {  	v45 =	vpop (erf)  }
0x12e: {  	v3 =	vadd.f32 $2.000000000e+00, v45  }
0x12f: {  	v52 =	vshrl.u32 v23, $0x10  }
0x130: {  	v53 =	vshrl.u32 v23, $0x16;
	(erf) = vrcp.f32 v3;
	v3 =	vand.u32 $0x3F, v52  }
0x131: {  	v54 =	vshll.u32 v23, $0x5;
	v4 =	vand.u32 $0x3F, v53;
	v3 =	vcvt.s32.f32 v3  }
0x132: {  	v55 =	vshrl.u32 v23, $0x3;
	v5 =	vor.u32 v0, v54;
	v4 =	vcvt.s32.f32 v4  }
0x133: {  	v6 =	vand.u32 $0x1FE0, v55;
	v5 =	vand.u32 $0x1FEF, v5;
	(erf) = vrcp.f32 v3  }
0x134: {  	v3 =	vor.u32 v0, v6;
	(erf) = vrcp.f32 v4;
	_ =	sdelay $0x3  }
0x135: {  	v56 =	vld.idx.msk [tilespmem:v5+s2+$0x0], $0xffff  }
0x136: {  	v3 =	vld.idx.msk [tilespmem:v3+s2+$0x0], $0xffff;
	_ =	sdelay $0x1  }
0x137: {  	v49 =	vpop (erf)  }
0x138: {  	v57 =	vpop (erf)  }
0x139: {  	v58 =	vpop (erf)  }
0x13a: {  	v15 =	vmul.f32 v57, v56;
	v11 =	vmul.f32 v58, v3;
	_ =	sdelay $0x1  }
0x13b: {  	v3 =	vsub.f32 v15, v11;
	_ =	sdelay $0x1  }
0x13c: {  	v3 =	vand.u32 $0x7FFFFFFF, v3  }
0x13d: {  	v3 =	vsub.f32 $0.0e+00, v3;
	_ =	sdelay $0x1  }
0x13e: {  	v3 =	vmul.f32 $1.442695020e+00, v3;
	_ =	sdelay $0x1  }
0x13f: {  	(erf) = vpow2.f32 v3  }
0x140: {  	v3 =	vadd.s32 $0x3, v2;
	_ =	sdelay $0x4  }
0x141: {  	v18 =	vld.idx.msk [tilespmem:v3+s9+$0x0], $0xffff;
	_ =	sdelay $0x2  }
0x142: {  	v44 =	vpop (erf)  }
0x143: {  	v3 =	vadd.f32 $2.000000000e+00, v44  }
0x144: {  	v59 =	vshrl.u32 v18, $0x10  }
0x145: {  	v60 =	vshrl.u32 v18, $0x16;
	(erf) = vrcp.f32 v3;
	v3 =	vand.u32 $0x3F, v59  }
0x146: {  	v61 =	vshll.u32 v18, $0x5;
	v4 =	vand.u32 $0x3F, v60;
	v3 =	vcvt.s32.f32 v3  }
0x147: {  	v62 =	vshrl.u32 v18, $0x3;
	v5 =	vor.u32 v0, v61;
	v4 =	vcvt.s32.f32 v4  }
0x148: {  	v6 =	vand.u32 $0x1FE0, v62;
	v5 =	vand.u32 $0x1FEF, v5;
	(erf) = vrcp.f32 v3  }
0x149: {  	v3 =	vor.u32 v0, v6;
	(erf) = vrcp.f32 v4;
	_ =	sdelay $0x3  }
0x14a: {  	v63 =	vld.idx.msk [tilespmem:v5+s2+$0x0], $0xffff  }
0x14b: {  	v3 =	vld.idx.msk [tilespmem:v3+s2+$0x0], $0xffff;
	_ =	sdelay $0x1  }
0x14c: {  	v48 =	vpop (erf)  }
0x14d: {  	v9 =	vpop (erf)  }
0x14e: {  	v10 =	vpop (erf)  }
0x14f: {  	v13 =	vmul.f32 v9, v63;
	v9 =	vmul.f32 v10, v3;
	_ =	sdelay $0x1  }
0x150: {  	v3 =	vsub.f32 v13, v9;
	_ =	sdelay $0x1  }
0x151: {  	v3 =	vand.u32 $0x7FFFFFFF, v3  }
0x152: {  	v3 =	vsub.f32 $0.0e+00, v3;
	_ =	sdelay $0x1  }
0x153: {  	v3 =	vmul.f32 $1.442695020e+00, v3;
	_ =	sdelay $0x1  }
0x154: {  	(erf) = vpow2.f32 v3  }
0x155: {  	v3 =	vadd.s32 $0x4, v2;
	_ =	sdelay $0x4  }
0x156: {  	v17 =	vld.idx.msk [tilespmem:v3+s9+$0x0], $0xffff;
	_ =	sdelay $0x2  }
0x157: {  	v43 =	vpop (erf)  }
0x158: {  	v3 =	vadd.f32 $2.000000000e+00, v43  }
0x159: {  	v14 =	vshrl.u32 v17, $0x10  }
0x15a: {  	v25 =	vshrl.u32 v17, $0x16;
	(erf) = vrcp.f32 v3;
	v3 =	vand.u32 $0x3F, v14  }
0x15b: {  	v26 =	vshll.u32 v17, $0x5;
	v4 =	vand.u32 $0x3F, v25;
	v3 =	vcvt.s32.f32 v3  }
0x15c: {  	v27 =	vshrl.u32 v17, $0x3;
	v5 =	vor.u32 v0, v26;
	v4 =	vcvt.s32.f32 v4  }
0x15d: {  	v6 =	vand.u32 $0x1FE0, v27;
	v5 =	vand.u32 $0x1FEF, v5;
	(erf) = vrcp.f32 v3  }
0x15e: {  	v3 =	vor.u32 v0, v6;
	(erf) = vrcp.f32 v4;
	_ =	sdelay $0x3  }
0x15f: {  	v28 =	vld.idx.msk [tilespmem:v5+s2+$0x0], $0xffff  }
0x160: {  	v3 =	vld.idx.msk [tilespmem:v3+s2+$0x0], $0xffff;
	_ =	sdelay $0x1  }
0x161: {  	v47 =	vpop (erf)  }
0x162: {  	v29 =	vpop (erf)  }
0x163: {  	v31 =	vpop (erf)  }
0x164: {  	v14 =	vmul.f32 v29, v28;
	v12 =	vmul.f32 v31, v3;
	_ =	sdelay $0x1  }
0x165: {  	v3 =	vsub.f32 v14, v12;
	_ =	sdelay $0x1  }
0x166: {  	v3 =	vand.u32 $0x7FFFFFFF, v3  }
0x167: {  	v3 =	vsub.f32 $0.0e+00, v3;
	_ =	sdelay $0x1  }
0x168: {  	v3 =	vmul.f32 $1.442695020e+00, v3;
	_ =	sdelay $0x1  }
0x169: {  	(erf) = vpow2.f32 v3  }
0x16a: {  	v3 =	vadd.s32 $0x5, v2;
	_ =	sdelay $0x4  }
0x16b: {  	v7 =	vld.idx.msk [tilespmem:v3+s9+$0x0], $0xffff;
	_ =	sdelay $0x2  }
0x16c: {  	v42 =	vpop (erf)  }
0x16d: {  	v3 =	vadd.f32 $2.000000000e+00, v42  }
0x16e: {  	v32 =	vshrl.u32 v7, $0x10  }
0x16f: {  	v33 =	vshrl.u32 v7, $0x16;
	(erf) = vrcp.f32 v3;
	v3 =	vand.u32 $0x3F, v32  }
0x170: {  	v34 =	vshll.u32 v7, $0x5;
	v4 =	vand.u32 $0x3F, v33;
	v3 =	vcvt.s32.f32 v3  }
0x171: {  	v35 =	vshrl.u32 v7, $0x3;
	v5 =	vor.u32 v0, v34;
	v4 =	vcvt.s32.f32 v4  }
0x172: {  	v6 =	vand.u32 $0x1FE0, v35;
	v5 =	vand.u32 $0x1FEF, v5;
	(erf) = vrcp.f32 v3  }
0x173: {  	v3 =	vor.u32 v0, v6;
	(erf) = vrcp.f32 v4;
	_ =	sdelay $0x3  }
0x174: {  	v36 =	vld.idx.msk [tilespmem:v5+s2+$0x0], $0xffff  }
0x175: {  	v3 =	vld.idx.msk [tilespmem:v3+s2+$0x0], $0xffff;
	_ =	sdelay $0x1  }
0x176: {  	v46 =	vpop (erf)  }
0x177: {  	v37 =	vpop (erf)  }
0x178: {  	v39 =	vpop (erf)  }
0x179: {  	v6 =	vmul.f32 v37, v36;
	v4 =	vmul.f32 v39, v3;
	_ =	sdelay $0x1  }
0x17a: {  	v3 =	vsub.f32 v6, v4;
	_ =	sdelay $0x1  }
0x17b: {  	v3 =	vand.u32 $0x7FFFFFFF, v3  }
0x17c: {  	v3 =	vsub.f32 $0.0e+00, v3;
	_ =	sdelay $0x1  }
0x17d: {  	v3 =	vmul.f32 $1.442695020e+00, v3;
	_ =	sdelay $0x1  }
0x17e: {  	(erf) = vpow2.f32 v3  }
0x17f: {  	v2 =	vadd.s32 $0x6, v2;
	_ =	sdelay $0x4  }
0x180: {  	v5 =	vld.idx.msk [tilespmem:v2+s9+$0x0], $0xffff;
	_ =	sdelay $0x2  }
0x181: {  	v35 =	vpop (erf)  }
0x182: {  	v2 =	vadd.f32 $2.000000000e+00, v35  }
0x183: {  	v3 =	vshrl.u32 v5, $0x10  }
0x184: {  	(erf) = vrcp.f32 v2;
	v2 =	vand.u32 $0x3F, v3;
	v3 =	vshrl.u32 v5, $0x16  }
0x185: {  	v40 =	vshll.u32 v5, $0x5;
	v3 =	vand.u32 $0x3F, v3;
	v2 =	vcvt.s32.f32 v2  }
0x186: {  	v41 =	vshrl.u32 v5, $0x3;
	v8 =	vor.u32 v0, v40;
	v3 =	vcvt.s32.f32 v3  }
0x187: {  	v10 =	vand.u32 $0x1FE0, v41;
	v8 =	vand.u32 $0x1FEF, v8;
	(erf) = vrcp.f32 v2  }
0x188: {  	v2 =	vor.u32 v0, v10;
	(erf) = vrcp.f32 v3;
	_ =	sdelay $0x3  }
0x189: {  	v3 =	vld.idx.msk [tilespmem:v8+s2+$0x0], $0xffff  }
0x18a: {  	v2 =	vld.idx.msk [tilespmem:v2+s2+$0x0], $0xffff;
	_ =	sdelay $0x1  }
0x18b: {  	v39 =	vpop (erf)  }
0x18c: {  	v50 =	vpop (erf)  }
0x18d: {  	v51 =	vpop (erf)  }
0x18e: {  	v3 =	vmul.f32 v50, v3;
	v2 =	vmul.f32 v51, v2;
	_ =	sdelay $0x1  }
0x18f: {  	v52 =	vld [tilespmem:$0x1C10];
	v8 =	vsub.f32 v3, v2;
	_ =	sdelay $0x1  }
0x190: {  	v8 =	vand.u32 $0x7FFFFFFF, v8  }
0x191: {  	v8 =	vsub.f32 $0.0e+00, v8;
	_ =	sdelay $0x1  }
0x192: {  	v41 =	vmul.u32 $0x7, v52;
	v8 =	vmul.f32 $1.442695020e+00, v8;
	_ =	sdelay $0x1  }
0x193: {  	(erf) = vpow2.f32 v8;
	_ =	sdelay $0x3  }
0x194: {  	v40 =	vld.idx.msk [tilespmem:v41+s9+$0x0], $0xffff;
	_ =	sdelay $0x4  }
0x195: {  	v25 =	vshrl.u32 v40, $0x10;
	v55 =	vshrl.u32 v40, $0x16;
	v8 =	vpop (erf)  }
0x196: {  	v26 =	vshll.u32 v40, $0x5;
	v54 =	vand.u32 $0x3F, v25;
	v53 =	vadd.f32 $2.000000000e+00, v8  }
0x197: {  	v27 =	vshrl.u32 v40, $0x3;
	v25 =	vand.u32 $0x3F, v55;
	v10 =	vcvt.s32.f32 v54  }
0x198: {  	v26 =	vor.u32 v1, v26;
	v25 =	vcvt.s32.f32 v25;
	(erf) = vrcp.f32 v53  }
0x199: {  	v27 =	vand.u32 $0x1FE0, v27;
	v26 =	vand.u32 $0x1FFF, v26;
	(erf) = vrcp.f32 v10  }
0x19a: {  	v56 =	vor.u32 v1, v27;
	(erf) = vrcp.f32 v25;
	_ =	sdelay $0x3  }
0x19b: {  	v57 =	vld.idx.msk [tilespmem:v26+s2+$0x0], $0xffff  }
0x19c: {  	v58 =	vld.idx.msk [tilespmem:v56+s2+$0x0], $0xffff;
	_ =	sdelay $0x1  }
0x19d: {  	v10 =	vpop (erf)  }
0x19e: {  	v59 =	vpop (erf)  }
0x19f: {  	v28 =	vpop (erf)  }
0x1a0: {  	v36 =	vmul.f32 v59, v57;
	v27 =	vmul.f32 v28, v58;
	_ =	sdelay $0x1  }
0x1a1: {  	v25 =	vsub.f32 v36, v27;
	_ =	sdelay $0x1  }
0x1a2: {  	v25 =	vand.u32 $0x7FFFFFFF, v25  }
0x1a3: {  	v25 =	vsub.f32 $0.0e+00, v25;
	_ =	sdelay $0x1  }
0x1a4: {  	v25 =	vmul.f32 $1.442695020e+00, v25  }
0x1a5: {  	v60 =	vadd.s32 $0x1, v41  }
0x1a6: {  	(erf) = vpow2.f32 v25;
	_ =	sdelay $0x3  }
0x1a7: {  	v37 =	vld.idx.msk [tilespmem:v60+s9+$0x0], $0xffff;
	_ =	sdelay $0x4  }
0x1a8: {  	v62 =	vshrl.u32 v37, $0x10;
	v32 =	vshrl.u32 v37, $0x16;
	v51 =	vpop (erf)  }
0x1a9: {  	v33 =	vshll.u32 v37, $0x5;
	v63 =	vand.u32 $0x3F, v62;
	v61 =	vadd.f32 $2.000000000e+00, v51  }
0x1aa: {  	v29 =	vshrl.u32 v37, $0x3;
	v26 =	vand.u32 $0x3F, v32;
	v25 =	vcvt.s32.f32 v63  }
0x1ab: {  	v26 =	vcvt.s32.f32 v26;
	v28 =	vor.u32 v1, v33;
	(erf) = vrcp.f32 v61  }
0x1ac: {  	v29 =	vand.u32 $0x1FE0, v29;
	v28 =	vand.u32 $0x1FFF, v28;
	(erf) = vrcp.f32 v25  }
0x1ad: {  	v34 =	vor.u32 v1, v29;
	(erf) = vrcp.f32 v26;
	_ =	sdelay $0x3  }
0x1ae: {  	v50 =	vld.idx.msk [tilespmem:v28+s2+$0x0], $0xffff  }
0x1af: {  	v25 =	vld.idx.msk [tilespmem:v34+s2+$0x0], $0xffff;
	_ =	sdelay $0x1  }
0x1b0: {  	v54 =	vpop (erf)  }
0x1b1: {  	v55 =	vpop (erf)  }
0x1b2: {  	v56 =	vpop (erf)  }
0x1b3: {  	v32 =	vmul.f32 v55, v50;
	v26 =	vmul.f32 v56, v25;
	_ =	sdelay $0x1  }
0x1b4: {  	v25 =	vsub.f32 v32, v26;
	_ =	sdelay $0x1  }
0x1b5: {  	v25 =	vand.u32 $0x7FFFFFFF, v25  }
0x1b6: {  	v25 =	vsub.f32 $0.0e+00, v25;
	_ =	sdelay $0x1  }
0x1b7: {  	v25 =	vmul.f32 $1.442695020e+00, v25  }
0x1b8: {  	v57 =	vadd.s32 $0x2, v41  }
0x1b9: {  	(erf) = vpow2.f32 v25;
	_ =	sdelay $0x3  }
0x1ba: {  	v33 =	vld.idx.msk [tilespmem:v57+s9+$0x0], $0xffff;
	_ =	sdelay $0x4  }
0x1bb: {  	v59 =	vshrl.u32 v33, $0x10;
	v62 =	vshll.u32 v33, $0x5;
	v52 =	vpop (erf)  }
0x1bc: {  	v60 =	vand.u32 $0x3F, v59;
	v61 =	vshrl.u32 v33, $0x16;
	v58 =	vadd.f32 $2.000000000e+00, v52  }
0x1bd: {  	v31 =	vshrl.u32 v33, $0x3;
	v28 =	vand.u32 $0x3F, v61;
	v25 =	vcvt.s32.f32 v60  }
0x1be: {  	v29 =	vor.u32 v1, v62;
	v28 =	vcvt.s32.f32 v28;
	(erf) = vrcp.f32 v58  }
0x1bf: {  	v31 =	vand.u32 $0x1FE0, v31;
	v29 =	vand.u32 $0x1FFF, v29;
	(erf) = vrcp.f32 v25  }
0x1c0: {  	v63 =	vor.u32 v1, v31;
	(erf) = vrcp.f32 v28;
	_ =	sdelay $0x3  }
0x1c1: {  	v34 =	vld.idx.msk [tilespmem:v29+s2+$0x0], $0xffff  }
0x1c2: {  	v25 =	vld.idx.msk [tilespmem:v63+s2+$0x0], $0xffff;
	_ =	sdelay $0x1  }
0x1c3: {  	v55 =	vpop (erf)  }
0x1c4: {  	v50 =	vpop (erf)  }
0x1c5: {  	v53 =	vpop (erf)  }
0x1c6: {  	v34 =	vmul.f32 v50, v34;
	v28 =	vmul.f32 v53, v25;
	_ =	sdelay $0x1  }
0x1c7: {  	v25 =	vsub.f32 v34, v28;
	_ =	sdelay $0x1  }
0x1c8: {  	v25 =	vand.u32 $0x7FFFFFFF, v25  }
0x1c9: {  	v25 =	vsub.f32 $0.0e+00, v25;
	_ =	sdelay $0x1  }
0x1ca: {  	v25 =	vmul.f32 $1.442695020e+00, v25  }
0x1cb: {  	v56 =	vadd.s32 $0x3, v41  }
0x1cc: {  	(erf) = vpow2.f32 v25;
	_ =	sdelay $0x3  }
0x1cd: {  	v31 =	vld.idx.msk [tilespmem:v56+s9+$0x0], $0xffff;
	_ =	sdelay $0x4  }
0x1ce: {  	v60 =	vshrl.u32 v31, $0x16;
	v58 =	vshrl.u32 v31, $0x10;
	v50 =	vpop (erf)  }
0x1cf: {  	v56 =	vshrl.u32 v31, $0x3;
	v59 =	vand.u32 $0x3F, v58;
	v57 =	vadd.f32 $2.000000000e+00, v50  }
0x1d0: {  	v29 =	vand.u32 $0x3F, v60;
	v53 =	vshll.u32 v31, $0x5;
	v25 =	vcvt.s32.f32 v59  }
0x1d1: {  	v29 =	vcvt.s32.f32 v29;
	v53 =	vor.u32 v1, v53;
	(erf) = vrcp.f32 v57  }
0x1d2: {  	v56 =	vand.u32 $0x1FE0, v56;
	v53 =	vand.u32 $0x1FFF, v53;
	(erf) = vrcp.f32 v25  }
0x1d3: {  	v61 =	vor.u32 v1, v56;
	(erf) = vrcp.f32 v29;
	_ =	sdelay $0x3  }
0x1d4: {  	v62 =	vld.idx.msk [tilespmem:v53+s2+$0x0], $0xffff  }
0x1d5: {  	v25 =	vld.idx.msk [tilespmem:v61+s2+$0x0], $0xffff;
	_ =	sdelay $0x1  }
0x1d6: {  	v53 =	vpop (erf)  }
0x1d7: {  	v63 =	vpop (erf)  }
0x1d8: {  	v57 =	vpop (erf)  }
0x1d9: {  	v29 =	vmul.f32 v63, v62;
	v25 =	vmul.f32 v57, v25;
	_ =	sdelay $0x1  }
0x1da: {  	v56 =	vsub.f32 v29, v25;
	_ =	sdelay $0x1  }
0x1db: {  	v56 =	vand.u32 $0x7FFFFFFF, v56  }
0x1dc: {  	v56 =	vsub.f32 $0.0e+00, v56;
	_ =	sdelay $0x1  }
0x1dd: {  	v56 =	vmul.f32 $1.442695020e+00, v56  }
0x1de: {  	v60 =	vadd.s32 $0x4, v41  }
0x1df: {  	(erf) = vpow2.f32 v56  }
0x1e0: {  	v38 =	vmul.f32 v38, v30;
	_ =	sdelay $0x1  }
0x1e1: {  	v56 =	vmul.f32 v38, v38  }
0x1e2: {  	v30 =	vld.idx.msk [tilespmem:v60+s9+$0x0], $0xffff  }
0x1e3: {  	v49 =	vmul.f32 v49, v45;
	v61 =	vmul.f32 $2.222222240e-01, v56;
	_ =	sdelay $0x1  }
0x1e4: {  	v57 =	vmul.f32 v49, v49;
	v62 =	vadd.f32 $2.857142980e-01, v61;
	_ =	sdelay $0x1  }
0x1e5: {  	v63 =	vshrl.u32 v30, $0x3;
	v59 =	vmul.f32 $2.222222240e-01, v57;
	v58 =	vmul.f32 v62, v56;
	v45 =	vpop (erf)  }
0x1e6: {  	v63 =	vand.u32 $0x1FE0, v63;
	v60 =	vadd.f32 $2.000000000e+00, v45  }
0x1e7: {  	v59 =	vadd.f32 $2.857142980e-01, v59;
	v61 =	vshrl.u32 v30, $0x10;
	v58 =	vadd.f32 $4.000000060e-01, v58  }
0x1e8: {  	(erf) = vrcp.f32 v60;
	v60 =	vand.u32 $0x3F, v61;
	v61 =	vshrl.u32 v30, $0x16  }
0x1e9: {  	v62 =	vshll.u32 v30, $0x5;
	v61 =	vand.u32 $0x3F, v61;
	v60 =	vcvt.s32.f32 v60  }
0x1ea: {  	v62 =	vor.u32 v1, v62;
	v58 =	vmul.f32 v58, v56;
	v61 =	vcvt.s32.f32 v61  }
0x1eb: {  	v59 =	vmul.f32 v59, v57;
	v62 =	vand.u32 $0x1FFF, v62;
	(erf) = vrcp.f32 v60  }
0x1ec: {  	v58 =	vadd.f32 $6.666666860e-01, v58;
	v60 =	vor.u32 v1, v63;
	(erf) = vrcp.f32 v61  }
0x1ed: {  	v24 =	vshrl.u32 v24, $0x1C;
	v59 =	vadd.f32 $4.000000060e-01, v59  }
0x1ee: {  	v24 =	vand.u32 $0x1, v24;
	v56 =	vmul.f32 v58, v56  }
0x1ef: {  	v24 =	vcvt.s32.f32 v24;
	v59 =	vmul.f32 v59, v57  }
0x1f0: {  	v48 =	vmul.f32 v48, v44;
	v58 =	vld.idx.msk [tilespmem:v62+s2+$0x0], $0xffff;
	v56 =	vadd.f32 $2.000000000e+00, v56  }
0x1f1: {  	v61 =	vmul.f32 $1.972853530e-05, v24;
	v24 =	vadd.f32 $6.666666860e-01, v59;
	v60 =	vld.idx.msk [tilespmem:v60+s2+$0x0], $0xffff  }
0x1f2: {  	v59 =	vmul.f32 v48, v48  }
0x1f3: {  	v21 =	vshrl.u32 v21, $0x1C;
	v38 =	vmul.f32 v56, v38;
	v44 =	vpop (erf)  }
0x1f4: {  	v21 =	vand.u32 $0x1, v21;
	v62 =	vmax.f32 v22, v19;
	v0 =	vmul.f32 $2.222222240e-01, v59;
	v56 =	vpop (erf)  }
0x1f5: {  	v21 =	vcvt.s32.f32 v21;
	v57 =	vmul.f32 v24, v57;
	v62 =	vadd.f32 v38, v62;
	v24 =	vpop (erf)  }
0x1f6: {  	v0 =	vadd.f32 $2.857142980e-01, v0;
	v38 =	vmul.f32 v56, v58;
	v24 =	vmul.f32 v24, v60;
	_ =	sdelay $0x1  }
0x1f7: {  	v21 =	vmul.f32 $1.972853530e-05, v21;
	v0 =	vmul.f32 v0, v59;
	v58 =	vsub.f32 v38, v24  }
0x1f8: {  	v18 =	vshrl.u32 v18, $0x1C;
	v43 =	vmul.f32 v47, v43;
	v63 =	vsub.f32 $1.972853530e-05, v61  }
0x1f9: {  	v0 =	vadd.f32 $4.000000060e-01, v0;
	v60 =	vmul.f32 $1.972853530e-05, v62;
	v62 =	vand.u32 $0x7FFFFFFF, v58  }
0x1fa: {  	v22 =	vmul.f32 v22, v63;
	v63 =	vadd.f32 $2.000000000e+00, v57;
	v57 =	vsub.f32 $0.0e+00, v62  }
0x1fb: {  	v19 =	vmul.f32 v19, v61;
	v0 =	vmul.f32 v0, v59;
	v61 =	vadd.f32 $0.0e+00, v60  }
0x1fc: {  	v49 =	vmul.f32 v63, v49;
	v63 =	vmax.f32 v20, v16;
	v60 =	vmul.f32 $1.442695020e+00, v57  }
0x1fd: {  	v0 =	vadd.f32 $6.666666860e-01, v0;
	v22 =	vsub.f32 v61, v22;
	v61 =	vadd.s32 $0x5, v41  }
0x1fe: {  	v47 =	vadd.f32 v49, v63;
	v49 =	vmul.f32 v43, v43;
	(erf) = vpow2.f32 v60  }
0x1ff: {  	v23 =	vshrl.u32 v23, $0x1C;
	v18 =	vand.u32 $0x1, v18;
	v0 =	vmul.f32 v0, v59  }
0x200: {  	v47 =	vmul.f32 $1.972853530e-05, v47;
	v62 =	vmul.f32 $2.222222240e-01, v49;
	v19 =	vsub.f32 v22, v19  }
0x201: {  	v17 =	vshrl.u32 v17, $0x1C;
	v63 =	vsub.f32 $1.972853530e-05, v21;
	v0 =	vadd.f32 $2.000000000e+00, v0  }
0x202: {  	v7 =	vshrl.u32 v7, $0x1C;
	v22 =	vadd.f32 $2.857142980e-01, v62;
	v47 =	vadd.f32 v47, v19;
	v19 =	vld.idx.msk [tilespmem:v61+s9+$0x0], $0xffff  }
0x203: {  	v7 =	vand.u32 $0x1, v7;
	v42 =	vmul.f32 v46, v42;
	v20 =	vmul.f32 v20, v63  }
0x204: {  	v0 =	vmul.f32 v0, v48;
	v22 =	vmul.f32 v22, v49;
	v61 =	vand.u32 $0x1, v23  }
0x205: {  	v60 =	vmax.f32 v15, v11;
	v20 =	vsub.f32 v47, v20;
	v23 =	vcvt.s32.f32 v61  }
0x206: {  	v21 =	vmul.f32 v16, v21;
	v0 =	vadd.f32 v0, v60;
	v22 =	vadd.f32 $4.000000060e-01, v22  }
0x207: {  	v23 =	vmul.f32 $1.972853530e-05, v23;
	v62 =	vshrl.u32 v19, $0x10;
	v60 =	vshrl.u32 v19, $0x16;
	v16 =	vpop (erf)  }
0x208: {  	v61 =	vshll.u32 v19, $0x5;
	v47 =	vand.u32 $0x3F, v62;
	v63 =	vadd.f32 $2.000000000e+00, v16  }
0x209: {  	v62 =	vand.u32 $0x3F, v60;
	v60 =	vshrl.u32 v19, $0x3;
	v47 =	vcvt.s32.f32 v47  }
0x20a: {  	v46 =	vcvt.s32.f32 v62;
	v56 =	vand.u32 $0x1FE0, v60;
	(erf) = vrcp.f32 v63  }
0x20b: {  	v56 =	vor.u32 v1, v56;
	v63 =	vor.u32 v1, v61;
	(erf) = vrcp.f32 v47  }
0x20c: {  	v22 =	vmul.f32 v22, v49;
	v48 =	vand.u32 $0x1FFF, v63;
	(erf) = vrcp.f32 v46  }
0x20d: {  	v7 =	vcvt.s32.f32 v7;
	v20 =	vsub.f32 v20, v21;
	v47 =	vmul.f32 v42, v42  }
0x20e: {  	v0 =	vmul.f32 $1.972853530e-05, v0;
	v22 =	vadd.f32 $6.666666860e-01, v22;
	v62 =	vsub.f32 $1.972853530e-05, v23  }
0x20f: {  	v7 =	vmul.f32 $1.972853530e-05, v7;
	v37 =	vshrl.u32 v37, $0x1C;
	v61 =	vmul.f32 $2.222222240e-01, v47  }
0x210: {  	v0 =	vadd.f32 v0, v20;
	v22 =	vmul.f32 v22, v49;
	v15 =	vmul.f32 v15, v62;
	v57 =	vld.idx.msk [tilespmem:v56+s2+$0x0], $0xffff  }
0x211: {  	v35 =	vmul.f32 v39, v35;
	v8 =	vmul.f32 v10, v8;
	v46 =	vadd.f32 $2.857142980e-01, v61;
	v63 =	vld.idx.msk [tilespmem:v48+s2+$0x0], $0xffff  }
0x212: {  	v11 =	vmul.f32 v11, v23;
	v0 =	vsub.f32 v0, v15;
	v48 =	vadd.f32 $2.000000000e+00, v22  }
0x213: {  	v58 =	vcvt.s32.f32 v18;
	v59 =	vmax.f32 v13, v9;
	v49 =	vmul.f32 v46, v47;
	v18 =	vpop (erf)  }
0x214: {  	v0 =	vsub.f32 v0, v11;
	v46 =	vmul.f32 v35, v35;
	v21 =	vmul.f32 v48, v43;
	v60 =	vpop (erf)  }
0x215: {  	v43 =	vmul.f32 v54, v51;
	v48 =	vmul.f32 $1.972853530e-05, v58;
	v22 =	vadd.f32 $4.000000060e-01, v49;
	v61 =	vpop (erf)  }
0x216: {  	v21 =	vadd.f32 v21, v59;
	v15 =	vmul.f32 v60, v63;
	v11 =	vmul.f32 v61, v57  }
0x217: {  	v41 =	vadd.s32 $0x6, v41;
	v23 =	vmul.f32 v43, v43;
	v9 =	vmul.f32 v9, v48  }
0x218: {  	v22 =	vmul.f32 v22, v47;
	v62 =	vmul.f32 $1.972853530e-05, v21;
	v49 =	vsub.f32 v15, v11  }
0x219: {  	v56 =	vsub.f32 $1.972853530e-05, v48;
	v48 =	vmul.f32 $2.222222240e-01, v46;
	v54 =	vmul.f32 $2.222222240e-01, v23  }
0x21a: {  	v63 =	vadd.f32 $6.666666860e-01, v22;
	v0 =	vadd.f32 v62, v0;
	v59 =	vand.u32 $0x7FFFFFFF, v49  }
0x21b: {  	v13 =	vmul.f32 v13, v56;
	v58 =	vadd.f32 $2.857142980e-01, v54;
	v22 =	vsub.f32 $0.0e+00, v59  }
0x21c: {  	v16 =	vmul.f32 v18, v16;
	v60 =	vand.u32 $0x1, v17;
	v57 =	vmul.f32 v63, v47  }
0x21d: {  	v21 =	vmul.f32 v58, v23;
	v0 =	vsub.f32 v0, v13;
	v22 =	vmul.f32 $1.442695020e+00, v22  }
0x21e: {  	v17 =	vmul.f32 v55, v52;
	v13 =	vcvt.s32.f32 v60;
	v20 =	vadd.f32 $2.000000000e+00, v57  }
0x21f: {  	v21 =	vadd.f32 $4.000000060e-01, v21;
	v0 =	vsub.f32 v0, v9;
	v9 =	vld.idx.msk [tilespmem:v41+s9+$0x0], $0xffff;
	(erf) = vpow2.f32 v22  }
0x220: {  	v37 =	vand.u32 $0x1, v37;
	v20 =	vmul.f32 v20, v42;
	v42 =	vmul.f32 v17, v17  }
0x221: {  	v61 =	vmax.f32 v14, v12;
	v13 =	vmul.f32 $1.972853530e-05, v13;
	v21 =	vmul.f32 v21, v23  }
0x222: {  	v47 =	vshrl.u32 v40, $0x1C;
	v20 =	vadd.f32 v20, v61;
	v62 =	vmul.f32 $2.222222240e-01, v42  }
0x223: {  	v63 =	vsub.f32 $1.972853530e-05, v13;
	v40 =	vmul.f32 v12, v13;
	v21 =	vadd.f32 $6.666666860e-01, v21  }
0x224: {  	v20 =	vmul.f32 $1.972853530e-05, v20;
	v22 =	vadd.f32 $2.857142980e-01, v62;
	v41 =	vshrl.u32 v9, $0x10  }
0x225: {  	v55 =	vshrl.u32 v9, $0x16;
	v56 =	vshll.u32 v9, $0x5;
	v59 =	vshrl.u32 v9, $0x3  }
0x226: {  	v21 =	vmul.f32 v21, v23;
	v23 =	vand.u32 $0x1, v47;
	v41 =	vand.u32 $0x3F, v41  }
0x227: {  	v57 =	vand.u32 $0x3F, v55;
	v58 =	vor.u32 v1, v56;
	v22 =	vmul.f32 v22, v42  }
0x228: {  	v49 =	vcvt.s32.f32 v23;
	v41 =	vcvt.s32.f32 v41;
	v21 =	vadd.f32 $2.000000000e+00, v21;
	v39 =	vpop (erf)  }
0x229: {  	v60 =	vcvt.s32.f32 v57;
	v51 =	vadd.f32 $4.000000060e-01, v22;
	v54 =	vadd.f32 $2.000000000e+00, v39  }
0x22a: {  	v22 =	vadd.f32 $2.857142980e-01, v48;
	v21 =	vmul.f32 v21, v43;
	v43 =	vmul.f32 v53, v50  }
0x22b: {  	v12 =	vmul.f32 $1.972853530e-05, v49;
	v48 =	vand.u32 $0x1FFF, v58;
	(erf) = vrcp.f32 v54  }
0x22c: {  	v49 =	vand.u32 $0x1FE0, v59;
	v47 =	vmul.f32 v43, v43;
	(erf) = vrcp.f32 v41  }
0x22d: {  	v61 =	vor.u32 v1, v49;
	v13 =	vmul.f32 v51, v42;
	(erf) = vrcp.f32 v60  }
0x22e: {  	v14 =	vmul.f32 v14, v63;
	v0 =	vadd.f32 v20, v0;
	v63 =	vmul.f32 $2.222222240e-01, v47  }
0x22f: {  	v52 =	vmax.f32 v36, v27;
	v62 =	vsub.f32 $1.972853530e-05, v12;
	v13 =	vadd.f32 $6.666666860e-01, v13  }
0x230: {  	v50 =	vmul.f32 v22, v46;
	v21 =	vadd.f32 v21, v52;
	v52 =	vadd.f32 $2.857142980e-01, v63  }
0x231: {  	v57 =	vmax.f32 v32, v26;
	v27 =	vmul.f32 v27, v12;
	v53 =	vld.idx.msk [tilespmem:v48+s2+$0x0], $0xffff;
	v13 =	vmul.f32 v13, v42  }
0x232: {  	v51 =	vmul.f32 v36, v62;
	v20 =	vadd.f32 $4.000000060e-01, v50;
	v23 =	vld.idx.msk [tilespmem:v61+s2+$0x0], $0xffff;
	v36 =	vmul.f32 v52, v47  }
0x233: {  	v21 =	vmul.f32 $1.972853530e-05, v21;
	v54 =	vcvt.s32.f32 v37;
	v13 =	vadd.f32 $2.000000000e+00, v13  }
0x234: {  	v48 =	vshrl.u32 v33, $0x1C;
	v20 =	vmul.f32 v20, v46;
	v55 =	vadd.f32 $4.000000060e-01, v36;
	v37 =	vpop (erf)  }
0x235: {  	v21 =	vadd.f32 $0.0e+00, v21;
	v22 =	vmul.f32 $1.972853530e-05, v54;
	v13 =	vmul.f32 v13, v17;
	v56 =	vpop (erf)  }
0x236: {  	v20 =	vadd.f32 $6.666666860e-01, v20;
	v54 =	vmul.f32 v16, v16;
	v17 =	vmul.f32 v55, v47;
	v59 =	vpop (erf)  }
0x237: {  	v58 =	vadd.f32 v13, v57;
	v13 =	vmul.f32 v56, v53;
	v12 =	vmul.f32 v59, v23  }
0x238: {  	v21 =	vsub.f32 v21, v51;
	v62 =	vsub.f32 $1.972853530e-05, v22;
	v20 =	vmul.f32 v20, v46  }
0x239: {  	v22 =	vmul.f32 v26, v22;
	v17 =	vadd.f32 $6.666666860e-01, v17;
	v41 =	vsub.f32 v13, v12  }
0x23a: {  	v36 =	vmul.f32 v44, v45;
	v60 =	vsub.f32 v21, v27;
	v21 =	vand.u32 $0x1, v48  }
0x23b: {  	v42 =	vmul.f32 v32, v62;
	v17 =	vmul.f32 v17, v47;
	v47 =	vand.u32 $0x7FFFFFFF, v41  }
0x23c: {  	v21 =	vcvt.s32.f32 v21;
	v20 =	vadd.f32 $2.000000000e+00, v20;
	v27 =	vsub.f32 $0.0e+00, v47  }
0x23d: {  	v57 =	vmax.f32 v6, v4;
	v4 =	vmul.f32 v4, v7;
	v45 =	vmul.f32 v36, v36  }
0x23e: {  	v0 =	vsub.f32 v0, v14;
	v61 =	vmul.f32 $1.972853530e-05, v58;
	v27 =	vmul.f32 $1.442695020e+00, v27  }
0x23f: {  	v49 =	vmax.f32 v34, v28;
	v21 =	vmul.f32 $1.972853530e-05, v21;
	v50 =	vmul.f32 v20, v35  }
0x240: {  	v0 =	vsub.f32 v0, v40;
	v58 =	vmul.f32 $2.222222240e-01, v54;
	(erf) = vpow2.f32 v27  }
0x241: {  	v63 =	vmul.f32 $2.222222240e-01, v45;
	v14 =	vadd.f32 v61, v60;
	v51 =	vsub.f32 $1.972853530e-05, v21  }
0x242: {  	v18 =	vadd.f32 v50, v57;
	v21 =	vmul.f32 v28, v21;
	v60 =	vshrl.u32 v31, $0x1C  }
0x243: {  	v61 =	vmax.f32 v29, v25;
	v62 =	vmul.f32 v37, v39;
	v44 =	vadd.f32 $2.857142980e-01, v63  }
0x244: {  	v39 =	vshrl.u32 v30, $0x1C;
	v57 =	vshrl.u32 v5, $0x1C;
	v5 =	vshrl.u32 v5, $0x1D  }
0x245: {  	v5 =	vand.u32 $0x1, v5;
	v55 =	vmul.f32 v34, v51;
	v23 =	vmul.f32 v44, v45  }
0x246: {  	v14 =	vsub.f32 v14, v42;
	v59 =	vmul.f32 v8, v8;
	v18 =	vmul.f32 $1.972853530e-05, v18  }
0x247: {  	v35 =	vmul.f32 v62, v62;
	v42 =	vmax.f32 v38, v24;
	v23 =	vadd.f32 $4.000000060e-01, v23  }
0x248: {  	v51 =	vshrl.u32 v19, $0x1C;
	v5 =	vcvt.s32.f32 v5;
	v17 =	vadd.f32 $2.000000000e+00, v17  }
0x249: {  	v14 =	vsub.f32 v14, v22;
	v22 =	vadd.f32 $2.857142980e-01, v58;
	v23 =	vmul.f32 v23, v45;
	v27 =	vpop (erf)  }
0x24a: {  	v32 =	vmul.f32 $2.222222240e-01, v59;
	v0 =	vadd.f32 v18, v0;
	v63 =	vadd.f32 $2.000000000e+00, v27  }
0x24b: {  	v17 =	vmul.f32 v17, v43;
	v43 =	vsub.f32 $1.972853530e-05, v7;
	v52 =	vadd.f32 $6.666666860e-01, v23  }
0x24c: {  	v22 =	vmul.f32 v22, v54;
	v34 =	vadd.f32 $2.857142980e-01, v32;
	(erf) = vrcp.f32 v63  }
0x24d: {  	v5 =	vmul.f32 $1.972853530e-05, v5;
	v17 =	vadd.f32 v17, v49;
	v56 =	vmul.f32 v52, v45  }
0x24e: {  	v6 =	vmul.f32 v6, v43;
	v22 =	vadd.f32 $4.000000060e-01, v22;
	v18 =	vmul.f32 v34, v59  }
0x24f: {  	v17 =	vmul.f32 $1.972853530e-05, v17;
	v23 =	vand.u32 $0x1, v60;
	v20 =	vadd.f32 $2.000000000e+00, v56  }
0x250: {  	v58 =	vand.u32 $0x1, v57;
	v23 =	vcvt.s32.f32 v23;
	v22 =	vmul.f32 v22, v54  }
0x251: {  	v0 =	vsub.f32 v0, v6;
	v20 =	vmul.f32 v20, v36;
	v36 =	vmul.f32 $2.222222240e-01, v35  }
0x252: {  	v18 =	vadd.f32 $4.000000060e-01, v18;
	v53 =	vadd.f32 v17, v14;
	v52 =	vmax.f32 v3, v2  }
0x253: {  	v33 =	vmul.f32 $1.972853530e-05, v23;
	v22 =	vadd.f32 $6.666666860e-01, v22;
	v37 =	vadd.f32 $2.857142980e-01, v36  }
0x254: {  	v18 =	vmul.f32 v18, v59;
	v10 =	vsub.f32 v53, v55;
	v20 =	vadd.f32 v20, v61  }
0x255: {  	v23 =	vsub.f32 $1.972853530e-05, v33;
	v14 =	vmul.f32 v22, v54;
	v22 =	vmul.f32 v37, v35;
	v40 =	vpop (erf)  }
0x256: {  	v10 =	vsub.f32 v10, v21;
	v20 =	vmul.f32 $1.972853530e-05, v20;
	v41 =	vmul.f32 v40, v27  }
0x257: {  	v53 =	vmax.f32 v15, v11;
	v18 =	vadd.f32 $6.666666860e-01, v18;
	v22 =	vadd.f32 $4.000000060e-01, v22  }
0x258: {  	v23 =	vmul.f32 v29, v23;
	v10 =	vadd.f32 v20, v10;
	v44 =	vmul.f32 v41, v41  }
0x259: {  	v21 =	vmul.f32 v25, v33;
	v14 =	vadd.f32 $2.000000000e+00, v14;
	v22 =	vmul.f32 v22, v35  }
0x25a: {  	v10 =	vsub.f32 v10, v23;
	v23 =	vand.u32 $0x1, v39;
	v45 =	vmul.f32 $2.222222240e-01, v44  }
0x25b: {  	v14 =	vmul.f32 v14, v16;
	v23 =	vcvt.s32.f32 v23;
	v22 =	vadd.f32 $6.666666860e-01, v22  }
0x25c: {  	v17 =	vmul.f32 v18, v59;
	v59 =	vshrl.u32 v9, $0x1D;
	v47 =	vadd.f32 $2.857142980e-01, v45  }
0x25d: {  	v14 =	vadd.f32 v14, v42;
	v23 =	vmul.f32 $1.972853530e-05, v23;
	v20 =	vmul.f32 v22, v35  }
0x25e: {  	v17 =	vadd.f32 $2.000000000e+00, v17;
	v10 =	vsub.f32 v10, v21;
	v48 =	vmul.f32 v47, v44  }
0x25f: {  	v14 =	vmul.f32 $1.972853530e-05, v14;
	v46 =	vsub.f32 $1.972853530e-05, v23;
	v49 =	vadd.f32 $2.000000000e+00, v20  }
0x260: {  	v9 =	vshrl.u32 v9, $0x1C;
	v8 =	vmul.f32 v17, v8;
	v6 =	vadd.f32 $4.000000060e-01, v48  }
0x261: {  	v10 =	vadd.f32 v14, v10;
	v18 =	vmul.f32 v38, v46;
	v14 =	vmul.f32 v49, v62  }
0x262: {  	v17 =	vand.u32 $0x1, v59;
	v50 =	vmul.f32 v24, v23;
	v6 =	vmul.f32 v6, v44  }
0x263: {  	v10 =	vsub.f32 v10, v18;
	v18 =	vand.u32 $0x1, v51;
	v55 =	vadd.f32 v14, v53  }
0x264: {  	v60 =	vcvt.s32.f32 v17;
	v18 =	vcvt.s32.f32 v18;
	v6 =	vadd.f32 $6.666666860e-01, v6  }
0x265: {  	v54 =	vadd.f32 v8, v52;
	v10 =	vsub.f32 v10, v50;
	v8 =	vmul.f32 $1.972853530e-05, v55  }
0x266: {  	v9 =	vand.u32 $0x1, v9;
	v56 =	vmul.f32 $1.972853530e-05, v18;
	v6 =	vmul.f32 v6, v44  }
0x267: {  	v9 =	vcvt.s32.f32 v9;
	v8 =	vadd.f32 v8, v10;
	v10 =	vcvt.s32.f32 v58  }
0x268: {  	v61 =	vmul.f32 $1.972853530e-05, v60;
	v18 =	vsub.f32 $1.972853530e-05, v56;
	v6 =	vadd.f32 $2.000000000e+00, v6  }
0x269: {  	v7 =	vmul.f32 v54, v5;
	v10 =	vmul.f32 v10, v5  }
0x26a: {  	v0 =	vsub.f32 v0, v4;
	v15 =	vmul.f32 v15, v18;
	v6 =	vmul.f32 v6, v41  }
0x26b: {  	v9 =	vmul.f32 v9, v61;
	v62 =	vmax.f32 v13, v12;
	v5 =	vsub.f32 v5, v10  }
0x26c: {  	v11 =	vmul.f32 v11, v56;
	v8 =	vsub.f32 v8, v15;
	v6 =	vadd.f32 v6, v62  }
0x26d: {  	v0 =	vadd.f32 v7, v0;
	v4 =	vsub.f32 v61, v9  }
0x26e: {  	v3 =	vmul.f32 v5, v3;
	v63 =	vsub.f32 v8, v11;
	v6 =	vmul.f32 v6, v61  }
0x26f: {  	v4 =	vmul.f32 v4, v13  }
0x270: {  	v2 =	vmul.f32 v2, v10;
	v0 =	vsub.f32 v0, v3;
	v3 =	vadd.f32 v6, v63;
	_ =	sdelay $0x1  }
0x271: {  	v0 =	vsub.f32 v0, v2;
	v2 =	vsub.f32 v3, v4;
	v3 =	vmul.f32 v12, v9;
	_ =	sdelay $0x1  }
0x272: {  	v0 =	vadd.f32 $0.0e+00, v0;
	v2 =	vsub.f32 v2, v3;
	_ =	sdelay $0x1  }
0x273: {  	v0 =	vadd.f32 v2, v0  }
0x274: {  	p0 =	sne.s32 s7, $0x1  }
.Ltmp0:
0x275: {  	[tilespmem:$0x1C80] =	vst v0;
	(pc) =	sbr.rel @p0 .LBB2_1-.Ltmp0, $4  }
0x276: {  	[hbm4b:s6+s2] =	stream.linear.scatter [tilespmem:s13], [sflag:$0x4], $0x80, $0x38;
	[tilespmem:$0x1D00] =	vst v63  }
0x277: {  	_ =	swait.ge [sflag:s14], $0x80  }
0x278: {  	[sflag:s14] =	ssyncset.done $0x0  }
0x279: {  	s7 =	sadd.s32 $0xFFFFFFFF, s7;
	[sflag:s14] =	ssyncadd.s32 $0xFFFFFF80  }
0x27a: {  	_ =	sfence.sel $0x180000  }
0x27b: {  	[bflag:$0x0] =	sbarrier.arrive $0xFFFF  }
0x27c: {  	p0 =	sne.s32 s0, $0x0;
	_ =	strace $0x90000047  }
0x27d: {  	s0 =	sadd.s32 @!p0 $0x100000, s1;
	[bflag:$0x2] =	sbarrier.arrive $0xFFFF  }
0x27e: {  	[sflag:s0] =	ssyncadd.tile.s32 @!p0 $0x1;
	_ =	shalt  }
.Lfunc_end2:
_tile_overlayer_lowered:
.L_overlay_start_2:
0x27f: {  	(tag) =	ssettag $0x2  }
0x280: {  	s0 =	rddreg [dreg:$0x0];
	s2 =	stileid.u32  }
0x281: {  	s1 =	rddreg [dreg:$0x1];
	p0 =	sne.s32 s2, $0x0  }
0x282: {  	s3 =	rddreg [dreg:$0x2];
	[bflag:$0x3] =	sbarrier.arrive $0xFFFF;
	s2 =	simm.s32 @!p0 $0x1C04  }
0x283: {  	[timem:s3], [sflag:s2] =	dma.local @!p0 [hbm:s0], s1  }
0x284: {  	s0 =	simm.s32 @!p0 $0x4  }
0x285: {  	_ =	swait.ge @!p0 [sflag:s0], s1  }
0x286: {  	s1 =	ssub.s32 @!p0 $0x0, s1;
	[sflag:s0] =	ssyncset.done @!p0 $0x0  }
0x287: {  	[sflag:s0] =	ssyncadd.s32 @!p0 s1  }
0x288: {  	[bflag:$0x3] =	sbarrier.arrive $0xFFFF  }
0x289: {  	_ =	shalt  }

</sc_bundles>
